<compile_context>
chip_gen: v7x
topology: tpu7x:2x2x1
jax: 0.10.2.dev20260603
libtpu: 0.0.44.dev20260713+nightly
codegen_flags: <defaults>
</compile_context>

<pallas_src>
import functools

import jax
import jax.numpy as jnp
from jax import lax
from jax.experimental import pallas as pl
from jax.experimental.pallas import tpu as pltpu
from jax.experimental.pallas import tpu_sc as plsc

N = 10000
D = 128
E = 320000
NY = 10048
MB = 1256
HALF = 5120
ACC = 5152
NDEG = 10240
EPAD = 327680
EROWS = EPAD // 128
ROWS = EROWS // 16
KC = 2
NCH = ROWS // KC
K = 80


def _sc_mesh():
    return plsc.VectorSubcoreMesh(core_axis_name="c", subcore_axis_name="s")


def _deg_sc(dst2d, zeros_init, ones_rows):
    @functools.partial(
        pl.kernel,
        out_type=jax.ShapeDtypeStruct((2, NDEG, D), jnp.float32),
        mesh=_sc_mesh(),
        scratch_types=[
            pltpu.VMEM((K, 128), jnp.int32),
            pltpu.VMEM((128, D), jnp.float32),
            pltpu.VMEM_SHARED((NDEG, D), jnp.float32),
        ],
    )
    def k(dst_hbm, zero_hbm, ones_hbm, out_hbm, dst_v, ones_v, acc):
        c = lax.axis_index("c")
        s = lax.axis_index("s")
        wid = s * 2 + c
        rps = NDEG // 16
        pltpu.sync_copy(zero_hbm.at[pl.ds(s * rps, rps)],
                        acc.at[pl.ds(s * rps, rps)])
        pltpu.sync_copy(ones_hbm, ones_v)
        pltpu.sync_copy(dst_hbm.at[pl.ds(wid * K, K)], dst_v)
        plsc.subcore_barrier()

        def body(j, carry):
            pltpu.sync_copy(ones_v, acc.at[dst_v.at[j]], add=True)
            return carry

        lax.fori_loop(0, K, body, 0)
        plsc.subcore_barrier()
        plsc.subcore_barrier()
        pltpu.sync_copy(acc.at[pl.ds(s * rps, rps)],
                        out_hbm.at[c, pl.ds(s * rps, rps)])

    return k(dst2d, zeros_init, ones_rows)


def _segsum_sc(y, src2d, dst3):

    @functools.partial(
        pl.kernel,
        out_type=jax.ShapeDtypeStruct((2, HALF, D), jnp.float32),
        mesh=_sc_mesh(),
        scratch_types=[
            pltpu.VMEM((KC, 128), jnp.int32),
            pltpu.VMEM((KC, 128), jnp.int32),
            pltpu.VMEM((KC, 128), jnp.int32),
            pltpu.VMEM((KC, 128), jnp.int32),
            pltpu.VMEM((32, D), jnp.float32),
            pltpu.VMEM((32, D), jnp.float32),
            pltpu.VMEM_SHARED((NY, D), jnp.float32),
            pltpu.VMEM_SHARED((ACC, D), jnp.float32),
            pltpu.SemaphoreType.DMA,
            pltpu.SemaphoreType.DMA,
            pltpu.SemaphoreType.DMA,
            pltpu.SemaphoreType.DMA,
        ],
    )
    def k(y_hbm, src_hbm, dst3_hbm, out_hbm, src_v0, dst_v0, src_v1, dst_v1,
          buf0, buf1, y_sp, acc, sem0, sem1, isem0, isem1):
        c = lax.axis_index("c")
        s = lax.axis_index("s")
        pltpu.sync_copy(y_hbm.at[pl.ds(s * 624, 624)],
                        y_sp.at[pl.ds(s * 624, 624)])

        @pl.when(s < 8)
        def _():
            pltpu.sync_copy(y_hbm.at[pl.ds(9984 + s * 8, 8)],
                            y_sp.at[pl.ds(9984 + s * 8, 8)])

        pltpu.sync_copy(y_hbm.at[pl.ds(c * HALF + s * 304, 304)],
                        acc.at[pl.ds(s * 304, 304)])

        @pl.when(c == 0)
        def _():
            pltpu.sync_copy(y_hbm.at[pl.ds(4864 + s * 16, 16)],
                            acc.at[pl.ds(4864 + s * 16, 16)])

        @pl.when((c == 1) & (s < 8))
        def _():
            pltpu.sync_copy(y_hbm.at[pl.ds(HALF + 4864 + s * 8, 8)],
                            acc.at[pl.ds(4864 + s * 8, 8)])

        plsc.subcore_barrier()

        bufs = (buf0, buf1)
        sems = (sem0, sem1)

        def fire(sv, j, h, b):
            pltpu.make_async_copy(
                y_sp.at[sv.at[j, pl.ds(h * 32, 32)]],
                bufs[b], sems[b]).start()

        def chunk_body(ch, p):
            sv, dv = (src_v0, dst_v0) if p == 0 else (src_v1, dst_v1)
            base = s * ROWS + ch * KC
            pltpu.sync_copy(src_hbm.at[pl.ds(base, KC)], sv)
            pltpu.sync_copy(dst3_hbm.at[c, pl.ds(base, KC)], dv)
            fire(sv, 0, 0, 0)
            fire(sv, 0, 1, 1)
            for g in range(4 * KC):
                j = g // 4
                h = g % 4
                b = g % 2
                pltpu.make_async_copy(
                    y_sp.at[sv.at[j, pl.ds(h * 32, 32)]],
                    bufs[b], sems[b]).wait()
                pltpu.sync_copy(bufs[b],
                                acc.at[dv.at[j, pl.ds(h * 32, 32)]],
                                add=True)
                if g + 2 < 4 * KC:
                    g2 = g + 2
                    fire(sv, g2 // 4, g2 % 4, b)

        def pair(i, carry):
            chunk_body(i * 2, 0)
            chunk_body(i * 2 + 1, 1)
            return carry

        lax.fori_loop(0, NCH // 2, pair, 0)
        plsc.subcore_barrier()
        plsc.subcore_barrier()
        pltpu.sync_copy(acc.at[pl.ds(s * 320, 320)],
                        out_hbm.at[c, pl.ds(s * 320, 320)])

    return k(y, src2d, dst3)


def _tc1_body(deg_ref, x_ref, w_ref, d_ref, y_ref, dinv_ref, da_ref, db_ref):
    i = pl.program_id(0)
    degsum = deg_ref[0] + deg_ref[1]
    deg = degsum[:, 0:1] + 1.0
    row = i * MB + lax.broadcasted_iota(jnp.int32, (MB, 1), 0)
    dinv = jnp.where(row < N, lax.rsqrt(deg), 0.0)
    xw = jnp.dot(x_ref[...], w_ref[...], preferred_element_type=jnp.float32)
    y_ref[...] = xw * dinv
    dinv_ref[...] = jnp.broadcast_to(dinv, (MB, D))
    dst = d_ref[...]
    eb = EROWS // 8
    junk = HALF + (lax.broadcasted_iota(jnp.int32, (eb, 128), 1) % 32)
    da_ref[...] = jnp.where(dst < HALF, dst, junk)
    db_ref[...] = jnp.where(dst >= HALF, dst - HALF, junk)


def _tc1(deg_parts, x_pad, W1, dst2d):
    eb = EROWS // 8
    return pl.pallas_call(
        _tc1_body,
        grid=(NY // MB,),
        in_specs=[
            pl.BlockSpec((2, MB, D), lambda i: (0, i, 0)),
            pl.BlockSpec((MB, D), lambda i: (i, 0)),
            pl.BlockSpec((D, D), lambda i: (0, 0)),
            pl.BlockSpec((eb, 128), lambda i: (i, 0)),
        ],
        out_specs=[
            pl.BlockSpec((MB, D), lambda i: (i, 0)),
            pl.BlockSpec((MB, D), lambda i: (i, 0)),
            pl.BlockSpec((eb, 128), lambda i: (i, 0)),
            pl.BlockSpec((eb, 128), lambda i: (i, 0)),
        ],
        out_shape=[
            jax.ShapeDtypeStruct((NY, D), jnp.float32),
            jax.ShapeDtypeStruct((NY, D), jnp.float32),
            jax.ShapeDtypeStruct((EROWS, 128), jnp.int32),
            jax.ShapeDtypeStruct((EROWS, 128), jnp.int32),
        ],
    )(deg_parts, x_pad, W1, dst2d)


def _tc2_body(s_ref, dinv_ref, b_ref, w_ref, y2_ref):
    i = pl.program_id(0)
    h = jnp.maximum(dinv_ref[...] * s_ref[...] + b_ref[...], 0.0)
    row = i * MB + lax.broadcasted_iota(jnp.int32, (MB, 1), 0)
    h = jnp.where(row < N, h, 0.0)
    y2_ref[...] = jnp.dot(h, w_ref[...],
                          preferred_element_type=jnp.float32) * dinv_ref[...]


def _tc2(s_full, dinv_bc, b1, W2):
    return pl.pallas_call(
        _tc2_body,
        grid=(NY // MB,),
        in_specs=[
            pl.BlockSpec((MB, D), lambda i: (i, 0)),
            pl.BlockSpec((MB, D), lambda i: (i, 0)),
            pl.BlockSpec((1, D), lambda i: (0, 0)),
            pl.BlockSpec((D, D), lambda i: (0, 0)),
        ],
        out_specs=pl.BlockSpec((MB, D), lambda i: (i, 0)),
        out_shape=jax.ShapeDtypeStruct((NY, D), jnp.float32),
    )(s_full, dinv_bc, b1, W2)


def _tc3_body(s_ref, dinv_ref, b_ref, o_ref):
    o_ref[...] = jnp.maximum(dinv_ref[...] * s_ref[...] + b_ref[...], 0.0)


def _tc3(s_full, dinv_bc, b2):
    blk = 1000
    return pl.pallas_call(
        _tc3_body,
        grid=(N // blk,),
        in_specs=[
            pl.BlockSpec((blk, D), lambda i: (i, 0)),
            pl.BlockSpec((blk, D), lambda i: (i, 0)),
            pl.BlockSpec((1, D), lambda i: (0, 0)),
        ],
        out_specs=pl.BlockSpec((blk, D), lambda i: (i, 0)),
        out_shape=jax.ShapeDtypeStruct((N, D), jnp.float32),
    )(s_full, dinv_bc, b2)


def kernel(x, edge_index, W1, b1, W2, b2):
    src = edge_index[0].astype(jnp.int32)
    dst = edge_index[1].astype(jnp.int32)
    npad_e = EPAD - E
    ip = jnp.arange(npad_e, dtype=jnp.int32)
    srcp = jnp.concatenate([src, N + (ip % 48)]).reshape(EROWS, 128)
    dstp = jnp.concatenate([dst, N + (ip % 240)]).reshape(EROWS, 128)
    x_pad = jnp.pad(x, ((0, NY - N), (0, 0)))

    zeros_init = jnp.zeros((NDEG, D), jnp.float32)
    ones_rows = jnp.ones((128, D), jnp.float32)

    deg_parts = _deg_sc(dstp, zeros_init, ones_rows)
    y1, dinv_bc, dstA, dstB = _tc1(deg_parts, x_pad, W1, dstp)
    dst3 = jnp.stack([dstA, dstB])
    s1 = _segsum_sc(y1, srcp, dst3).reshape(2 * HALF, D)
    y2 = _tc2(s1, dinv_bc, b1.reshape(1, D), W2)
    s2 = _segsum_sc(y2, srcp, dst3).reshape(2 * HALF, D)
    return _tc3(s2, dinv_bc, b2.reshape(1, D))

# --- scband reference (transcript-rebuilt; emitter-appended) ---
"""Pipeline reference for scband-gcnencoder-1975684956785 (READ-ONLY COPY).

The authoritative reference and input builder live on the scoring server;
editing this copy changes nothing except your own understanding.
"""

import jax, jax.numpy as jnp
import numpy as np

N_NODES = 10000

def gcn_conv(x, edge_index, W, b):
    n = x.shape[0]
    src = edge_index[0]
    dst = edge_index[1]
    loop = jnp.arange(n, dtype=edge_index.dtype)
    src = jnp.concatenate([src, loop])
    dst = jnp.concatenate([dst, loop])
    deg = jnp.zeros((n,), dtype=x.dtype).at[dst].add(1.0)
    dinv = jnp.where(deg > 0, deg ** -0.5, 0.0)
    norm = dinv[src] * dinv[dst]
    xw = x @ W
    msg = xw[src] * norm[:, None]
    out = jax.ops.segment_sum(msg, dst, num_segments=n)
    return out + b

def setup_inputs(seed: int = 0) -> dict:
    key = jax.random.key(seed)
    k1, k2, k3, k4, k5, k6 = jax.random.split(key, 6)
    x = jax.random.normal(k1, (N_NODES, 128), dtype=jnp.float32)
    edge_index = jax.random.randint(k2, (2, 320000), 0, N_NODES, dtype=jnp.int64)
    s1 = 1.0 / np.sqrt(128)
    W1 = jax.random.uniform(k3, (128, 128), dtype=jnp.float32, minval=-s1, maxval=s1)
    b1 = jnp.zeros((128,), dtype=jnp.float32)
    W2 = jax.random.uniform(k4, (128, 128), dtype=jnp.float32, minval=-s1, maxval=s1)
    b2 = jnp.zeros((128,), dtype=jnp.float32)
    return {"x": x, "edge_index": edge_index, "W1": W1, "b1": b1, "W2": W2, "b2": b2}

def reference(x, edge_index, W1, b1, W2, b2):
    h = gcn_conv(x, edge_index, W1, b1)
    h = jax.nn.relu(h)
    # dropout p=0.3 is identity in eval mode (training=False)
    h = gcn_conv(h, edge_index, W2, b2)
    h = jax.nn.relu(h)
    return h

if __name__ == "__main__":
    import jax
    _d = setup_inputs()
    print(jax.jit(kernel)(*tuple(_d.values())))

</pallas_src>

<mosaic_0001>
#map = affine_map<(d0, d1) -> (0, 0)>
#map1 = affine_map<(d0, d1) -> (0, 0, 0)>
module attributes {stable_mosaic.version = 14 : i64} {
  func.func @k(%arg0: i32, %arg1: i32, %arg2: memref<10048x128xf32, #tpu.memory_space<hbm>>, %arg3: memref<2560x128xi32, #tpu.memory_space<hbm>>, %arg4: memref<2x2560x128xi32, #tpu.memory_space<hbm>>, %arg5: memref<2x5120x128xf32, #tpu.memory_space<hbm>>, %arg6: memref<2x128xi32, #tpu.memory_space<vmem>>, %arg7: memref<2x128xi32, #tpu.memory_space<vmem>>, %arg8: memref<2x128xi32, #tpu.memory_space<vmem>>, %arg9: memref<2x128xi32, #tpu.memory_space<vmem>>, %arg10: memref<32x128xf32, #tpu.memory_space<vmem>>, %arg11: memref<32x128xf32, #tpu.memory_space<vmem>>, %arg12: memref<10048x128xf32, #tpu.memory_space<vmem_shared>>, %arg13: memref<5152x128xf32, #tpu.memory_space<vmem_shared>>, %arg14: memref<!tpu.dma_semaphore, #tpu.memory_space<semaphore_mem>>, %arg15: memref<!tpu.dma_semaphore, #tpu.memory_space<semaphore_mem>>, %arg16: memref<!tpu.dma_semaphore, #tpu.memory_space<semaphore_mem>>, %arg17: memref<!tpu.dma_semaphore, #tpu.memory_space<semaphore_mem>>) attributes {dimension_semantics = [#tpu.dimension_semantics<core_parallel>, #tpu.dimension_semantics<subcore_parallel>], iteration_bounds = array<i64: 2, 16>, scalar_prefetch = 0 : i64, scratch_operands = 12 : i64, tpu.core_type = #tpu.core_type<sc_vector_subcore>, window_params = [{transform_indices = #map}, {transform_indices = #map}, {transform_indices = #map1}, {transform_indices = #map1}]} {
    %mul3A = arith.constant 624 : i32
    %mul3A_0 = arith.muli %arg1, %mul3A : i32
    %mul3A_1 = arith.constant 624 : i32
    %mul3A_2 = arith.muli %arg1, %mul3A_1 : i32
    "tpu.region"() ({
      %run_scoped3A = tpu.sem_alloc : memref<!tpu.dma_semaphore, #tpu.memory_space<semaphore_mem>>
      %dma_start3A = arith.constant 0 : i32
      %dma_start3A_33 = tpu.memref_slice %arg12[%mul3A_2, %dma_start3A] : memref<10048x128xf32, #tpu.memory_space<vmem_shared>> -> memref<624x128xf32, #tpu.memory_space<vmem_shared>>
      %dma_start3A_34 = arith.constant 0 : i32
      %dma_start3A_35 = tpu.memref_slice %arg2[%mul3A_0, %dma_start3A_34] : memref<10048x128xf32, #tpu.memory_space<hbm>> -> memref<624x128xf32, #tpu.memory_space<hbm>>
      tpu.enqueue_dma source(%dma_start3A_35 : memref<624x128xf32, #tpu.memory_space<hbm>>) target(%dma_start3A_33 : memref<624x128xf32, #tpu.memory_space<vmem_shared>>) target_semaphore(%run_scoped3A : memref<!tpu.dma_semaphore, #tpu.memory_space<semaphore_mem>>)
      %dma_wait3A = arith.constant 0 : i32
      %dma_wait3A_36 = tpu.memref_slice %arg12[%mul3A_2, %dma_wait3A] : memref<10048x128xf32, #tpu.memory_space<vmem_shared>> -> memref<624x128xf32, #tpu.memory_space<vmem_shared>>
      %dma_wait3A_37 = arith.constant 0 : i32
      %dma_wait3A_38 = tpu.memref_slice %arg2[%mul3A_0, %dma_wait3A_37] : memref<10048x128xf32, #tpu.memory_space<hbm>> -> memref<624x128xf32, #tpu.memory_space<hbm>>
      tpu.wait_dma2 semaphore(%run_scoped3A : memref<!tpu.dma_semaphore, #tpu.memory_space<semaphore_mem>>) src(%dma_wait3A_38 : memref<624x128xf32, #tpu.memory_space<hbm>>) dst(%dma_wait3A_36 : memref<624x128xf32, #tpu.memory_space<vmem_shared>>)
      tpu.yield
    }) : () -> ()
    %lt3A = arith.constant 8 : i32
    %lt3A_3 = arith.cmpi slt, %arg1, %lt3A : i32
    %convert_element_type3A = arith.extui %lt3A_3 : i1 to i32
    %cond3A = arith.constant 0 : i32
    %cond3A_4 = arith.cmpi ne, %convert_element_type3A, %cond3A : i32
    scf.if %cond3A_4 {
      %mul3A_33 = arith.constant 8 : i32
      %mul3A_34 = arith.muli %arg1, %mul3A_33 : i32
      %add3A_35 = arith.constant 9984 : i32
      %add3A_36 = arith.addi %add3A_35, %mul3A_34 : i32
      %mul3A_37 = arith.constant 8 : i32
      %mul3A_38 = arith.muli %arg1, %mul3A_37 : i32
      %add3A_39 = arith.constant 9984 : i32
      %add3A_40 = arith.addi %add3A_39, %mul3A_38 : i32
      "tpu.region"() ({
        %run_scoped3A = tpu.sem_alloc : memref<!tpu.dma_semaphore, #tpu.memory_space<semaphore_mem>>
        %dma_start3A = arith.constant 0 : i32
        %dma_start3A_41 = tpu.memref_slice %arg12[%add3A_40, %dma_start3A] : memref<10048x128xf32, #tpu.memory_space<vmem_shared>> -> memref<8x128xf32, #tpu.memory_space<vmem_shared>>
        %dma_start3A_42 = arith.constant 0 : i32
        %dma_start3A_43 = tpu.memref_slice %arg2[%add3A_36, %dma_start3A_42] : memref<10048x128xf32, #tpu.memory_space<hbm>> -> memref<8x128xf32, #tpu.memory_space<hbm>>
        tpu.enqueue_dma source(%dma_start3A_43 : memref<8x128xf32, #tpu.memory_space<hbm>>) target(%dma_start3A_41 : memref<8x128xf32, #tpu.memory_space<vmem_shared>>) target_semaphore(%run_scoped3A : memref<!tpu.dma_semaphore, #tpu.memory_space<semaphore_mem>>)
        %dma_wait3A = arith.constant 0 : i32
        %dma_wait3A_44 = tpu.memref_slice %arg12[%add3A_40, %dma_wait3A] : memref<10048x128xf32, #tpu.memory_space<vmem_shared>> -> memref<8x128xf32, #tpu.memory_space<vmem_shared>>
        %dma_wait3A_45 = arith.constant 0 : i32
        %dma_wait3A_46 = tpu.memref_slice %arg2[%add3A_36, %dma_wait3A_45] : memref<10048x128xf32, #tpu.memory_space<hbm>> -> memref<8x128xf32, #tpu.memory_space<hbm>>
        tpu.wait_dma2 semaphore(%run_scoped3A : memref<!tpu.dma_semaphore, #tpu.memory_space<semaphore_mem>>) src(%dma_wait3A_46 : memref<8x128xf32, #tpu.memory_space<hbm>>) dst(%dma_wait3A_44 : memref<8x128xf32, #tpu.memory_space<vmem_shared>>)
        tpu.yield
      }) : () -> ()
    } else {
    }
    %mul3A_5 = arith.constant 5120 : i32
    %mul3A_6 = arith.muli %arg0, %mul3A_5 : i32
    %mul3A_7 = arith.constant 304 : i32
    %mul3A_8 = arith.muli %arg1, %mul3A_7 : i32
    %add3A = arith.addi %mul3A_6, %mul3A_8 : i32
    %mul3A_9 = arith.constant 304 : i32
    %mul3A_10 = arith.muli %arg1, %mul3A_9 : i32
    "tpu.region"() ({
      %run_scoped3A = tpu.sem_alloc : memref<!tpu.dma_semaphore, #tpu.memory_space<semaphore_mem>>
      %dma_start3A = arith.constant 0 : i32
      %dma_start3A_33 = tpu.memref_slice %arg13[%mul3A_10, %dma_start3A] : memref<5152x128xf32, #tpu.memory_space<vmem_shared>> -> memref<304x128xf32, #tpu.memory_space<vmem_shared>>
      %dma_start3A_34 = arith.constant 0 : i32
      %dma_start3A_35 = tpu.memref_slice %arg2[%add3A, %dma_start3A_34] : memref<10048x128xf32, #tpu.memory_space<hbm>> -> memref<304x128xf32, #tpu.memory_space<hbm>>
      tpu.enqueue_dma source(%dma_start3A_35 : memref<304x128xf32, #tpu.memory_space<hbm>>) target(%dma_start3A_33 : memref<304x128xf32, #tpu.memory_space<vmem_shared>>) target_semaphore(%run_scoped3A : memref<!tpu.dma_semaphore, #tpu.memory_space<semaphore_mem>>)
      %dma_wait3A = arith.constant 0 : i32
      %dma_wait3A_36 = tpu.memref_slice %arg13[%mul3A_10, %dma_wait3A] : memref<5152x128xf32, #tpu.memory_space<vmem_shared>> -> memref<304x128xf32, #tpu.memory_space<vmem_shared>>
      %dma_wait3A_37 = arith.constant 0 : i32
      %dma_wait3A_38 = tpu.memref_slice %arg2[%add3A, %dma_wait3A_37] : memref<10048x128xf32, #tpu.memory_space<hbm>> -> memref<304x128xf32, #tpu.memory_space<hbm>>
      tpu.wait_dma2 semaphore(%run_scoped3A : memref<!tpu.dma_semaphore, #tpu.memory_space<semaphore_mem>>) src(%dma_wait3A_38 : memref<304x128xf32, #tpu.memory_space<hbm>>) dst(%dma_wait3A_36 : memref<304x128xf32, #tpu.memory_space<vmem_shared>>)
      tpu.yield
    }) : () -> ()
    %eq3A = arith.constant 0 : i32
    %eq3A_11 = arith.cmpi eq, %arg0, %eq3A : i32
    %convert_element_type3A_12 = arith.extui %eq3A_11 : i1 to i32
    %cond3A_13 = arith.constant 0 : i32
    %cond3A_14 = arith.cmpi ne, %convert_element_type3A_12, %cond3A_13 : i32
    scf.if %cond3A_14 {
      %mul3A_33 = arith.constant 16 : i32
      %mul3A_34 = arith.muli %arg1, %mul3A_33 : i32
      %add3A_35 = arith.constant 4864 : i32
      %add3A_36 = arith.addi %add3A_35, %mul3A_34 : i32
      %mul3A_37 = arith.constant 16 : i32
      %mul3A_38 = arith.muli %arg1, %mul3A_37 : i32
      %add3A_39 = arith.constant 4864 : i32
      %add3A_40 = arith.addi %add3A_39, %mul3A_38 : i32
      "tpu.region"() ({
        %run_scoped3A = tpu.sem_alloc : memref<!tpu.dma_semaphore, #tpu.memory_space<semaphore_mem>>
        %dma_start3A = arith.constant 0 : i32
        %dma_start3A_41 = tpu.memref_slice %arg13[%add3A_40, %dma_start3A] : memref<5152x128xf32, #tpu.memory_space<vmem_shared>> -> memref<16x128xf32, #tpu.memory_space<vmem_shared>>
        %dma_start3A_42 = arith.constant 0 : i32
        %dma_start3A_43 = tpu.memref_slice %arg2[%add3A_36, %dma_start3A_42] : memref<10048x128xf32, #tpu.memory_space<hbm>> -> memref<16x128xf32, #tpu.memory_space<hbm>>
        tpu.enqueue_dma source(%dma_start3A_43 : memref<16x128xf32, #tpu.memory_space<hbm>>) target(%dma_start3A_41 : memref<16x128xf32, #tpu.memory_space<vmem_shared>>) target_semaphore(%run_scoped3A : memref<!tpu.dma_semaphore, #tpu.memory_space<semaphore_mem>>)
        %dma_wait3A = arith.constant 0 : i32
        %dma_wait3A_44 = tpu.memref_slice %arg13[%add3A_40, %dma_wait3A] : memref<5152x128xf32, #tpu.memory_space<vmem_shared>> -> memref<16x128xf32, #tpu.memory_space<vmem_shared>>
        %dma_wait3A_45 = arith.constant 0 : i32
        %dma_wait3A_46 = tpu.memref_slice %arg2[%add3A_36, %dma_wait3A_45] : memref<10048x128xf32, #tpu.memory_space<hbm>> -> memref<16x128xf32, #tpu.memory_space<hbm>>
        tpu.wait_dma2 semaphore(%run_scoped3A : memref<!tpu.dma_semaphore, #tpu.memory_space<semaphore_mem>>) src(%dma_wait3A_46 : memref<16x128xf32, #tpu.memory_space<hbm>>) dst(%dma_wait3A_44 : memref<16x128xf32, #tpu.memory_space<vmem_shared>>)
        tpu.yield
      }) : () -> ()
    } else {
    }
    %eq3A_15 = arith.constant 1 : i32
    %eq3A_16 = arith.cmpi eq, %arg0, %eq3A_15 : i32
    %lt3A_17 = arith.constant 8 : i32
    %lt3A_18 = arith.cmpi slt, %arg1, %lt3A_17 : i32
    %and3A = arith.andi %eq3A_16, %lt3A_18 : i1
    %convert_element_type3A_19 = arith.extui %and3A : i1 to i32
    %cond3A_20 = arith.constant 0 : i32
    %cond3A_21 = arith.cmpi ne, %convert_element_type3A_19, %cond3A_20 : i32
    scf.if %cond3A_21 {
      %mul3A_33 = arith.constant 8 : i32
      %mul3A_34 = arith.muli %arg1, %mul3A_33 : i32
      %add3A_35 = arith.constant 9984 : i32
      %add3A_36 = arith.addi %add3A_35, %mul3A_34 : i32
      %mul3A_37 = arith.constant 8 : i32
      %mul3A_38 = arith.muli %arg1, %mul3A_37 : i32
      %add3A_39 = arith.constant 4864 : i32
      %add3A_40 = arith.addi %add3A_39, %mul3A_38 : i32
      "tpu.region"() ({
        %run_scoped3A = tpu.sem_alloc : memref<!tpu.dma_semaphore, #tpu.memory_space<semaphore_mem>>
        %dma_start3A = arith.constant 0 : i32
        %dma_start3A_41 = tpu.memref_slice %arg13[%add3A_40, %dma_start3A] : memref<5152x128xf32, #tpu.memory_space<vmem_shared>> -> memref<8x128xf32, #tpu.memory_space<vmem_shared>>
        %dma_start3A_42 = arith.constant 0 : i32
        %dma_start3A_43 = tpu.memref_slice %arg2[%add3A_36, %dma_start3A_42] : memref<10048x128xf32, #tpu.memory_space<hbm>> -> memref<8x128xf32, #tpu.memory_space<hbm>>
        tpu.enqueue_dma source(%dma_start3A_43 : memref<8x128xf32, #tpu.memory_space<hbm>>) target(%dma_start3A_41 : memref<8x128xf32, #tpu.memory_space<vmem_shared>>) target_semaphore(%run_scoped3A : memref<!tpu.dma_semaphore, #tpu.memory_space<semaphore_mem>>)
        %dma_wait3A = arith.constant 0 : i32
        %dma_wait3A_44 = tpu.memref_slice %arg13[%add3A_40, %dma_wait3A] : memref<5152x128xf32, #tpu.memory_space<vmem_shared>> -> memref<8x128xf32, #tpu.memory_space<vmem_shared>>
        %dma_wait3A_45 = arith.constant 0 : i32
        %dma_wait3A_46 = tpu.memref_slice %arg2[%add3A_36, %dma_wait3A_45] : memref<10048x128xf32, #tpu.memory_space<hbm>> -> memref<8x128xf32, #tpu.memory_space<hbm>>
        tpu.wait_dma2 semaphore(%run_scoped3A : memref<!tpu.dma_semaphore, #tpu.memory_space<semaphore_mem>>) src(%dma_wait3A_46 : memref<8x128xf32, #tpu.memory_space<hbm>>) dst(%dma_wait3A_44 : memref<8x128xf32, #tpu.memory_space<vmem_shared>>)
        tpu.yield
      }) : () -> ()
    } else {
    }
    %barrier3A = arith.constant 0 : index
    tpu.barrier barrier_id(%barrier3A)
    %scan3A = arith.constant 0 : i32
    %scan3A_22 = arith.constant 0 : i32
    %scan3A_23 = arith.constant 40 : i32
    %scan3A_24 = arith.addi %scan3A_22, %scan3A_23 : i32
    %scan3A_25 = arith.constant 1 : i32
    scf.for %scan3A_33 = %scan3A_22 to %scan3A_24 step %scan3A_25  : i32 {
      %mul3A_34 = arith.constant 2 : i32
      %mul3A_35 = arith.muli %scan3A_33, %mul3A_34 : i32
      %mul3A_36 = arith.constant 160 : i32
      %mul3A_37 = arith.muli %arg1, %mul3A_36 : i32
      %mul3A_38 = arith.constant 2 : i32
      %mul3A_39 = arith.muli %mul3A_35, %mul3A_38 : i32
      %add3A_40 = arith.addi %mul3A_37, %mul3A_39 : i32
      "tpu.region"() ({
        %run_scoped3A_287 = tpu.sem_alloc : memref<!tpu.dma_semaphore, #tpu.memory_space<semaphore_mem>>
        %dma_start3A_288 = arith.constant 0 : i32
        %dma_start3A_289 = tpu.memref_slice %arg3[%add3A_40, %dma_start3A_288] : memref<2560x128xi32, #tpu.memory_space<hbm>> -> memref<2x128xi32, #tpu.memory_space<hbm>>
        %dma_start3A_290 = arith.constant 0 : i32
        %dma_start3A_291 = tpu.memref_slice %arg3[%add3A_40, %dma_start3A_290] : memref<2560x128xi32, #tpu.memory_space<hbm>> -> memref<2x128xi32, #tpu.memory_space<hbm>>
        tpu.enqueue_dma source(%dma_start3A_291 : memref<2x128xi32, #tpu.memory_space<hbm>>) target(%arg6 : memref<2x128xi32, #tpu.memory_space<vmem>>) target_semaphore(%run_scoped3A_287 : memref<!tpu.dma_semaphore, #tpu.memory_space<semaphore_mem>>)
        %dma_wait3A_292 = arith.constant 0 : i32
        %dma_wait3A_293 = tpu.memref_slice %arg3[%add3A_40, %dma_wait3A_292] : memref<2560x128xi32, #tpu.memory_space<hbm>> -> memref<2x128xi32, #tpu.memory_space<hbm>>
        %dma_wait3A_294 = arith.constant 0 : i32
        %dma_wait3A_295 = tpu.memref_slice %arg3[%add3A_40, %dma_wait3A_294] : memref<2560x128xi32, #tpu.memory_space<hbm>> -> memref<2x128xi32, #tpu.memory_space<hbm>>
        tpu.wait_dma2 semaphore(%run_scoped3A_287 : memref<!tpu.dma_semaphore, #tpu.memory_space<semaphore_mem>>) src(%dma_wait3A_295 : memref<2x128xi32, #tpu.memory_space<hbm>>) dst(%arg6 : memref<2x128xi32, #tpu.memory_space<vmem>>)
        tpu.yield
      }) : () -> ()
      "tpu.region"() ({
        %run_scoped3A_287 = tpu.sem_alloc : memref<!tpu.dma_semaphore, #tpu.memory_space<semaphore_mem>>
        %dma_start3A_288 = arith.constant 0 : i32
        %dma_start3A_289 = tpu.memref_slice %arg4[%arg0, %add3A_40, %dma_start3A_288] : memref<2x2560x128xi32, #tpu.memory_space<hbm>> -> memref<1x2x128xi32, #tpu.memory_space<hbm>>
        %dma_start3A_290 = tpu.memref_squeeze %dma_start3A_289 : memref<1x2x128xi32, #tpu.memory_space<hbm>> -> memref<2x128xi32, #tpu.memory_space<hbm>>
        %dma_start3A_291 = arith.constant 0 : i32
        %dma_start3A_292 = tpu.memref_slice %arg4[%arg0, %add3A_40, %dma_start3A_291] : memref<2x2560x128xi32, #tpu.memory_space<hbm>> -> memref<1x2x128xi32, #tpu.memory_space<hbm>>
        %dma_start3A_293 = tpu.memref_squeeze %dma_start3A_292 : memref<1x2x128xi32, #tpu.memory_space<hbm>> -> memref<2x128xi32, #tpu.memory_space<hbm>>
        tpu.enqueue_dma source(%dma_start3A_293 : memref<2x128xi32, #tpu.memory_space<hbm>>) target(%arg7 : memref<2x128xi32, #tpu.memory_space<vmem>>) target_semaphore(%run_scoped3A_287 : memref<!tpu.dma_semaphore, #tpu.memory_space<semaphore_mem>>)
        %dma_wait3A_294 = arith.constant 0 : i32
        %dma_wait3A_295 = tpu.memref_slice %arg4[%arg0, %add3A_40, %dma_wait3A_294] : memref<2x2560x128xi32, #tpu.memory_space<hbm>> -> memref<1x2x128xi32, #tpu.memory_space<hbm>>
        %dma_wait3A_296 = tpu.memref_squeeze %dma_wait3A_295 : memref<1x2x128xi32, #tpu.memory_space<hbm>> -> memref<2x128xi32, #tpu.memory_space<hbm>>
        %dma_wait3A_297 = arith.constant 0 : i32
        %dma_wait3A_298 = tpu.memref_slice %arg4[%arg0, %add3A_40, %dma_wait3A_297] : memref<2x2560x128xi32, #tpu.memory_space<hbm>> -> memref<1x2x128xi32, #tpu.memory_space<hbm>>
        %dma_wait3A_299 = tpu.memref_squeeze %dma_wait3A_298 : memref<1x2x128xi32, #tpu.memory_space<hbm>> -> memref<2x128xi32, #tpu.memory_space<hbm>>
        tpu.wait_dma2 semaphore(%run_scoped3A_287 : memref<!tpu.dma_semaphore, #tpu.memory_space<semaphore_mem>>) src(%dma_wait3A_299 : memref<2x128xi32, #tpu.memory_space<hbm>>) dst(%arg7 : memref<2x128xi32, #tpu.memory_space<vmem>>)
        tpu.yield
      }) : () -> ()
      %dma_start3A = arith.constant 0 : i32
      %dma_start3A_41 = arith.constant 0 : i32
      %dma_start3A_42 = tpu.memref_slice %arg6[%dma_start3A, %dma_start3A_41] : memref<2x128xi32, #tpu.memory_space<vmem>> -> memref<1x32xi32, #tpu.memory_space<vmem>>
      %dma_start3A_43 = tpu.memref_squeeze %dma_start3A_42 : memref<1x32xi32, #tpu.memory_space<vmem>> -> memref<32xi32, #tpu.memory_space<vmem>>
      %dma_start3A_44 = arith.constant 0 : i32
      %dma_start3A_45 = arith.constant 0 : i32
      %dma_start3A_46 = tpu.memref_slice %arg12[%dma_start3A_44, %dma_start3A_45] : memref<10048x128xf32, #tpu.memory_space<vmem_shared>> -> memref<10048x128xf32, #tpu.memory_space<vmem_shared>>
      tpu.enqueue_indirect_dma source(%dma_start3A_46 : memref<10048x128xf32, #tpu.memory_space<vmem_shared>>) target(%arg10 : memref<32x128xf32, #tpu.memory_space<vmem>>) offsets(%dma_start3A_43 : memref<32xi32, #tpu.memory_space<vmem>>) semaphore(%arg14 : memref<!tpu.dma_semaphore, #tpu.memory_space<semaphore_mem>>)
      %dma_start3A_47 = arith.constant 0 : i32
      %dma_start3A_48 = arith.constant 32 : i32
      %dma_start3A_49 = tpu.memref_slice %arg6[%dma_start3A_47, %dma_start3A_48] : memref<2x128xi32, #tpu.memory_space<vmem>> -> memref<1x32xi32, #tpu.memory_space<vmem>>
      %dma_start3A_50 = tpu.memref_squeeze %dma_start3A_49 : memref<1x32xi32, #tpu.memory_space<vmem>> -> memref<32xi32, #tpu.memory_space<vmem>>
      %dma_start3A_51 = arith.constant 0 : i32
      %dma_start3A_52 = arith.constant 0 : i32
      %dma_start3A_53 = tpu.memref_slice %arg12[%dma_start3A_51, %dma_start3A_52] : memref<10048x128xf32, #tpu.memory_space<vmem_shared>> -> memref<10048x128xf32, #tpu.memory_space<vmem_shared>>
      tpu.enqueue_indirect_dma source(%dma_start3A_53 : memref<10048x128xf32, #tpu.memory_space<vmem_shared>>) target(%arg11 : memref<32x128xf32, #tpu.memory_space<vmem>>) offsets(%dma_start3A_50 : memref<32xi32, #tpu.memory_space<vmem>>) semaphore(%arg15 : memref<!tpu.dma_semaphore, #tpu.memory_space<semaphore_mem>>)
      %dma_wait3A = arith.constant 0 : i32
      %dma_wait3A_54 = arith.constant 0 : i32
      %dma_wait3A_55 = tpu.memref_slice %arg6[%dma_wait3A, %dma_wait3A_54] : memref<2x128xi32, #tpu.memory_space<vmem>> -> memref<1x32xi32, #tpu.memory_space<vmem>>
      %dma_wait3A_56 = tpu.memref_squeeze %dma_wait3A_55 : memref<1x32xi32, #tpu.memory_space<vmem>> -> memref<32xi32, #tpu.memory_space<vmem>>
      %dma_wait3A_57 = arith.constant 0 : i32
      %dma_wait3A_58 = arith.constant 0 : i32
      %dma_wait3A_59 = tpu.memref_slice %arg12[%dma_wait3A_57, %dma_wait3A_58] : memref<10048x128xf32, #tpu.memory_space<vmem_shared>> -> memref<10048x128xf32, #tpu.memory_space<vmem_shared>>
      tpu.wait_indirect_dma semaphore(%arg14 : memref<!tpu.dma_semaphore, #tpu.memory_space<semaphore_mem>>) src(%dma_wait3A_59 : memref<10048x128xf32, #tpu.memory_space<vmem_shared>>) dst(%arg10 : memref<32x128xf32, #tpu.memory_space<vmem>>)
      %run_scoped3A = arith.constant 0 : i32
      "tpu.region"() ({
        %run_scoped3A_287 = tpu.sem_alloc : memref<!tpu.dma_semaphore, #tpu.memory_space<semaphore_mem>>
        %dma_start3A_288 = arith.constant 0 : i32
        %dma_start3A_289 = tpu.memref_slice %arg7[%run_scoped3A, %dma_start3A_288] : memref<2x128xi32, #tpu.memory_space<vmem>> -> memref<1x32xi32, #tpu.memory_space<vmem>>
        %dma_start3A_290 = tpu.memref_squeeze %dma_start3A_289 : memref<1x32xi32, #tpu.memory_space<vmem>> -> memref<32xi32, #tpu.memory_space<vmem>>
        %dma_start3A_291 = arith.constant 0 : i32
        %dma_start3A_292 = arith.constant 0 : i32
        %dma_start3A_293 = tpu.memref_slice %arg13[%dma_start3A_291, %dma_start3A_292] : memref<5152x128xf32, #tpu.memory_space<vmem_shared>> -> memref<5152x128xf32, #tpu.memory_space<vmem_shared>>
        tpu.enqueue_indirect_dma source(%arg10 : memref<32x128xf32, #tpu.memory_space<vmem>>) target(%dma_start3A_293 : memref<5152x128xf32, #tpu.memory_space<vmem_shared>>) offsets(%dma_start3A_290 : memref<32xi32, #tpu.memory_space<vmem>>) semaphore(%run_scoped3A_287 : memref<!tpu.dma_semaphore, #tpu.memory_space<semaphore_mem>>) {add = true}
        %dma_wait3A_294 = arith.constant 0 : i32
        %dma_wait3A_295 = tpu.memref_slice %arg7[%run_scoped3A, %dma_wait3A_294] : memref<2x128xi32, #tpu.memory_space<vmem>> -> memref<1x32xi32, #tpu.memory_space<vmem>>
        %dma_wait3A_296 = tpu.memref_squeeze %dma_wait3A_295 : memref<1x32xi32, #tpu.memory_space<vmem>> -> memref<32xi32, #tpu.memory_space<vmem>>
        %dma_wait3A_297 = arith.constant 0 : i32
        %dma_wait3A_298 = arith.constant 0 : i32
        %dma_wait3A_299 = tpu.memref_slice %arg13[%dma_wait3A_297, %dma_wait3A_298] : memref<5152x128xf32, #tpu.memory_space<vmem_shared>> -> memref<5152x128xf32, #tpu.memory_space<vmem_shared>>
        tpu.wait_indirect_dma semaphore(%run_scoped3A_287 : memref<!tpu.dma_semaphore, #tpu.memory_space<semaphore_mem>>) src(%arg10 : memref<32x128xf32, #tpu.memory_space<vmem>>) dst(%dma_wait3A_299 : memref<5152x128xf32, #tpu.memory_space<vmem_shared>>)
        tpu.yield
      }) : () -> ()
      %dma_start3A_60 = arith.constant 0 : i32
      %dma_start3A_61 = arith.constant 64 : i32
      %dma_start3A_62 = tpu.memref_slice %arg6[%dma_start3A_60, %dma_start3A_61] : memref<2x128xi32, #tpu.memory_space<vmem>> -> memref<1x32xi32, #tpu.memory_space<vmem>>
      %dma_start3A_63 = tpu.memref_squeeze %dma_start3A_62 : memref<1x32xi32, #tpu.memory_space<vmem>> -> memref<32xi32, #tpu.memory_space<vmem>>
      %dma_start3A_64 = arith.constant 0 : i32
      %dma_start3A_65 = arith.constant 0 : i32
      %dma_start3A_66 = tpu.memref_slice %arg12[%dma_start3A_64, %dma_start3A_65] : memref<10048x128xf32, #tpu.memory_space<vmem_shared>> -> memref<10048x128xf32, #tpu.memory_space<vmem_shared>>
      tpu.enqueue_indirect_dma source(%dma_start3A_66 : memref<10048x128xf32, #tpu.memory_space<vmem_shared>>) target(%arg10 : memref<32x128xf32, #tpu.memory_space<vmem>>) offsets(%dma_start3A_63 : memref<32xi32, #tpu.memory_space<vmem>>) semaphore(%arg14 : memref<!tpu.dma_semaphore, #tpu.memory_space<semaphore_mem>>)
      %dma_wait3A_67 = arith.constant 0 : i32
      %dma_wait3A_68 = arith.constant 32 : i32
      %dma_wait3A_69 = tpu.memref_slice %arg6[%dma_wait3A_67, %dma_wait3A_68] : memref<2x128xi32, #tpu.memory_space<vmem>> -> memref<1x32xi32, #tpu.memory_space<vmem>>
      %dma_wait3A_70 = tpu.memref_squeeze %dma_wait3A_69 : memref<1x32xi32, #tpu.memory_space<vmem>> -> memref<32xi32, #tpu.memory_space<vmem>>
      %dma_wait3A_71 = arith.constant 0 : i32
      %dma_wait3A_72 = arith.constant 0 : i32
      %dma_wait3A_73 = tpu.memref_slice %arg12[%dma_wait3A_71, %dma_wait3A_72] : memref<10048x128xf32, #tpu.memory_space<vmem_shared>> -> memref<10048x128xf32, #tpu.memory_space<vmem_shared>>
      tpu.wait_indirect_dma semaphore(%arg15 : memref<!tpu.dma_semaphore, #tpu.memory_space<semaphore_mem>>) src(%dma_wait3A_73 : memref<10048x128xf32, #tpu.memory_space<vmem_shared>>) dst(%arg11 : memref<32x128xf32, #tpu.memory_space<vmem>>)
      %run_scoped3A_74 = arith.constant 0 : i32
      "tpu.region"() ({
        %run_scoped3A_287 = tpu.sem_alloc : memref<!tpu.dma_semaphore, #tpu.memory_space<semaphore_mem>>
        %dma_start3A_288 = arith.constant 32 : i32
        %dma_start3A_289 = tpu.memref_slice %arg7[%run_scoped3A_74, %dma_start3A_288] : memref<2x128xi32, #tpu.memory_space<vmem>> -> memref<1x32xi32, #tpu.memory_space<vmem>>
        %dma_start3A_290 = tpu.memref_squeeze %dma_start3A_289 : memref<1x32xi32, #tpu.memory_space<vmem>> -> memref<32xi32, #tpu.memory_space<vmem>>
        %dma_start3A_291 = arith.constant 0 : i32
        %dma_start3A_292 = arith.constant 0 : i32
        %dma_start3A_293 = tpu.memref_slice %arg13[%dma_start3A_291, %dma_start3A_292] : memref<5152x128xf32, #tpu.memory_space<vmem_shared>> -> memref<5152x128xf32, #tpu.memory_space<vmem_shared>>
        tpu.enqueue_indirect_dma source(%arg11 : memref<32x128xf32, #tpu.memory_space<vmem>>) target(%dma_start3A_293 : memref<5152x128xf32, #tpu.memory_space<vmem_shared>>) offsets(%dma_start3A_290 : memref<32xi32, #tpu.memory_space<vmem>>) semaphore(%run_scoped3A_287 : memref<!tpu.dma_semaphore, #tpu.memory_space<semaphore_mem>>) {add = true}
        %dma_wait3A_294 = arith.constant 32 : i32
        %dma_wait3A_295 = tpu.memref_slice %arg7[%run_scoped3A_74, %dma_wait3A_294] : memref<2x128xi32, #tpu.memory_space<vmem>> -> memref<1x32xi32, #tpu.memory_space<vmem>>
        %dma_wait3A_296 = tpu.memref_squeeze %dma_wait3A_295 : memref<1x32xi32, #tpu.memory_space<vmem>> -> memref<32xi32, #tpu.memory_space<vmem>>
        %dma_wait3A_297 = arith.constant 0 : i32
        %dma_wait3A_298 = arith.constant 0 : i32
        %dma_wait3A_299 = tpu.memref_slice %arg13[%dma_wait3A_297, %dma_wait3A_298] : memref<5152x128xf32, #tpu.memory_space<vmem_shared>> -> memref<5152x128xf32, #tpu.memory_space<vmem_shared>>
        tpu.wait_indirect_dma semaphore(%run_scoped3A_287 : memref<!tpu.dma_semaphore, #tpu.memory_space<semaphore_mem>>) src(%arg11 : memref<32x128xf32, #tpu.memory_space<vmem>>) dst(%dma_wait3A_299 : memref<5152x128xf32, #tpu.memory_space<vmem_shared>>)
        tpu.yield
      }) : () -> ()
      %dma_start3A_75 = arith.constant 0 : i32
      %dma_start3A_76 = arith.constant 96 : i32
      %dma_start3A_77 = tpu.memref_slice %arg6[%dma_start3A_75, %dma_start3A_76] : memref<2x128xi32, #tpu.memory_space<vmem>> -> memref<1x32xi32, #tpu.memory_space<vmem>>
      %dma_start3A_78 = tpu.memref_squeeze %dma_start3A_77 : memref<1x32xi32, #tpu.memory_space<vmem>> -> memref<32xi32, #tpu.memory_space<vmem>>
      %dma_start3A_79 = arith.constant 0 : i32
      %dma_start3A_80 = arith.constant 0 : i32
      %dma_start3A_81 = tpu.memref_slice %arg12[%dma_start3A_79, %dma_start3A_80] : memref<10048x128xf32, #tpu.memory_space<vmem_shared>> -> memref<10048x128xf32, #tpu.memory_space<vmem_shared>>
      tpu.enqueue_indirect_dma source(%dma_start3A_81 : memref<10048x128xf32, #tpu.memory_space<vmem_shared>>) target(%arg11 : memref<32x128xf32, #tpu.memory_space<vmem>>) offsets(%dma_start3A_78 : memref<32xi32, #tpu.memory_space<vmem>>) semaphore(%arg15 : memref<!tpu.dma_semaphore, #tpu.memory_space<semaphore_mem>>)
      %dma_wait3A_82 = arith.constant 0 : i32
      %dma_wait3A_83 = arith.constant 64 : i32
      %dma_wait3A_84 = tpu.memref_slice %arg6[%dma_wait3A_82, %dma_wait3A_83] : memref<2x128xi32, #tpu.memory_space<vmem>> -> memref<1x32xi32, #tpu.memory_space<vmem>>
      %dma_wait3A_85 = tpu.memref_squeeze %dma_wait3A_84 : memref<1x32xi32, #tpu.memory_space<vmem>> -> memref<32xi32, #tpu.memory_space<vmem>>
      %dma_wait3A_86 = arith.constant 0 : i32
      %dma_wait3A_87 = arith.constant 0 : i32
      %dma_wait3A_88 = tpu.memref_slice %arg12[%dma_wait3A_86, %dma_wait3A_87] : memref<10048x128xf32, #tpu.memory_space<vmem_shared>> -> memref<10048x128xf32, #tpu.memory_space<vmem_shared>>
      tpu.wait_indirect_dma semaphore(%arg14 : memref<!tpu.dma_semaphore, #tpu.memory_space<semaphore_mem>>) src(%dma_wait3A_88 : memref<10048x128xf32, #tpu.memory_space<vmem_shared>>) dst(%arg10 : memref<32x128xf32, #tpu.memory_space<vmem>>)
      %run_scoped3A_89 = arith.constant 0 : i32
      "tpu.region"() ({
        %run_scoped3A_287 = tpu.sem_alloc : memref<!tpu.dma_semaphore, #tpu.memory_space<semaphore_mem>>
        %dma_start3A_288 = arith.constant 64 : i32
        %dma_start3A_289 = tpu.memref_slice %arg7[%run_scoped3A_89, %dma_start3A_288] : memref<2x128xi32, #tpu.memory_space<vmem>> -> memref<1x32xi32, #tpu.memory_space<vmem>>
        %dma_start3A_290 = tpu.memref_squeeze %dma_start3A_289 : memref<1x32xi32, #tpu.memory_space<vmem>> -> memref<32xi32, #tpu.memory_space<vmem>>
        %dma_start3A_291 = arith.constant 0 : i32
        %dma_start3A_292 = arith.constant 0 : i32
        %dma_start3A_293 = tpu.memref_slice %arg13[%dma_start3A_291, %dma_start3A_292] : memref<5152x128xf32, #tpu.memory_space<vmem_shared>> -> memref<5152x128xf32, #tpu.memory_space<vmem_shared>>
        tpu.enqueue_indirect_dma source(%arg10 : memref<32x128xf32, #tpu.memory_space<vmem>>) target(%dma_start3A_293 : memref<5152x128xf32, #tpu.memory_space<vmem_shared>>) offsets(%dma_start3A_290 : memref<32xi32, #tpu.memory_space<vmem>>) semaphore(%run_scoped3A_287 : memref<!tpu.dma_semaphore, #tpu.memory_space<semaphore_mem>>) {add = true}
        %dma_wait3A_294 = arith.constant 64 : i32
        %dma_wait3A_295 = tpu.memref_slice %arg7[%run_scoped3A_89, %dma_wait3A_294] : memref<2x128xi32, #tpu.memory_space<vmem>> -> memref<1x32xi32, #tpu.memory_space<vmem>>
        %dma_wait3A_296 = tpu.memref_squeeze %dma_wait3A_295 : memref<1x32xi32, #tpu.memory_space<vmem>> -> memref<32xi32, #tpu.memory_space<vmem>>
        %dma_wait3A_297 = arith.constant 0 : i32
        %dma_wait3A_298 = arith.constant 0 : i32
        %dma_wait3A_299 = tpu.memref_slice %arg13[%dma_wait3A_297, %dma_wait3A_298] : memref<5152x128xf32, #tpu.memory_space<vmem_shared>> -> memref<5152x128xf32, #tpu.memory_space<vmem_shared>>
        tpu.wait_indirect_dma semaphore(%run_scoped3A_287 : memref<!tpu.dma_semaphore, #tpu.memory_space<semaphore_mem>>) src(%arg10 : memref<32x128xf32, #tpu.memory_space<vmem>>) dst(%dma_wait3A_299 : memref<5152x128xf32, #tpu.memory_space<vmem_shared>>)
        tpu.yield
      }) : () -> ()
      %dma_start3A_90 = arith.constant 1 : i32
      %dma_start3A_91 = arith.constant 0 : i32
      %dma_start3A_92 = tpu.memref_slice %arg6[%dma_start3A_90, %dma_start3A_91] : memref<2x128xi32, #tpu.memory_space<vmem>> -> memref<1x32xi32, #tpu.memory_space<vmem>>
      %dma_start3A_93 = tpu.memref_squeeze %dma_start3A_92 : memref<1x32xi32, #tpu.memory_space<vmem>> -> memref<32xi32, #tpu.memory_space<vmem>>
      %dma_start3A_94 = arith.constant 0 : i32
      %dma_start3A_95 = arith.constant 0 : i32
      %dma_start3A_96 = tpu.memref_slice %arg12[%dma_start3A_94, %dma_start3A_95] : memref<10048x128xf32, #tpu.memory_space<vmem_shared>> -> memref<10048x128xf32, #tpu.memory_space<vmem_shared>>
      tpu.enqueue_indirect_dma source(%dma_start3A_96 : memref<10048x128xf32, #tpu.memory_space<vmem_shared>>) target(%arg10 : memref<32x128xf32, #tpu.memory_space<vmem>>) offsets(%dma_start3A_93 : memref<32xi32, #tpu.memory_space<vmem>>) semaphore(%arg14 : memref<!tpu.dma_semaphore, #tpu.memory_space<semaphore_mem>>)
      %dma_wait3A_97 = arith.constant 0 : i32
      %dma_wait3A_98 = arith.constant 96 : i32
      %dma_wait3A_99 = tpu.memref_slice %arg6[%dma_wait3A_97, %dma_wait3A_98] : memref<2x128xi32, #tpu.memory_space<vmem>> -> memref<1x32xi32, #tpu.memory_space<vmem>>
      %dma_wait3A_100 = tpu.memref_squeeze %dma_wait3A_99 : memref<1x32xi32, #tpu.memory_space<vmem>> -> memref<32xi32, #tpu.memory_space<vmem>>
      %dma_wait3A_101 = arith.constant 0 : i32
      %dma_wait3A_102 = arith.constant 0 : i32
      %dma_wait3A_103 = tpu.memref_slice %arg12[%dma_wait3A_101, %dma_wait3A_102] : memref<10048x128xf32, #tpu.memory_space<vmem_shared>> -> memref<10048x128xf32, #tpu.memory_space<vmem_shared>>
      tpu.wait_indirect_dma semaphore(%arg15 : memref<!tpu.dma_semaphore, #tpu.memory_space<semaphore_mem>>) src(%dma_wait3A_103 : memref<10048x128xf32, #tpu.memory_space<vmem_shared>>) dst(%arg11 : memref<32x128xf32, #tpu.memory_space<vmem>>)
      %run_scoped3A_104 = arith.constant 0 : i32
      "tpu.region"() ({
        %run_scoped3A_287 = tpu.sem_alloc : memref<!tpu.dma_semaphore, #tpu.memory_space<semaphore_mem>>
        %dma_start3A_288 = arith.constant 96 : i32
        %dma_start3A_289 = tpu.memref_slice %arg7[%run_scoped3A_104, %dma_start3A_288] : memref<2x128xi32, #tpu.memory_space<vmem>> -> memref<1x32xi32, #tpu.memory_space<vmem>>
        %dma_start3A_290 = tpu.memref_squeeze %dma_start3A_289 : memref<1x32xi32, #tpu.memory_space<vmem>> -> memref<32xi32, #tpu.memory_space<vmem>>
        %dma_start3A_291 = arith.constant 0 : i32
        %dma_start3A_292 = arith.constant 0 : i32
        %dma_start3A_293 = tpu.memref_slice %arg13[%dma_start3A_291, %dma_start3A_292] : memref<5152x128xf32, #tpu.memory_space<vmem_shared>> -> memref<5152x128xf32, #tpu.memory_space<vmem_shared>>
        tpu.enqueue_indirect_dma source(%arg11 : memref<32x128xf32, #tpu.memory_space<vmem>>) target(%dma_start3A_293 : memref<5152x128xf32, #tpu.memory_space<vmem_shared>>) offsets(%dma_start3A_290 : memref<32xi32, #tpu.memory_space<vmem>>) semaphore(%run_scoped3A_287 : memref<!tpu.dma_semaphore, #tpu.memory_space<semaphore_mem>>) {add = true}
        %dma_wait3A_294 = arith.constant 96 : i32
        %dma_wait3A_295 = tpu.memref_slice %arg7[%run_scoped3A_104, %dma_wait3A_294] : memref<2x128xi32, #tpu.memory_space<vmem>> -> memref<1x32xi32, #tpu.memory_space<vmem>>
        %dma_wait3A_296 = tpu.memref_squeeze %dma_wait3A_295 : memref<1x32xi32, #tpu.memory_space<vmem>> -> memref<32xi32, #tpu.memory_space<vmem>>
        %dma_wait3A_297 = arith.constant 0 : i32
        %dma_wait3A_298 = arith.constant 0 : i32
        %dma_wait3A_299 = tpu.memref_slice %arg13[%dma_wait3A_297, %dma_wait3A_298] : memref<5152x128xf32, #tpu.memory_space<vmem_shared>> -> memref<5152x128xf32, #tpu.memory_space<vmem_shared>>
        tpu.wait_indirect_dma semaphore(%run_scoped3A_287 : memref<!tpu.dma_semaphore, #tpu.memory_space<semaphore_mem>>) src(%arg11 : memref<32x128xf32, #tpu.memory_space<vmem>>) dst(%dma_wait3A_299 : memref<5152x128xf32, #tpu.memory_space<vmem_shared>>)
        tpu.yield
      }) : () -> ()
      %dma_start3A_105 = arith.constant 1 : i32
      %dma_start3A_106 = arith.constant 32 : i32
      %dma_start3A_107 = tpu.memref_slice %arg6[%dma_start3A_105, %dma_start3A_106] : memref<2x128xi32, #tpu.memory_space<vmem>> -> memref<1x32xi32, #tpu.memory_space<vmem>>
      %dma_start3A_108 = tpu.memref_squeeze %dma_start3A_107 : memref<1x32xi32, #tpu.memory_space<vmem>> -> memref<32xi32, #tpu.memory_space<vmem>>
      %dma_start3A_109 = arith.constant 0 : i32
      %dma_start3A_110 = arith.constant 0 : i32
      %dma_start3A_111 = tpu.memref_slice %arg12[%dma_start3A_109, %dma_start3A_110] : memref<10048x128xf32, #tpu.memory_space<vmem_shared>> -> memref<10048x128xf32, #tpu.memory_space<vmem_shared>>
      tpu.enqueue_indirect_dma source(%dma_start3A_111 : memref<10048x128xf32, #tpu.memory_space<vmem_shared>>) target(%arg11 : memref<32x128xf32, #tpu.memory_space<vmem>>) offsets(%dma_start3A_108 : memref<32xi32, #tpu.memory_space<vmem>>) semaphore(%arg15 : memref<!tpu.dma_semaphore, #tpu.memory_space<semaphore_mem>>)
      %dma_wait3A_112 = arith.constant 1 : i32
      %dma_wait3A_113 = arith.constant 0 : i32
      %dma_wait3A_114 = tpu.memref_slice %arg6[%dma_wait3A_112, %dma_wait3A_113] : memref<2x128xi32, #tpu.memory_space<vmem>> -> memref<1x32xi32, #tpu.memory_space<vmem>>
      %dma_wait3A_115 = tpu.memref_squeeze %dma_wait3A_114 : memref<1x32xi32, #tpu.memory_space<vmem>> -> memref<32xi32, #tpu.memory_space<vmem>>
      %dma_wait3A_116 = arith.constant 0 : i32
      %dma_wait3A_117 = arith.constant 0 : i32
      %dma_wait3A_118 = tpu.memref_slice %arg12[%dma_wait3A_116, %dma_wait3A_117] : memref<10048x128xf32, #tpu.memory_space<vmem_shared>> -> memref<10048x128xf32, #tpu.memory_space<vmem_shared>>
      tpu.wait_indirect_dma semaphore(%arg14 : memref<!tpu.dma_semaphore, #tpu.memory_space<semaphore_mem>>) src(%dma_wait3A_118 : memref<10048x128xf32, #tpu.memory_space<vmem_shared>>) dst(%arg10 : memref<32x128xf32, #tpu.memory_space<vmem>>)
      %run_scoped3A_119 = arith.constant 1 : i32
      "tpu.region"() ({
        %run_scoped3A_287 = tpu.sem_alloc : memref<!tpu.dma_semaphore, #tpu.memory_space<semaphore_mem>>
        %dma_start3A_288 = arith.constant 0 : i32
        %dma_start3A_289 = tpu.memref_slice %arg7[%run_scoped3A_119, %dma_start3A_288] : memref<2x128xi32, #tpu.memory_space<vmem>> -> memref<1x32xi32, #tpu.memory_space<vmem>>
        %dma_start3A_290 = tpu.memref_squeeze %dma_start3A_289 : memref<1x32xi32, #tpu.memory_space<vmem>> -> memref<32xi32, #tpu.memory_space<vmem>>
        %dma_start3A_291 = arith.constant 0 : i32
        %dma_start3A_292 = arith.constant 0 : i32
        %dma_start3A_293 = tpu.memref_slice %arg13[%dma_start3A_291, %dma_start3A_292] : memref<5152x128xf32, #tpu.memory_space<vmem_shared>> -> memref<5152x128xf32, #tpu.memory_space<vmem_shared>>
        tpu.enqueue_indirect_dma source(%arg10 : memref<32x128xf32, #tpu.memory_space<vmem>>) target(%dma_start3A_293 : memref<5152x128xf32, #tpu.memory_space<vmem_shared>>) offsets(%dma_start3A_290 : memref<32xi32, #tpu.memory_space<vmem>>) semaphore(%run_scoped3A_287 : memref<!tpu.dma_semaphore, #tpu.memory_space<semaphore_mem>>) {add = true}
        %dma_wait3A_294 = arith.constant 0 : i32
        %dma_wait3A_295 = tpu.memref_slice %arg7[%run_scoped3A_119, %dma_wait3A_294] : memref<2x128xi32, #tpu.memory_space<vmem>> -> memref<1x32xi32, #tpu.memory_space<vmem>>
        %dma_wait3A_296 = tpu.memref_squeeze %dma_wait3A_295 : memref<1x32xi32, #tpu.memory_space<vmem>> -> memref<32xi32, #tpu.memory_space<vmem>>
        %dma_wait3A_297 = arith.constant 0 : i32
        %dma_wait3A_298 = arith.constant 0 : i32
        %dma_wait3A_299 = tpu.memref_slice %arg13[%dma_wait3A_297, %dma_wait3A_298] : memref<5152x128xf32, #tpu.memory_space<vmem_shared>> -> memref<5152x128xf32, #tpu.memory_space<vmem_shared>>
        tpu.wait_indirect_dma semaphore(%run_scoped3A_287 : memref<!tpu.dma_semaphore, #tpu.memory_space<semaphore_mem>>) src(%arg10 : memref<32x128xf32, #tpu.memory_space<vmem>>) dst(%dma_wait3A_299 : memref<5152x128xf32, #tpu.memory_space<vmem_shared>>)
        tpu.yield
      }) : () -> ()
      %dma_start3A_120 = arith.constant 1 : i32
      %dma_start3A_121 = arith.constant 64 : i32
      %dma_start3A_122 = tpu.memref_slice %arg6[%dma_start3A_120, %dma_start3A_121] : memref<2x128xi32, #tpu.memory_space<vmem>> -> memref<1x32xi32, #tpu.memory_space<vmem>>
      %dma_start3A_123 = tpu.memref_squeeze %dma_start3A_122 : memref<1x32xi32, #tpu.memory_space<vmem>> -> memref<32xi32, #tpu.memory_space<vmem>>
      %dma_start3A_124 = arith.constant 0 : i32
      %dma_start3A_125 = arith.constant 0 : i32
      %dma_start3A_126 = tpu.memref_slice %arg12[%dma_start3A_124, %dma_start3A_125] : memref<10048x128xf32, #tpu.memory_space<vmem_shared>> -> memref<10048x128xf32, #tpu.memory_space<vmem_shared>>
      tpu.enqueue_indirect_dma source(%dma_start3A_126 : memref<10048x128xf32, #tpu.memory_space<vmem_shared>>) target(%arg10 : memref<32x128xf32, #tpu.memory_space<vmem>>) offsets(%dma_start3A_123 : memref<32xi32, #tpu.memory_space<vmem>>) semaphore(%arg14 : memref<!tpu.dma_semaphore, #tpu.memory_space<semaphore_mem>>)
      %dma_wait3A_127 = arith.constant 1 : i32
      %dma_wait3A_128 = arith.constant 32 : i32
      %dma_wait3A_129 = tpu.memref_slice %arg6[%dma_wait3A_127, %dma_wait3A_128] : memref<2x128xi32, #tpu.memory_space<vmem>> -> memref<1x32xi32, #tpu.memory_space<vmem>>
      %dma_wait3A_130 = tpu.memref_squeeze %dma_wait3A_129 : memref<1x32xi32, #tpu.memory_space<vmem>> -> memref<32xi32, #tpu.memory_space<vmem>>
      %dma_wait3A_131 = arith.constant 0 : i32
      %dma_wait3A_132 = arith.constant 0 : i32
      %dma_wait3A_133 = tpu.memref_slice %arg12[%dma_wait3A_131, %dma_wait3A_132] : memref<10048x128xf32, #tpu.memory_space<vmem_shared>> -> memref<10048x128xf32, #tpu.memory_space<vmem_shared>>
      tpu.wait_indirect_dma semaphore(%arg15 : memref<!tpu.dma_semaphore, #tpu.memory_space<semaphore_mem>>) src(%dma_wait3A_133 : memref<10048x128xf32, #tpu.memory_space<vmem_shared>>) dst(%arg11 : memref<32x128xf32, #tpu.memory_space<vmem>>)
      %run_scoped3A_134 = arith.constant 1 : i32
      "tpu.region"() ({
        %run_scoped3A_287 = tpu.sem_alloc : memref<!tpu.dma_semaphore, #tpu.memory_space<semaphore_mem>>
        %dma_start3A_288 = arith.constant 32 : i32
        %dma_start3A_289 = tpu.memref_slice %arg7[%run_scoped3A_134, %dma_start3A_288] : memref<2x128xi32, #tpu.memory_space<vmem>> -> memref<1x32xi32, #tpu.memory_space<vmem>>
        %dma_start3A_290 = tpu.memref_squeeze %dma_start3A_289 : memref<1x32xi32, #tpu.memory_space<vmem>> -> memref<32xi32, #tpu.memory_space<vmem>>
        %dma_start3A_291 = arith.constant 0 : i32
        %dma_start3A_292 = arith.constant 0 : i32
        %dma_start3A_293 = tpu.memref_slice %arg13[%dma_start3A_291, %dma_start3A_292] : memref<5152x128xf32, #tpu.memory_space<vmem_shared>> -> memref<5152x128xf32, #tpu.memory_space<vmem_shared>>
        tpu.enqueue_indirect_dma source(%arg11 : memref<32x128xf32, #tpu.memory_space<vmem>>) target(%dma_start3A_293 : memref<5152x128xf32, #tpu.memory_space<vmem_shared>>) offsets(%dma_start3A_290 : memref<32xi32, #tpu.memory_space<vmem>>) semaphore(%run_scoped3A_287 : memref<!tpu.dma_semaphore, #tpu.memory_space<semaphore_mem>>) {add = true}
        %dma_wait3A_294 = arith.constant 32 : i32
        %dma_wait3A_295 = tpu.memref_slice %arg7[%run_scoped3A_134, %dma_wait3A_294] : memref<2x128xi32, #tpu.memory_space<vmem>> -> memref<1x32xi32, #tpu.memory_space<vmem>>
        %dma_wait3A_296 = tpu.memref_squeeze %dma_wait3A_295 : memref<1x32xi32, #tpu.memory_space<vmem>> -> memref<32xi32, #tpu.memory_space<vmem>>
        %dma_wait3A_297 = arith.constant 0 : i32
        %dma_wait3A_298 = arith.constant 0 : i32
        %dma_wait3A_299 = tpu.memref_slice %arg13[%dma_wait3A_297, %dma_wait3A_298] : memref<5152x128xf32, #tpu.memory_space<vmem_shared>> -> memref<5152x128xf32, #tpu.memory_space<vmem_shared>>
        tpu.wait_indirect_dma semaphore(%run_scoped3A_287 : memref<!tpu.dma_semaphore, #tpu.memory_space<semaphore_mem>>) src(%arg11 : memref<32x128xf32, #tpu.memory_space<vmem>>) dst(%dma_wait3A_299 : memref<5152x128xf32, #tpu.memory_space<vmem_shared>>)
        tpu.yield
      }) : () -> ()
      %dma_start3A_135 = arith.constant 1 : i32
      %dma_start3A_136 = arith.constant 96 : i32
      %dma_start3A_137 = tpu.memref_slice %arg6[%dma_start3A_135, %dma_start3A_136] : memref<2x128xi32, #tpu.memory_space<vmem>> -> memref<1x32xi32, #tpu.memory_space<vmem>>
      %dma_start3A_138 = tpu.memref_squeeze %dma_start3A_137 : memref<1x32xi32, #tpu.memory_space<vmem>> -> memref<32xi32, #tpu.memory_space<vmem>>
      %dma_start3A_139 = arith.constant 0 : i32
      %dma_start3A_140 = arith.constant 0 : i32
      %dma_start3A_141 = tpu.memref_slice %arg12[%dma_start3A_139, %dma_start3A_140] : memref<10048x128xf32, #tpu.memory_space<vmem_shared>> -> memref<10048x128xf32, #tpu.memory_space<vmem_shared>>
      tpu.enqueue_indirect_dma source(%dma_start3A_141 : memref<10048x128xf32, #tpu.memory_space<vmem_shared>>) target(%arg11 : memref<32x128xf32, #tpu.memory_space<vmem>>) offsets(%dma_start3A_138 : memref<32xi32, #tpu.memory_space<vmem>>) semaphore(%arg15 : memref<!tpu.dma_semaphore, #tpu.memory_space<semaphore_mem>>)
      %dma_wait3A_142 = arith.constant 1 : i32
      %dma_wait3A_143 = arith.constant 64 : i32
      %dma_wait3A_144 = tpu.memref_slice %arg6[%dma_wait3A_142, %dma_wait3A_143] : memref<2x128xi32, #tpu.memory_space<vmem>> -> memref<1x32xi32, #tpu.memory_space<vmem>>
      %dma_wait3A_145 = tpu.memref_squeeze %dma_wait3A_144 : memref<1x32xi32, #tpu.memory_space<vmem>> -> memref<32xi32, #tpu.memory_space<vmem>>
      %dma_wait3A_146 = arith.constant 0 : i32
      %dma_wait3A_147 = arith.constant 0 : i32
      %dma_wait3A_148 = tpu.memref_slice %arg12[%dma_wait3A_146, %dma_wait3A_147] : memref<10048x128xf32, #tpu.memory_space<vmem_shared>> -> memref<10048x128xf32, #tpu.memory_space<vmem_shared>>
      tpu.wait_indirect_dma semaphore(%arg14 : memref<!tpu.dma_semaphore, #tpu.memory_space<semaphore_mem>>) src(%dma_wait3A_148 : memref<10048x128xf32, #tpu.memory_space<vmem_shared>>) dst(%arg10 : memref<32x128xf32, #tpu.memory_space<vmem>>)
      %run_scoped3A_149 = arith.constant 1 : i32
      "tpu.region"() ({
        %run_scoped3A_287 = tpu.sem_alloc : memref<!tpu.dma_semaphore, #tpu.memory_space<semaphore_mem>>
        %dma_start3A_288 = arith.constant 64 : i32
        %dma_start3A_289 = tpu.memref_slice %arg7[%run_scoped3A_149, %dma_start3A_288] : memref<2x128xi32, #tpu.memory_space<vmem>> -> memref<1x32xi32, #tpu.memory_space<vmem>>
        %dma_start3A_290 = tpu.memref_squeeze %dma_start3A_289 : memref<1x32xi32, #tpu.memory_space<vmem>> -> memref<32xi32, #tpu.memory_space<vmem>>
        %dma_start3A_291 = arith.constant 0 : i32
        %dma_start3A_292 = arith.constant 0 : i32
        %dma_start3A_293 = tpu.memref_slice %arg13[%dma_start3A_291, %dma_start3A_292] : memref<5152x128xf32, #tpu.memory_space<vmem_shared>> -> memref<5152x128xf32, #tpu.memory_space<vmem_shared>>
        tpu.enqueue_indirect_dma source(%arg10 : memref<32x128xf32, #tpu.memory_space<vmem>>) target(%dma_start3A_293 : memref<5152x128xf32, #tpu.memory_space<vmem_shared>>) offsets(%dma_start3A_290 : memref<32xi32, #tpu.memory_space<vmem>>) semaphore(%run_scoped3A_287 : memref<!tpu.dma_semaphore, #tpu.memory_space<semaphore_mem>>) {add = true}
        %dma_wait3A_294 = arith.constant 64 : i32
        %dma_wait3A_295 = tpu.memref_slice %arg7[%run_scoped3A_149, %dma_wait3A_294] : memref<2x128xi32, #tpu.memory_space<vmem>> -> memref<1x32xi32, #tpu.memory_space<vmem>>
        %dma_wait3A_296 = tpu.memref_squeeze %dma_wait3A_295 : memref<1x32xi32, #tpu.memory_space<vmem>> -> memref<32xi32, #tpu.memory_space<vmem>>
        %dma_wait3A_297 = arith.constant 0 : i32
        %dma_wait3A_298 = arith.constant 0 : i32
        %dma_wait3A_299 = tpu.memref_slice %arg13[%dma_wait3A_297, %dma_wait3A_298] : memref<5152x128xf32, #tpu.memory_space<vmem_shared>> -> memref<5152x128xf32, #tpu.memory_space<vmem_shared>>
        tpu.wait_indirect_dma semaphore(%run_scoped3A_287 : memref<!tpu.dma_semaphore, #tpu.memory_space<semaphore_mem>>) src(%arg10 : memref<32x128xf32, #tpu.memory_space<vmem>>) dst(%dma_wait3A_299 : memref<5152x128xf32, #tpu.memory_space<vmem_shared>>)
        tpu.yield
      }) : () -> ()
      %dma_wait3A_150 = arith.constant 1 : i32
      %dma_wait3A_151 = arith.constant 96 : i32
      %dma_wait3A_152 = tpu.memref_slice %arg6[%dma_wait3A_150, %dma_wait3A_151] : memref<2x128xi32, #tpu.memory_space<vmem>> -> memref<1x32xi32, #tpu.memory_space<vmem>>
      %dma_wait3A_153 = tpu.memref_squeeze %dma_wait3A_152 : memref<1x32xi32, #tpu.memory_space<vmem>> -> memref<32xi32, #tpu.memory_space<vmem>>
      %dma_wait3A_154 = arith.constant 0 : i32
      %dma_wait3A_155 = arith.constant 0 : i32
      %dma_wait3A_156 = tpu.memref_slice %arg12[%dma_wait3A_154, %dma_wait3A_155] : memref<10048x128xf32, #tpu.memory_space<vmem_shared>> -> memref<10048x128xf32, #tpu.memory_space<vmem_shared>>
      tpu.wait_indirect_dma semaphore(%arg15 : memref<!tpu.dma_semaphore, #tpu.memory_space<semaphore_mem>>) src(%dma_wait3A_156 : memref<10048x128xf32, #tpu.memory_space<vmem_shared>>) dst(%arg11 : memref<32x128xf32, #tpu.memory_space<vmem>>)
      %run_scoped3A_157 = arith.constant 1 : i32
      "tpu.region"() ({
        %run_scoped3A_287 = tpu.sem_alloc : memref<!tpu.dma_semaphore, #tpu.memory_space<semaphore_mem>>
        %dma_start3A_288 = arith.constant 96 : i32
        %dma_start3A_289 = tpu.memref_slice %arg7[%run_scoped3A_157, %dma_start3A_288] : memref<2x128xi32, #tpu.memory_space<vmem>> -> memref<1x32xi32, #tpu.memory_space<vmem>>
        %dma_start3A_290 = tpu.memref_squeeze %dma_start3A_289 : memref<1x32xi32, #tpu.memory_space<vmem>> -> memref<32xi32, #tpu.memory_space<vmem>>
        %dma_start3A_291 = arith.constant 0 : i32
        %dma_start3A_292 = arith.constant 0 : i32
        %dma_start3A_293 = tpu.memref_slice %arg13[%dma_start3A_291, %dma_start3A_292] : memref<5152x128xf32, #tpu.memory_space<vmem_shared>> -> memref<5152x128xf32, #tpu.memory_space<vmem_shared>>
        tpu.enqueue_indirect_dma source(%arg11 : memref<32x128xf32, #tpu.memory_space<vmem>>) target(%dma_start3A_293 : memref<5152x128xf32, #tpu.memory_space<vmem_shared>>) offsets(%dma_start3A_290 : memref<32xi32, #tpu.memory_space<vmem>>) semaphore(%run_scoped3A_287 : memref<!tpu.dma_semaphore, #tpu.memory_space<semaphore_mem>>) {add = true}
        %dma_wait3A_294 = arith.constant 96 : i32
        %dma_wait3A_295 = tpu.memref_slice %arg7[%run_scoped3A_157, %dma_wait3A_294] : memref<2x128xi32, #tpu.memory_space<vmem>> -> memref<1x32xi32, #tpu.memory_space<vmem>>
        %dma_wait3A_296 = tpu.memref_squeeze %dma_wait3A_295 : memref<1x32xi32, #tpu.memory_space<vmem>> -> memref<32xi32, #tpu.memory_space<vmem>>
        %dma_wait3A_297 = arith.constant 0 : i32
        %dma_wait3A_298 = arith.constant 0 : i32
        %dma_wait3A_299 = tpu.memref_slice %arg13[%dma_wait3A_297, %dma_wait3A_298] : memref<5152x128xf32, #tpu.memory_space<vmem_shared>> -> memref<5152x128xf32, #tpu.memory_space<vmem_shared>>
        tpu.wait_indirect_dma semaphore(%run_scoped3A_287 : memref<!tpu.dma_semaphore, #tpu.memory_space<semaphore_mem>>) src(%arg11 : memref<32x128xf32, #tpu.memory_space<vmem>>) dst(%dma_wait3A_299 : memref<5152x128xf32, #tpu.memory_space<vmem_shared>>)
        tpu.yield
      }) : () -> ()
      %mul3A_158 = arith.constant 2 : i32
      %mul3A_159 = arith.muli %scan3A_33, %mul3A_158 : i32
      %add3A_160 = arith.constant 1 : i32
      %add3A_161 = arith.addi %mul3A_159, %add3A_160 : i32
      %mul3A_162 = arith.constant 160 : i32
      %mul3A_163 = arith.muli %arg1, %mul3A_162 : i32
      %mul3A_164 = arith.constant 2 : i32
      %mul3A_165 = arith.muli %add3A_161, %mul3A_164 : i32
      %add3A_166 = arith.addi %mul3A_163, %mul3A_165 : i32
      "tpu.region"() ({
        %run_scoped3A_287 = tpu.sem_alloc : memref<!tpu.dma_semaphore, #tpu.memory_space<semaphore_mem>>
        %dma_start3A_288 = arith.constant 0 : i32
        %dma_start3A_289 = tpu.memref_slice %arg3[%add3A_166, %dma_start3A_288] : memref<2560x128xi32, #tpu.memory_space<hbm>> -> memref<2x128xi32, #tpu.memory_space<hbm>>
        %dma_start3A_290 = arith.constant 0 : i32
        %dma_start3A_291 = tpu.memref_slice %arg3[%add3A_166, %dma_start3A_290] : memref<2560x128xi32, #tpu.memory_space<hbm>> -> memref<2x128xi32, #tpu.memory_space<hbm>>
        tpu.enqueue_dma source(%dma_start3A_291 : memref<2x128xi32, #tpu.memory_space<hbm>>) target(%arg8 : memref<2x128xi32, #tpu.memory_space<vmem>>) target_semaphore(%run_scoped3A_287 : memref<!tpu.dma_semaphore, #tpu.memory_space<semaphore_mem>>)
        %dma_wait3A_292 = arith.constant 0 : i32
        %dma_wait3A_293 = tpu.memref_slice %arg3[%add3A_166, %dma_wait3A_292] : memref<2560x128xi32, #tpu.memory_space<hbm>> -> memref<2x128xi32, #tpu.memory_space<hbm>>
        %dma_wait3A_294 = arith.constant 0 : i32
        %dma_wait3A_295 = tpu.memref_slice %arg3[%add3A_166, %dma_wait3A_294] : memref<2560x128xi32, #tpu.memory_space<hbm>> -> memref<2x128xi32, #tpu.memory_space<hbm>>
        tpu.wait_dma2 semaphore(%run_scoped3A_287 : memref<!tpu.dma_semaphore, #tpu.memory_space<semaphore_mem>>) src(%dma_wait3A_295 : memref<2x128xi32, #tpu.memory_space<hbm>>) dst(%arg8 : memref<2x128xi32, #tpu.memory_space<vmem>>)
        tpu.yield
      }) : () -> ()
      "tpu.region"() ({
        %run_scoped3A_287 = tpu.sem_alloc : memref<!tpu.dma_semaphore, #tpu.memory_space<semaphore_mem>>
        %dma_start3A_288 = arith.constant 0 : i32
        %dma_start3A_289 = tpu.memref_slice %arg4[%arg0, %add3A_166, %dma_start3A_288] : memref<2x2560x128xi32, #tpu.memory_space<hbm>> -> memref<1x2x128xi32, #tpu.memory_space<hbm>>
        %dma_start3A_290 = tpu.memref_squeeze %dma_start3A_289 : memref<1x2x128xi32, #tpu.memory_space<hbm>> -> memref<2x128xi32, #tpu.memory_space<hbm>>
        %dma_start3A_291 = arith.constant 0 : i32
        %dma_start3A_292 = tpu.memref_slice %arg4[%arg0, %add3A_166, %dma_start3A_291] : memref<2x2560x128xi32, #tpu.memory_space<hbm>> -> memref<1x2x128xi32, #tpu.memory_space<hbm>>
        %dma_start3A_293 = tpu.memref_squeeze %dma_start3A_292 : memref<1x2x128xi32, #tpu.memory_space<hbm>> -> memref<2x128xi32, #tpu.memory_space<hbm>>
        tpu.enqueue_dma source(%dma_start3A_293 : memref<2x128xi32, #tpu.memory_space<hbm>>) target(%arg9 : memref<2x128xi32, #tpu.memory_space<vmem>>) target_semaphore(%run_scoped3A_287 : memref<!tpu.dma_semaphore, #tpu.memory_space<semaphore_mem>>)
        %dma_wait3A_294 = arith.constant 0 : i32
        %dma_wait3A_295 = tpu.memref_slice %arg4[%arg0, %add3A_166, %dma_wait3A_294] : memref<2x2560x128xi32, #tpu.memory_space<hbm>> -> memref<1x2x128xi32, #tpu.memory_space<hbm>>
        %dma_wait3A_296 = tpu.memref_squeeze %dma_wait3A_295 : memref<1x2x128xi32, #tpu.memory_space<hbm>> -> memref<2x128xi32, #tpu.memory_space<hbm>>
        %dma_wait3A_297 = arith.constant 0 : i32
        %dma_wait3A_298 = tpu.memref_slice %arg4[%arg0, %add3A_166, %dma_wait3A_297] : memref<2x2560x128xi32, #tpu.memory_space<hbm>> -> memref<1x2x128xi32, #tpu.memory_space<hbm>>
        %dma_wait3A_299 = tpu.memref_squeeze %dma_wait3A_298 : memref<1x2x128xi32, #tpu.memory_space<hbm>> -> memref<2x128xi32, #tpu.memory_space<hbm>>
        tpu.wait_dma2 semaphore(%run_scoped3A_287 : memref<!tpu.dma_semaphore, #tpu.memory_space<semaphore_mem>>) src(%dma_wait3A_299 : memref<2x128xi32, #tpu.memory_space<hbm>>) dst(%arg9 : memref<2x128xi32, #tpu.memory_space<vmem>>)
        tpu.yield
      }) : () -> ()
      %dma_start3A_167 = arith.constant 0 : i32
      %dma_start3A_168 = arith.constant 0 : i32
      %dma_start3A_169 = tpu.memref_slice %arg8[%dma_start3A_167, %dma_start3A_168] : memref<2x128xi32, #tpu.memory_space<vmem>> -> memref<1x32xi32, #tpu.memory_space<vmem>>
      %dma_start3A_170 = tpu.memref_squeeze %dma_start3A_169 : memref<1x32xi32, #tpu.memory_space<vmem>> -> memref<32xi32, #tpu.memory_space<vmem>>
      %dma_start3A_171 = arith.constant 0 : i32
      %dma_start3A_172 = arith.constant 0 : i32
      %dma_start3A_173 = tpu.memref_slice %arg12[%dma_start3A_171, %dma_start3A_172] : memref<10048x128xf32, #tpu.memory_space<vmem_shared>> -> memref<10048x128xf32, #tpu.memory_space<vmem_shared>>
      tpu.enqueue_indirect_dma source(%dma_start3A_173 : memref<10048x128xf32, #tpu.memory_space<vmem_shared>>) target(%arg10 : memref<32x128xf32, #tpu.memory_space<vmem>>) offsets(%dma_start3A_170 : memref<32xi32, #tpu.memory_space<vmem>>) semaphore(%arg14 : memref<!tpu.dma_semaphore, #tpu.memory_space<semaphore_mem>>)
      %dma_start3A_174 = arith.constant 0 : i32
      %dma_start3A_175 = arith.constant 32 : i32
      %dma_start3A_176 = tpu.memref_slice %arg8[%dma_start3A_174, %dma_start3A_175] : memref<2x128xi32, #tpu.memory_space<vmem>> -> memref<1x32xi32, #tpu.memory_space<vmem>>
      %dma_start3A_177 = tpu.memref_squeeze %dma_start3A_176 : memref<1x32xi32, #tpu.memory_space<vmem>> -> memref<32xi32, #tpu.memory_space<vmem>>
      %dma_start3A_178 = arith.constant 0 : i32
      %dma_start3A_179 = arith.constant 0 : i32
      %dma_start3A_180 = tpu.memref_slice %arg12[%dma_start3A_178, %dma_start3A_179] : memref<10048x128xf32, #tpu.memory_space<vmem_shared>> -> memref<10048x128xf32, #tpu.memory_space<vmem_shared>>
      tpu.enqueue_indirect_dma source(%dma_start3A_180 : memref<10048x128xf32, #tpu.memory_space<vmem_shared>>) target(%arg11 : memref<32x128xf32, #tpu.memory_space<vmem>>) offsets(%dma_start3A_177 : memref<32xi32, #tpu.memory_space<vmem>>) semaphore(%arg15 : memref<!tpu.dma_semaphore, #tpu.memory_space<semaphore_mem>>)
      %dma_wait3A_181 = arith.constant 0 : i32
      %dma_wait3A_182 = arith.constant 0 : i32
      %dma_wait3A_183 = tpu.memref_slice %arg8[%dma_wait3A_181, %dma_wait3A_182] : memref<2x128xi32, #tpu.memory_space<vmem>> -> memref<1x32xi32, #tpu.memory_space<vmem>>
      %dma_wait3A_184 = tpu.memref_squeeze %dma_wait3A_183 : memref<1x32xi32, #tpu.memory_space<vmem>> -> memref<32xi32, #tpu.memory_space<vmem>>
      %dma_wait3A_185 = arith.constant 0 : i32
      %dma_wait3A_186 = arith.constant 0 : i32
      %dma_wait3A_187 = tpu.memref_slice %arg12[%dma_wait3A_185, %dma_wait3A_186] : memref<10048x128xf32, #tpu.memory_space<vmem_shared>> -> memref<10048x128xf32, #tpu.memory_space<vmem_shared>>
      tpu.wait_indirect_dma semaphore(%arg14 : memref<!tpu.dma_semaphore, #tpu.memory_space<semaphore_mem>>) src(%dma_wait3A_187 : memref<10048x128xf32, #tpu.memory_space<vmem_shared>>) dst(%arg10 : memref<32x128xf32, #tpu.memory_space<vmem>>)
      %run_scoped3A_188 = arith.constant 0 : i32
      "tpu.region"() ({
        %run_scoped3A_287 = tpu.sem_alloc : memref<!tpu.dma_semaphore, #tpu.memory_space<semaphore_mem>>
        %dma_start3A_288 = arith.constant 0 : i32
        %dma_start3A_289 = tpu.memref_slice %arg9[%run_scoped3A_188, %dma_start3A_288] : memref<2x128xi32, #tpu.memory_space<vmem>> -> memref<1x32xi32, #tpu.memory_space<vmem>>
        %dma_start3A_290 = tpu.memref_squeeze %dma_start3A_289 : memref<1x32xi32, #tpu.memory_space<vmem>> -> memref<32xi32, #tpu.memory_space<vmem>>
        %dma_start3A_291 = arith.constant 0 : i32
        %dma_start3A_292 = arith.constant 0 : i32
        %dma_start3A_293 = tpu.memref_slice %arg13[%dma_start3A_291, %dma_start3A_292] : memref<5152x128xf32, #tpu.memory_space<vmem_shared>> -> memref<5152x128xf32, #tpu.memory_space<vmem_shared>>
        tpu.enqueue_indirect_dma source(%arg10 : memref<32x128xf32, #tpu.memory_space<vmem>>) target(%dma_start3A_293 : memref<5152x128xf32, #tpu.memory_space<vmem_shared>>) offsets(%dma_start3A_290 : memref<32xi32, #tpu.memory_space<vmem>>) semaphore(%run_scoped3A_287 : memref<!tpu.dma_semaphore, #tpu.memory_space<semaphore_mem>>) {add = true}
        %dma_wait3A_294 = arith.constant 0 : i32
        %dma_wait3A_295 = tpu.memref_slice %arg9[%run_scoped3A_188, %dma_wait3A_294] : memref<2x128xi32, #tpu.memory_space<vmem>> -> memref<1x32xi32, #tpu.memory_space<vmem>>
        %dma_wait3A_296 = tpu.memref_squeeze %dma_wait3A_295 : memref<1x32xi32, #tpu.memory_space<vmem>> -> memref<32xi32, #tpu.memory_space<vmem>>
        %dma_wait3A_297 = arith.constant 0 : i32
        %dma_wait3A_298 = arith.constant 0 : i32
        %dma_wait3A_299 = tpu.memref_slice %arg13[%dma_wait3A_297, %dma_wait3A_298] : memref<5152x128xf32, #tpu.memory_space<vmem_shared>> -> memref<5152x128xf32, #tpu.memory_space<vmem_shared>>
        tpu.wait_indirect_dma semaphore(%run_scoped3A_287 : memref<!tpu.dma_semaphore, #tpu.memory_space<semaphore_mem>>) src(%arg10 : memref<32x128xf32, #tpu.memory_space<vmem>>) dst(%dma_wait3A_299 : memref<5152x128xf32, #tpu.memory_space<vmem_shared>>)
        tpu.yield
      }) : () -> ()
      %dma_start3A_189 = arith.constant 0 : i32
      %dma_start3A_190 = arith.constant 64 : i32
      %dma_start3A_191 = tpu.memref_slice %arg8[%dma_start3A_189, %dma_start3A_190] : memref<2x128xi32, #tpu.memory_space<vmem>> -> memref<1x32xi32, #tpu.memory_space<vmem>>
      %dma_start3A_192 = tpu.memref_squeeze %dma_start3A_191 : memref<1x32xi32, #tpu.memory_space<vmem>> -> memref<32xi32, #tpu.memory_space<vmem>>
      %dma_start3A_193 = arith.constant 0 : i32
      %dma_start3A_194 = arith.constant 0 : i32
      %dma_start3A_195 = tpu.memref_slice %arg12[%dma_start3A_193, %dma_start3A_194] : memref<10048x128xf32, #tpu.memory_space<vmem_shared>> -> memref<10048x128xf32, #tpu.memory_space<vmem_shared>>
      tpu.enqueue_indirect_dma source(%dma_start3A_195 : memref<10048x128xf32, #tpu.memory_space<vmem_shared>>) target(%arg10 : memref<32x128xf32, #tpu.memory_space<vmem>>) offsets(%dma_start3A_192 : memref<32xi32, #tpu.memory_space<vmem>>) semaphore(%arg14 : memref<!tpu.dma_semaphore, #tpu.memory_space<semaphore_mem>>)
      %dma_wait3A_196 = arith.constant 0 : i32
      %dma_wait3A_197 = arith.constant 32 : i32
      %dma_wait3A_198 = tpu.memref_slice %arg8[%dma_wait3A_196, %dma_wait3A_197] : memref<2x128xi32, #tpu.memory_space<vmem>> -> memref<1x32xi32, #tpu.memory_space<vmem>>
      %dma_wait3A_199 = tpu.memref_squeeze %dma_wait3A_198 : memref<1x32xi32, #tpu.memory_space<vmem>> -> memref<32xi32, #tpu.memory_space<vmem>>
      %dma_wait3A_200 = arith.constant 0 : i32
      %dma_wait3A_201 = arith.constant 0 : i32
      %dma_wait3A_202 = tpu.memref_slice %arg12[%dma_wait3A_200, %dma_wait3A_201] : memref<10048x128xf32, #tpu.memory_space<vmem_shared>> -> memref<10048x128xf32, #tpu.memory_space<vmem_shared>>
      tpu.wait_indirect_dma semaphore(%arg15 : memref<!tpu.dma_semaphore, #tpu.memory_space<semaphore_mem>>) src(%dma_wait3A_202 : memref<10048x128xf32, #tpu.memory_space<vmem_shared>>) dst(%arg11 : memref<32x128xf32, #tpu.memory_space<vmem>>)
      %run_scoped3A_203 = arith.constant 0 : i32
      "tpu.region"() ({
        %run_scoped3A_287 = tpu.sem_alloc : memref<!tpu.dma_semaphore, #tpu.memory_space<semaphore_mem>>
        %dma_start3A_288 = arith.constant 32 : i32
        %dma_start3A_289 = tpu.memref_slice %arg9[%run_scoped3A_203, %dma_start3A_288] : memref<2x128xi32, #tpu.memory_space<vmem>> -> memref<1x32xi32, #tpu.memory_space<vmem>>
        %dma_start3A_290 = tpu.memref_squeeze %dma_start3A_289 : memref<1x32xi32, #tpu.memory_space<vmem>> -> memref<32xi32, #tpu.memory_space<vmem>>
        %dma_start3A_291 = arith.constant 0 : i32
        %dma_start3A_292 = arith.constant 0 : i32
        %dma_start3A_293 = tpu.memref_slice %arg13[%dma_start3A_291, %dma_start3A_292] : memref<5152x128xf32, #tpu.memory_space<vmem_shared>> -> memref<5152x128xf32, #tpu.memory_space<vmem_shared>>
        tpu.enqueue_indirect_dma source(%arg11 : memref<32x128xf32, #tpu.memory_space<vmem>>) target(%dma_start3A_293 : memref<5152x128xf32, #tpu.memory_space<vmem_shared>>) offsets(%dma_start3A_290 : memref<32xi32, #tpu.memory_space<vmem>>) semaphore(%run_scoped3A_287 : memref<!tpu.dma_semaphore, #tpu.memory_space<semaphore_mem>>) {add = true}
        %dma_wait3A_294 = arith.constant 32 : i32
        %dma_wait3A_295 = tpu.memref_slice %arg9[%run_scoped3A_203, %dma_wait3A_294] : memref<2x128xi32, #tpu.memory_space<vmem>> -> memref<1x32xi32, #tpu.memory_space<vmem>>
        %dma_wait3A_296 = tpu.memref_squeeze %dma_wait3A_295 : memref<1x32xi32, #tpu.memory_space<vmem>> -> memref<32xi32, #tpu.memory_space<vmem>>
        %dma_wait3A_297 = arith.constant 0 : i32
        %dma_wait3A_298 = arith.constant 0 : i32
        %dma_wait3A_299 = tpu.memref_slice %arg13[%dma_wait3A_297, %dma_wait3A_298] : memref<5152x128xf32, #tpu.memory_space<vmem_shared>> -> memref<5152x128xf32, #tpu.memory_space<vmem_shared>>
        tpu.wait_indirect_dma semaphore(%run_scoped3A_287 : memref<!tpu.dma_semaphore, #tpu.memory_space<semaphore_mem>>) src(%arg11 : memref<32x128xf32, #tpu.memory_space<vmem>>) dst(%dma_wait3A_299 : memref<5152x128xf32, #tpu.memory_space<vmem_shared>>)
        tpu.yield
      }) : () -> ()
      %dma_start3A_204 = arith.constant 0 : i32
      %dma_start3A_205 = arith.constant 96 : i32
      %dma_start3A_206 = tpu.memref_slice %arg8[%dma_start3A_204, %dma_start3A_205] : memref<2x128xi32, #tpu.memory_space<vmem>> -> memref<1x32xi32, #tpu.memory_space<vmem>>
      %dma_start3A_207 = tpu.memref_squeeze %dma_start3A_206 : memref<1x32xi32, #tpu.memory_space<vmem>> -> memref<32xi32, #tpu.memory_space<vmem>>
      %dma_start3A_208 = arith.constant 0 : i32
      %dma_start3A_209 = arith.constant 0 : i32
      %dma_start3A_210 = tpu.memref_slice %arg12[%dma_start3A_208, %dma_start3A_209] : memref<10048x128xf32, #tpu.memory_space<vmem_shared>> -> memref<10048x128xf32, #tpu.memory_space<vmem_shared>>
      tpu.enqueue_indirect_dma source(%dma_start3A_210 : memref<10048x128xf32, #tpu.memory_space<vmem_shared>>) target(%arg11 : memref<32x128xf32, #tpu.memory_space<vmem>>) offsets(%dma_start3A_207 : memref<32xi32, #tpu.memory_space<vmem>>) semaphore(%arg15 : memref<!tpu.dma_semaphore, #tpu.memory_space<semaphore_mem>>)
      %dma_wait3A_211 = arith.constant 0 : i32
      %dma_wait3A_212 = arith.constant 64 : i32
      %dma_wait3A_213 = tpu.memref_slice %arg8[%dma_wait3A_211, %dma_wait3A_212] : memref<2x128xi32, #tpu.memory_space<vmem>> -> memref<1x32xi32, #tpu.memory_space<vmem>>
      %dma_wait3A_214 = tpu.memref_squeeze %dma_wait3A_213 : memref<1x32xi32, #tpu.memory_space<vmem>> -> memref<32xi32, #tpu.memory_space<vmem>>
      %dma_wait3A_215 = arith.constant 0 : i32
      %dma_wait3A_216 = arith.constant 0 : i32
      %dma_wait3A_217 = tpu.memref_slice %arg12[%dma_wait3A_215, %dma_wait3A_216] : memref<10048x128xf32, #tpu.memory_space<vmem_shared>> -> memref<10048x128xf32, #tpu.memory_space<vmem_shared>>
      tpu.wait_indirect_dma semaphore(%arg14 : memref<!tpu.dma_semaphore, #tpu.memory_space<semaphore_mem>>) src(%dma_wait3A_217 : memref<10048x128xf32, #tpu.memory_space<vmem_shared>>) dst(%arg10 : memref<32x128xf32, #tpu.memory_space<vmem>>)
      %run_scoped3A_218 = arith.constant 0 : i32
      "tpu.region"() ({
        %run_scoped3A_287 = tpu.sem_alloc : memref<!tpu.dma_semaphore, #tpu.memory_space<semaphore_mem>>
        %dma_start3A_288 = arith.constant 64 : i32
        %dma_start3A_289 = tpu.memref_slice %arg9[%run_scoped3A_218, %dma_start3A_288] : memref<2x128xi32, #tpu.memory_space<vmem>> -> memref<1x32xi32, #tpu.memory_space<vmem>>
        %dma_start3A_290 = tpu.memref_squeeze %dma_start3A_289 : memref<1x32xi32, #tpu.memory_space<vmem>> -> memref<32xi32, #tpu.memory_space<vmem>>
        %dma_start3A_291 = arith.constant 0 : i32
        %dma_start3A_292 = arith.constant 0 : i32
        %dma_start3A_293 = tpu.memref_slice %arg13[%dma_start3A_291, %dma_start3A_292] : memref<5152x128xf32, #tpu.memory_space<vmem_shared>> -> memref<5152x128xf32, #tpu.memory_space<vmem_shared>>
        tpu.enqueue_indirect_dma source(%arg10 : memref<32x128xf32, #tpu.memory_space<vmem>>) target(%dma_start3A_293 : memref<5152x128xf32, #tpu.memory_space<vmem_shared>>) offsets(%dma_start3A_290 : memref<32xi32, #tpu.memory_space<vmem>>) semaphore(%run_scoped3A_287 : memref<!tpu.dma_semaphore, #tpu.memory_space<semaphore_mem>>) {add = true}
        %dma_wait3A_294 = arith.constant 64 : i32
        %dma_wait3A_295 = tpu.memref_slice %arg9[%run_scoped3A_218, %dma_wait3A_294] : memref<2x128xi32, #tpu.memory_space<vmem>> -> memref<1x32xi32, #tpu.memory_space<vmem>>
        %dma_wait3A_296 = tpu.memref_squeeze %dma_wait3A_295 : memref<1x32xi32, #tpu.memory_space<vmem>> -> memref<32xi32, #tpu.memory_space<vmem>>
        %dma_wait3A_297 = arith.constant 0 : i32
        %dma_wait3A_298 = arith.constant 0 : i32
        %dma_wait3A_299 = tpu.memref_slice %arg13[%dma_wait3A_297, %dma_wait3A_298] : memref<5152x128xf32, #tpu.memory_space<vmem_shared>> -> memref<5152x128xf32, #tpu.memory_space<vmem_shared>>
        tpu.wait_indirect_dma semaphore(%run_scoped3A_287 : memref<!tpu.dma_semaphore, #tpu.memory_space<semaphore_mem>>) src(%arg10 : memref<32x128xf32, #tpu.memory_space<vmem>>) dst(%dma_wait3A_299 : memref<5152x128xf32, #tpu.memory_space<vmem_shared>>)
        tpu.yield
      }) : () -> ()
      %dma_start3A_219 = arith.constant 1 : i32
      %dma_start3A_220 = arith.constant 0 : i32
      %dma_start3A_221 = tpu.memref_slice %arg8[%dma_start3A_219, %dma_start3A_220] : memref<2x128xi32, #tpu.memory_space<vmem>> -> memref<1x32xi32, #tpu.memory_space<vmem>>
      %dma_start3A_222 = tpu.memref_squeeze %dma_start3A_221 : memref<1x32xi32, #tpu.memory_space<vmem>> -> memref<32xi32, #tpu.memory_space<vmem>>
      %dma_start3A_223 = arith.constant 0 : i32
      %dma_start3A_224 = arith.constant 0 : i32
      %dma_start3A_225 = tpu.memref_slice %arg12[%dma_start3A_223, %dma_start3A_224] : memref<10048x128xf32, #tpu.memory_space<vmem_shared>> -> memref<10048x128xf32, #tpu.memory_space<vmem_shared>>
      tpu.enqueue_indirect_dma source(%dma_start3A_225 : memref<10048x128xf32, #tpu.memory_space<vmem_shared>>) target(%arg10 : memref<32x128xf32, #tpu.memory_space<vmem>>) offsets(%dma_start3A_222 : memref<32xi32, #tpu.memory_space<vmem>>) semaphore(%arg14 : memref<!tpu.dma_semaphore, #tpu.memory_space<semaphore_mem>>)
      %dma_wait3A_226 = arith.constant 0 : i32
      %dma_wait3A_227 = arith.constant 96 : i32
      %dma_wait3A_228 = tpu.memref_slice %arg8[%dma_wait3A_226, %dma_wait3A_227] : memref<2x128xi32, #tpu.memory_space<vmem>> -> memref<1x32xi32, #tpu.memory_space<vmem>>
      %dma_wait3A_229 = tpu.memref_squeeze %dma_wait3A_228 : memref<1x32xi32, #tpu.memory_space<vmem>> -> memref<32xi32, #tpu.memory_space<vmem>>
      %dma_wait3A_230 = arith.constant 0 : i32
      %dma_wait3A_231 = arith.constant 0 : i32
      %dma_wait3A_232 = tpu.memref_slice %arg12[%dma_wait3A_230, %dma_wait3A_231] : memref<10048x128xf32, #tpu.memory_space<vmem_shared>> -> memref<10048x128xf32, #tpu.memory_space<vmem_shared>>
      tpu.wait_indirect_dma semaphore(%arg15 : memref<!tpu.dma_semaphore, #tpu.memory_space<semaphore_mem>>) src(%dma_wait3A_232 : memref<10048x128xf32, #tpu.memory_space<vmem_shared>>) dst(%arg11 : memref<32x128xf32, #tpu.memory_space<vmem>>)
      %run_scoped3A_233 = arith.constant 0 : i32
      "tpu.region"() ({
        %run_scoped3A_287 = tpu.sem_alloc : memref<!tpu.dma_semaphore, #tpu.memory_space<semaphore_mem>>
        %dma_start3A_288 = arith.constant 96 : i32
        %dma_start3A_289 = tpu.memref_slice %arg9[%run_scoped3A_233, %dma_start3A_288] : memref<2x128xi32, #tpu.memory_space<vmem>> -> memref<1x32xi32, #tpu.memory_space<vmem>>
        %dma_start3A_290 = tpu.memref_squeeze %dma_start3A_289 : memref<1x32xi32, #tpu.memory_space<vmem>> -> memref<32xi32, #tpu.memory_space<vmem>>
        %dma_start3A_291 = arith.constant 0 : i32
        %dma_start3A_292 = arith.constant 0 : i32
        %dma_start3A_293 = tpu.memref_slice %arg13[%dma_start3A_291, %dma_start3A_292] : memref<5152x128xf32, #tpu.memory_space<vmem_shared>> -> memref<5152x128xf32, #tpu.memory_space<vmem_shared>>
        tpu.enqueue_indirect_dma source(%arg11 : memref<32x128xf32, #tpu.memory_space<vmem>>) target(%dma_start3A_293 : memref<5152x128xf32, #tpu.memory_space<vmem_shared>>) offsets(%dma_start3A_290 : memref<32xi32, #tpu.memory_space<vmem>>) semaphore(%run_scoped3A_287 : memref<!tpu.dma_semaphore, #tpu.memory_space<semaphore_mem>>) {add = true}
        %dma_wait3A_294 = arith.constant 96 : i32
        %dma_wait3A_295 = tpu.memref_slice %arg9[%run_scoped3A_233, %dma_wait3A_294] : memref<2x128xi32, #tpu.memory_space<vmem>> -> memref<1x32xi32, #tpu.memory_space<vmem>>
        %dma_wait3A_296 = tpu.memref_squeeze %dma_wait3A_295 : memref<1x32xi32, #tpu.memory_space<vmem>> -> memref<32xi32, #tpu.memory_space<vmem>>
        %dma_wait3A_297 = arith.constant 0 : i32
        %dma_wait3A_298 = arith.constant 0 : i32
        %dma_wait3A_299 = tpu.memref_slice %arg13[%dma_wait3A_297, %dma_wait3A_298] : memref<5152x128xf32, #tpu.memory_space<vmem_shared>> -> memref<5152x128xf32, #tpu.memory_space<vmem_shared>>
        tpu.wait_indirect_dma semaphore(%run_scoped3A_287 : memref<!tpu.dma_semaphore, #tpu.memory_space<semaphore_mem>>) src(%arg11 : memref<32x128xf32, #tpu.memory_space<vmem>>) dst(%dma_wait3A_299 : memref<5152x128xf32, #tpu.memory_space<vmem_shared>>)
        tpu.yield
      }) : () -> ()
      %dma_start3A_234 = arith.constant 1 : i32
      %dma_start3A_235 = arith.constant 32 : i32
      %dma_start3A_236 = tpu.memref_slice %arg8[%dma_start3A_234, %dma_start3A_235] : memref<2x128xi32, #tpu.memory_space<vmem>> -> memref<1x32xi32, #tpu.memory_space<vmem>>
      %dma_start3A_237 = tpu.memref_squeeze %dma_start3A_236 : memref<1x32xi32, #tpu.memory_space<vmem>> -> memref<32xi32, #tpu.memory_space<vmem>>
      %dma_start3A_238 = arith.constant 0 : i32
      %dma_start3A_239 = arith.constant 0 : i32
      %dma_start3A_240 = tpu.memref_slice %arg12[%dma_start3A_238, %dma_start3A_239] : memref<10048x128xf32, #tpu.memory_space<vmem_shared>> -> memref<10048x128xf32, #tpu.memory_space<vmem_shared>>
      tpu.enqueue_indirect_dma source(%dma_start3A_240 : memref<10048x128xf32, #tpu.memory_space<vmem_shared>>) target(%arg11 : memref<32x128xf32, #tpu.memory_space<vmem>>) offsets(%dma_start3A_237 : memref<32xi32, #tpu.memory_space<vmem>>) semaphore(%arg15 : memref<!tpu.dma_semaphore, #tpu.memory_space<semaphore_mem>>)
      %dma_wait3A_241 = arith.constant 1 : i32
      %dma_wait3A_242 = arith.constant 0 : i32
      %dma_wait3A_243 = tpu.memref_slice %arg8[%dma_wait3A_241, %dma_wait3A_242] : memref<2x128xi32, #tpu.memory_space<vmem>> -> memref<1x32xi32, #tpu.memory_space<vmem>>
      %dma_wait3A_244 = tpu.memref_squeeze %dma_wait3A_243 : memref<1x32xi32, #tpu.memory_space<vmem>> -> memref<32xi32, #tpu.memory_space<vmem>>
      %dma_wait3A_245 = arith.constant 0 : i32
      %dma_wait3A_246 = arith.constant 0 : i32
      %dma_wait3A_247 = tpu.memref_slice %arg12[%dma_wait3A_245, %dma_wait3A_246] : memref<10048x128xf32, #tpu.memory_space<vmem_shared>> -> memref<10048x128xf32, #tpu.memory_space<vmem_shared>>
      tpu.wait_indirect_dma semaphore(%arg14 : memref<!tpu.dma_semaphore, #tpu.memory_space<semaphore_mem>>) src(%dma_wait3A_247 : memref<10048x128xf32, #tpu.memory_space<vmem_shared>>) dst(%arg10 : memref<32x128xf32, #tpu.memory_space<vmem>>)
      %run_scoped3A_248 = arith.constant 1 : i32
      "tpu.region"() ({
        %run_scoped3A_287 = tpu.sem_alloc : memref<!tpu.dma_semaphore, #tpu.memory_space<semaphore_mem>>
        %dma_start3A_288 = arith.constant 0 : i32
        %dma_start3A_289 = tpu.memref_slice %arg9[%run_scoped3A_248, %dma_start3A_288] : memref<2x128xi32, #tpu.memory_space<vmem>> -> memref<1x32xi32, #tpu.memory_space<vmem>>
        %dma_start3A_290 = tpu.memref_squeeze %dma_start3A_289 : memref<1x32xi32, #tpu.memory_space<vmem>> -> memref<32xi32, #tpu.memory_space<vmem>>
        %dma_start3A_291 = arith.constant 0 : i32
        %dma_start3A_292 = arith.constant 0 : i32
        %dma_start3A_293 = tpu.memref_slice %arg13[%dma_start3A_291, %dma_start3A_292] : memref<5152x128xf32, #tpu.memory_space<vmem_shared>> -> memref<5152x128xf32, #tpu.memory_space<vmem_shared>>
        tpu.enqueue_indirect_dma source(%arg10 : memref<32x128xf32, #tpu.memory_space<vmem>>) target(%dma_start3A_293 : memref<5152x128xf32, #tpu.memory_space<vmem_shared>>) offsets(%dma_start3A_290 : memref<32xi32, #tpu.memory_space<vmem>>) semaphore(%run_scoped3A_287 : memref<!tpu.dma_semaphore, #tpu.memory_space<semaphore_mem>>) {add = true}
        %dma_wait3A_294 = arith.constant 0 : i32
        %dma_wait3A_295 = tpu.memref_slice %arg9[%run_scoped3A_248, %dma_wait3A_294] : memref<2x128xi32, #tpu.memory_space<vmem>> -> memref<1x32xi32, #tpu.memory_space<vmem>>
        %dma_wait3A_296 = tpu.memref_squeeze %dma_wait3A_295 : memref<1x32xi32, #tpu.memory_space<vmem>> -> memref<32xi32, #tpu.memory_space<vmem>>
        %dma_wait3A_297 = arith.constant 0 : i32
        %dma_wait3A_298 = arith.constant 0 : i32
        %dma_wait3A_299 = tpu.memref_slice %arg13[%dma_wait3A_297, %dma_wait3A_298] : memref<5152x128xf32, #tpu.memory_space<vmem_shared>> -> memref<5152x128xf32, #tpu.memory_space<vmem_shared>>
        tpu.wait_indirect_dma semaphore(%run_scoped3A_287 : memref<!tpu.dma_semaphore, #tpu.memory_space<semaphore_mem>>) src(%arg10 : memref<32x128xf32, #tpu.memory_space<vmem>>) dst(%dma_wait3A_299 : memref<5152x128xf32, #tpu.memory_space<vmem_shared>>)
        tpu.yield
      }) : () -> ()
      %dma_start3A_249 = arith.constant 1 : i32
      %dma_start3A_250 = arith.constant 64 : i32
      %dma_start3A_251 = tpu.memref_slice %arg8[%dma_start3A_249, %dma_start3A_250] : memref<2x128xi32, #tpu.memory_space<vmem>> -> memref<1x32xi32, #tpu.memory_space<vmem>>
      %dma_start3A_252 = tpu.memref_squeeze %dma_start3A_251 : memref<1x32xi32, #tpu.memory_space<vmem>> -> memref<32xi32, #tpu.memory_space<vmem>>
      %dma_start3A_253 = arith.constant 0 : i32
      %dma_start3A_254 = arith.constant 0 : i32
      %dma_start3A_255 = tpu.memref_slice %arg12[%dma_start3A_253, %dma_start3A_254] : memref<10048x128xf32, #tpu.memory_space<vmem_shared>> -> memref<10048x128xf32, #tpu.memory_space<vmem_shared>>
      tpu.enqueue_indirect_dma source(%dma_start3A_255 : memref<10048x128xf32, #tpu.memory_space<vmem_shared>>) target(%arg10 : memref<32x128xf32, #tpu.memory_space<vmem>>) offsets(%dma_start3A_252 : memref<32xi32, #tpu.memory_space<vmem>>) semaphore(%arg14 : memref<!tpu.dma_semaphore, #tpu.memory_space<semaphore_mem>>)
      %dma_wait3A_256 = arith.constant 1 : i32
      %dma_wait3A_257 = arith.constant 32 : i32
      %dma_wait3A_258 = tpu.memref_slice %arg8[%dma_wait3A_256, %dma_wait3A_257] : memref<2x128xi32, #tpu.memory_space<vmem>> -> memref<1x32xi32, #tpu.memory_space<vmem>>
      %dma_wait3A_259 = tpu.memref_squeeze %dma_wait3A_258 : memref<1x32xi32, #tpu.memory_space<vmem>> -> memref<32xi32, #tpu.memory_space<vmem>>
      %dma_wait3A_260 = arith.constant 0 : i32
      %dma_wait3A_261 = arith.constant 0 : i32
      %dma_wait3A_262 = tpu.memref_slice %arg12[%dma_wait3A_260, %dma_wait3A_261] : memref<10048x128xf32, #tpu.memory_space<vmem_shared>> -> memref<10048x128xf32, #tpu.memory_space<vmem_shared>>
      tpu.wait_indirect_dma semaphore(%arg15 : memref<!tpu.dma_semaphore, #tpu.memory_space<semaphore_mem>>) src(%dma_wait3A_262 : memref<10048x128xf32, #tpu.memory_space<vmem_shared>>) dst(%arg11 : memref<32x128xf32, #tpu.memory_space<vmem>>)
      %run_scoped3A_263 = arith.constant 1 : i32
      "tpu.region"() ({
        %run_scoped3A_287 = tpu.sem_alloc : memref<!tpu.dma_semaphore, #tpu.memory_space<semaphore_mem>>
        %dma_start3A_288 = arith.constant 32 : i32
        %dma_start3A_289 = tpu.memref_slice %arg9[%run_scoped3A_263, %dma_start3A_288] : memref<2x128xi32, #tpu.memory_space<vmem>> -> memref<1x32xi32, #tpu.memory_space<vmem>>
        %dma_start3A_290 = tpu.memref_squeeze %dma_start3A_289 : memref<1x32xi32, #tpu.memory_space<vmem>> -> memref<32xi32, #tpu.memory_space<vmem>>
        %dma_start3A_291 = arith.constant 0 : i32
        %dma_start3A_292 = arith.constant 0 : i32
        %dma_start3A_293 = tpu.memref_slice %arg13[%dma_start3A_291, %dma_start3A_292] : memref<5152x128xf32, #tpu.memory_space<vmem_shared>> -> memref<5152x128xf32, #tpu.memory_space<vmem_shared>>
        tpu.enqueue_indirect_dma source(%arg11 : memref<32x128xf32, #tpu.memory_space<vmem>>) target(%dma_start3A_293 : memref<5152x128xf32, #tpu.memory_space<vmem_shared>>) offsets(%dma_start3A_290 : memref<32xi32, #tpu.memory_space<vmem>>) semaphore(%run_scoped3A_287 : memref<!tpu.dma_semaphore, #tpu.memory_space<semaphore_mem>>) {add = true}
        %dma_wait3A_294 = arith.constant 32 : i32
        %dma_wait3A_295 = tpu.memref_slice %arg9[%run_scoped3A_263, %dma_wait3A_294] : memref<2x128xi32, #tpu.memory_space<vmem>> -> memref<1x32xi32, #tpu.memory_space<vmem>>
        %dma_wait3A_296 = tpu.memref_squeeze %dma_wait3A_295 : memref<1x32xi32, #tpu.memory_space<vmem>> -> memref<32xi32, #tpu.memory_space<vmem>>
        %dma_wait3A_297 = arith.constant 0 : i32
        %dma_wait3A_298 = arith.constant 0 : i32
        %dma_wait3A_299 = tpu.memref_slice %arg13[%dma_wait3A_297, %dma_wait3A_298] : memref<5152x128xf32, #tpu.memory_space<vmem_shared>> -> memref<5152x128xf32, #tpu.memory_space<vmem_shared>>
        tpu.wait_indirect_dma semaphore(%run_scoped3A_287 : memref<!tpu.dma_semaphore, #tpu.memory_space<semaphore_mem>>) src(%arg11 : memref<32x128xf32, #tpu.memory_space<vmem>>) dst(%dma_wait3A_299 : memref<5152x128xf32, #tpu.memory_space<vmem_shared>>)
        tpu.yield
      }) : () -> ()
      %dma_start3A_264 = arith.constant 1 : i32
      %dma_start3A_265 = arith.constant 96 : i32
      %dma_start3A_266 = tpu.memref_slice %arg8[%dma_start3A_264, %dma_start3A_265] : memref<2x128xi32, #tpu.memory_space<vmem>> -> memref<1x32xi32, #tpu.memory_space<vmem>>
      %dma_start3A_267 = tpu.memref_squeeze %dma_start3A_266 : memref<1x32xi32, #tpu.memory_space<vmem>> -> memref<32xi32, #tpu.memory_space<vmem>>
      %dma_start3A_268 = arith.constant 0 : i32
      %dma_start3A_269 = arith.constant 0 : i32
      %dma_start3A_270 = tpu.memref_slice %arg12[%dma_start3A_268, %dma_start3A_269] : memref<10048x128xf32, #tpu.memory_space<vmem_shared>> -> memref<10048x128xf32, #tpu.memory_space<vmem_shared>>
      tpu.enqueue_indirect_dma source(%dma_start3A_270 : memref<10048x128xf32, #tpu.memory_space<vmem_shared>>) target(%arg11 : memref<32x128xf32, #tpu.memory_space<vmem>>) offsets(%dma_start3A_267 : memref<32xi32, #tpu.memory_space<vmem>>) semaphore(%arg15 : memref<!tpu.dma_semaphore, #tpu.memory_space<semaphore_mem>>)
      %dma_wait3A_271 = arith.constant 1 : i32
      %dma_wait3A_272 = arith.constant 64 : i32
      %dma_wait3A_273 = tpu.memref_slice %arg8[%dma_wait3A_271, %dma_wait3A_272] : memref<2x128xi32, #tpu.memory_space<vmem>> -> memref<1x32xi32, #tpu.memory_space<vmem>>
      %dma_wait3A_274 = tpu.memref_squeeze %dma_wait3A_273 : memref<1x32xi32, #tpu.memory_space<vmem>> -> memref<32xi32, #tpu.memory_space<vmem>>
      %dma_wait3A_275 = arith.constant 0 : i32
      %dma_wait3A_276 = arith.constant 0 : i32
      %dma_wait3A_277 = tpu.memref_slice %arg12[%dma_wait3A_275, %dma_wait3A_276] : memref<10048x128xf32, #tpu.memory_space<vmem_shared>> -> memref<10048x128xf32, #tpu.memory_space<vmem_shared>>
      tpu.wait_indirect_dma semaphore(%arg14 : memref<!tpu.dma_semaphore, #tpu.memory_space<semaphore_mem>>) src(%dma_wait3A_277 : memref<10048x128xf32, #tpu.memory_space<vmem_shared>>) dst(%arg10 : memref<32x128xf32, #tpu.memory_space<vmem>>)
      %run_scoped3A_278 = arith.constant 1 : i32
      "tpu.region"() ({
        %run_scoped3A_287 = tpu.sem_alloc : memref<!tpu.dma_semaphore, #tpu.memory_space<semaphore_mem>>
        %dma_start3A_288 = arith.constant 64 : i32
        %dma_start3A_289 = tpu.memref_slice %arg9[%run_scoped3A_278, %dma_start3A_288] : memref<2x128xi32, #tpu.memory_space<vmem>> -> memref<1x32xi32, #tpu.memory_space<vmem>>
        %dma_start3A_290 = tpu.memref_squeeze %dma_start3A_289 : memref<1x32xi32, #tpu.memory_space<vmem>> -> memref<32xi32, #tpu.memory_space<vmem>>
        %dma_start3A_291 = arith.constant 0 : i32
        %dma_start3A_292 = arith.constant 0 : i32
        %dma_start3A_293 = tpu.memref_slice %arg13[%dma_start3A_291, %dma_start3A_292] : memref<5152x128xf32, #tpu.memory_space<vmem_shared>> -> memref<5152x128xf32, #tpu.memory_space<vmem_shared>>
        tpu.enqueue_indirect_dma source(%arg10 : memref<32x128xf32, #tpu.memory_space<vmem>>) target(%dma_start3A_293 : memref<5152x128xf32, #tpu.memory_space<vmem_shared>>) offsets(%dma_start3A_290 : memref<32xi32, #tpu.memory_space<vmem>>) semaphore(%run_scoped3A_287 : memref<!tpu.dma_semaphore, #tpu.memory_space<semaphore_mem>>) {add = true}
        %dma_wait3A_294 = arith.constant 64 : i32
        %dma_wait3A_295 = tpu.memref_slice %arg9[%run_scoped3A_278, %dma_wait3A_294] : memref<2x128xi32, #tpu.memory_space<vmem>> -> memref<1x32xi32, #tpu.memory_space<vmem>>
        %dma_wait3A_296 = tpu.memref_squeeze %dma_wait3A_295 : memref<1x32xi32, #tpu.memory_space<vmem>> -> memref<32xi32, #tpu.memory_space<vmem>>
        %dma_wait3A_297 = arith.constant 0 : i32
        %dma_wait3A_298 = arith.constant 0 : i32
        %dma_wait3A_299 = tpu.memref_slice %arg13[%dma_wait3A_297, %dma_wait3A_298] : memref<5152x128xf32, #tpu.memory_space<vmem_shared>> -> memref<5152x128xf32, #tpu.memory_space<vmem_shared>>
        tpu.wait_indirect_dma semaphore(%run_scoped3A_287 : memref<!tpu.dma_semaphore, #tpu.memory_space<semaphore_mem>>) src(%arg10 : memref<32x128xf32, #tpu.memory_space<vmem>>) dst(%dma_wait3A_299 : memref<5152x128xf32, #tpu.memory_space<vmem_shared>>)
        tpu.yield
      }) : () -> ()
      %dma_wait3A_279 = arith.constant 1 : i32
      %dma_wait3A_280 = arith.constant 96 : i32
      %dma_wait3A_281 = tpu.memref_slice %arg8[%dma_wait3A_279, %dma_wait3A_280] : memref<2x128xi32, #tpu.memory_space<vmem>> -> memref<1x32xi32, #tpu.memory_space<vmem>>
      %dma_wait3A_282 = tpu.memref_squeeze %dma_wait3A_281 : memref<1x32xi32, #tpu.memory_space<vmem>> -> memref<32xi32, #tpu.memory_space<vmem>>
      %dma_wait3A_283 = arith.constant 0 : i32
      %dma_wait3A_284 = arith.constant 0 : i32
      %dma_wait3A_285 = tpu.memref_slice %arg12[%dma_wait3A_283, %dma_wait3A_284] : memref<10048x128xf32, #tpu.memory_space<vmem_shared>> -> memref<10048x128xf32, #tpu.memory_space<vmem_shared>>
      tpu.wait_indirect_dma semaphore(%arg15 : memref<!tpu.dma_semaphore, #tpu.memory_space<semaphore_mem>>) src(%dma_wait3A_285 : memref<10048x128xf32, #tpu.memory_space<vmem_shared>>) dst(%arg11 : memref<32x128xf32, #tpu.memory_space<vmem>>)
      %run_scoped3A_286 = arith.constant 1 : i32
      "tpu.region"() ({
        %run_scoped3A_287 = tpu.sem_alloc : memref<!tpu.dma_semaphore, #tpu.memory_space<semaphore_mem>>
        %dma_start3A_288 = arith.constant 96 : i32
        %dma_start3A_289 = tpu.memref_slice %arg9[%run_scoped3A_286, %dma_start3A_288] : memref<2x128xi32, #tpu.memory_space<vmem>> -> memref<1x32xi32, #tpu.memory_space<vmem>>
        %dma_start3A_290 = tpu.memref_squeeze %dma_start3A_289 : memref<1x32xi32, #tpu.memory_space<vmem>> -> memref<32xi32, #tpu.memory_space<vmem>>
        %dma_start3A_291 = arith.constant 0 : i32
        %dma_start3A_292 = arith.constant 0 : i32
        %dma_start3A_293 = tpu.memref_slice %arg13[%dma_start3A_291, %dma_start3A_292] : memref<5152x128xf32, #tpu.memory_space<vmem_shared>> -> memref<5152x128xf32, #tpu.memory_space<vmem_shared>>
        tpu.enqueue_indirect_dma source(%arg11 : memref<32x128xf32, #tpu.memory_space<vmem>>) target(%dma_start3A_293 : memref<5152x128xf32, #tpu.memory_space<vmem_shared>>) offsets(%dma_start3A_290 : memref<32xi32, #tpu.memory_space<vmem>>) semaphore(%run_scoped3A_287 : memref<!tpu.dma_semaphore, #tpu.memory_space<semaphore_mem>>) {add = true}
        %dma_wait3A_294 = arith.constant 96 : i32
        %dma_wait3A_295 = tpu.memref_slice %arg9[%run_scoped3A_286, %dma_wait3A_294] : memref<2x128xi32, #tpu.memory_space<vmem>> -> memref<1x32xi32, #tpu.memory_space<vmem>>
        %dma_wait3A_296 = tpu.memref_squeeze %dma_wait3A_295 : memref<1x32xi32, #tpu.memory_space<vmem>> -> memref<32xi32, #tpu.memory_space<vmem>>
        %dma_wait3A_297 = arith.constant 0 : i32
        %dma_wait3A_298 = arith.constant 0 : i32
        %dma_wait3A_299 = tpu.memref_slice %arg13[%dma_wait3A_297, %dma_wait3A_298] : memref<5152x128xf32, #tpu.memory_space<vmem_shared>> -> memref<5152x128xf32, #tpu.memory_space<vmem_shared>>
        tpu.wait_indirect_dma semaphore(%run_scoped3A_287 : memref<!tpu.dma_semaphore, #tpu.memory_space<semaphore_mem>>) src(%arg11 : memref<32x128xf32, #tpu.memory_space<vmem>>) dst(%dma_wait3A_299 : memref<5152x128xf32, #tpu.memory_space<vmem_shared>>)
        tpu.yield
      }) : () -> ()
    }
    %scan3A_26 = arith.constant 40 : i32
    %barrier3A_27 = arith.constant 0 : index
    tpu.barrier barrier_id(%barrier3A_27)
    %barrier3A_28 = arith.constant 0 : index
    tpu.barrier barrier_id(%barrier3A_28)
    %mul3A_29 = arith.constant 320 : i32
    %mul3A_30 = arith.muli %arg1, %mul3A_29 : i32
    %mul3A_31 = arith.constant 320 : i32
    %mul3A_32 = arith.muli %arg1, %mul3A_31 : i32
    "tpu.region"() ({
      %run_scoped3A = tpu.sem_alloc : memref<!tpu.dma_semaphore, #tpu.memory_space<semaphore_mem>>
      %dma_start3A = arith.constant 0 : i32
      %dma_start3A_33 = tpu.memref_slice %arg5[%arg0, %mul3A_32, %dma_start3A] : memref<2x5120x128xf32, #tpu.memory_space<hbm>> -> memref<1x320x128xf32, #tpu.memory_space<hbm>>
      %dma_start3A_34 = tpu.memref_squeeze %dma_start3A_33 : memref<1x320x128xf32, #tpu.memory_space<hbm>> -> memref<320x128xf32, #tpu.memory_space<hbm>>
      %dma_start3A_35 = arith.constant 0 : i32
      %dma_start3A_36 = tpu.memref_slice %arg13[%mul3A_30, %dma_start3A_35] : memref<5152x128xf32, #tpu.memory_space<vmem_shared>> -> memref<320x128xf32, #tpu.memory_space<vmem_shared>>
      tpu.enqueue_dma source(%dma_start3A_36 : memref<320x128xf32, #tpu.memory_space<vmem_shared>>) target(%dma_start3A_34 : memref<320x128xf32, #tpu.memory_space<hbm>>) target_semaphore(%run_scoped3A : memref<!tpu.dma_semaphore, #tpu.memory_space<semaphore_mem>>)
      %dma_wait3A = arith.constant 0 : i32
      %dma_wait3A_37 = tpu.memref_slice %arg5[%arg0, %mul3A_32, %dma_wait3A] : memref<2x5120x128xf32, #tpu.memory_space<hbm>> -> memref<1x320x128xf32, #tpu.memory_space<hbm>>
      %dma_wait3A_38 = tpu.memref_squeeze %dma_wait3A_37 : memref<1x320x128xf32, #tpu.memory_space<hbm>> -> memref<320x128xf32, #tpu.memory_space<hbm>>
      %dma_wait3A_39 = arith.constant 0 : i32
      %dma_wait3A_40 = tpu.memref_slice %arg13[%mul3A_30, %dma_wait3A_39] : memref<5152x128xf32, #tpu.memory_space<vmem_shared>> -> memref<320x128xf32, #tpu.memory_space<vmem_shared>>
      tpu.wait_dma2 semaphore(%run_scoped3A : memref<!tpu.dma_semaphore, #tpu.memory_space<semaphore_mem>>) src(%dma_wait3A_40 : memref<320x128xf32, #tpu.memory_space<vmem_shared>>) dst(%dma_wait3A_38 : memref<320x128xf32, #tpu.memory_space<hbm>>)
      tpu.yield
    }) : () -> ()
    return
  }
}

#map = affine_map<(d0, d1) -> (0, 0)>
#map1 = affine_map<(d0, d1) -> (0, 0, 0)>
module attributes {stable_mosaic.version = 14 : i64} {
  func.func @k(%arg0: i32, %arg1: i32, %arg2: memref<2560x128xi32, #tpu.memory_space<hbm>>, %arg3: memref<10240x128xf32, #tpu.memory_space<hbm>>, %arg4: memref<128x128xf32, #tpu.memory_space<hbm>>, %arg5: memref<2x10240x128xf32, #tpu.memory_space<hbm>>, %arg6: memref<80x128xi32, #tpu.memory_space<vmem>>, %arg7: memref<128x128xf32, #tpu.memory_space<vmem>>, %arg8: memref<10240x128xf32, #tpu.memory_space<vmem_shared>>) attributes {dimension_semantics = [#tpu.dimension_semantics<core_parallel>, #tpu.dimension_semantics<subcore_parallel>], iteration_bounds = array<i64: 2, 16>, scalar_prefetch = 0 : i64, scratch_operands = 3 : i64, tpu.core_type = #tpu.core_type<sc_vector_subcore>, window_params = [{transform_indices = #map}, {transform_indices = #map}, {transform_indices = #map}, {transform_indices = #map1}]} {
    %mul3A = arith.constant 2 : i32
    %mul3A_0 = arith.muli %arg1, %mul3A : i32
    %add3A = arith.addi %mul3A_0, %arg0 : i32
    %mul3A_1 = arith.constant 640 : i32
    %mul3A_2 = arith.muli %arg1, %mul3A_1 : i32
    %mul3A_3 = arith.constant 640 : i32
    %mul3A_4 = arith.muli %arg1, %mul3A_3 : i32
    "tpu.region"() ({
      %run_scoped3A = tpu.sem_alloc : memref<!tpu.dma_semaphore, #tpu.memory_space<semaphore_mem>>
      %dma_start3A = arith.constant 0 : i32
      %dma_start3A_18 = tpu.memref_slice %arg8[%mul3A_4, %dma_start3A] : memref<10240x128xf32, #tpu.memory_space<vmem_shared>> -> memref<640x128xf32, #tpu.memory_space<vmem_shared>>
      %dma_start3A_19 = arith.constant 0 : i32
      %dma_start3A_20 = tpu.memref_slice %arg3[%mul3A_2, %dma_start3A_19] : memref<10240x128xf32, #tpu.memory_space<hbm>> -> memref<640x128xf32, #tpu.memory_space<hbm>>
      tpu.enqueue_dma source(%dma_start3A_20 : memref<640x128xf32, #tpu.memory_space<hbm>>) target(%dma_start3A_18 : memref<640x128xf32, #tpu.memory_space<vmem_shared>>) target_semaphore(%run_scoped3A : memref<!tpu.dma_semaphore, #tpu.memory_space<semaphore_mem>>)
      %dma_wait3A = arith.constant 0 : i32
      %dma_wait3A_21 = tpu.memref_slice %arg8[%mul3A_4, %dma_wait3A] : memref<10240x128xf32, #tpu.memory_space<vmem_shared>> -> memref<640x128xf32, #tpu.memory_space<vmem_shared>>
      %dma_wait3A_22 = arith.constant 0 : i32
      %dma_wait3A_23 = tpu.memref_slice %arg3[%mul3A_2, %dma_wait3A_22] : memref<10240x128xf32, #tpu.memory_space<hbm>> -> memref<640x128xf32, #tpu.memory_space<hbm>>
      tpu.wait_dma2 semaphore(%run_scoped3A : memref<!tpu.dma_semaphore, #tpu.memory_space<semaphore_mem>>) src(%dma_wait3A_23 : memref<640x128xf32, #tpu.memory_space<hbm>>) dst(%dma_wait3A_21 : memref<640x128xf32, #tpu.memory_space<vmem_shared>>)
      tpu.yield
    }) : () -> ()
    "tpu.region"() ({
      %run_scoped3A = tpu.sem_alloc : memref<!tpu.dma_semaphore, #tpu.memory_space<semaphore_mem>>
      tpu.enqueue_dma source(%arg4 : memref<128x128xf32, #tpu.memory_space<hbm>>) target(%arg7 : memref<128x128xf32, #tpu.memory_space<vmem>>) target_semaphore(%run_scoped3A : memref<!tpu.dma_semaphore, #tpu.memory_space<semaphore_mem>>)
      tpu.wait_dma2 semaphore(%run_scoped3A : memref<!tpu.dma_semaphore, #tpu.memory_space<semaphore_mem>>) src(%arg4 : memref<128x128xf32, #tpu.memory_space<hbm>>) dst(%arg7 : memref<128x128xf32, #tpu.memory_space<vmem>>)
      tpu.yield
    }) : () -> ()
    %mul3A_5 = arith.constant 80 : i32
    %mul3A_6 = arith.muli %add3A, %mul3A_5 : i32
    "tpu.region"() ({
      %run_scoped3A = tpu.sem_alloc : memref<!tpu.dma_semaphore, #tpu.memory_space<semaphore_mem>>
      %dma_start3A = arith.constant 0 : i32
      %dma_start3A_18 = tpu.memref_slice %arg2[%mul3A_6, %dma_start3A] : memref<2560x128xi32, #tpu.memory_space<hbm>> -> memref<80x128xi32, #tpu.memory_space<hbm>>
      %dma_start3A_19 = arith.constant 0 : i32
      %dma_start3A_20 = tpu.memref_slice %arg2[%mul3A_6, %dma_start3A_19] : memref<2560x128xi32, #tpu.memory_space<hbm>> -> memref<80x128xi32, #tpu.memory_space<hbm>>
      tpu.enqueue_dma source(%dma_start3A_20 : memref<80x128xi32, #tpu.memory_space<hbm>>) target(%arg6 : memref<80x128xi32, #tpu.memory_space<vmem>>) target_semaphore(%run_scoped3A : memref<!tpu.dma_semaphore, #tpu.memory_space<semaphore_mem>>)
      %dma_wait3A = arith.constant 0 : i32
      %dma_wait3A_21 = tpu.memref_slice %arg2[%mul3A_6, %dma_wait3A] : memref<2560x128xi32, #tpu.memory_space<hbm>> -> memref<80x128xi32, #tpu.memory_space<hbm>>
      %dma_wait3A_22 = arith.constant 0 : i32
      %dma_wait3A_23 = tpu.memref_slice %arg2[%mul3A_6, %dma_wait3A_22] : memref<2560x128xi32, #tpu.memory_space<hbm>> -> memref<80x128xi32, #tpu.memory_space<hbm>>
      tpu.wait_dma2 semaphore(%run_scoped3A : memref<!tpu.dma_semaphore, #tpu.memory_space<semaphore_mem>>) src(%dma_wait3A_23 : memref<80x128xi32, #tpu.memory_space<hbm>>) dst(%arg6 : memref<80x128xi32, #tpu.memory_space<vmem>>)
      tpu.yield
    }) : () -> ()
    %barrier3A = arith.constant 0 : index
    tpu.barrier barrier_id(%barrier3A)
    %scan3A = arith.constant 0 : i32
    %scan3A_7 = arith.constant 0 : i32
    %scan3A_8 = arith.constant 80 : i32
    %scan3A_9 = arith.addi %scan3A_7, %scan3A_8 : i32
    %scan3A_10 = arith.constant 1 : i32
    scf.for %scan3A_18 = %scan3A_7 to %scan3A_9 step %scan3A_10  : i32 {
      "tpu.region"() ({
        %run_scoped3A = tpu.sem_alloc : memref<!tpu.dma_semaphore, #tpu.memory_space<semaphore_mem>>
        %dma_start3A = arith.constant 0 : i32
        %dma_start3A_19 = tpu.memref_slice %arg6[%scan3A_18, %dma_start3A] : memref<80x128xi32, #tpu.memory_space<vmem>> -> memref<1x128xi32, #tpu.memory_space<vmem>>
        %dma_start3A_20 = tpu.memref_squeeze %dma_start3A_19 : memref<1x128xi32, #tpu.memory_space<vmem>> -> memref<128xi32, #tpu.memory_space<vmem>>
        %dma_start3A_21 = arith.constant 0 : i32
        %dma_start3A_22 = arith.constant 0 : i32
        %dma_start3A_23 = tpu.memref_slice %arg8[%dma_start3A_21, %dma_start3A_22] : memref<10240x128xf32, #tpu.memory_space<vmem_shared>> -> memref<10240x128xf32, #tpu.memory_space<vmem_shared>>
        tpu.enqueue_indirect_dma source(%arg7 : memref<128x128xf32, #tpu.memory_space<vmem>>) target(%dma_start3A_23 : memref<10240x128xf32, #tpu.memory_space<vmem_shared>>) offsets(%dma_start3A_20 : memref<128xi32, #tpu.memory_space<vmem>>) semaphore(%run_scoped3A : memref<!tpu.dma_semaphore, #tpu.memory_space<semaphore_mem>>) {add = true}
        %dma_wait3A = arith.constant 0 : i32
        %dma_wait3A_24 = tpu.memref_slice %arg6[%scan3A_18, %dma_wait3A] : memref<80x128xi32, #tpu.memory_space<vmem>> -> memref<1x128xi32, #tpu.memory_space<vmem>>
        %dma_wait3A_25 = tpu.memref_squeeze %dma_wait3A_24 : memref<1x128xi32, #tpu.memory_space<vmem>> -> memref<128xi32, #tpu.memory_space<vmem>>
        %dma_wait3A_26 = arith.constant 0 : i32
        %dma_wait3A_27 = arith.constant 0 : i32
        %dma_wait3A_28 = tpu.memref_slice %arg8[%dma_wait3A_26, %dma_wait3A_27] : memref<10240x128xf32, #tpu.memory_space<vmem_shared>> -> memref<10240x128xf32, #tpu.memory_space<vmem_shared>>
        tpu.wait_indirect_dma semaphore(%run_scoped3A : memref<!tpu.dma_semaphore, #tpu.memory_space<semaphore_mem>>) src(%arg7 : memref<128x128xf32, #tpu.memory_space<vmem>>) dst(%dma_wait3A_28 : memref<10240x128xf32, #tpu.memory_space<vmem_shared>>)
        tpu.yield
      }) : () -> ()
    }
    %scan3A_11 = arith.constant 80 : i32
    %barrier3A_12 = arith.constant 0 : index
    tpu.barrier barrier_id(%barrier3A_12)
    %barrier3A_13 = arith.constant 0 : index
    tpu.barrier barrier_id(%barrier3A_13)
    %mul3A_14 = arith.constant 640 : i32
    %mul3A_15 = arith.muli %arg1, %mul3A_14 : i32
    %mul3A_16 = arith.constant 640 : i32
    %mul3A_17 = arith.muli %arg1, %mul3A_16 : i32
    "tpu.region"() ({
      %run_scoped3A = tpu.sem_alloc : memref<!tpu.dma_semaphore, #tpu.memory_space<semaphore_mem>>
      %dma_start3A = arith.constant 0 : i32
      %dma_start3A_18 = tpu.memref_slice %arg5[%arg0, %mul3A_17, %dma_start3A] : memref<2x10240x128xf32, #tpu.memory_space<hbm>> -> memref<1x640x128xf32, #tpu.memory_space<hbm>>
      %dma_start3A_19 = tpu.memref_squeeze %dma_start3A_18 : memref<1x640x128xf32, #tpu.memory_space<hbm>> -> memref<640x128xf32, #tpu.memory_space<hbm>>
      %dma_start3A_20 = arith.constant 0 : i32
      %dma_start3A_21 = tpu.memref_slice %arg8[%mul3A_15, %dma_start3A_20] : memref<10240x128xf32, #tpu.memory_space<vmem_shared>> -> memref<640x128xf32, #tpu.memory_space<vmem_shared>>
      tpu.enqueue_dma source(%dma_start3A_21 : memref<640x128xf32, #tpu.memory_space<vmem_shared>>) target(%dma_start3A_19 : memref<640x128xf32, #tpu.memory_space<hbm>>) target_semaphore(%run_scoped3A : memref<!tpu.dma_semaphore, #tpu.memory_space<semaphore_mem>>)
      %dma_wait3A = arith.constant 0 : i32
      %dma_wait3A_22 = tpu.memref_slice %arg5[%arg0, %mul3A_17, %dma_wait3A] : memref<2x10240x128xf32, #tpu.memory_space<hbm>> -> memref<1x640x128xf32, #tpu.memory_space<hbm>>
      %dma_wait3A_23 = tpu.memref_squeeze %dma_wait3A_22 : memref<1x640x128xf32, #tpu.memory_space<hbm>> -> memref<640x128xf32, #tpu.memory_space<hbm>>
      %dma_wait3A_24 = arith.constant 0 : i32
      %dma_wait3A_25 = tpu.memref_slice %arg8[%mul3A_15, %dma_wait3A_24] : memref<10240x128xf32, #tpu.memory_space<vmem_shared>> -> memref<640x128xf32, #tpu.memory_space<vmem_shared>>
      tpu.wait_dma2 semaphore(%run_scoped3A : memref<!tpu.dma_semaphore, #tpu.memory_space<semaphore_mem>>) src(%dma_wait3A_25 : memref<640x128xf32, #tpu.memory_space<vmem_shared>>) dst(%dma_wait3A_23 : memref<640x128xf32, #tpu.memory_space<hbm>>)
      tpu.yield
    }) : () -> ()
    return
  }
}

#map = affine_map<(d0, d1) -> (0, 0)>
#map1 = affine_map<(d0, d1) -> (0, 0, 0)>
module attributes {stable_mosaic.version = 14 : i64} {
  func.func @k(%arg0: i32, %arg1: i32, %arg2: memref<10048x128xf32, #tpu.memory_space<hbm>>, %arg3: memref<2560x128xi32, #tpu.memory_space<hbm>>, %arg4: memref<2x2560x128xi32, #tpu.memory_space<hbm>>, %arg5: memref<2x5120x128xf32, #tpu.memory_space<hbm>>, %arg6: memref<2x128xi32, #tpu.memory_space<vmem>>, %arg7: memref<2x128xi32, #tpu.memory_space<vmem>>, %arg8: memref<2x128xi32, #tpu.memory_space<vmem>>, %arg9: memref<2x128xi32, #tpu.memory_space<vmem>>, %arg10: memref<32x128xf32, #tpu.memory_space<vmem>>, %arg11: memref<32x128xf32, #tpu.memory_space<vmem>>, %arg12: memref<10048x128xf32, #tpu.memory_space<vmem_shared>>, %arg13: memref<5152x128xf32, #tpu.memory_space<vmem_shared>>, %arg14: memref<!tpu.dma_semaphore, #tpu.memory_space<semaphore_mem>>, %arg15: memref<!tpu.dma_semaphore, #tpu.memory_space<semaphore_mem>>, %arg16: memref<!tpu.dma_semaphore, #tpu.memory_space<semaphore_mem>>, %arg17: memref<!tpu.dma_semaphore, #tpu.memory_space<semaphore_mem>>) attributes {dimension_semantics = [#tpu.dimension_semantics<core_parallel>, #tpu.dimension_semantics<subcore_parallel>], iteration_bounds = array<i64: 2, 16>, scalar_prefetch = 0 : i64, scratch_operands = 12 : i64, tpu.core_type = #tpu.core_type<sc_vector_subcore>, window_params = [{transform_indices = #map}, {transform_indices = #map}, {transform_indices = #map1}, {transform_indices = #map1}]} {
    %mul3A = arith.constant 624 : i32
    %mul3A_0 = arith.muli %arg1, %mul3A : i32
    %mul3A_1 = arith.constant 624 : i32
    %mul3A_2 = arith.muli %arg1, %mul3A_1 : i32
    "tpu.region"() ({
      %run_scoped3A = tpu.sem_alloc : memref<!tpu.dma_semaphore, #tpu.memory_space<semaphore_mem>>
      %dma_start3A = arith.constant 0 : i32
      %dma_start3A_33 = tpu.memref_slice %arg12[%mul3A_2, %dma_start3A] : memref<10048x128xf32, #tpu.memory_space<vmem_shared>> -> memref<624x128xf32, #tpu.memory_space<vmem_shared>>
      %dma_start3A_34 = arith.constant 0 : i32
      %dma_start3A_35 = tpu.memref_slice %arg2[%mul3A_0, %dma_start3A_34] : memref<10048x128xf32, #tpu.memory_space<hbm>> -> memref<624x128xf32, #tpu.memory_space<hbm>>
      tpu.enqueue_dma source(%dma_start3A_35 : memref<624x128xf32, #tpu.memory_space<hbm>>) target(%dma_start3A_33 : memref<624x128xf32, #tpu.memory_space<vmem_shared>>) target_semaphore(%run_scoped3A : memref<!tpu.dma_semaphore, #tpu.memory_space<semaphore_mem>>)
      %dma_wait3A = arith.constant 0 : i32
      %dma_wait3A_36 = tpu.memref_slice %arg12[%mul3A_2, %dma_wait3A] : memref<10048x128xf32, #tpu.memory_space<vmem_shared>> -> memref<624x128xf32, #tpu.memory_space<vmem_shared>>
      %dma_wait3A_37 = arith.constant 0 : i32
      %dma_wait3A_38 = tpu.memref_slice %arg2[%mul3A_0, %dma_wait3A_37] : memref<10048x128xf32, #tpu.memory_space<hbm>> -> memref<624x128xf32, #tpu.memory_space<hbm>>
      tpu.wait_dma2 semaphore(%run_scoped3A : memref<!tpu.dma_semaphore, #tpu.memory_space<semaphore_mem>>) src(%dma_wait3A_38 : memref<624x128xf32, #tpu.memory_space<hbm>>) dst(%dma_wait3A_36 : memref<624x128xf32, #tpu.memory_space<vmem_shared>>)
      tpu.yield
    }) : () -> ()
    %lt3A = arith.constant 8 : i32
    %lt3A_3 = arith.cmpi slt, %arg1, %lt3A : i32
    %convert_element_type3A = arith.extui %lt3A_3 : i1 to i32
    %cond3A = arith.constant 0 : i32
    %cond3A_4 = arith.cmpi ne, %convert_element_type3A, %cond3A : i32
    scf.if %cond3A_4 {
      %mul3A_33 = arith.constant 8 : i32
      %mul3A_34 = arith.muli %arg1, %mul3A_33 : i32
      %add3A_35 = arith.constant 9984 : i32
      %add3A_36 = arith.addi %add3A_35, %mul3A_34 : i32
      %mul3A_37 = arith.constant 8 : i32
      %mul3A_38 = arith.muli %arg1, %mul3A_37 : i32
      %add3A_39 = arith.constant 9984 : i32
      %add3A_40 = arith.addi %add3A_39, %mul3A_38 : i32
      "tpu.region"() ({
        %run_scoped3A = tpu.sem_alloc : memref<!tpu.dma_semaphore, #tpu.memory_space<semaphore_mem>>
        %dma_start3A = arith.constant 0 : i32
        %dma_start3A_41 = tpu.memref_slice %arg12[%add3A_40, %dma_start3A] : memref<10048x128xf32, #tpu.memory_space<vmem_shared>> -> memref<8x128xf32, #tpu.memory_space<vmem_shared>>
        %dma_start3A_42 = arith.constant 0 : i32
        %dma_start3A_43 = tpu.memref_slice %arg2[%add3A_36, %dma_start3A_42] : memref<10048x128xf32, #tpu.memory_space<hbm>> -> memref<8x128xf32, #tpu.memory_space<hbm>>
        tpu.enqueue_dma source(%dma_start3A_43 : memref<8x128xf32, #tpu.memory_space<hbm>>) target(%dma_start3A_41 : memref<8x128xf32, #tpu.memory_space<vmem_shared>>) target_semaphore(%run_scoped3A : memref<!tpu.dma_semaphore, #tpu.memory_space<semaphore_mem>>)
        %dma_wait3A = arith.constant 0 : i32
        %dma_wait3A_44 = tpu.memref_slice %arg12[%add3A_40, %dma_wait3A] : memref<10048x128xf32, #tpu.memory_space<vmem_shared>> -> memref<8x128xf32, #tpu.memory_space<vmem_shared>>
        %dma_wait3A_45 = arith.constant 0 : i32
        %dma_wait3A_46 = tpu.memref_slice %arg2[%add3A_36, %dma_wait3A_45] : memref<10048x128xf32, #tpu.memory_space<hbm>> -> memref<8x128xf32, #tpu.memory_space<hbm>>
        tpu.wait_dma2 semaphore(%run_scoped3A : memref<!tpu.dma_semaphore, #tpu.memory_space<semaphore_mem>>) src(%dma_wait3A_46 : memref<8x128xf32, #tpu.memory_space<hbm>>) dst(%dma_wait3A_44 : memref<8x128xf32, #tpu.memory_space<vmem_shared>>)
        tpu.yield
      }) : () -> ()
    } else {
    }
    %mul3A_5 = arith.constant 5120 : i32
    %mul3A_6 = arith.muli %arg0, %mul3A_5 : i32
    %mul3A_7 = arith.constant 304 : i32
    %mul3A_8 = arith.muli %arg1, %mul3A_7 : i32
    %add3A = arith.addi %mul3A_6, %mul3A_8 : i32
    %mul3A_9 = arith.constant 304 : i32
    %mul3A_10 = arith.muli %arg1, %mul3A_9 : i32
    "tpu.region"() ({
      %run_scoped3A = tpu.sem_alloc : memref<!tpu.dma_semaphore, #tpu.memory_space<semaphore_mem>>
      %dma_start3A = arith.constant 0 : i32
      %dma_start3A_33 = tpu.memref_slice %arg13[%mul3A_10, %dma_start3A] : memref<5152x128xf32, #tpu.memory_space<vmem_shared>> -> memref<304x128xf32, #tpu.memory_space<vmem_shared>>
      %dma_start3A_34 = arith.constant 0 : i32
      %dma_start3A_35 = tpu.memref_slice %arg2[%add3A, %dma_start3A_34] : memref<10048x128xf32, #tpu.memory_space<hbm>> -> memref<304x128xf32, #tpu.memory_space<hbm>>
      tpu.enqueue_dma source(%dma_start3A_35 : memref<304x128xf32, #tpu.memory_space<hbm>>) target(%dma_start3A_33 : memref<304x128xf32, #tpu.memory_space<vmem_shared>>) target_semaphore(%run_scoped3A : memref<!tpu.dma_semaphore, #tpu.memory_space<semaphore_mem>>)
      %dma_wait3A = arith.constant 0 : i32
      %dma_wait3A_36 = tpu.memref_slice %arg13[%mul3A_10, %dma_wait3A] : memref<5152x128xf32, #tpu.memory_space<vmem_shared>> -> memref<304x128xf32, #tpu.memory_space<vmem_shared>>
      %dma_wait3A_37 = arith.constant 0 : i32
      %dma_wait3A_38 = tpu.memref_slice %arg2[%add3A, %dma_wait3A_37] : memref<10048x128xf32, #tpu.memory_space<hbm>> -> memref<304x128xf32, #tpu.memory_space<hbm>>
      tpu.wait_dma2 semaphore(%run_scoped3A : memref<!tpu.dma_semaphore, #tpu.memory_space<semaphore_mem>>) src(%dma_wait3A_38 : memref<304x128xf32, #tpu.memory_space<hbm>>) dst(%dma_wait3A_36 : memref<304x128xf32, #tpu.memory_space<vmem_shared>>)
      tpu.yield
    }) : () -> ()
    %eq3A = arith.constant 0 : i32
    %eq3A_11 = arith.cmpi eq, %arg0, %eq3A : i32
    %convert_element_type3A_12 = arith.extui %eq3A_11 : i1 to i32
    %cond3A_13 = arith.constant 0 : i32
    %cond3A_14 = arith.cmpi ne, %convert_element_type3A_12, %cond3A_13 : i32
    scf.if %cond3A_14 {
      %mul3A_33 = arith.constant 16 : i32
      %mul3A_34 = arith.muli %arg1, %mul3A_33 : i32
      %add3A_35 = arith.constant 4864 : i32
      %add3A_36 = arith.addi %add3A_35, %mul3A_34 : i32
      %mul3A_37 = arith.constant 16 : i32
      %mul3A_38 = arith.muli %arg1, %mul3A_37 : i32
      %add3A_39 = arith.constant 4864 : i32
      %add3A_40 = arith.addi %add3A_39, %mul3A_38 : i32
      "tpu.region"() ({
        %run_scoped3A = tpu.sem_alloc : memref<!tpu.dma_semaphore, #tpu.memory_space<semaphore_mem>>
        %dma_start3A = arith.constant 0 : i32
        %dma_start3A_41 = tpu.memref_slice %arg13[%add3A_40, %dma_start3A] : memref<5152x128xf32, #tpu.memory_space<vmem_shared>> -> memref<16x128xf32, #tpu.memory_space<vmem_shared>>
        %dma_start3A_42 = arith.constant 0 : i32
        %dma_start3A_43 = tpu.memref_slice %arg2[%add3A_36, %dma_start3A_42] : memref<10048x128xf32, #tpu.memory_space<hbm>> -> memref<16x128xf32, #tpu.memory_space<hbm>>
        tpu.enqueue_dma source(%dma_start3A_43 : memref<16x128xf32, #tpu.memory_space<hbm>>) target(%dma_start3A_41 : memref<16x128xf32, #tpu.memory_space<vmem_shared>>) target_semaphore(%run_scoped3A : memref<!tpu.dma_semaphore, #tpu.memory_space<semaphore_mem>>)
        %dma_wait3A = arith.constant 0 : i32
        %dma_wait3A_44 = tpu.memref_slice %arg13[%add3A_40, %dma_wait3A] : memref<5152x128xf32, #tpu.memory_space<vmem_shared>> -> memref<16x128xf32, #tpu.memory_space<vmem_shared>>
        %dma_wait3A_45 = arith.constant 0 : i32
        %dma_wait3A_46 = tpu.memref_slice %arg2[%add3A_36, %dma_wait3A_45] : memref<10048x128xf32, #tpu.memory_space<hbm>> -> memref<16x128xf32, #tpu.memory_space<hbm>>
        tpu.wait_dma2 semaphore(%run_scoped3A : memref<!tpu.dma_semaphore, #tpu.memory_space<semaphore_mem>>) src(%dma_wait3A_46 : memref<16x128xf32, #tpu.memory_space<hbm>>) dst(%dma_wait3A_44 : memref<16x128xf32, #tpu.memory_space<vmem_shared>>)
        tpu.yield
      }) : () -> ()
    } else {
    }
    %eq3A_15 = arith.constant 1 : i32
    %eq3A_16 = arith.cmpi eq, %arg0, %eq3A_15 : i32
    %lt3A_17 = arith.constant 8 : i32
    %lt3A_18 = arith.cmpi slt, %arg1, %lt3A_17 : i32
    %and3A = arith.andi %eq3A_16, %lt3A_18 : i1
    %convert_element_type3A_19 = arith.extui %and3A : i1 to i32
    %cond3A_20 = arith.constant 0 : i32
    %cond3A_21 = arith.cmpi ne, %convert_element_type3A_19, %cond3A_20 : i32
    scf.if %cond3A_21 {
      %mul3A_33 = arith.constant 8 : i32
      %mul3A_34 = arith.muli %arg1, %mul3A_33 : i32
      %add3A_35 = arith.constant 9984 : i32
      %add3A_36 = arith.addi %add3A_35, %mul3A_34 : i32
      %mul3A_37 = arith.constant 8 : i32
      %mul3A_38 = arith.muli %arg1, %mul3A_37 : i32
      %add3A_39 = arith.constant 4864 : i32
      %add3A_40 = arith.addi %add3A_39, %mul3A_38 : i32
      "tpu.region"() ({
        %run_scoped3A = tpu.sem_alloc : memref<!tpu.dma_semaphore, #tpu.memory_space<semaphore_mem>>
        %dma_start3A = arith.constant 0 : i32
        %dma_start3A_41 = tpu.memref_slice %arg13[%add3A_40, %dma_start3A] : memref<5152x128xf32, #tpu.memory_space<vmem_shared>> -> memref<8x128xf32, #tpu.memory_space<vmem_shared>>
        %dma_start3A_42 = arith.constant 0 : i32
        %dma_start3A_43 = tpu.memref_slice %arg2[%add3A_36, %dma_start3A_42] : memref<10048x128xf32, #tpu.memory_space<hbm>> -> memref<8x128xf32, #tpu.memory_space<hbm>>
        tpu.enqueue_dma source(%dma_start3A_43 : memref<8x128xf32, #tpu.memory_space<hbm>>) target(%dma_start3A_41 : memref<8x128xf32, #tpu.memory_space<vmem_shared>>) target_semaphore(%run_scoped3A : memref<!tpu.dma_semaphore, #tpu.memory_space<semaphore_mem>>)
        %dma_wait3A = arith.constant 0 : i32
        %dma_wait3A_44 = tpu.memref_slice %arg13[%add3A_40, %dma_wait3A] : memref<5152x128xf32, #tpu.memory_space<vmem_shared>> -> memref<8x128xf32, #tpu.memory_space<vmem_shared>>
        %dma_wait3A_45 = arith.constant 0 : i32
        %dma_wait3A_46 = tpu.memref_slice %arg2[%add3A_36, %dma_wait3A_45] : memref<10048x128xf32, #tpu.memory_space<hbm>> -> memref<8x128xf32, #tpu.memory_space<hbm>>
        tpu.wait_dma2 semaphore(%run_scoped3A : memref<!tpu.dma_semaphore, #tpu.memory_space<semaphore_mem>>) src(%dma_wait3A_46 : memref<8x128xf32, #tpu.memory_space<hbm>>) dst(%dma_wait3A_44 : memref<8x128xf32, #tpu.memory_space<vmem_shared>>)
        tpu.yield
      }) : () -> ()
    } else {
    }
    %barrier3A = arith.constant 0 : index
    tpu.barrier barrier_id(%barrier3A)
    %scan3A = arith.constant 0 : i32
    %scan3A_22 = arith.constant 0 : i32
    %scan3A_23 = arith.constant 40 : i32
    %scan3A_24 = arith.addi %scan3A_22, %scan3A_23 : i32
    %scan3A_25 = arith.constant 1 : i32
    scf.for %scan3A_33 = %scan3A_22 to %scan3A_24 step %scan3A_25  : i32 {
      %mul3A_34 = arith.constant 2 : i32
      %mul3A_35 = arith.muli %scan3A_33, %mul3A_34 : i32
      %mul3A_36 = arith.constant 160 : i32
      %mul3A_37 = arith.muli %arg1, %mul3A_36 : i32
      %mul3A_38 = arith.constant 2 : i32
      %mul3A_39 = arith.muli %mul3A_35, %mul3A_38 : i32
      %add3A_40 = arith.addi %mul3A_37, %mul3A_39 : i32
      "tpu.region"() ({
        %run_scoped3A_287 = tpu.sem_alloc : memref<!tpu.dma_semaphore, #tpu.memory_space<semaphore_mem>>
        %dma_start3A_288 = arith.constant 0 : i32
        %dma_start3A_289 = tpu.memref_slice %arg3[%add3A_40, %dma_start3A_288] : memref<2560x128xi32, #tpu.memory_space<hbm>> -> memref<2x128xi32, #tpu.memory_space<hbm>>
        %dma_start3A_290 = arith.constant 0 : i32
        %dma_start3A_291 = tpu.memref_slice %arg3[%add3A_40, %dma_start3A_290] : memref<2560x128xi32, #tpu.memory_space<hbm>> -> memref<2x128xi32, #tpu.memory_space<hbm>>
        tpu.enqueue_dma source(%dma_start3A_291 : memref<2x128xi32, #tpu.memory_space<hbm>>) target(%arg6 : memref<2x128xi32, #tpu.memory_space<vmem>>) target_semaphore(%run_scoped3A_287 : memref<!tpu.dma_semaphore, #tpu.memory_space<semaphore_mem>>)
        %dma_wait3A_292 = arith.constant 0 : i32
        %dma_wait3A_293 = tpu.memref_slice %arg3[%add3A_40, %dma_wait3A_292] : memref<2560x128xi32, #tpu.memory_space<hbm>> -> memref<2x128xi32, #tpu.memory_space<hbm>>
        %dma_wait3A_294 = arith.constant 0 : i32
        %dma_wait3A_295 = tpu.memref_slice %arg3[%add3A_40, %dma_wait3A_294] : memref<2560x128xi32, #tpu.memory_space<hbm>> -> memref<2x128xi32, #tpu.memory_space<hbm>>
        tpu.wait_dma2 semaphore(%run_scoped3A_287 : memref<!tpu.dma_semaphore, #tpu.memory_space<semaphore_mem>>) src(%dma_wait3A_295 : memref<2x128xi32, #tpu.memory_space<hbm>>) dst(%arg6 : memref<2x128xi32, #tpu.memory_space<vmem>>)
        tpu.yield
      }) : () -> ()
      "tpu.region"() ({
        %run_scoped3A_287 = tpu.sem_alloc : memref<!tpu.dma_semaphore, #tpu.memory_space<semaphore_mem>>
        %dma_start3A_288 = arith.constant 0 : i32
        %dma_start3A_289 = tpu.memref_slice %arg4[%arg0, %add3A_40, %dma_start3A_288] : memref<2x2560x128xi32, #tpu.memory_space<hbm>> -> memref<1x2x128xi32, #tpu.memory_space<hbm>>
        %dma_start3A_290 = tpu.memref_squeeze %dma_start3A_289 : memref<1x2x128xi32, #tpu.memory_space<hbm>> -> memref<2x128xi32, #tpu.memory_space<hbm>>
        %dma_start3A_291 = arith.constant 0 : i32
        %dma_start3A_292 = tpu.memref_slice %arg4[%arg0, %add3A_40, %dma_start3A_291] : memref<2x2560x128xi32, #tpu.memory_space<hbm>> -> memref<1x2x128xi32, #tpu.memory_space<hbm>>
        %dma_start3A_293 = tpu.memref_squeeze %dma_start3A_292 : memref<1x2x128xi32, #tpu.memory_space<hbm>> -> memref<2x128xi32, #tpu.memory_space<hbm>>
        tpu.enqueue_dma source(%dma_start3A_293 : memref<2x128xi32, #tpu.memory_space<hbm>>) target(%arg7 : memref<2x128xi32, #tpu.memory_space<vmem>>) target_semaphore(%run_scoped3A_287 : memref<!tpu.dma_semaphore, #tpu.memory_space<semaphore_mem>>)
        %dma_wait3A_294 = arith.constant 0 : i32
        %dma_wait3A_295 = tpu.memref_slice %arg4[%arg0, %add3A_40, %dma_wait3A_294] : memref<2x2560x128xi32, #tpu.memory_space<hbm>> -> memref<1x2x128xi32, #tpu.memory_space<hbm>>
        %dma_wait3A_296 = tpu.memref_squeeze %dma_wait3A_295 : memref<1x2x128xi32, #tpu.memory_space<hbm>> -> memref<2x128xi32, #tpu.memory_space<hbm>>
        %dma_wait3A_297 = arith.constant 0 : i32
        %dma_wait3A_298 = tpu.memref_slice %arg4[%arg0, %add3A_40, %dma_wait3A_297] : memref<2x2560x128xi32, #tpu.memory_space<hbm>> -> memref<1x2x128xi32, #tpu.memory_space<hbm>>
        %dma_wait3A_299 = tpu.memref_squeeze %dma_wait3A_298 : memref<1x2x128xi32, #tpu.memory_space<hbm>> -> memref<2x128xi32, #tpu.memory_space<hbm>>
        tpu.wait_dma2 semaphore(%run_scoped3A_287 : memref<!tpu.dma_semaphore, #tpu.memory_space<semaphore_mem>>) src(%dma_wait3A_299 : memref<2x128xi32, #tpu.memory_space<hbm>>) dst(%arg7 : memref<2x128xi32, #tpu.memory_space<vmem>>)
        tpu.yield
      }) : () -> ()
      %dma_start3A = arith.constant 0 : i32
      %dma_start3A_41 = arith.constant 0 : i32
      %dma_start3A_42 = tpu.memref_slice %arg6[%dma_start3A, %dma_start3A_41] : memref<2x128xi32, #tpu.memory_space<vmem>> -> memref<1x32xi32, #tpu.memory_space<vmem>>
      %dma_start3A_43 = tpu.memref_squeeze %dma_start3A_42 : memref<1x32xi32, #tpu.memory_space<vmem>> -> memref<32xi32, #tpu.memory_space<vmem>>
      %dma_start3A_44 = arith.constant 0 : i32
      %dma_start3A_45 = arith.constant 0 : i32
      %dma_start3A_46 = tpu.memref_slice %arg12[%dma_start3A_44, %dma_start3A_45] : memref<10048x128xf32, #tpu.memory_space<vmem_shared>> -> memref<10048x128xf32, #tpu.memory_space<vmem_shared>>
      tpu.enqueue_indirect_dma source(%dma_start3A_46 : memref<10048x128xf32, #tpu.memory_space<vmem_shared>>) target(%arg10 : memref<32x128xf32, #tpu.memory_space<vmem>>) offsets(%dma_start3A_43 : memref<32xi32, #tpu.memory_space<vmem>>) semaphore(%arg14 : memref<!tpu.dma_semaphore, #tpu.memory_space<semaphore_mem>>)
      %dma_start3A_47 = arith.constant 0 : i32
      %dma_start3A_48 = arith.constant 32 : i32
      %dma_start3A_49 = tpu.memref_slice %arg6[%dma_start3A_47, %dma_start3A_48] : memref<2x128xi32, #tpu.memory_space<vmem>> -> memref<1x32xi32, #tpu.memory_space<vmem>>
      %dma_start3A_50 = tpu.memref_squeeze %dma_start3A_49 : memref<1x32xi32, #tpu.memory_space<vmem>> -> memref<32xi32, #tpu.memory_space<vmem>>
      %dma_start3A_51 = arith.constant 0 : i32
      %dma_start3A_52 = arith.constant 0 : i32
      %dma_start3A_53 = tpu.memref_slice %arg12[%dma_start3A_51, %dma_start3A_52] : memref<10048x128xf32, #tpu.memory_space<vmem_shared>> -> memref<10048x128xf32, #tpu.memory_space<vmem_shared>>
      tpu.enqueue_indirect_dma source(%dma_start3A_53 : memref<10048x128xf32, #tpu.memory_space<vmem_shared>>) target(%arg11 : memref<32x128xf32, #tpu.memory_space<vmem>>) offsets(%dma_start3A_50 : memref<32xi32, #tpu.memory_space<vmem>>) semaphore(%arg15 : memref<!tpu.dma_semaphore, #tpu.memory_space<semaphore_mem>>)
      %dma_wait3A = arith.constant 0 : i32
      %dma_wait3A_54 = arith.constant 0 : i32
      %dma_wait3A_55 = tpu.memref_slice %arg6[%dma_wait3A, %dma_wait3A_54] : memref<2x128xi32, #tpu.memory_space<vmem>> -> memref<1x32xi32, #tpu.memory_space<vmem>>
      %dma_wait3A_56 = tpu.memref_squeeze %dma_wait3A_55 : memref<1x32xi32, #tpu.memory_space<vmem>> -> memref<32xi32, #tpu.memory_space<vmem>>
      %dma_wait3A_57 = arith.constant 0 : i32
      %dma_wait3A_58 = arith.constant 0 : i32
      %dma_wait3A_59 = tpu.memref_slice %arg12[%dma_wait3A_57, %dma_wait3A_58] : memref<10048x128xf32, #tpu.memory_space<vmem_shared>> -> memref<10048x128xf32, #tpu.memory_space<vmem_shared>>
      tpu.wait_indirect_dma semaphore(%arg14 : memref<!tpu.dma_semaphore, #tpu.memory_space<semaphore_mem>>) src(%dma_wait3A_59 : memref<10048x128xf32, #tpu.memory_space<vmem_shared>>) dst(%arg10 : memref<32x128xf32, #tpu.memory_space<vmem>>)
      %run_scoped3A = arith.constant 0 : i32
      "tpu.region"() ({
        %run_scoped3A_287 = tpu.sem_alloc : memref<!tpu.dma_semaphore, #tpu.memory_space<semaphore_mem>>
        %dma_start3A_288 = arith.constant 0 : i32
        %dma_start3A_289 = tpu.memref_slice %arg7[%run_scoped3A, %dma_start3A_288] : memref<2x128xi32, #tpu.memory_space<vmem>> -> memref<1x32xi32, #tpu.memory_space<vmem>>
        %dma_start3A_290 = tpu.memref_squeeze %dma_start3A_289 : memref<1x32xi32, #tpu.memory_space<vmem>> -> memref<32xi32, #tpu.memory_space<vmem>>
        %dma_start3A_291 = arith.constant 0 : i32
        %dma_start3A_292 = arith.constant 0 : i32
        %dma_start3A_293 = tpu.memref_slice %arg13[%dma_start3A_291, %dma_start3A_292] : memref<5152x128xf32, #tpu.memory_space<vmem_shared>> -> memref<5152x128xf32, #tpu.memory_space<vmem_shared>>
        tpu.enqueue_indirect_dma source(%arg10 : memref<32x128xf32, #tpu.memory_space<vmem>>) target(%dma_start3A_293 : memref<5152x128xf32, #tpu.memory_space<vmem_shared>>) offsets(%dma_start3A_290 : memref<32xi32, #tpu.memory_space<vmem>>) semaphore(%run_scoped3A_287 : memref<!tpu.dma_semaphore, #tpu.memory_space<semaphore_mem>>) {add = true}
        %dma_wait3A_294 = arith.constant 0 : i32
        %dma_wait3A_295 = tpu.memref_slice %arg7[%run_scoped3A, %dma_wait3A_294] : memref<2x128xi32, #tpu.memory_space<vmem>> -> memref<1x32xi32, #tpu.memory_space<vmem>>
        %dma_wait3A_296 = tpu.memref_squeeze %dma_wait3A_295 : memref<1x32xi32, #tpu.memory_space<vmem>> -> memref<32xi32, #tpu.memory_space<vmem>>
        %dma_wait3A_297 = arith.constant 0 : i32
        %dma_wait3A_298 = arith.constant 0 : i32
        %dma_wait3A_299 = tpu.memref_slice %arg13[%dma_wait3A_297, %dma_wait3A_298] : memref<5152x128xf32, #tpu.memory_space<vmem_shared>> -> memref<5152x128xf32, #tpu.memory_space<vmem_shared>>
        tpu.wait_indirect_dma semaphore(%run_scoped3A_287 : memref<!tpu.dma_semaphore, #tpu.memory_space<semaphore_mem>>) src(%arg10 : memref<32x128xf32, #tpu.memory_space<vmem>>) dst(%dma_wait3A_299 : memref<5152x128xf32, #tpu.memory_space<vmem_shared>>)
        tpu.yield
      }) : () -> ()
      %dma_start3A_60 = arith.constant 0 : i32
      %dma_start3A_61 = arith.constant 64 : i32
      %dma_start3A_62 = tpu.memref_slice %arg6[%dma_start3A_60, %dma_start3A_61] : memref<2x128xi32, #tpu.memory_space<vmem>> -> memref<1x32xi32, #tpu.memory_space<vmem>>
      %dma_start3A_63 = tpu.memref_squeeze %dma_start3A_62 : memref<1x32xi32, #tpu.memory_space<vmem>> -> memref<32xi32, #tpu.memory_space<vmem>>
      %dma_start3A_64 = arith.constant 0 : i32
      %dma_start3A_65 = arith.constant 0 : i32
      %dma_start3A_66 = tpu.memref_slice %arg12[%dma_start3A_64, %dma_start3A_65] : memref<10048x128xf32, #tpu.memory_space<vmem_shared>> -> memref<10048x128xf32, #tpu.memory_space<vmem_shared>>
      tpu.enqueue_indirect_dma source(%dma_start3A_66 : memref<10048x128xf32, #tpu.memory_space<vmem_shared>>) target(%arg10 : memref<32x128xf32, #tpu.memory_space<vmem>>) offsets(%dma_start3A_63 : memref<32xi32, #tpu.memory_space<vmem>>) semaphore(%arg14 : memref<!tpu.dma_semaphore, #tpu.memory_space<semaphore_mem>>)
      %dma_wait3A_67 = arith.constant 0 : i32
      %dma_wait3A_68 = arith.constant 32 : i32
      %dma_wait3A_69 = tpu.memref_slice %arg6[%dma_wait3A_67, %dma_wait3A_68] : memref<2x128xi32, #tpu.memory_space<vmem>> -> memref<1x32xi32, #tpu.memory_space<vmem>>
      %dma_wait3A_70 = tpu.memref_squeeze %dma_wait3A_69 : memref<1x32xi32, #tpu.memory_space<vmem>> -> memref<32xi32, #tpu.memory_space<vmem>>
      %dma_wait3A_71 = arith.constant 0 : i32
      %dma_wait3A_72 = arith.constant 0 : i32
      %dma_wait3A_73 = tpu.memref_slice %arg12[%dma_wait3A_71, %dma_wait3A_72] : memref<10048x128xf32, #tpu.memory_space<vmem_shared>> -> memref<10048x128xf32, #tpu.memory_space<vmem_shared>>
      tpu.wait_indirect_dma semaphore(%arg15 : memref<!tpu.dma_semaphore, #tpu.memory_space<semaphore_mem>>) src(%dma_wait3A_73 : memref<10048x128xf32, #tpu.memory_space<vmem_shared>>) dst(%arg11 : memref<32x128xf32, #tpu.memory_space<vmem>>)
      %run_scoped3A_74 = arith.constant 0 : i32
      "tpu.region"() ({
        %run_scoped3A_287 = tpu.sem_alloc : memref<!tpu.dma_semaphore, #tpu.memory_space<semaphore_mem>>
        %dma_start3A_288 = arith.constant 32 : i32
        %dma_start3A_289 = tpu.memref_slice %arg7[%run_scoped3A_74, %dma_start3A_288] : memref<2x128xi32, #tpu.memory_space<vmem>> -> memref<1x32xi32, #tpu.memory_space<vmem>>
        %dma_start3A_290 = tpu.memref_squeeze %dma_start3A_289 : memref<1x32xi32, #tpu.memory_space<vmem>> -> memref<32xi32, #tpu.memory_space<vmem>>
        %dma_start3A_291 = arith.constant 0 : i32
        %dma_start3A_292 = arith.constant 0 : i32
        %dma_start3A_293 = tpu.memref_slice %arg13[%dma_start3A_291, %dma_start3A_292] : memref<5152x128xf32, #tpu.memory_space<vmem_shared>> -> memref<5152x128xf32, #tpu.memory_space<vmem_shared>>
        tpu.enqueue_indirect_dma source(%arg11 : memref<32x128xf32, #tpu.memory_space<vmem>>) target(%dma_start3A_293 : memref<5152x128xf32, #tpu.memory_space<vmem_shared>>) offsets(%dma_start3A_290 : memref<32xi32, #tpu.memory_space<vmem>>) semaphore(%run_scoped3A_287 : memref<!tpu.dma_semaphore, #tpu.memory_space<semaphore_mem>>) {add = true}
        %dma_wait3A_294 = arith.constant 32 : i32
        %dma_wait3A_295 = tpu.memref_slice %arg7[%run_scoped3A_74, %dma_wait3A_294] : memref<2x128xi32, #tpu.memory_space<vmem>> -> memref<1x32xi32, #tpu.memory_space<vmem>>
        %dma_wait3A_296 = tpu.memref_squeeze %dma_wait3A_295 : memref<1x32xi32, #tpu.memory_space<vmem>> -> memref<32xi32, #tpu.memory_space<vmem>>
        %dma_wait3A_297 = arith.constant 0 : i32
        %dma_wait3A_298 = arith.constant 0 : i32
        %dma_wait3A_299 = tpu.memref_slice %arg13[%dma_wait3A_297, %dma_wait3A_298] : memref<5152x128xf32, #tpu.memory_space<vmem_shared>> -> memref<5152x128xf32, #tpu.memory_space<vmem_shared>>
        tpu.wait_indirect_dma semaphore(%run_scoped3A_287 : memref<!tpu.dma_semaphore, #tpu.memory_space<semaphore_mem>>) src(%arg11 : memref<32x128xf32, #tpu.memory_space<vmem>>) dst(%dma_wait3A_299 : memref<5152x128xf32, #tpu.memory_space<vmem_shared>>)
        tpu.yield
      }) : () -> ()
      %dma_start3A_75 = arith.constant 0 : i32
      %dma_start3A_76 = arith.constant 96 : i32
      %dma_start3A_77 = tpu.memref_slice %arg6[%dma_start3A_75, %dma_start3A_76] : memref<2x128xi32, #tpu.memory_space<vmem>> -> memref<1x32xi32, #tpu.memory_space<vmem>>
      %dma_start3A_78 = tpu.memref_squeeze %dma_start3A_77 : memref<1x32xi32, #tpu.memory_space<vmem>> -> memref<32xi32, #tpu.memory_space<vmem>>
      %dma_start3A_79 = arith.constant 0 : i32
      %dma_start3A_80 = arith.constant 0 : i32
      %dma_start3A_81 = tpu.memref_slice %arg12[%dma_start3A_79, %dma_start3A_80] : memref<10048x128xf32, #tpu.memory_space<vmem_shared>> -> memref<10048x128xf32, #tpu.memory_space<vmem_shared>>
      tpu.enqueue_indirect_dma source(%dma_start3A_81 : memref<10048x128xf32, #tpu.memory_space<vmem_shared>>) target(%arg11 : memref<32x128xf32, #tpu.memory_space<vmem>>) offsets(%dma_start3A_78 : memref<32xi32, #tpu.memory_space<vmem>>) semaphore(%arg15 : memref<!tpu.dma_semaphore, #tpu.memory_space<semaphore_mem>>)
      %dma_wait3A_82 = arith.constant 0 : i32
      %dma_wait3A_83 = arith.constant 64 : i32
      %dma_wait3A_84 = tpu.memref_slice %arg6[%dma_wait3A_82, %dma_wait3A_83] : memref<2x128xi32, #tpu.memory_space<vmem>> -> memref<1x32xi32, #tpu.memory_space<vmem>>
      %dma_wait3A_85 = tpu.memref_squeeze %dma_wait3A_84 : memref<1x32xi32, #tpu.memory_space<vmem>> -> memref<32xi32, #tpu.memory_space<vmem>>
      %dma_wait3A_86 = arith.constant 0 : i32
      %dma_wait3A_87 = arith.constant 0 : i32
      %dma_wait3A_88 = tpu.memref_slice %arg12[%dma_wait3A_86, %dma_wait3A_87] : memref<10048x128xf32, #tpu.memory_space<vmem_shared>> -> memref<10048x128xf32, #tpu.memory_space<vmem_shared>>
      tpu.wait_indirect_dma semaphore(%arg14 : memref<!tpu.dma_semaphore, #tpu.memory_space<semaphore_mem>>) src(%dma_wait3A_88 : memref<10048x128xf32, #tpu.memory_space<vmem_shared>>) dst(%arg10 : memref<32x128xf32, #tpu.memory_space<vmem>>)
      %run_scoped3A_89 = arith.constant 0 : i32
      "tpu.region"() ({
        %run_scoped3A_287 = tpu.sem_alloc : memref<!tpu.dma_semaphore, #tpu.memory_space<semaphore_mem>>
        %dma_start3A_288 = arith.constant 64 : i32
        %dma_start3A_289 = tpu.memref_slice %arg7[%run_scoped3A_89, %dma_start3A_288] : memref<2x128xi32, #tpu.memory_space<vmem>> -> memref<1x32xi32, #tpu.memory_space<vmem>>
        %dma_start3A_290 = tpu.memref_squeeze %dma_start3A_289 : memref<1x32xi32, #tpu.memory_space<vmem>> -> memref<32xi32, #tpu.memory_space<vmem>>
        %dma_start3A_291 = arith.constant 0 : i32
        %dma_start3A_292 = arith.constant 0 : i32
        %dma_start3A_293 = tpu.memref_slice %arg13[%dma_start3A_291, %dma_start3A_292] : memref<5152x128xf32, #tpu.memory_space<vmem_shared>> -> memref<5152x128xf32, #tpu.memory_space<vmem_shared>>
        tpu.enqueue_indirect_dma source(%arg10 : memref<32x128xf32, #tpu.memory_space<vmem>>) target(%dma_start3A_293 : memref<5152x128xf32, #tpu.memory_space<vmem_shared>>) offsets(%dma_start3A_290 : memref<32xi32, #tpu.memory_space<vmem>>) semaphore(%run_scoped3A_287 : memref<!tpu.dma_semaphore, #tpu.memory_space<semaphore_mem>>) {add = true}
        %dma_wait3A_294 = arith.constant 64 : i32
        %dma_wait3A_295 = tpu.memref_slice %arg7[%run_scoped3A_89, %dma_wait3A_294] : memref<2x128xi32, #tpu.memory_space<vmem>> -> memref<1x32xi32, #tpu.memory_space<vmem>>
        %dma_wait3A_296 = tpu.memref_squeeze %dma_wait3A_295 : memref<1x32xi32, #tpu.memory_space<vmem>> -> memref<32xi32, #tpu.memory_space<vmem>>
        %dma_wait3A_297 = arith.constant 0 : i32
        %dma_wait3A_298 = arith.constant 0 : i32
        %dma_wait3A_299 = tpu.memref_slice %arg13[%dma_wait3A_297, %dma_wait3A_298] : memref<5152x128xf32, #tpu.memory_space<vmem_shared>> -> memref<5152x128xf32, #tpu.memory_space<vmem_shared>>
        tpu.wait_indirect_dma semaphore(%run_scoped3A_287 : memref<!tpu.dma_semaphore, #tpu.memory_space<semaphore_mem>>) src(%arg10 : memref<32x128xf32, #tpu.memory_space<vmem>>) dst(%dma_wait3A_299 : memref<5152x128xf32, #tpu.memory_space<vmem_shared>>)
        tpu.yield
      }) : () -> ()
      %dma_start3A_90 = arith.constant 1 : i32
      %dma_start3A_91 = arith.constant 0 : i32
      %dma_start3A_92 = tpu.memref_slice %arg6[%dma_start3A_90, %dma_start3A_91] : memref<2x128xi32, #tpu.memory_space<vmem>> -> memref<1x32xi32, #tpu.memory_space<vmem>>
      %dma_start3A_93 = tpu.memref_squeeze %dma_start3A_92 : memref<1x32xi32, #tpu.memory_space<vmem>> -> memref<32xi32, #tpu.memory_space<vmem>>
      %dma_start3A_94 = arith.constant 0 : i32
      %dma_start3A_95 = arith.constant 0 : i32
      %dma_start3A_96 = tpu.memref_slice %arg12[%dma_start3A_94, %dma_start3A_95] : memref<10048x128xf32, #tpu.memory_space<vmem_shared>> -> memref<10048x128xf32, #tpu.memory_space<vmem_shared>>
      tpu.enqueue_indirect_dma source(%dma_start3A_96 : memref<10048x128xf32, #tpu.memory_space<vmem_shared>>) target(%arg10 : memref<32x128xf32, #tpu.memory_space<vmem>>) offsets(%dma_start3A_93 : memref<32xi32, #tpu.memory_space<vmem>>) semaphore(%arg14 : memref<!tpu.dma_semaphore, #tpu.memory_space<semaphore_mem>>)
      %dma_wait3A_97 = arith.constant 0 : i32
      %dma_wait3A_98 = arith.constant 96 : i32
      %dma_wait3A_99 = tpu.memref_slice %arg6[%dma_wait3A_97, %dma_wait3A_98] : memref<2x128xi32, #tpu.memory_space<vmem>> -> memref<1x32xi32, #tpu.memory_space<vmem>>
      %dma_wait3A_100 = tpu.memref_squeeze %dma_wait3A_99 : memref<1x32xi32, #tpu.memory_space<vmem>> -> memref<32xi32, #tpu.memory_space<vmem>>
      %dma_wait3A_101 = arith.constant 0 : i32
      %dma_wait3A_102 = arith.constant 0 : i32
      %dma_wait3A_103 = tpu.memref_slice %arg12[%dma_wait3A_101, %dma_wait3A_102] : memref<10048x128xf32, #tpu.memory_space<vmem_shared>> -> memref<10048x128xf32, #tpu.memory_space<vmem_shared>>
      tpu.wait_indirect_dma semaphore(%arg15 : memref<!tpu.dma_semaphore, #tpu.memory_space<semaphore_mem>>) src(%dma_wait3A_103 : memref<10048x128xf32, #tpu.memory_space<vmem_shared>>) dst(%arg11 : memref<32x128xf32, #tpu.memory_space<vmem>>)
      %run_scoped3A_104 = arith.constant 0 : i32
      "tpu.region"() ({
        %run_scoped3A_287 = tpu.sem_alloc : memref<!tpu.dma_semaphore, #tpu.memory_space<semaphore_mem>>
        %dma_start3A_288 = arith.constant 96 : i32
        %dma_start3A_289 = tpu.memref_slice %arg7[%run_scoped3A_104, %dma_start3A_288] : memref<2x128xi32, #tpu.memory_space<vmem>> -> memref<1x32xi32, #tpu.memory_space<vmem>>
        %dma_start3A_290 = tpu.memref_squeeze %dma_start3A_289 : memref<1x32xi32, #tpu.memory_space<vmem>> -> memref<32xi32, #tpu.memory_space<vmem>>
        %dma_start3A_291 = arith.constant 0 : i32
        %dma_start3A_292 = arith.constant 0 : i32
        %dma_start3A_293 = tpu.memref_slice %arg13[%dma_start3A_291, %dma_start3A_292] : memref<5152x128xf32, #tpu.memory_space<vmem_shared>> -> memref<5152x128xf32, #tpu.memory_space<vmem_shared>>
        tpu.enqueue_indirect_dma source(%arg11 : memref<32x128xf32, #tpu.memory_space<vmem>>) target(%dma_start3A_293 : memref<5152x128xf32, #tpu.memory_space<vmem_shared>>) offsets(%dma_start3A_290 : memref<32xi32, #tpu.memory_space<vmem>>) semaphore(%run_scoped3A_287 : memref<!tpu.dma_semaphore, #tpu.memory_space<semaphore_mem>>) {add = true}
        %dma_wait3A_294 = arith.constant 96 : i32
        %dma_wait3A_295 = tpu.memref_slice %arg7[%run_scoped3A_104, %dma_wait3A_294] : memref<2x128xi32, #tpu.memory_space<vmem>> -> memref<1x32xi32, #tpu.memory_space<vmem>>
        %dma_wait3A_296 = tpu.memref_squeeze %dma_wait3A_295 : memref<1x32xi32, #tpu.memory_space<vmem>> -> memref<32xi32, #tpu.memory_space<vmem>>
        %dma_wait3A_297 = arith.constant 0 : i32
        %dma_wait3A_298 = arith.constant 0 : i32
        %dma_wait3A_299 = tpu.memref_slice %arg13[%dma_wait3A_297, %dma_wait3A_298] : memref<5152x128xf32, #tpu.memory_space<vmem_shared>> -> memref<5152x128xf32, #tpu.memory_space<vmem_shared>>
        tpu.wait_indirect_dma semaphore(%run_scoped3A_287 : memref<!tpu.dma_semaphore, #tpu.memory_space<semaphore_mem>>) src(%arg11 : memref<32x128xf32, #tpu.memory_space<vmem>>) dst(%dma_wait3A_299 : memref<5152x128xf32, #tpu.memory_space<vmem_shared>>)
        tpu.yield
      }) : () -> ()
      %dma_start3A_105 = arith.constant 1 : i32
      %dma_start3A_106 = arith.constant 32 : i32
      %dma_start3A_107 = tpu.memref_slice %arg6[%dma_start3A_105, %dma_start3A_106] : memref<2x128xi32, #tpu.memory_space<vmem>> -> memref<1x32xi32, #tpu.memory_space<vmem>>
      %dma_start3A_108 = tpu.memref_squeeze %dma_start3A_107 : memref<1x32xi32, #tpu.memory_space<vmem>> -> memref<32xi32, #tpu.memory_space<vmem>>
      %dma_start3A_109 = arith.constant 0 : i32
      %dma_start3A_110 = arith.constant 0 : i32
      %dma_start3A_111 = tpu.memref_slice %arg12[%dma_start3A_109, %dma_start3A_110] : memref<10048x128xf32, #tpu.memory_space<vmem_shared>> -> memref<10048x128xf32, #tpu.memory_space<vmem_shared>>
      tpu.enqueue_indirect_dma source(%dma_start3A_111 : memref<10048x128xf32, #tpu.memory_space<vmem_shared>>) target(%arg11 : memref<32x128xf32, #tpu.memory_space<vmem>>) offsets(%dma_start3A_108 : memref<32xi32, #tpu.memory_space<vmem>>) semaphore(%arg15 : memref<!tpu.dma_semaphore, #tpu.memory_space<semaphore_mem>>)
      %dma_wait3A_112 = arith.constant 1 : i32
      %dma_wait3A_113 = arith.constant 0 : i32
      %dma_wait3A_114 = tpu.memref_slice %arg6[%dma_wait3A_112, %dma_wait3A_113] : memref<2x128xi32, #tpu.memory_space<vmem>> -> memref<1x32xi32, #tpu.memory_space<vmem>>
      %dma_wait3A_115 = tpu.memref_squeeze %dma_wait3A_114 : memref<1x32xi32, #tpu.memory_space<vmem>> -> memref<32xi32, #tpu.memory_space<vmem>>
      %dma_wait3A_116 = arith.constant 0 : i32
      %dma_wait3A_117 = arith.constant 0 : i32
      %dma_wait3A_118 = tpu.memref_slice %arg12[%dma_wait3A_116, %dma_wait3A_117] : memref<10048x128xf32, #tpu.memory_space<vmem_shared>> -> memref<10048x128xf32, #tpu.memory_space<vmem_shared>>
      tpu.wait_indirect_dma semaphore(%arg14 : memref<!tpu.dma_semaphore, #tpu.memory_space<semaphore_mem>>) src(%dma_wait3A_118 : memref<10048x128xf32, #tpu.memory_space<vmem_shared>>) dst(%arg10 : memref<32x128xf32, #tpu.memory_space<vmem>>)
      %run_scoped3A_119 = arith.constant 1 : i32
      "tpu.region"() ({
        %run_scoped3A_287 = tpu.sem_alloc : memref<!tpu.dma_semaphore, #tpu.memory_space<semaphore_mem>>
        %dma_start3A_288 = arith.constant 0 : i32
        %dma_start3A_289 = tpu.memref_slice %arg7[%run_scoped3A_119, %dma_start3A_288] : memref<2x128xi32, #tpu.memory_space<vmem>> -> memref<1x32xi32, #tpu.memory_space<vmem>>
        %dma_start3A_290 = tpu.memref_squeeze %dma_start3A_289 : memref<1x32xi32, #tpu.memory_space<vmem>> -> memref<32xi32, #tpu.memory_space<vmem>>
        %dma_start3A_291 = arith.constant 0 : i32
        %dma_start3A_292 = arith.constant 0 : i32
        %dma_start3A_293 = tpu.memref_slice %arg13[%dma_start3A_291, %dma_start3A_292] : memref<5152x128xf32, #tpu.memory_space<vmem_shared>> -> memref<5152x128xf32, #tpu.memory_space<vmem_shared>>
        tpu.enqueue_indirect_dma source(%arg10 : memref<32x128xf32, #tpu.memory_space<vmem>>) target(%dma_start3A_293 : memref<5152x128xf32, #tpu.memory_space<vmem_shared>>) offsets(%dma_start3A_290 : memref<32xi32, #tpu.memory_space<vmem>>) semaphore(%run_scoped3A_287 : memref<!tpu.dma_semaphore, #tpu.memory_space<semaphore_mem>>) {add = true}
        %dma_wait3A_294 = arith.constant 0 : i32
        %dma_wait3A_295 = tpu.memref_slice %arg7[%run_scoped3A_119, %dma_wait3A_294] : memref<2x128xi32, #tpu.memory_space<vmem>> -> memref<1x32xi32, #tpu.memory_space<vmem>>
        %dma_wait3A_296 = tpu.memref_squeeze %dma_wait3A_295 : memref<1x32xi32, #tpu.memory_space<vmem>> -> memref<32xi32, #tpu.memory_space<vmem>>
        %dma_wait3A_297 = arith.constant 0 : i32
        %dma_wait3A_298 = arith.constant 0 : i32
        %dma_wait3A_299 = tpu.memref_slice %arg13[%dma_wait3A_297, %dma_wait3A_298] : memref<5152x128xf32, #tpu.memory_space<vmem_shared>> -> memref<5152x128xf32, #tpu.memory_space<vmem_shared>>
        tpu.wait_indirect_dma semaphore(%run_scoped3A_287 : memref<!tpu.dma_semaphore, #tpu.memory_space<semaphore_mem>>) src(%arg10 : memref<32x128xf32, #tpu.memory_space<vmem>>) dst(%dma_wait3A_299 : memref<5152x128xf32, #tpu.memory_space<vmem_shared>>)
        tpu.yield
      }) : () -> ()
      %dma_start3A_120 = arith.constant 1 : i32
      %dma_start3A_121 = arith.constant 64 : i32
      %dma_start3A_122 = tpu.memref_slice %arg6[%dma_start3A_120, %dma_start3A_121] : memref<2x128xi32, #tpu.memory_space<vmem>> -> memref<1x32xi32, #tpu.memory_space<vmem>>
      %dma_start3A_123 = tpu.memref_squeeze %dma_start3A_122 : memref<1x32xi32, #tpu.memory_space<vmem>> -> memref<32xi32, #tpu.memory_space<vmem>>
      %dma_start3A_124 = arith.constant 0 : i32
      %dma_start3A_125 = arith.constant 0 : i32
      %dma_start3A_126 = tpu.memref_slice %arg12[%dma_start3A_124, %dma_start3A_125] : memref<10048x128xf32, #tpu.memory_space<vmem_shared>> -> memref<10048x128xf32, #tpu.memory_space<vmem_shared>>
      tpu.enqueue_indirect_dma source(%dma_start3A_126 : memref<10048x128xf32, #tpu.memory_space<vmem_shared>>) target(%arg10 : memref<32x128xf32, #tpu.memory_space<vmem>>) offsets(%dma_start3A_123 : memref<32xi32, #tpu.memory_space<vmem>>) semaphore(%arg14 : memref<!tpu.dma_semaphore, #tpu.memory_space<semaphore_mem>>)
      %dma_wait3A_127 = arith.constant 1 : i32
      %dma_wait3A_128 = arith.constant 32 : i32
      %dma_wait3A_129 = tpu.memref_slice %arg6[%dma_wait3A_127, %dma_wait3A_128] : memref<2x128xi32, #tpu.memory_space<vmem>> -> memref<1x32xi32, #tpu.memory_space<vmem>>
      %dma_wait3A_130 = tpu.memref_squeeze %dma_wait3A_129 : memref<1x32xi32, #tpu.memory_space<vmem>> -> memref<32xi32, #tpu.memory_space<vmem>>
      %dma_wait3A_131 = arith.constant 0 : i32
      %dma_wait3A_132 = arith.constant 0 : i32
      %dma_wait3A_133 = tpu.memref_slice %arg12[%dma_wait3A_131, %dma_wait3A_132] : memref<10048x128xf32, #tpu.memory_space<vmem_shared>> -> memref<10048x128xf32, #tpu.memory_space<vmem_shared>>
      tpu.wait_indirect_dma semaphore(%arg15 : memref<!tpu.dma_semaphore, #tpu.memory_space<semaphore_mem>>) src(%dma_wait3A_133 : memref<10048x128xf32, #tpu.memory_space<vmem_shared>>) dst(%arg11 : memref<32x128xf32, #tpu.memory_space<vmem>>)
      %run_scoped3A_134 = arith.constant 1 : i32
      "tpu.region"() ({
        %run_scoped3A_287 = tpu.sem_alloc : memref<!tpu.dma_semaphore, #tpu.memory_space<semaphore_mem>>
        %dma_start3A_288 = arith.constant 32 : i32
        %dma_start3A_289 = tpu.memref_slice %arg7[%run_scoped3A_134, %dma_start3A_288] : memref<2x128xi32, #tpu.memory_space<vmem>> -> memref<1x32xi32, #tpu.memory_space<vmem>>
        %dma_start3A_290 = tpu.memref_squeeze %dma_start3A_289 : memref<1x32xi32, #tpu.memory_space<vmem>> -> memref<32xi32, #tpu.memory_space<vmem>>
        %dma_start3A_291 = arith.constant 0 : i32
        %dma_start3A_292 = arith.constant 0 : i32
        %dma_start3A_293 = tpu.memref_slice %arg13[%dma_start3A_291, %dma_start3A_292] : memref<5152x128xf32, #tpu.memory_space<vmem_shared>> -> memref<5152x128xf32, #tpu.memory_space<vmem_shared>>
        tpu.enqueue_indirect_dma source(%arg11 : memref<32x128xf32, #tpu.memory_space<vmem>>) target(%dma_start3A_293 : memref<5152x128xf32, #tpu.memory_space<vmem_shared>>) offsets(%dma_start3A_290 : memref<32xi32, #tpu.memory_space<vmem>>) semaphore(%run_scoped3A_287 : memref<!tpu.dma_semaphore, #tpu.memory_space<semaphore_mem>>) {add = true}
        %dma_wait3A_294 = arith.constant 32 : i32
        %dma_wait3A_295 = tpu.memref_slice %arg7[%run_scoped3A_134, %dma_wait3A_294] : memref<2x128xi32, #tpu.memory_space<vmem>> -> memref<1x32xi32, #tpu.memory_space<vmem>>
        %dma_wait3A_296 = tpu.memref_squeeze %dma_wait3A_295 : memref<1x32xi32, #tpu.memory_space<vmem>> -> memref<32xi32, #tpu.memory_space<vmem>>
        %dma_wait3A_297 = arith.constant 0 : i32
        %dma_wait3A_298 = arith.constant 0 : i32
        %dma_wait3A_299 = tpu.memref_slice %arg13[%dma_wait3A_297, %dma_wait3A_298] : memref<5152x128xf32, #tpu.memory_space<vmem_shared>> -> memref<5152x128xf32, #tpu.memory_space<vmem_shared>>
        tpu.wait_indirect_dma semaphore(%run_scoped3A_287 : memref<!tpu.dma_semaphore, #tpu.memory_space<semaphore_mem>>) src(%arg11 : memref<32x128xf32, #tpu.memory_space<vmem>>) dst(%dma_wait3A_299 : memref<5152x128xf32, #tpu.memory_space<vmem_shared>>)
        tpu.yield
      }) : () -> ()
      %dma_start3A_135 = arith.constant 1 : i32
      %dma_start3A_136 = arith.constant 96 : i32
      %dma_start3A_137 = tpu.memref_slice %arg6[%dma_start3A_135, %dma_start3A_136] : memref<2x128xi32, #tpu.memory_space<vmem>> -> memref<1x32xi32, #tpu.memory_space<vmem>>
      %dma_start3A_138 = tpu.memref_squeeze %dma_start3A_137 : memref<1x32xi32, #tpu.memory_space<vmem>> -> memref<32xi32, #tpu.memory_space<vmem>>
      %dma_start3A_139 = arith.constant 0 : i32
      %dma_start3A_140 = arith.constant 0 : i32
      %dma_start3A_141 = tpu.memref_slice %arg12[%dma_start3A_139, %dma_start3A_140] : memref<10048x128xf32, #tpu.memory_space<vmem_shared>> -> memref<10048x128xf32, #tpu.memory_space<vmem_shared>>
      tpu.enqueue_indirect_dma source(%dma_start3A_141 : memref<10048x128xf32, #tpu.memory_space<vmem_shared>>) target(%arg11 : memref<32x128xf32, #tpu.memory_space<vmem>>) offsets(%dma_start3A_138 : memref<32xi32, #tpu.memory_space<vmem>>) semaphore(%arg15 : memref<!tpu.dma_semaphore, #tpu.memory_space<semaphore_mem>>)
      %dma_wait3A_142 = arith.constant 1 : i32
      %dma_wait3A_143 = arith.constant 64 : i32
      %dma_wait3A_144 = tpu.memref_slice %arg6[%dma_wait3A_142, %dma_wait3A_143] : memref<2x128xi32, #tpu.memory_space<vmem>> -> memref<1x32xi32, #tpu.memory_space<vmem>>
      %dma_wait3A_145 = tpu.memref_squeeze %dma_wait3A_144 : memref<1x32xi32, #tpu.memory_space<vmem>> -> memref<32xi32, #tpu.memory_space<vmem>>
      %dma_wait3A_146 = arith.constant 0 : i32
      %dma_wait3A_147 = arith.constant 0 : i32
      %dma_wait3A_148 = tpu.memref_slice %arg12[%dma_wait3A_146, %dma_wait3A_147] : memref<10048x128xf32, #tpu.memory_space<vmem_shared>> -> memref<10048x128xf32, #tpu.memory_space<vmem_shared>>
      tpu.wait_indirect_dma semaphore(%arg14 : memref<!tpu.dma_semaphore, #tpu.memory_space<semaphore_mem>>) src(%dma_wait3A_148 : memref<10048x128xf32, #tpu.memory_space<vmem_shared>>) dst(%arg10 : memref<32x128xf32, #tpu.memory_space<vmem>>)
      %run_scoped3A_149 = arith.constant 1 : i32
      "tpu.region"() ({
        %run_scoped3A_287 = tpu.sem_alloc : memref<!tpu.dma_semaphore, #tpu.memory_space<semaphore_mem>>
        %dma_start3A_288 = arith.constant 64 : i32
        %dma_start3A_289 = tpu.memref_slice %arg7[%run_scoped3A_149, %dma_start3A_288] : memref<2x128xi32, #tpu.memory_space<vmem>> -> memref<1x32xi32, #tpu.memory_space<vmem>>
        %dma_start3A_290 = tpu.memref_squeeze %dma_start3A_289 : memref<1x32xi32, #tpu.memory_space<vmem>> -> memref<32xi32, #tpu.memory_space<vmem>>
        %dma_start3A_291 = arith.constant 0 : i32
        %dma_start3A_292 = arith.constant 0 : i32
        %dma_start3A_293 = tpu.memref_slice %arg13[%dma_start3A_291, %dma_start3A_292] : memref<5152x128xf32, #tpu.memory_space<vmem_shared>> -> memref<5152x128xf32, #tpu.memory_space<vmem_shared>>
        tpu.enqueue_indirect_dma source(%arg10 : memref<32x128xf32, #tpu.memory_space<vmem>>) target(%dma_start3A_293 : memref<5152x128xf32, #tpu.memory_space<vmem_shared>>) offsets(%dma_start3A_290 : memref<32xi32, #tpu.memory_space<vmem>>) semaphore(%run_scoped3A_287 : memref<!tpu.dma_semaphore, #tpu.memory_space<semaphore_mem>>) {add = true}
        %dma_wait3A_294 = arith.constant 64 : i32
        %dma_wait3A_295 = tpu.memref_slice %arg7[%run_scoped3A_149, %dma_wait3A_294] : memref<2x128xi32, #tpu.memory_space<vmem>> -> memref<1x32xi32, #tpu.memory_space<vmem>>
        %dma_wait3A_296 = tpu.memref_squeeze %dma_wait3A_295 : memref<1x32xi32, #tpu.memory_space<vmem>> -> memref<32xi32, #tpu.memory_space<vmem>>
        %dma_wait3A_297 = arith.constant 0 : i32
        %dma_wait3A_298 = arith.constant 0 : i32
        %dma_wait3A_299 = tpu.memref_slice %arg13[%dma_wait3A_297, %dma_wait3A_298] : memref<5152x128xf32, #tpu.memory_space<vmem_shared>> -> memref<5152x128xf32, #tpu.memory_space<vmem_shared>>
        tpu.wait_indirect_dma semaphore(%run_scoped3A_287 : memref<!tpu.dma_semaphore, #tpu.memory_space<semaphore_mem>>) src(%arg10 : memref<32x128xf32, #tpu.memory_space<vmem>>) dst(%dma_wait3A_299 : memref<5152x128xf32, #tpu.memory_space<vmem_shared>>)
        tpu.yield
      }) : () -> ()
      %dma_wait3A_150 = arith.constant 1 : i32
      %dma_wait3A_151 = arith.constant 96 : i32
      %dma_wait3A_152 = tpu.memref_slice %arg6[%dma_wait3A_150, %dma_wait3A_151] : memref<2x128xi32, #tpu.memory_space<vmem>> -> memref<1x32xi32, #tpu.memory_space<vmem>>
      %dma_wait3A_153 = tpu.memref_squeeze %dma_wait3A_152 : memref<1x32xi32, #tpu.memory_space<vmem>> -> memref<32xi32, #tpu.memory_space<vmem>>
      %dma_wait3A_154 = arith.constant 0 : i32
      %dma_wait3A_155 = arith.constant 0 : i32
      %dma_wait3A_156 = tpu.memref_slice %arg12[%dma_wait3A_154, %dma_wait3A_155] : memref<10048x128xf32, #tpu.memory_space<vmem_shared>> -> memref<10048x128xf32, #tpu.memory_space<vmem_shared>>
      tpu.wait_indirect_dma semaphore(%arg15 : memref<!tpu.dma_semaphore, #tpu.memory_space<semaphore_mem>>) src(%dma_wait3A_156 : memref<10048x128xf32, #tpu.memory_space<vmem_shared>>) dst(%arg11 : memref<32x128xf32, #tpu.memory_space<vmem>>)
      %run_scoped3A_157 = arith.constant 1 : i32
      "tpu.region"() ({
        %run_scoped3A_287 = tpu.sem_alloc : memref<!tpu.dma_semaphore, #tpu.memory_space<semaphore_mem>>
        %dma_start3A_288 = arith.constant 96 : i32
        %dma_start3A_289 = tpu.memref_slice %arg7[%run_scoped3A_157, %dma_start3A_288] : memref<2x128xi32, #tpu.memory_space<vmem>> -> memref<1x32xi32, #tpu.memory_space<vmem>>
        %dma_start3A_290 = tpu.memref_squeeze %dma_start3A_289 : memref<1x32xi32, #tpu.memory_space<vmem>> -> memref<32xi32, #tpu.memory_space<vmem>>
        %dma_start3A_291 = arith.constant 0 : i32
        %dma_start3A_292 = arith.constant 0 : i32
        %dma_start3A_293 = tpu.memref_slice %arg13[%dma_start3A_291, %dma_start3A_292] : memref<5152x128xf32, #tpu.memory_space<vmem_shared>> -> memref<5152x128xf32, #tpu.memory_space<vmem_shared>>
        tpu.enqueue_indirect_dma source(%arg11 : memref<32x128xf32, #tpu.memory_space<vmem>>) target(%dma_start3A_293 : memref<5152x128xf32, #tpu.memory_space<vmem_shared>>) offsets(%dma_start3A_290 : memref<32xi32, #tpu.memory_space<vmem>>) semaphore(%run_scoped3A_287 : memref<!tpu.dma_semaphore, #tpu.memory_space<semaphore_mem>>) {add = true}
        %dma_wait3A_294 = arith.constant 96 : i32
        %dma_wait3A_295 = tpu.memref_slice %arg7[%run_scoped3A_157, %dma_wait3A_294] : memref<2x128xi32, #tpu.memory_space<vmem>> -> memref<1x32xi32, #tpu.memory_space<vmem>>
        %dma_wait3A_296 = tpu.memref_squeeze %dma_wait3A_295 : memref<1x32xi32, #tpu.memory_space<vmem>> -> memref<32xi32, #tpu.memory_space<vmem>>
        %dma_wait3A_297 = arith.constant 0 : i32
        %dma_wait3A_298 = arith.constant 0 : i32
        %dma_wait3A_299 = tpu.memref_slice %arg13[%dma_wait3A_297, %dma_wait3A_298] : memref<5152x128xf32, #tpu.memory_space<vmem_shared>> -> memref<5152x128xf32, #tpu.memory_space<vmem_shared>>
        tpu.wait_indirect_dma semaphore(%run_scoped3A_287 : memref<!tpu.dma_semaphore, #tpu.memory_space<semaphore_mem>>) src(%arg11 : memref<32x128xf32, #tpu.memory_space<vmem>>) dst(%dma_wait3A_299 : memref<5152x128xf32, #tpu.memory_space<vmem_shared>>)
        tpu.yield
      }) : () -> ()
      %mul3A_158 = arith.constant 2 : i32
      %mul3A_159 = arith.muli %scan3A_33, %mul3A_158 : i32
      %add3A_160 = arith.constant 1 : i32
      %add3A_161 = arith.addi %mul3A_159, %add3A_160 : i32
      %mul3A_162 = arith.constant 160 : i32
      %mul3A_163 = arith.muli %arg1, %mul3A_162 : i32
      %mul3A_164 = arith.constant 2 : i32
      %mul3A_165 = arith.muli %add3A_161, %mul3A_164 : i32
      %add3A_166 = arith.addi %mul3A_163, %mul3A_165 : i32
      "tpu.region"() ({
        %run_scoped3A_287 = tpu.sem_alloc : memref<!tpu.dma_semaphore, #tpu.memory_space<semaphore_mem>>
        %dma_start3A_288 = arith.constant 0 : i32
        %dma_start3A_289 = tpu.memref_slice %arg3[%add3A_166, %dma_start3A_288] : memref<2560x128xi32, #tpu.memory_space<hbm>> -> memref<2x128xi32, #tpu.memory_space<hbm>>
        %dma_start3A_290 = arith.constant 0 : i32
        %dma_start3A_291 = tpu.memref_slice %arg3[%add3A_166, %dma_start3A_290] : memref<2560x128xi32, #tpu.memory_space<hbm>> -> memref<2x128xi32, #tpu.memory_space<hbm>>
        tpu.enqueue_dma source(%dma_start3A_291 : memref<2x128xi32, #tpu.memory_space<hbm>>) target(%arg8 : memref<2x128xi32, #tpu.memory_space<vmem>>) target_semaphore(%run_scoped3A_287 : memref<!tpu.dma_semaphore, #tpu.memory_space<semaphore_mem>>)
        %dma_wait3A_292 = arith.constant 0 : i32
        %dma_wait3A_293 = tpu.memref_slice %arg3[%add3A_166, %dma_wait3A_292] : memref<2560x128xi32, #tpu.memory_space<hbm>> -> memref<2x128xi32, #tpu.memory_space<hbm>>
        %dma_wait3A_294 = arith.constant 0 : i32
        %dma_wait3A_295 = tpu.memref_slice %arg3[%add3A_166, %dma_wait3A_294] : memref<2560x128xi32, #tpu.memory_space<hbm>> -> memref<2x128xi32, #tpu.memory_space<hbm>>
        tpu.wait_dma2 semaphore(%run_scoped3A_287 : memref<!tpu.dma_semaphore, #tpu.memory_space<semaphore_mem>>) src(%dma_wait3A_295 : memref<2x128xi32, #tpu.memory_space<hbm>>) dst(%arg8 : memref<2x128xi32, #tpu.memory_space<vmem>>)
        tpu.yield
      }) : () -> ()
      "tpu.region"() ({
        %run_scoped3A_287 = tpu.sem_alloc : memref<!tpu.dma_semaphore, #tpu.memory_space<semaphore_mem>>
        %dma_start3A_288 = arith.constant 0 : i32
        %dma_start3A_289 = tpu.memref_slice %arg4[%arg0, %add3A_166, %dma_start3A_288] : memref<2x2560x128xi32, #tpu.memory_space<hbm>> -> memref<1x2x128xi32, #tpu.memory_space<hbm>>
        %dma_start3A_290 = tpu.memref_squeeze %dma_start3A_289 : memref<1x2x128xi32, #tpu.memory_space<hbm>> -> memref<2x128xi32, #tpu.memory_space<hbm>>
        %dma_start3A_291 = arith.constant 0 : i32
        %dma_start3A_292 = tpu.memref_slice %arg4[%arg0, %add3A_166, %dma_start3A_291] : memref<2x2560x128xi32, #tpu.memory_space<hbm>> -> memref<1x2x128xi32, #tpu.memory_space<hbm>>
        %dma_start3A_293 = tpu.memref_squeeze %dma_start3A_292 : memref<1x2x128xi32, #tpu.memory_space<hbm>> -> memref<2x128xi32, #tpu.memory_space<hbm>>
        tpu.enqueue_dma source(%dma_start3A_293 : memref<2x128xi32, #tpu.memory_space<hbm>>) target(%arg9 : memref<2x128xi32, #tpu.memory_space<vmem>>) target_semaphore(%run_scoped3A_287 : memref<!tpu.dma_semaphore, #tpu.memory_space<semaphore_mem>>)
        %dma_wait3A_294 = arith.constant 0 : i32
        %dma_wait3A_295 = tpu.memref_slice %arg4[%arg0, %add3A_166, %dma_wait3A_294] : memref<2x2560x128xi32, #tpu.memory_space<hbm>> -> memref<1x2x128xi32, #tpu.memory_space<hbm>>
        %dma_wait3A_296 = tpu.memref_squeeze %dma_wait3A_295 : memref<1x2x128xi32, #tpu.memory_space<hbm>> -> memref<2x128xi32, #tpu.memory_space<hbm>>
        %dma_wait3A_297 = arith.constant 0 : i32
        %dma_wait3A_298 = tpu.memref_slice %arg4[%arg0, %add3A_166, %dma_wait3A_297] : memref<2x2560x128xi32, #tpu.memory_space<hbm>> -> memref<1x2x128xi32, #tpu.memory_space<hbm>>
        %dma_wait3A_299 = tpu.memref_squeeze %dma_wait3A_298 : memref<1x2x128xi32, #tpu.memory_space<hbm>> -> memref<2x128xi32, #tpu.memory_space<hbm>>
        tpu.wait_dma2 semaphore(%run_scoped3A_287 : memref<!tpu.dma_semaphore, #tpu.memory_space<semaphore_mem>>) src(%dma_wait3A_299 : memref<2x128xi32, #tpu.memory_space<hbm>>) dst(%arg9 : memref<2x128xi32, #tpu.memory_space<vmem>>)
        tpu.yield
      }) : () -> ()
      %dma_start3A_167 = arith.constant 0 : i32
      %dma_start3A_168 = arith.constant 0 : i32
      %dma_start3A_169 = tpu.memref_slice %arg8[%dma_start3A_167, %dma_start3A_168] : memref<2x128xi32, #tpu.memory_space<vmem>> -> memref<1x32xi32, #tpu.memory_space<vmem>>
      %dma_start3A_170 = tpu.memref_squeeze %dma_start3A_169 : memref<1x32xi32, #tpu.memory_space<vmem>> -> memref<32xi32, #tpu.memory_space<vmem>>
      %dma_start3A_171 = arith.constant 0 : i32
      %dma_start3A_172 = arith.constant 0 : i32
      %dma_start3A_173 = tpu.memref_slice %arg12[%dma_start3A_171, %dma_start3A_172] : memref<10048x128xf32, #tpu.memory_space<vmem_shared>> -> memref<10048x128xf32, #tpu.memory_space<vmem_shared>>
      tpu.enqueue_indirect_dma source(%dma_start3A_173 : memref<10048x128xf32, #tpu.memory_space<vmem_shared>>) target(%arg10 : memref<32x128xf32, #tpu.memory_space<vmem>>) offsets(%dma_start3A_170 : memref<32xi32, #tpu.memory_space<vmem>>) semaphore(%arg14 : memref<!tpu.dma_semaphore, #tpu.memory_space<semaphore_mem>>)
      %dma_start3A_174 = arith.constant 0 : i32
      %dma_start3A_175 = arith.constant 32 : i32
      %dma_start3A_176 = tpu.memref_slice %arg8[%dma_start3A_174, %dma_start3A_175] : memref<2x128xi32, #tpu.memory_space<vmem>> -> memref<1x32xi32, #tpu.memory_space<vmem>>
      %dma_start3A_177 = tpu.memref_squeeze %dma_start3A_176 : memref<1x32xi32, #tpu.memory_space<vmem>> -> memref<32xi32, #tpu.memory_space<vmem>>
      %dma_start3A_178 = arith.constant 0 : i32
      %dma_start3A_179 = arith.constant 0 : i32
      %dma_start3A_180 = tpu.memref_slice %arg12[%dma_start3A_178, %dma_start3A_179] : memref<10048x128xf32, #tpu.memory_space<vmem_shared>> -> memref<10048x128xf32, #tpu.memory_space<vmem_shared>>
      tpu.enqueue_indirect_dma source(%dma_start3A_180 : memref<10048x128xf32, #tpu.memory_space<vmem_shared>>) target(%arg11 : memref<32x128xf32, #tpu.memory_space<vmem>>) offsets(%dma_start3A_177 : memref<32xi32, #tpu.memory_space<vmem>>) semaphore(%arg15 : memref<!tpu.dma_semaphore, #tpu.memory_space<semaphore_mem>>)
      %dma_wait3A_181 = arith.constant 0 : i32
      %dma_wait3A_182 = arith.constant 0 : i32
      %dma_wait3A_183 = tpu.memref_slice %arg8[%dma_wait3A_181, %dma_wait3A_182] : memref<2x128xi32, #tpu.memory_space<vmem>> -> memref<1x32xi32, #tpu.memory_space<vmem>>
      %dma_wait3A_184 = tpu.memref_squeeze %dma_wait3A_183 : memref<1x32xi32, #tpu.memory_space<vmem>> -> memref<32xi32, #tpu.memory_space<vmem>>
      %dma_wait3A_185 = arith.constant 0 : i32
      %dma_wait3A_186 = arith.constant 0 : i32
      %dma_wait3A_187 = tpu.memref_slice %arg12[%dma_wait3A_185, %dma_wait3A_186] : memref<10048x128xf32, #tpu.memory_space<vmem_shared>> -> memref<10048x128xf32, #tpu.memory_space<vmem_shared>>
      tpu.wait_indirect_dma semaphore(%arg14 : memref<!tpu.dma_semaphore, #tpu.memory_space<semaphore_mem>>) src(%dma_wait3A_187 : memref<10048x128xf32, #tpu.memory_space<vmem_shared>>) dst(%arg10 : memref<32x128xf32, #tpu.memory_space<vmem>>)
      %run_scoped3A_188 = arith.constant 0 : i32
      "tpu.region"() ({
        %run_scoped3A_287 = tpu.sem_alloc : memref<!tpu.dma_semaphore, #tpu.memory_space<semaphore_mem>>
        %dma_start3A_288 = arith.constant 0 : i32
        %dma_start3A_289 = tpu.memref_slice %arg9[%run_scoped3A_188, %dma_start3A_288] : memref<2x128xi32, #tpu.memory_space<vmem>> -> memref<1x32xi32, #tpu.memory_space<vmem>>
        %dma_start3A_290 = tpu.memref_squeeze %dma_start3A_289 : memref<1x32xi32, #tpu.memory_space<vmem>> -> memref<32xi32, #tpu.memory_space<vmem>>
        %dma_start3A_291 = arith.constant 0 : i32
        %dma_start3A_292 = arith.constant 0 : i32
        %dma_start3A_293 = tpu.memref_slice %arg13[%dma_start3A_291, %dma_start3A_292] : memref<5152x128xf32, #tpu.memory_space<vmem_shared>> -> memref<5152x128xf32, #tpu.memory_space<vmem_shared>>
        tpu.enqueue_indirect_dma source(%arg10 : memref<32x128xf32, #tpu.memory_space<vmem>>) target(%dma_start3A_293 : memref<5152x128xf32, #tpu.memory_space<vmem_shared>>) offsets(%dma_start3A_290 : memref<32xi32, #tpu.memory_space<vmem>>) semaphore(%run_scoped3A_287 : memref<!tpu.dma_semaphore, #tpu.memory_space<semaphore_mem>>) {add = true}
        %dma_wait3A_294 = arith.constant 0 : i32
        %dma_wait3A_295 = tpu.memref_slice %arg9[%run_scoped3A_188, %dma_wait3A_294] : memref<2x128xi32, #tpu.memory_space<vmem>> -> memref<1x32xi32, #tpu.memory_space<vmem>>
        %dma_wait3A_296 = tpu.memref_squeeze %dma_wait3A_295 : memref<1x32xi32, #tpu.memory_space<vmem>> -> memref<32xi32, #tpu.memory_space<vmem>>
        %dma_wait3A_297 = arith.constant 0 : i32
        %dma_wait3A_298 = arith.constant 0 : i32
        %dma_wait3A_299 = tpu.memref_slice %arg13[%dma_wait3A_297, %dma_wait3A_298] : memref<5152x128xf32, #tpu.memory_space<vmem_shared>> -> memref<5152x128xf32, #tpu.memory_space<vmem_shared>>
        tpu.wait_indirect_dma semaphore(%run_scoped3A_287 : memref<!tpu.dma_semaphore, #tpu.memory_space<semaphore_mem>>) src(%arg10 : memref<32x128xf32, #tpu.memory_space<vmem>>) dst(%dma_wait3A_299 : memref<5152x128xf32, #tpu.memory_space<vmem_shared>>)
        tpu.yield
      }) : () -> ()
      %dma_start3A_189 = arith.constant 0 : i32
      %dma_start3A_190 = arith.constant 64 : i32
      %dma_start3A_191 = tpu.memref_slice %arg8[%dma_start3A_189, %dma_start3A_190] : memref<2x128xi32, #tpu.memory_space<vmem>> -> memref<1x32xi32, #tpu.memory_space<vmem>>
      %dma_start3A_192 = tpu.memref_squeeze %dma_start3A_191 : memref<1x32xi32, #tpu.memory_space<vmem>> -> memref<32xi32, #tpu.memory_space<vmem>>
      %dma_start3A_193 = arith.constant 0 : i32
      %dma_start3A_194 = arith.constant 0 : i32
      %dma_start3A_195 = tpu.memref_slice %arg12[%dma_start3A_193, %dma_start3A_194] : memref<10048x128xf32, #tpu.memory_space<vmem_shared>> -> memref<10048x128xf32, #tpu.memory_space<vmem_shared>>
      tpu.enqueue_indirect_dma source(%dma_start3A_195 : memref<10048x128xf32, #tpu.memory_space<vmem_shared>>) target(%arg10 : memref<32x128xf32, #tpu.memory_space<vmem>>) offsets(%dma_start3A_192 : memref<32xi32, #tpu.memory_space<vmem>>) semaphore(%arg14 : memref<!tpu.dma_semaphore, #tpu.memory_space<semaphore_mem>>)
      %dma_wait3A_196 = arith.constant 0 : i32
      %dma_wait3A_197 = arith.constant 32 : i32
      %dma_wait3A_198 = tpu.memref_slice %arg8[%dma_wait3A_196, %dma_wait3A_197] : memref<2x128xi32, #tpu.memory_space<vmem>> -> memref<1x32xi32, #tpu.memory_space<vmem>>
      %dma_wait3A_199 = tpu.memref_squeeze %dma_wait3A_198 : memref<1x32xi32, #tpu.memory_space<vmem>> -> memref<32xi32, #tpu.memory_space<vmem>>
      %dma_wait3A_200 = arith.constant 0 : i32
      %dma_wait3A_201 = arith.constant 0 : i32
      %dma_wait3A_202 = tpu.memref_slice %arg12[%dma_wait3A_200, %dma_wait3A_201] : memref<10048x128xf32, #tpu.memory_space<vmem_shared>> -> memref<10048x128xf32, #tpu.memory_space<vmem_shared>>
      tpu.wait_indirect_dma semaphore(%arg15 : memref<!tpu.dma_semaphore, #tpu.memory_space<semaphore_mem>>) src(%dma_wait3A_202 : memref<10048x128xf32, #tpu.memory_space<vmem_shared>>) dst(%arg11 : memref<32x128xf32, #tpu.memory_space<vmem>>)
      %run_scoped3A_203 = arith.constant 0 : i32
      "tpu.region"() ({
        %run_scoped3A_287 = tpu.sem_alloc : memref<!tpu.dma_semaphore, #tpu.memory_space<semaphore_mem>>
        %dma_start3A_288 = arith.constant 32 : i32
        %dma_start3A_289 = tpu.memref_slice %arg9[%run_scoped3A_203, %dma_start3A_288] : memref<2x128xi32, #tpu.memory_space<vmem>> -> memref<1x32xi32, #tpu.memory_space<vmem>>
        %dma_start3A_290 = tpu.memref_squeeze %dma_start3A_289 : memref<1x32xi32, #tpu.memory_space<vmem>> -> memref<32xi32, #tpu.memory_space<vmem>>
        %dma_start3A_291 = arith.constant 0 : i32
        %dma_start3A_292 = arith.constant 0 : i32
        %dma_start3A_293 = tpu.memref_slice %arg13[%dma_start3A_291, %dma_start3A_292] : memref<5152x128xf32, #tpu.memory_space<vmem_shared>> -> memref<5152x128xf32, #tpu.memory_space<vmem_shared>>
        tpu.enqueue_indirect_dma source(%arg11 : memref<32x128xf32, #tpu.memory_space<vmem>>) target(%dma_start3A_293 : memref<5152x128xf32, #tpu.memory_space<vmem_shared>>) offsets(%dma_start3A_290 : memref<32xi32, #tpu.memory_space<vmem>>) semaphore(%run_scoped3A_287 : memref<!tpu.dma_semaphore, #tpu.memory_space<semaphore_mem>>) {add = true}
        %dma_wait3A_294 = arith.constant 32 : i32
        %dma_wait3A_295 = tpu.memref_slice %arg9[%run_scoped3A_203, %dma_wait3A_294] : memref<2x128xi32, #tpu.memory_space<vmem>> -> memref<1x32xi32, #tpu.memory_space<vmem>>
        %dma_wait3A_296 = tpu.memref_squeeze %dma_wait3A_295 : memref<1x32xi32, #tpu.memory_space<vmem>> -> memref<32xi32, #tpu.memory_space<vmem>>
        %dma_wait3A_297 = arith.constant 0 : i32
        %dma_wait3A_298 = arith.constant 0 : i32
        %dma_wait3A_299 = tpu.memref_slice %arg13[%dma_wait3A_297, %dma_wait3A_298] : memref<5152x128xf32, #tpu.memory_space<vmem_shared>> -> memref<5152x128xf32, #tpu.memory_space<vmem_shared>>
        tpu.wait_indirect_dma semaphore(%run_scoped3A_287 : memref<!tpu.dma_semaphore, #tpu.memory_space<semaphore_mem>>) src(%arg11 : memref<32x128xf32, #tpu.memory_space<vmem>>) dst(%dma_wait3A_299 : memref<5152x128xf32, #tpu.memory_space<vmem_shared>>)
        tpu.yield
      }) : () -> ()
      %dma_start3A_204 = arith.constant 0 : i32
      %dma_start3A_205 = arith.constant 96 : i32
      %dma_start3A_206 = tpu.memref_slice %arg8[%dma_start3A_204, %dma_start3A_205] : memref<2x128xi32, #tpu.memory_space<vmem>> -> memref<1x32xi32, #tpu.memory_space<vmem>>
      %dma_start3A_207 = tpu.memref_squeeze %dma_start3A_206 : memref<1x32xi32, #tpu.memory_space<vmem>> -> memref<32xi32, #tpu.memory_space<vmem>>
      %dma_start3A_208 = arith.constant 0 : i32
      %dma_start3A_209 = arith.constant 0 : i32
      %dma_start3A_210 = tpu.memref_slice %arg12[%dma_start3A_208, %dma_start3A_209] : memref<10048x128xf32, #tpu.memory_space<vmem_shared>> -> memref<10048x128xf32, #tpu.memory_space<vmem_shared>>
      tpu.enqueue_indirect_dma source(%dma_start3A_210 : memref<10048x128xf32, #tpu.memory_space<vmem_shared>>) target(%arg11 : memref<32x128xf32, #tpu.memory_space<vmem>>) offsets(%dma_start3A_207 : memref<32xi32, #tpu.memory_space<vmem>>) semaphore(%arg15 : memref<!tpu.dma_semaphore, #tpu.memory_space<semaphore_mem>>)
      %dma_wait3A_211 = arith.constant 0 : i32
      %dma_wait3A_212 = arith.constant 64 : i32
      %dma_wait3A_213 = tpu.memref_slice %arg8[%dma_wait3A_211, %dma_wait3A_212] : memref<2x128xi32, #tpu.memory_space<vmem>> -> memref<1x32xi32, #tpu.memory_space<vmem>>
      %dma_wait3A_214 = tpu.memref_squeeze %dma_wait3A_213 : memref<1x32xi32, #tpu.memory_space<vmem>> -> memref<32xi32, #tpu.memory_space<vmem>>
      %dma_wait3A_215 = arith.constant 0 : i32
      %dma_wait3A_216 = arith.constant 0 : i32
      %dma_wait3A_217 = tpu.memref_slice %arg12[%dma_wait3A_215, %dma_wait3A_216] : memref<10048x128xf32, #tpu.memory_space<vmem_shared>> -> memref<10048x128xf32, #tpu.memory_space<vmem_shared>>
      tpu.wait_indirect_dma semaphore(%arg14 : memref<!tpu.dma_semaphore, #tpu.memory_space<semaphore_mem>>) src(%dma_wait3A_217 : memref<10048x128xf32, #tpu.memory_space<vmem_shared>>) dst(%arg10 : memref<32x128xf32, #tpu.memory_space<vmem>>)
      %run_scoped3A_218 = arith.constant 0 : i32
      "tpu.region"() ({
        %run_scoped3A_287 = tpu.sem_alloc : memref<!tpu.dma_semaphore, #tpu.memory_space<semaphore_mem>>
        %dma_start3A_288 = arith.constant 64 : i32
        %dma_start3A_289 = tpu.memref_slice %arg9[%run_scoped3A_218, %dma_start3A_288] : memref<2x128xi32, #tpu.memory_space<vmem>> -> memref<1x32xi32, #tpu.memory_space<vmem>>
        %dma_start3A_290 = tpu.memref_squeeze %dma_start3A_289 : memref<1x32xi32, #tpu.memory_space<vmem>> -> memref<32xi32, #tpu.memory_space<vmem>>
        %dma_start3A_291 = arith.constant 0 : i32
        %dma_start3A_292 = arith.constant 0 : i32
        %dma_start3A_293 = tpu.memref_slice %arg13[%dma_start3A_291, %dma_start3A_292] : memref<5152x128xf32, #tpu.memory_space<vmem_shared>> -> memref<5152x128xf32, #tpu.memory_space<vmem_shared>>
        tpu.enqueue_indirect_dma source(%arg10 : memref<32x128xf32, #tpu.memory_space<vmem>>) target(%dma_start3A_293 : memref<5152x128xf32, #tpu.memory_space<vmem_shared>>) offsets(%dma_start3A_290 : memref<32xi32, #tpu.memory_space<vmem>>) semaphore(%run_scoped3A_287 : memref<!tpu.dma_semaphore, #tpu.memory_space<semaphore_mem>>) {add = true}
        %dma_wait3A_294 = arith.constant 64 : i32
        %dma_wait3A_295 = tpu.memref_slice %arg9[%run_scoped3A_218, %dma_wait3A_294] : memref<2x128xi32, #tpu.memory_space<vmem>> -> memref<1x32xi32, #tpu.memory_space<vmem>>
        %dma_wait3A_296 = tpu.memref_squeeze %dma_wait3A_295 : memref<1x32xi32, #tpu.memory_space<vmem>> -> memref<32xi32, #tpu.memory_space<vmem>>
        %dma_wait3A_297 = arith.constant 0 : i32
        %dma_wait3A_298 = arith.constant 0 : i32
        %dma_wait3A_299 = tpu.memref_slice %arg13[%dma_wait3A_297, %dma_wait3A_298] : memref<5152x128xf32, #tpu.memory_space<vmem_shared>> -> memref<5152x128xf32, #tpu.memory_space<vmem_shared>>
        tpu.wait_indirect_dma semaphore(%run_scoped3A_287 : memref<!tpu.dma_semaphore, #tpu.memory_space<semaphore_mem>>) src(%arg10 : memref<32x128xf32, #tpu.memory_space<vmem>>) dst(%dma_wait3A_299 : memref<5152x128xf32, #tpu.memory_space<vmem_shared>>)
        tpu.yield
      }) : () -> ()
      %dma_start3A_219 = arith.constant 1 : i32
      %dma_start3A_220 = arith.constant 0 : i32
      %dma_start3A_221 = tpu.memref_slice %arg8[%dma_start3A_219, %dma_start3A_220] : memref<2x128xi32, #tpu.memory_space<vmem>> -> memref<1x32xi32, #tpu.memory_space<vmem>>
      %dma_start3A_222 = tpu.memref_squeeze %dma_start3A_221 : memref<1x32xi32, #tpu.memory_space<vmem>> -> memref<32xi32, #tpu.memory_space<vmem>>
      %dma_start3A_223 = arith.constant 0 : i32
      %dma_start3A_224 = arith.constant 0 : i32
      %dma_start3A_225 = tpu.memref_slice %arg12[%dma_start3A_223, %dma_start3A_224] : memref<10048x128xf32, #tpu.memory_space<vmem_shared>> -> memref<10048x128xf32, #tpu.memory_space<vmem_shared>>
      tpu.enqueue_indirect_dma source(%dma_start3A_225 : memref<10048x128xf32, #tpu.memory_space<vmem_shared>>) target(%arg10 : memref<32x128xf32, #tpu.memory_space<vmem>>) offsets(%dma_start3A_222 : memref<32xi32, #tpu.memory_space<vmem>>) semaphore(%arg14 : memref<!tpu.dma_semaphore, #tpu.memory_space<semaphore_mem>>)
      %dma_wait3A_226 = arith.constant 0 : i32
      %dma_wait3A_227 = arith.constant 96 : i32
      %dma_wait3A_228 = tpu.memref_slice %arg8[%dma_wait3A_226, %dma_wait3A_227] : memref<2x128xi32, #tpu.memory_space<vmem>> -> memref<1x32xi32, #tpu.memory_space<vmem>>
      %dma_wait3A_229 = tpu.memref_squeeze %dma_wait3A_228 : memref<1x32xi32, #tpu.memory_space<vmem>> -> memref<32xi32, #tpu.memory_space<vmem>>
      %dma_wait3A_230 = arith.constant 0 : i32
      %dma_wait3A_231 = arith.constant 0 : i32
      %dma_wait3A_232 = tpu.memref_slice %arg12[%dma_wait3A_230, %dma_wait3A_231] : memref<10048x128xf32, #tpu.memory_space<vmem_shared>> -> memref<10048x128xf32, #tpu.memory_space<vmem_shared>>
      tpu.wait_indirect_dma semaphore(%arg15 : memref<!tpu.dma_semaphore, #tpu.memory_space<semaphore_mem>>) src(%dma_wait3A_232 : memref<10048x128xf32, #tpu.memory_space<vmem_shared>>) dst(%arg11 : memref<32x128xf32, #tpu.memory_space<vmem>>)
      %run_scoped3A_233 = arith.constant 0 : i32
      "tpu.region"() ({
        %run_scoped3A_287 = tpu.sem_alloc : memref<!tpu.dma_semaphore, #tpu.memory_space<semaphore_mem>>
        %dma_start3A_288 = arith.constant 96 : i32
        %dma_start3A_289 = tpu.memref_slice %arg9[%run_scoped3A_233, %dma_start3A_288] : memref<2x128xi32, #tpu.memory_space<vmem>> -> memref<1x32xi32, #tpu.memory_space<vmem>>
        %dma_start3A_290 = tpu.memref_squeeze %dma_start3A_289 : memref<1x32xi32, #tpu.memory_space<vmem>> -> memref<32xi32, #tpu.memory_space<vmem>>
        %dma_start3A_291 = arith.constant 0 : i32
        %dma_start3A_292 = arith.constant 0 : i32
        %dma_start3A_293 = tpu.memref_slice %arg13[%dma_start3A_291, %dma_start3A_292] : memref<5152x128xf32, #tpu.memory_space<vmem_shared>> -> memref<5152x128xf32, #tpu.memory_space<vmem_shared>>
        tpu.enqueue_indirect_dma source(%arg11 : memref<32x128xf32, #tpu.memory_space<vmem>>) target(%dma_start3A_293 : memref<5152x128xf32, #tpu.memory_space<vmem_shared>>) offsets(%dma_start3A_290 : memref<32xi32, #tpu.memory_space<vmem>>) semaphore(%run_scoped3A_287 : memref<!tpu.dma_semaphore, #tpu.memory_space<semaphore_mem>>) {add = true}
        %dma_wait3A_294 = arith.constant 96 : i32
        %dma_wait3A_295 = tpu.memref_slice %arg9[%run_scoped3A_233, %dma_wait3A_294] : memref<2x128xi32, #tpu.memory_space<vmem>> -> memref<1x32xi32, #tpu.memory_space<vmem>>
        %dma_wait3A_296 = tpu.memref_squeeze %dma_wait3A_295 : memref<1x32xi32, #tpu.memory_space<vmem>> -> memref<32xi32, #tpu.memory_space<vmem>>
        %dma_wait3A_297 = arith.constant 0 : i32
        %dma_wait3A_298 = arith.constant 0 : i32
        %dma_wait3A_299 = tpu.memref_slice %arg13[%dma_wait3A_297, %dma_wait3A_298] : memref<5152x128xf32, #tpu.memory_space<vmem_shared>> -> memref<5152x128xf32, #tpu.memory_space<vmem_shared>>
        tpu.wait_indirect_dma semaphore(%run_scoped3A_287 : memref<!tpu.dma_semaphore, #tpu.memory_space<semaphore_mem>>) src(%arg11 : memref<32x128xf32, #tpu.memory_space<vmem>>) dst(%dma_wait3A_299 : memref<5152x128xf32, #tpu.memory_space<vmem_shared>>)
        tpu.yield
      }) : () -> ()
      %dma_start3A_234 = arith.constant 1 : i32
      %dma_start3A_235 = arith.constant 32 : i32
      %dma_start3A_236 = tpu.memref_slice %arg8[%dma_start3A_234, %dma_start3A_235] : memref<2x128xi32, #tpu.memory_space<vmem>> -> memref<1x32xi32, #tpu.memory_space<vmem>>
      %dma_start3A_237 = tpu.memref_squeeze %dma_start3A_236 : memref<1x32xi32, #tpu.memory_space<vmem>> -> memref<32xi32, #tpu.memory_space<vmem>>
      %dma_start3A_238 = arith.constant 0 : i32
      %dma_start3A_239 = arith.constant 0 : i32
      %dma_start3A_240 = tpu.memref_slice %arg12[%dma_start3A_238, %dma_start3A_239] : memref<10048x128xf32, #tpu.memory_space<vmem_shared>> -> memref<10048x128xf32, #tpu.memory_space<vmem_shared>>
      tpu.enqueue_indirect_dma source(%dma_start3A_240 : memref<10048x128xf32, #tpu.memory_space<vmem_shared>>) target(%arg11 : memref<32x128xf32, #tpu.memory_space<vmem>>) offsets(%dma_start3A_237 : memref<32xi32, #tpu.memory_space<vmem>>) semaphore(%arg15 : memref<!tpu.dma_semaphore, #tpu.memory_space<semaphore_mem>>)
      %dma_wait3A_241 = arith.constant 1 : i32
      %dma_wait3A_242 = arith.constant 0 : i32
      %dma_wait3A_243 = tpu.memref_slice %arg8[%dma_wait3A_241, %dma_wait3A_242] : memref<2x128xi32, #tpu.memory_space<vmem>> -> memref<1x32xi32, #tpu.memory_space<vmem>>
      %dma_wait3A_244 = tpu.memref_squeeze %dma_wait3A_243 : memref<1x32xi32, #tpu.memory_space<vmem>> -> memref<32xi32, #tpu.memory_space<vmem>>
      %dma_wait3A_245 = arith.constant 0 : i32
      %dma_wait3A_246 = arith.constant 0 : i32
      %dma_wait3A_247 = tpu.memref_slice %arg12[%dma_wait3A_245, %dma_wait3A_246] : memref<10048x128xf32, #tpu.memory_space<vmem_shared>> -> memref<10048x128xf32, #tpu.memory_space<vmem_shared>>
      tpu.wait_indirect_dma semaphore(%arg14 : memref<!tpu.dma_semaphore, #tpu.memory_space<semaphore_mem>>) src(%dma_wait3A_247 : memref<10048x128xf32, #tpu.memory_space<vmem_shared>>) dst(%arg10 : memref<32x128xf32, #tpu.memory_space<vmem>>)
      %run_scoped3A_248 = arith.constant 1 : i32
      "tpu.region"() ({
        %run_scoped3A_287 = tpu.sem_alloc : memref<!tpu.dma_semaphore, #tpu.memory_space<semaphore_mem>>
        %dma_start3A_288 = arith.constant 0 : i32
        %dma_start3A_289 = tpu.memref_slice %arg9[%run_scoped3A_248, %dma_start3A_288] : memref<2x128xi32, #tpu.memory_space<vmem>> -> memref<1x32xi32, #tpu.memory_space<vmem>>
        %dma_start3A_290 = tpu.memref_squeeze %dma_start3A_289 : memref<1x32xi32, #tpu.memory_space<vmem>> -> memref<32xi32, #tpu.memory_space<vmem>>
        %dma_start3A_291 = arith.constant 0 : i32
        %dma_start3A_292 = arith.constant 0 : i32
        %dma_start3A_293 = tpu.memref_slice %arg13[%dma_start3A_291, %dma_start3A_292] : memref<5152x128xf32, #tpu.memory_space<vmem_shared>> -> memref<5152x128xf32, #tpu.memory_space<vmem_shared>>
        tpu.enqueue_indirect_dma source(%arg10 : memref<32x128xf32, #tpu.memory_space<vmem>>) target(%dma_start3A_293 : memref<5152x128xf32, #tpu.memory_space<vmem_shared>>) offsets(%dma_start3A_290 : memref<32xi32, #tpu.memory_space<vmem>>) semaphore(%run_scoped3A_287 : memref<!tpu.dma_semaphore, #tpu.memory_space<semaphore_mem>>) {add = true}
        %dma_wait3A_294 = arith.constant 0 : i32
        %dma_wait3A_295 = tpu.memref_slice %arg9[%run_scoped3A_248, %dma_wait3A_294] : memref<2x128xi32, #tpu.memory_space<vmem>> -> memref<1x32xi32, #tpu.memory_space<vmem>>
        %dma_wait3A_296 = tpu.memref_squeeze %dma_wait3A_295 : memref<1x32xi32, #tpu.memory_space<vmem>> -> memref<32xi32, #tpu.memory_space<vmem>>
        %dma_wait3A_297 = arith.constant 0 : i32
        %dma_wait3A_298 = arith.constant 0 : i32
        %dma_wait3A_299 = tpu.memref_slice %arg13[%dma_wait3A_297, %dma_wait3A_298] : memref<5152x128xf32, #tpu.memory_space<vmem_shared>> -> memref<5152x128xf32, #tpu.memory_space<vmem_shared>>
        tpu.wait_indirect_dma semaphore(%run_scoped3A_287 : memref<!tpu.dma_semaphore, #tpu.memory_space<semaphore_mem>>) src(%arg10 : memref<32x128xf32, #tpu.memory_space<vmem>>) dst(%dma_wait3A_299 : memref<5152x128xf32, #tpu.memory_space<vmem_shared>>)
        tpu.yield
      }) : () -> ()
      %dma_start3A_249 = arith.constant 1 : i32
      %dma_start3A_250 = arith.constant 64 : i32
      %dma_start3A_251 = tpu.memref_slice %arg8[%dma_start3A_249, %dma_start3A_250] : memref<2x128xi32, #tpu.memory_space<vmem>> -> memref<1x32xi32, #tpu.memory_space<vmem>>
      %dma_start3A_252 = tpu.memref_squeeze %dma_start3A_251 : memref<1x32xi32, #tpu.memory_space<vmem>> -> memref<32xi32, #tpu.memory_space<vmem>>
      %dma_start3A_253 = arith.constant 0 : i32
      %dma_start3A_254 = arith.constant 0 : i32
      %dma_start3A_255 = tpu.memref_slice %arg12[%dma_start3A_253, %dma_start3A_254] : memref<10048x128xf32, #tpu.memory_space<vmem_shared>> -> memref<10048x128xf32, #tpu.memory_space<vmem_shared>>
      tpu.enqueue_indirect_dma source(%dma_start3A_255 : memref<10048x128xf32, #tpu.memory_space<vmem_shared>>) target(%arg10 : memref<32x128xf32, #tpu.memory_space<vmem>>) offsets(%dma_start3A_252 : memref<32xi32, #tpu.memory_space<vmem>>) semaphore(%arg14 : memref<!tpu.dma_semaphore, #tpu.memory_space<semaphore_mem>>)
      %dma_wait3A_256 = arith.constant 1 : i32
      %dma_wait3A_257 = arith.constant 32 : i32
      %dma_wait3A_258 = tpu.memref_slice %arg8[%dma_wait3A_256, %dma_wait3A_257] : memref<2x128xi32, #tpu.memory_space<vmem>> -> memref<1x32xi32, #tpu.memory_space<vmem>>
      %dma_wait3A_259 = tpu.memref_squeeze %dma_wait3A_258 : memref<1x32xi32, #tpu.memory_space<vmem>> -> memref<32xi32, #tpu.memory_space<vmem>>
      %dma_wait3A_260 = arith.constant 0 : i32
      %dma_wait3A_261 = arith.constant 0 : i32
      %dma_wait3A_262 = tpu.memref_slice %arg12[%dma_wait3A_260, %dma_wait3A_261] : memref<10048x128xf32, #tpu.memory_space<vmem_shared>> -> memref<10048x128xf32, #tpu.memory_space<vmem_shared>>
      tpu.wait_indirect_dma semaphore(%arg15 : memref<!tpu.dma_semaphore, #tpu.memory_space<semaphore_mem>>) src(%dma_wait3A_262 : memref<10048x128xf32, #tpu.memory_space<vmem_shared>>) dst(%arg11 : memref<32x128xf32, #tpu.memory_space<vmem>>)
      %run_scoped3A_263 = arith.constant 1 : i32
      "tpu.region"() ({
        %run_scoped3A_287 = tpu.sem_alloc : memref<!tpu.dma_semaphore, #tpu.memory_space<semaphore_mem>>
        %dma_start3A_288 = arith.constant 32 : i32
        %dma_start3A_289 = tpu.memref_slice %arg9[%run_scoped3A_263, %dma_start3A_288] : memref<2x128xi32, #tpu.memory_space<vmem>> -> memref<1x32xi32, #tpu.memory_space<vmem>>
        %dma_start3A_290 = tpu.memref_squeeze %dma_start3A_289 : memref<1x32xi32, #tpu.memory_space<vmem>> -> memref<32xi32, #tpu.memory_space<vmem>>
        %dma_start3A_291 = arith.constant 0 : i32
        %dma_start3A_292 = arith.constant 0 : i32
        %dma_start3A_293 = tpu.memref_slice %arg13[%dma_start3A_291, %dma_start3A_292] : memref<5152x128xf32, #tpu.memory_space<vmem_shared>> -> memref<5152x128xf32, #tpu.memory_space<vmem_shared>>
        tpu.enqueue_indirect_dma source(%arg11 : memref<32x128xf32, #tpu.memory_space<vmem>>) target(%dma_start3A_293 : memref<5152x128xf32, #tpu.memory_space<vmem_shared>>) offsets(%dma_start3A_290 : memref<32xi32, #tpu.memory_space<vmem>>) semaphore(%run_scoped3A_287 : memref<!tpu.dma_semaphore, #tpu.memory_space<semaphore_mem>>) {add = true}
        %dma_wait3A_294 = arith.constant 32 : i32
        %dma_wait3A_295 = tpu.memref_slice %arg9[%run_scoped3A_263, %dma_wait3A_294] : memref<2x128xi32, #tpu.memory_space<vmem>> -> memref<1x32xi32, #tpu.memory_space<vmem>>
        %dma_wait3A_296 = tpu.memref_squeeze %dma_wait3A_295 : memref<1x32xi32, #tpu.memory_space<vmem>> -> memref<32xi32, #tpu.memory_space<vmem>>
        %dma_wait3A_297 = arith.constant 0 : i32
        %dma_wait3A_298 = arith.constant 0 : i32
        %dma_wait3A_299 = tpu.memref_slice %arg13[%dma_wait3A_297, %dma_wait3A_298] : memref<5152x128xf32, #tpu.memory_space<vmem_shared>> -> memref<5152x128xf32, #tpu.memory_space<vmem_shared>>
        tpu.wait_indirect_dma semaphore(%run_scoped3A_287 : memref<!tpu.dma_semaphore, #tpu.memory_space<semaphore_mem>>) src(%arg11 : memref<32x128xf32, #tpu.memory_space<vmem>>) dst(%dma_wait3A_299 : memref<5152x128xf32, #tpu.memory_space<vmem_shared>>)
        tpu.yield
      }) : () -> ()
      %dma_start3A_264 = arith.constant 1 : i32
      %dma_start3A_265 = arith.constant 96 : i32
      %dma_start3A_266 = tpu.memref_slice %arg8[%dma_start3A_264, %dma_start3A_265] : memref<2x128xi32, #tpu.memory_space<vmem>> -> memref<1x32xi32, #tpu.memory_space<vmem>>
      %dma_start3A_267 = tpu.memref_squeeze %dma_start3A_266 : memref<1x32xi32, #tpu.memory_space<vmem>> -> memref<32xi32, #tpu.memory_space<vmem>>
      %dma_start3A_268 = arith.constant 0 : i32
      %dma_start3A_269 = arith.constant 0 : i32
      %dma_start3A_270 = tpu.memref_slice %arg12[%dma_start3A_268, %dma_start3A_269] : memref<10048x128xf32, #tpu.memory_space<vmem_shared>> -> memref<10048x128xf32, #tpu.memory_space<vmem_shared>>
      tpu.enqueue_indirect_dma source(%dma_start3A_270 : memref<10048x128xf32, #tpu.memory_space<vmem_shared>>) target(%arg11 : memref<32x128xf32, #tpu.memory_space<vmem>>) offsets(%dma_start3A_267 : memref<32xi32, #tpu.memory_space<vmem>>) semaphore(%arg15 : memref<!tpu.dma_semaphore, #tpu.memory_space<semaphore_mem>>)
      %dma_wait3A_271 = arith.constant 1 : i32
      %dma_wait3A_272 = arith.constant 64 : i32
      %dma_wait3A_273 = tpu.memref_slice %arg8[%dma_wait3A_271, %dma_wait3A_272] : memref<2x128xi32, #tpu.memory_space<vmem>> -> memref<1x32xi32, #tpu.memory_space<vmem>>
      %dma_wait3A_274 = tpu.memref_squeeze %dma_wait3A_273 : memref<1x32xi32, #tpu.memory_space<vmem>> -> memref<32xi32, #tpu.memory_space<vmem>>
      %dma_wait3A_275 = arith.constant 0 : i32
      %dma_wait3A_276 = arith.constant 0 : i32
      %dma_wait3A_277 = tpu.memref_slice %arg12[%dma_wait3A_275, %dma_wait3A_276] : memref<10048x128xf32, #tpu.memory_space<vmem_shared>> -> memref<10048x128xf32, #tpu.memory_space<vmem_shared>>
      tpu.wait_indirect_dma semaphore(%arg14 : memref<!tpu.dma_semaphore, #tpu.memory_space<semaphore_mem>>) src(%dma_wait3A_277 : memref<10048x128xf32, #tpu.memory_space<vmem_shared>>) dst(%arg10 : memref<32x128xf32, #tpu.memory_space<vmem>>)
      %run_scoped3A_278 = arith.constant 1 : i32
      "tpu.region"() ({
        %run_scoped3A_287 = tpu.sem_alloc : memref<!tpu.dma_semaphore, #tpu.memory_space<semaphore_mem>>
        %dma_start3A_288 = arith.constant 64 : i32
        %dma_start3A_289 = tpu.memref_slice %arg9[%run_scoped3A_278, %dma_start3A_288] : memref<2x128xi32, #tpu.memory_space<vmem>> -> memref<1x32xi32, #tpu.memory_space<vmem>>
        %dma_start3A_290 = tpu.memref_squeeze %dma_start3A_289 : memref<1x32xi32, #tpu.memory_space<vmem>> -> memref<32xi32, #tpu.memory_space<vmem>>
        %dma_start3A_291 = arith.constant 0 : i32
        %dma_start3A_292 = arith.constant 0 : i32
        %dma_start3A_293 = tpu.memref_slice %arg13[%dma_start3A_291, %dma_start3A_292] : memref<5152x128xf32, #tpu.memory_space<vmem_shared>> -> memref<5152x128xf32, #tpu.memory_space<vmem_shared>>
        tpu.enqueue_indirect_dma source(%arg10 : memref<32x128xf32, #tpu.memory_space<vmem>>) target(%dma_start3A_293 : memref<5152x128xf32, #tpu.memory_space<vmem_shared>>) offsets(%dma_start3A_290 : memref<32xi32, #tpu.memory_space<vmem>>) semaphore(%run_scoped3A_287 : memref<!tpu.dma_semaphore, #tpu.memory_space<semaphore_mem>>) {add = true}
        %dma_wait3A_294 = arith.constant 64 : i32
        %dma_wait3A_295 = tpu.memref_slice %arg9[%run_scoped3A_278, %dma_wait3A_294] : memref<2x128xi32, #tpu.memory_space<vmem>> -> memref<1x32xi32, #tpu.memory_space<vmem>>
        %dma_wait3A_296 = tpu.memref_squeeze %dma_wait3A_295 : memref<1x32xi32, #tpu.memory_space<vmem>> -> memref<32xi32, #tpu.memory_space<vmem>>
        %dma_wait3A_297 = arith.constant 0 : i32
        %dma_wait3A_298 = arith.constant 0 : i32
        %dma_wait3A_299 = tpu.memref_slice %arg13[%dma_wait3A_297, %dma_wait3A_298] : memref<5152x128xf32, #tpu.memory_space<vmem_shared>> -> memref<5152x128xf32, #tpu.memory_space<vmem_shared>>
        tpu.wait_indirect_dma semaphore(%run_scoped3A_287 : memref<!tpu.dma_semaphore, #tpu.memory_space<semaphore_mem>>) src(%arg10 : memref<32x128xf32, #tpu.memory_space<vmem>>) dst(%dma_wait3A_299 : memref<5152x128xf32, #tpu.memory_space<vmem_shared>>)
        tpu.yield
      }) : () -> ()
      %dma_wait3A_279 = arith.constant 1 : i32
      %dma_wait3A_280 = arith.constant 96 : i32
      %dma_wait3A_281 = tpu.memref_slice %arg8[%dma_wait3A_279, %dma_wait3A_280] : memref<2x128xi32, #tpu.memory_space<vmem>> -> memref<1x32xi32, #tpu.memory_space<vmem>>
      %dma_wait3A_282 = tpu.memref_squeeze %dma_wait3A_281 : memref<1x32xi32, #tpu.memory_space<vmem>> -> memref<32xi32, #tpu.memory_space<vmem>>
      %dma_wait3A_283 = arith.constant 0 : i32
      %dma_wait3A_284 = arith.constant 0 : i32
      %dma_wait3A_285 = tpu.memref_slice %arg12[%dma_wait3A_283, %dma_wait3A_284] : memref<10048x128xf32, #tpu.memory_space<vmem_shared>> -> memref<10048x128xf32, #tpu.memory_space<vmem_shared>>
      tpu.wait_indirect_dma semaphore(%arg15 : memref<!tpu.dma_semaphore, #tpu.memory_space<semaphore_mem>>) src(%dma_wait3A_285 : memref<10048x128xf32, #tpu.memory_space<vmem_shared>>) dst(%arg11 : memref<32x128xf32, #tpu.memory_space<vmem>>)
      %run_scoped3A_286 = arith.constant 1 : i32
      "tpu.region"() ({
        %run_scoped3A_287 = tpu.sem_alloc : memref<!tpu.dma_semaphore, #tpu.memory_space<semaphore_mem>>
        %dma_start3A_288 = arith.constant 96 : i32
        %dma_start3A_289 = tpu.memref_slice %arg9[%run_scoped3A_286, %dma_start3A_288] : memref<2x128xi32, #tpu.memory_space<vmem>> -> memref<1x32xi32, #tpu.memory_space<vmem>>
        %dma_start3A_290 = tpu.memref_squeeze %dma_start3A_289 : memref<1x32xi32, #tpu.memory_space<vmem>> -> memref<32xi32, #tpu.memory_space<vmem>>
        %dma_start3A_291 = arith.constant 0 : i32
        %dma_start3A_292 = arith.constant 0 : i32
        %dma_start3A_293 = tpu.memref_slice %arg13[%dma_start3A_291, %dma_start3A_292] : memref<5152x128xf32, #tpu.memory_space<vmem_shared>> -> memref<5152x128xf32, #tpu.memory_space<vmem_shared>>
        tpu.enqueue_indirect_dma source(%arg11 : memref<32x128xf32, #tpu.memory_space<vmem>>) target(%dma_start3A_293 : memref<5152x128xf32, #tpu.memory_space<vmem_shared>>) offsets(%dma_start3A_290 : memref<32xi32, #tpu.memory_space<vmem>>) semaphore(%run_scoped3A_287 : memref<!tpu.dma_semaphore, #tpu.memory_space<semaphore_mem>>) {add = true}
        %dma_wait3A_294 = arith.constant 96 : i32
        %dma_wait3A_295 = tpu.memref_slice %arg9[%run_scoped3A_286, %dma_wait3A_294] : memref<2x128xi32, #tpu.memory_space<vmem>> -> memref<1x32xi32, #tpu.memory_space<vmem>>
        %dma_wait3A_296 = tpu.memref_squeeze %dma_wait3A_295 : memref<1x32xi32, #tpu.memory_space<vmem>> -> memref<32xi32, #tpu.memory_space<vmem>>
        %dma_wait3A_297 = arith.constant 0 : i32
        %dma_wait3A_298 = arith.constant 0 : i32
        %dma_wait3A_299 = tpu.memref_slice %arg13[%dma_wait3A_297, %dma_wait3A_298] : memref<5152x128xf32, #tpu.memory_space<vmem_shared>> -> memref<5152x128xf32, #tpu.memory_space<vmem_shared>>
        tpu.wait_indirect_dma semaphore(%run_scoped3A_287 : memref<!tpu.dma_semaphore, #tpu.memory_space<semaphore_mem>>) src(%arg11 : memref<32x128xf32, #tpu.memory_space<vmem>>) dst(%dma_wait3A_299 : memref<5152x128xf32, #tpu.memory_space<vmem_shared>>)
        tpu.yield
      }) : () -> ()
    }
    %scan3A_26 = arith.constant 40 : i32
    %barrier3A_27 = arith.constant 0 : index
    tpu.barrier barrier_id(%barrier3A_27)
    %barrier3A_28 = arith.constant 0 : index
    tpu.barrier barrier_id(%barrier3A_28)
    %mul3A_29 = arith.constant 320 : i32
    %mul3A_30 = arith.muli %arg1, %mul3A_29 : i32
    %mul3A_31 = arith.constant 320 : i32
    %mul3A_32 = arith.muli %arg1, %mul3A_31 : i32
    "tpu.region"() ({
      %run_scoped3A = tpu.sem_alloc : memref<!tpu.dma_semaphore, #tpu.memory_space<semaphore_mem>>
      %dma_start3A = arith.constant 0 : i32
      %dma_start3A_33 = tpu.memref_slice %arg5[%arg0, %mul3A_32, %dma_start3A] : memref<2x5120x128xf32, #tpu.memory_space<hbm>> -> memref<1x320x128xf32, #tpu.memory_space<hbm>>
      %dma_start3A_34 = tpu.memref_squeeze %dma_start3A_33 : memref<1x320x128xf32, #tpu.memory_space<hbm>> -> memref<320x128xf32, #tpu.memory_space<hbm>>
      %dma_start3A_35 = arith.constant 0 : i32
      %dma_start3A_36 = tpu.memref_slice %arg13[%mul3A_30, %dma_start3A_35] : memref<5152x128xf32, #tpu.memory_space<vmem_shared>> -> memref<320x128xf32, #tpu.memory_space<vmem_shared>>
      tpu.enqueue_dma source(%dma_start3A_36 : memref<320x128xf32, #tpu.memory_space<vmem_shared>>) target(%dma_start3A_34 : memref<320x128xf32, #tpu.memory_space<hbm>>) target_semaphore(%run_scoped3A : memref<!tpu.dma_semaphore, #tpu.memory_space<semaphore_mem>>)
      %dma_wait3A = arith.constant 0 : i32
      %dma_wait3A_37 = tpu.memref_slice %arg5[%arg0, %mul3A_32, %dma_wait3A] : memref<2x5120x128xf32, #tpu.memory_space<hbm>> -> memref<1x320x128xf32, #tpu.memory_space<hbm>>
      %dma_wait3A_38 = tpu.memref_squeeze %dma_wait3A_37 : memref<1x320x128xf32, #tpu.memory_space<hbm>> -> memref<320x128xf32, #tpu.memory_space<hbm>>
      %dma_wait3A_39 = arith.constant 0 : i32
      %dma_wait3A_40 = tpu.memref_slice %arg13[%mul3A_30, %dma_wait3A_39] : memref<5152x128xf32, #tpu.memory_space<vmem_shared>> -> memref<320x128xf32, #tpu.memory_space<vmem_shared>>
      tpu.wait_dma2 semaphore(%run_scoped3A : memref<!tpu.dma_semaphore, #tpu.memory_space<semaphore_mem>>) src(%dma_wait3A_40 : memref<320x128xf32, #tpu.memory_space<vmem_shared>>) dst(%dma_wait3A_38 : memref<320x128xf32, #tpu.memory_space<hbm>>)
      tpu.yield
    }) : () -> ()
    return
  }
}

module attributes {stable_mosaic.version = 14 : i64} {
  func.func @_tc1_body(%arg0: i32, %arg1: memref<2x1256x128xf32, #tpu.memory_space<vmem>>, %arg2: memref<1256x128xf32, #tpu.memory_space<vmem>>, %arg3: memref<128x128xf32, #tpu.memory_space<vmem>>, %arg4: memref<320x128xi32, #tpu.memory_space<vmem>>, %arg5: memref<1256x128xf32, #tpu.memory_space<vmem>>, %arg6: memref<1256x128xf32, #tpu.memory_space<vmem>>, %arg7: memref<320x128xi32, #tpu.memory_space<vmem>>, %arg8: memref<320x128xi32, #tpu.memory_space<vmem>>) attributes {dimension_semantics = [#tpu.dimension_semantics<arbitrary>], iteration_bounds = array<i64: 8>, scalar_prefetch = 0 : i64, scratch_operands = 0 : i64, tpu.core_type = #tpu.core_type<tc>, window_params = [{transform_indices = @transform_0, window_bounds = array<i64: 2, 1256, 128>}, {transform_indices = @transform_1, window_bounds = array<i64: 1256, 128>}, {pipeline_mode = #tpu.pipeline_mode<synchronous>, transform_indices = @transform_2, window_bounds = array<i64: 128, 128>}, {transform_indices = @transform_3, window_bounds = array<i64: 320, 128>}, {transform_indices = @transform_4, window_bounds = array<i64: 1256, 128>}, {transform_indices = @transform_5, window_bounds = array<i64: 1256, 128>}, {transform_indices = @transform_6, window_bounds = array<i64: 320, 128>}, {transform_indices = @transform_7, window_bounds = array<i64: 320, 128>}]} {
    %get3A = arith.constant 0 : index
    %get3A_0 = arith.constant 0 : index
    %get3A_1 = arith.constant 0 : index
    %get3A_2 = vector.load %arg1[%get3A, %get3A_0, %get3A_1] : memref<2x1256x128xf32, #tpu.memory_space<vmem>>, vector<1x1256x128xf32>
    %get3A_3 = vector.shape_cast %get3A_2 : vector<1x1256x128xf32> to vector<1256x128xf32>
    %get3A_4 = arith.constant 1 : index
    %get3A_5 = arith.constant 0 : index
    %get3A_6 = arith.constant 0 : index
    %get3A_7 = vector.load %arg1[%get3A_4, %get3A_5, %get3A_6] : memref<2x1256x128xf32, #tpu.memory_space<vmem>>, vector<1x1256x128xf32>
    %get3A_8 = vector.shape_cast %get3A_7 : vector<1x1256x128xf32> to vector<1256x128xf32>
    %add3A = arith.addf %get3A_3, %get3A_8 : vector<1256x128xf32>
    %slice3A = vector.extract_strided_slice %add3A {offsets = [0, 0], sizes = [1256, 1], strides = [1, 1]} : vector<1256x128xf32> to vector<1256x1xf32>
    %add3A_9 = arith.constant 1.000000e+00 : f32
    %add3A_10 = vector.broadcast %add3A_9 : f32 to vector<1256x1xf32>
    %add3A_11 = arith.addf %slice3A, %add3A_10 : vector<1256x1xf32>
    %mul3A = arith.constant 1256 : i32
    %mul3A_12 = arith.muli %arg0, %mul3A : i32
    %iota3A = tpu.iota {dimensions = array<i32: 0>} : vector<1256x1xi32>
    %add3A_13 = vector.broadcast %mul3A_12 : i32 to vector<1256x1xi32>
    %add3A_14 = arith.addi %add3A_13, %iota3A : vector<1256x1xi32>
    %lt3A = arith.constant 10000 : i32
    %lt3A_15 = vector.broadcast %lt3A : i32 to vector<1256x1xi32>
    %lt3A_16 = arith.cmpi slt, %add3A_14, %lt3A_15 : vector<1256x1xi32>
    %rsqrt3A = math.rsqrt %add3A_11 : vector<1256x1xf32>
    %jit3A = arith.constant 0.000000e+00 : f32
    %broadcast_in_dim3A = vector.broadcast %jit3A : f32 to vector<1256x1xf32>
    %select_n3A = arith.select %lt3A_16, %rsqrt3A, %broadcast_in_dim3A : vector<1256x1xi1>, vector<1256x1xf32>
    %get3A_17 = arith.constant 0 : index
    %get3A_18 = arith.constant 0 : index
    %get3A_19 = vector.load %arg2[%get3A_17, %get3A_18] : memref<1256x128xf32, #tpu.memory_space<vmem>>, vector<1256x128xf32>
    %get3A_20 = arith.constant 0 : index
    %get3A_21 = arith.constant 0 : index
    %get3A_22 = vector.load %arg3[%get3A_20, %get3A_21] : memref<128x128xf32, #tpu.memory_space<vmem>>, vector<128x128xf32>
    %dot_general3A = arith.constant dense<0.000000e+00> : vector<1256x128xf32>
    %dot_general3A_23 = tpu.matmul %get3A_19, %get3A_22, %dot_general3A {dimension_numbers = #tpu.dot_dimension_numbers<[1], [0], [0], [1], [0, 0, 1, 1], [], []>, transpose_lhs_hint = false} : vector<1256x128xf32>, vector<128x128xf32>, vector<1256x128xf32> -> vector<1256x128xf32>
    %mul3A_24 = vector.broadcast %select_n3A : vector<1256x1xf32> to vector<1256x128xf32>
    %mul3A_25 = arith.mulf %dot_general3A_23, %mul3A_24 : vector<1256x128xf32>
    %swap3A = arith.constant 0 : index
    %swap3A_26 = arith.constant 0 : index
    %swap3A_27 = vector.load %arg5[%swap3A, %swap3A_26] : memref<1256x128xf32, #tpu.memory_space<vmem>>, vector<1256x128xf32>
    tpu.vector_store %arg5[%swap3A, %swap3A_26], %mul3A_25 {strides = array<i32>} : memref<1256x128xf32, #tpu.memory_space<vmem>>, vector<1256x128xf32>,
    %broadcast_in_dim3A_28 = vector.shape_cast %select_n3A : vector<1256x1xf32> to vector<1256x1xf32>
    %broadcast_in_dim3A_29 = vector.broadcast %broadcast_in_dim3A_28 : vector<1256x1xf32> to vector<1256x128xf32>
    %swap3A_30 = arith.constant 0 : index
    %swap3A_31 = arith.constant 0 : index
    %swap3A_32 = vector.load %arg6[%swap3A_30, %swap3A_31] : memref<1256x128xf32, #tpu.memory_space<vmem>>, vector<1256x128xf32>
    tpu.vector_store %arg6[%swap3A_30, %swap3A_31], %broadcast_in_dim3A_29 {strides = array<i32>} : memref<1256x128xf32, #tpu.memory_space<vmem>>, vector<1256x128xf32>,
    %get3A_33 = arith.constant 0 : index
    %get3A_34 = arith.constant 0 : index
    %get3A_35 = vector.load %arg4[%get3A_33, %get3A_34] : memref<320x128xi32, #tpu.memory_space<vmem>>, vector<320x128xi32>
    %iota3A_36 = tpu.iota {dimensions = array<i32: 1>} : vector<320x128xi32>
    %jit3A_37 = arith.constant 32 : i32
    %eq3A = arith.constant 0 : i32
    %eq3A_38 = arith.cmpi eq, %jit3A_37, %eq3A : i32
    %jit3A_39 = arith.constant 1 : i32
    %select_n3A_40 = arith.select %eq3A_38, %jit3A_39, %jit3A_37 : i32
    %rem3A = vector.broadcast %select_n3A_40 : i32 to vector<320x128xi32>
    %rem3A_41 = arith.remsi %iota3A_36, %rem3A : vector<320x128xi32>
    %ne3A = arith.constant 0 : i32
    %ne3A_42 = vector.broadcast %ne3A : i32 to vector<320x128xi32>
    %ne3A_43 = arith.cmpi ne, %rem3A_41, %ne3A_42 : vector<320x128xi32>
    %lt3A_44 = arith.constant 0 : i32
    %lt3A_45 = vector.broadcast %lt3A_44 : i32 to vector<320x128xi32>
    %lt3A_46 = arith.cmpi slt, %rem3A_41, %lt3A_45 : vector<320x128xi32>
    %lt3A_47 = arith.constant 0 : i32
    %lt3A_48 = arith.cmpi slt, %select_n3A_40, %lt3A_47 : i32
    %ne3A_49 = vector.broadcast %lt3A_48 : i1 to vector<320x128xi1>
    %ne3A_50 = vector.broadcast %ne3A_49 : vector<320x128xi1> to vector<320x128xi1>
    %ne3A_51 = arith.xori %lt3A_46, %ne3A_50 : vector<320x128xi1>
    %and3A = arith.andi %ne3A_51, %ne3A_43 : vector<320x128xi1>
    %add3A_52 = vector.broadcast %select_n3A_40 : i32 to vector<320x128xi32>
    %add3A_53 = arith.addi %rem3A_41, %add3A_52 : vector<320x128xi32>
    %select_n3A_54 = arith.select %and3A, %add3A_53, %rem3A_41 : vector<320x128xi1>, vector<320x128xi32>
    %add3A_55 = arith.constant 5120 : i32
    %add3A_56 = vector.broadcast %add3A_55 : i32 to vector<320x128xi32>
    %add3A_57 = arith.addi %add3A_56, %select_n3A_54 : vector<320x128xi32>
    %lt3A_58 = arith.constant 5120 : i32
    %lt3A_59 = vector.broadcast %lt3A_58 : i32 to vector<320x128xi32>
    %lt3A_60 = arith.cmpi slt, %get3A_35, %lt3A_59 : vector<320x128xi32>
    %select_n3A_61 = arith.select %lt3A_60, %get3A_35, %add3A_57 : vector<320x128xi1>, vector<320x128xi32>
    %swap3A_62 = arith.constant 0 : index
    %swap3A_63 = arith.constant 0 : index
    %swap3A_64 = vector.load %arg7[%swap3A_62, %swap3A_63] : memref<320x128xi32, #tpu.memory_space<vmem>>, vector<320x128xi32>
    tpu.vector_store %arg7[%swap3A_62, %swap3A_63], %select_n3A_61 {strides = array<i32>} : memref<320x128xi32, #tpu.memory_space<vmem>>, vector<320x128xi32>,
    %ge3A = arith.constant 5120 : i32
    %ge3A_65 = vector.broadcast %ge3A : i32 to vector<320x128xi32>
    %ge3A_66 = arith.cmpi sge, %get3A_35, %ge3A_65 : vector<320x128xi32>
    %sub3A = arith.constant 5120 : i32
    %sub3A_67 = vector.broadcast %sub3A : i32 to vector<320x128xi32>
    %sub3A_68 = arith.subi %get3A_35, %sub3A_67 : vector<320x128xi32>
    %select_n3A_69 = arith.select %ge3A_66, %sub3A_68, %add3A_57 : vector<320x128xi1>, vector<320x128xi32>
    %swap3A_70 = arith.constant 0 : index
    %swap3A_71 = arith.constant 0 : index
    %swap3A_72 = vector.load %arg8[%swap3A_70, %swap3A_71] : memref<320x128xi32, #tpu.memory_space<vmem>>, vector<320x128xi32>
    tpu.vector_store %arg8[%swap3A_70, %swap3A_71], %select_n3A_69 {strides = array<i32>} : memref<320x128xi32, #tpu.memory_space<vmem>>, vector<320x128xi32>,
    return
  }
  func.func @transform_0(%arg0: i32) -> (i32, i32, i32) {
    %c0_i32 = arith.constant 0 : i32
    %c0_i32_0 = arith.constant 0 : i32
    %c0_i32_1 = arith.constant 0 : i32
    return %c0_i32, %arg0, %c0_i32_0 : i32, i32, i32
  }
  func.func @transform_1(%arg0: i32) -> (i32, i32) {
    %c0_i32 = arith.constant 0 : i32
    %c0_i32_0 = arith.constant 0 : i32
    return %arg0, %c0_i32 : i32, i32
  }
  func.func @transform_2(%arg0: i32) -> (i32, i32) {
    %c0_i32 = arith.constant 0 : i32
    %c0_i32_0 = arith.constant 0 : i32
    %c0_i32_1 = arith.constant 0 : i32
    return %c0_i32, %c0_i32_0 : i32, i32
  }
  func.func @transform_3(%arg0: i32) -> (i32, i32) {
    %c0_i32 = arith.constant 0 : i32
    %c0_i32_0 = arith.constant 0 : i32
    return %arg0, %c0_i32 : i32, i32
  }
  func.func @transform_4(%arg0: i32) -> (i32, i32) {
    %c0_i32 = arith.constant 0 : i32
    %c0_i32_0 = arith.constant 0 : i32
    return %arg0, %c0_i32 : i32, i32
  }
  func.func @transform_5(%arg0: i32) -> (i32, i32) {
    %c0_i32 = arith.constant 0 : i32
    %c0_i32_0 = arith.constant 0 : i32
    return %arg0, %c0_i32 : i32, i32
  }
  func.func @transform_6(%arg0: i32) -> (i32, i32) {
    %c0_i32 = arith.constant 0 : i32
    %c0_i32_0 = arith.constant 0 : i32
    return %arg0, %c0_i32 : i32, i32
  }
  func.func @transform_7(%arg0: i32) -> (i32, i32) {
    %c0_i32 = arith.constant 0 : i32
    %c0_i32_0 = arith.constant 0 : i32
    return %arg0, %c0_i32 : i32, i32
  }
}

module attributes {stable_mosaic.version = 14 : i64} {
  func.func @_tc2_body(%arg0: i32, %arg1: memref<1256x128xf32, #tpu.memory_space<vmem>>, %arg2: memref<1256x128xf32, #tpu.memory_space<vmem>>, %arg3: memref<1x128xf32, #tpu.memory_space<vmem>>, %arg4: memref<128x128xf32, #tpu.memory_space<vmem>>, %arg5: memref<1256x128xf32, #tpu.memory_space<vmem>>) attributes {dimension_semantics = [#tpu.dimension_semantics<arbitrary>], iteration_bounds = array<i64: 8>, scalar_prefetch = 0 : i64, scratch_operands = 0 : i64, tpu.core_type = #tpu.core_type<tc>, window_params = [{transform_indices = @transform_0, window_bounds = array<i64: 1256, 128>}, {transform_indices = @transform_1, window_bounds = array<i64: 1256, 128>}, {pipeline_mode = #tpu.pipeline_mode<synchronous>, transform_indices = @transform_2, window_bounds = array<i64: 1, 128>}, {pipeline_mode = #tpu.pipeline_mode<synchronous>, transform_indices = @transform_3, window_bounds = array<i64: 128, 128>}, {transform_indices = @transform_4, window_bounds = array<i64: 1256, 128>}]} {
    %get3A = arith.constant 0 : index
    %get3A_0 = arith.constant 0 : index
    %get3A_1 = vector.load %arg2[%get3A, %get3A_0] : memref<1256x128xf32, #tpu.memory_space<vmem>>, vector<1256x128xf32>
    %get3A_2 = arith.constant 0 : index
    %get3A_3 = arith.constant 0 : index
    %get3A_4 = vector.load %arg1[%get3A_2, %get3A_3] : memref<1256x128xf32, #tpu.memory_space<vmem>>, vector<1256x128xf32>
    %mul3A = arith.mulf %get3A_1, %get3A_4 : vector<1256x128xf32>
    %get3A_5 = arith.constant 0 : index
    %get3A_6 = arith.constant 0 : index
    %get3A_7 = vector.load %arg3[%get3A_5, %get3A_6] : memref<1x128xf32, #tpu.memory_space<vmem>>, vector<1x128xf32>
    %add3A = vector.broadcast %get3A_7 : vector<1x128xf32> to vector<1256x128xf32>
    %add3A_8 = arith.addf %mul3A, %add3A : vector<1256x128xf32>
    %max3A = arith.constant 0.000000e+00 : f32
    %max3A_9 = vector.broadcast %max3A : f32 to vector<1256x128xf32>
    %max3A_10 = arith.maximumf %add3A_8, %max3A_9 : vector<1256x128xf32>
    %mul3A_11 = arith.constant 1256 : i32
    %mul3A_12 = arith.muli %arg0, %mul3A_11 : i32
    %iota3A = tpu.iota {dimensions = array<i32: 0>} : vector<1256x1xi32>
    %add3A_13 = vector.broadcast %mul3A_12 : i32 to vector<1256x1xi32>
    %add3A_14 = arith.addi %add3A_13, %iota3A : vector<1256x1xi32>
    %lt3A = arith.constant 10000 : i32
    %lt3A_15 = vector.broadcast %lt3A : i32 to vector<1256x1xi32>
    %lt3A_16 = arith.cmpi slt, %add3A_14, %lt3A_15 : vector<1256x1xi32>
    %jit3A = arith.constant 0.000000e+00 : f32
    %broadcast_in_dim3A = vector.shape_cast %lt3A_16 : vector<1256x1xi1> to vector<1256x1xi1>
    %broadcast_in_dim3A_17 = vector.broadcast %broadcast_in_dim3A : vector<1256x1xi1> to vector<1256x128xi1>
    %broadcast_in_dim3A_18 = vector.broadcast %jit3A : f32 to vector<1256x128xf32>
    %select_n3A = arith.select %broadcast_in_dim3A_17, %max3A_10, %broadcast_in_dim3A_18 : vector<1256x128xi1>, vector<1256x128xf32>
    %get3A_19 = arith.constant 0 : index
    %get3A_20 = arith.constant 0 : index
    %get3A_21 = vector.load %arg4[%get3A_19, %get3A_20] : memref<128x128xf32, #tpu.memory_space<vmem>>, vector<128x128xf32>
    %dot_general3A = arith.constant dense<0.000000e+00> : vector<1256x128xf32>
    %dot_general3A_22 = tpu.matmul %select_n3A, %get3A_21, %dot_general3A {dimension_numbers = #tpu.dot_dimension_numbers<[1], [0], [0], [1], [0, 0, 1, 1], [], []>, transpose_lhs_hint = false} : vector<1256x128xf32>, vector<128x128xf32>, vector<1256x128xf32> -> vector<1256x128xf32>
    %get3A_23 = arith.constant 0 : index
    %get3A_24 = arith.constant 0 : index
    %get3A_25 = vector.load %arg2[%get3A_23, %get3A_24] : memref<1256x128xf32, #tpu.memory_space<vmem>>, vector<1256x128xf32>
    %mul3A_26 = arith.mulf %dot_general3A_22, %get3A_25 : vector<1256x128xf32>
    %swap3A = arith.constant 0 : index
    %swap3A_27 = arith.constant 0 : index
    %swap3A_28 = vector.load %arg5[%swap3A, %swap3A_27] : memref<1256x128xf32, #tpu.memory_space<vmem>>, vector<1256x128xf32>
    tpu.vector_store %arg5[%swap3A, %swap3A_27], %mul3A_26 {strides = array<i32>} : memref<1256x128xf32, #tpu.memory_space<vmem>>, vector<1256x128xf32>,
    return
  }
  func.func @transform_0(%arg0: i32) -> (i32, i32) {
    %c0_i32 = arith.constant 0 : i32
    %c0_i32_0 = arith.constant 0 : i32
    return %arg0, %c0_i32 : i32, i32
  }
  func.func @transform_1(%arg0: i32) -> (i32, i32) {
    %c0_i32 = arith.constant 0 : i32
    %c0_i32_0 = arith.constant 0 : i32
    return %arg0, %c0_i32 : i32, i32
  }
  func.func @transform_2(%arg0: i32) -> (i32, i32) {
    %c0_i32 = arith.constant 0 : i32
    %c0_i32_0 = arith.constant 0 : i32
    %c0_i32_1 = arith.constant 0 : i32
    return %c0_i32, %c0_i32_0 : i32, i32
  }
  func.func @transform_3(%arg0: i32) -> (i32, i32) {
    %c0_i32 = arith.constant 0 : i32
    %c0_i32_0 = arith.constant 0 : i32
    %c0_i32_1 = arith.constant 0 : i32
    return %c0_i32, %c0_i32_0 : i32, i32
  }
  func.func @transform_4(%arg0: i32) -> (i32, i32) {
    %c0_i32 = arith.constant 0 : i32
    %c0_i32_0 = arith.constant 0 : i32
    return %arg0, %c0_i32 : i32, i32
  }
}

module attributes {stable_mosaic.version = 14 : i64} {
  func.func @_tc3_body(%arg0: i32, %arg1: memref<1000x128xf32, #tpu.memory_space<vmem>>, %arg2: memref<1000x128xf32, #tpu.memory_space<vmem>>, %arg3: memref<1x128xf32, #tpu.memory_space<vmem>>, %arg4: memref<1000x128xf32, #tpu.memory_space<vmem>>) attributes {dimension_semantics = [#tpu.dimension_semantics<arbitrary>], iteration_bounds = array<i64: 10>, scalar_prefetch = 0 : i64, scratch_operands = 0 : i64, tpu.core_type = #tpu.core_type<tc>, window_params = [{transform_indices = @transform_0, window_bounds = array<i64: 1000, 128>}, {transform_indices = @transform_1, window_bounds = array<i64: 1000, 128>}, {pipeline_mode = #tpu.pipeline_mode<synchronous>, transform_indices = @transform_2, window_bounds = array<i64: 1, 128>}, {transform_indices = @transform_3, window_bounds = array<i64: 1000, 128>}]} {
    %get3A = arith.constant 0 : index
    %get3A_0 = arith.constant 0 : index
    %get3A_1 = vector.load %arg2[%get3A, %get3A_0] : memref<1000x128xf32, #tpu.memory_space<vmem>>, vector<1000x128xf32>
    %get3A_2 = arith.constant 0 : index
    %get3A_3 = arith.constant 0 : index
    %get3A_4 = vector.load %arg1[%get3A_2, %get3A_3] : memref<1000x128xf32, #tpu.memory_space<vmem>>, vector<1000x128xf32>
    %mul3A = arith.mulf %get3A_1, %get3A_4 : vector<1000x128xf32>
    %get3A_5 = arith.constant 0 : index
    %get3A_6 = arith.constant 0 : index
    %get3A_7 = vector.load %arg3[%get3A_5, %get3A_6] : memref<1x128xf32, #tpu.memory_space<vmem>>, vector<1x128xf32>
    %add3A = vector.broadcast %get3A_7 : vector<1x128xf32> to vector<1000x128xf32>
    %add3A_8 = arith.addf %mul3A, %add3A : vector<1000x128xf32>
    %max3A = arith.constant 0.000000e+00 : f32
    %max3A_9 = vector.broadcast %max3A : f32 to vector<1000x128xf32>
    %max3A_10 = arith.maximumf %add3A_8, %max3A_9 : vector<1000x128xf32>
    %swap3A = arith.constant 0 : index
    %swap3A_11 = arith.constant 0 : index
    %swap3A_12 = vector.load %arg4[%swap3A, %swap3A_11] : memref<1000x128xf32, #tpu.memory_space<vmem>>, vector<1000x128xf32>
    tpu.vector_store %arg4[%swap3A, %swap3A_11], %max3A_10 {strides = array<i32>} : memref<1000x128xf32, #tpu.memory_space<vmem>>, vector<1000x128xf32>,
    return
  }
  func.func @transform_0(%arg0: i32) -> (i32, i32) {
    %c0_i32 = arith.constant 0 : i32
    %c0_i32_0 = arith.constant 0 : i32
    return %arg0, %c0_i32 : i32, i32
  }
  func.func @transform_1(%arg0: i32) -> (i32, i32) {
    %c0_i32 = arith.constant 0 : i32
    %c0_i32_0 = arith.constant 0 : i32
    return %arg0, %c0_i32 : i32, i32
  }
  func.func @transform_2(%arg0: i32) -> (i32, i32) {
    %c0_i32 = arith.constant 0 : i32
    %c0_i32_0 = arith.constant 0 : i32
    %c0_i32_1 = arith.constant 0 : i32
    return %c0_i32, %c0_i32_0 : i32, i32
  }
  func.func @transform_3(%arg0: i32) -> (i32, i32) {
    %c0_i32 = arith.constant 0 : i32
    %c0_i32_0 = arith.constant 0 : i32
    return %arg0, %c0_i32 : i32, i32
  }
}

</mosaic_0001>

<sc_bundles>
// kernel: kernel.11.cloned.1.call-start
scs
__scs_entry_jumppad:
0x0: {  	(pc) =	sbr.rel $0x88, $3  }
0x1: {  	(tag) =	ssettag $0x0;
	lr =	simm.s32 $0x1  }
0x2: {  	[smem:$0x3F9B] =	sst lr;
	_ =	strace $0xD0000000  }
0x3: {  	_ = 	snop  }
0x4: {  	_ = 	snop  }
0x5: {  	_ = 	snop  }
0x6: {  	_ = 	snop  }
0x7: {  	_ = 	snop  }
__scs_overlays_trampoline_lowered:
0x8: {  	[smem:$0x3FAA] =	sst s0  }
0x9: {  	[smem:$0x3FAB] =	sst s1  }
0xa: {  	[smem:$0x3FAC] =	sst s2  }
0xb: {  	[smem:$0x3FAD] =	sst s3  }
0xc: {  	[smem:$0x3FAE] =	sst s4  }
0xd: {  	[smem:$0x3FAF] =	sst s5  }
0xe: {  	[smem:$0x3FB0] =	sst s6  }
0xf: {  	[smem:$0x3FB1] =	sst s7  }
0x10: {  	[smem:$0x3FB2] =	sst s8  }
0x11: {  	[smem:$0x3FB3] =	sst s9;
	s0 =	simm.s32 @!p0 $0x0  }
0x12: {  	s1 =	sld [smem:$0x3F99];
	s0 =	simm.s32 @p0 $0x1  }
0x13: {  	[smem:$0x3FB4] =	sst s0;
	s0 =	simm.s32 @!p1 $0x0  }
0x14: {  	s2 =	sld [smem:$0x3F98];
	s0 =	simm.s32 @p1 $0x1  }
0x15: {  	[smem:$0x3FB5] =	sst s0;
	s0 =	simm.s32 @!p2 $0x0  }
0x16: {  	s3 =	sld [smem:$0x3FDB];
	s0 =	simm.s32 @p2 $0x1  }
0x17: {  	s4 =	simm.s32 $0x1BF5;
	[smem:$0x3FB7] =	sst s0  }
0x18: {  	s0 =	sld [smem:$0x3F9A];
	_ =	swait.ge [sflag:s4], $0x0  }
0x19: {  	s7 =	sld [smem:$0x3F9B]  }
0x1a: {  	s8 =	sadd.s32 $0xFFFFE003, lr  }
0x1b: {  	s9 =	sadd.s32 $0xFFFFFEF7, lr;
	s5 =	simm.s32 $0xFFFFFFFF;
	p2 =	slt.u32 s8, $0xFFFFF086  }
0x1c: {  	p1 =	slt.u32 s9, $0xF7A;
	s5 =	simm.s32 @!p2 $0x0  }
0x1d: {  	s5 =	simm.s32 @p1 $0x1;
	p0 =	seq.s32 s7, s2  }
0x1e: {  	s7 =	smul.u32 @!p0 $0xF7A, s2;
	p2 =	seq.s32 @!p0 s5, $0x0  }
0x1f: {  	s9 =	smul.u32 $0xF7A, s1;
	s8 =	simm.s32 @!p0 $0x1BF5;
	p2 =	por !p2, p0  }
0x20: {  	[sflag:s8] =	ssyncset.s32 @!p0 $0xFFFFF086;
	s6 =	sadd.s32 @!p0 s3, s7;
	s7 =	simm.s32 @!p0 $0x108  }
0x21: {  	s3 =	sadd.s32 s3, s9;
	s6 =	sadd.s32 @!p0 $0x88, s6;
	s7 =	simm.s32 @p2 $0x1082  }
0x22: {  	[simem:s7], [sflag:s8] =	dma.local @!p0 [hbm:s6], $0xF7A  }
0x23: {  	s9 =	sor.u32 $0xD0000000, s2;
	s6 =	simm.s32 $0x108;
	_ =	swait.ge @!p0 [sflag:s8], $0x0  }
0x24: {  	s3 =	sadd.s32 $0x88, s3;
	s6 =	simm.s32 @!p1 $0x1082;
	[sflag:s4] =	ssyncset.s32 $0xFFFFF086  }
0x25: {  	[simem:s6], [sflag:s4] =	dma.local [hbm:s3], $0xF7A  }
0x26: {  	[smem:$0x3F9B] =	sst s1;
	(tag) =	ssettag s2;
	_ =	strace s9  }
0x27: {  	s1 =	sld [smem:$0x3FAB]  }
0x28: {  	s2 =	sld [smem:$0x3FAC]  }
0x29: {  	s4 =	sld [smem:$0x3FAE]  }
0x2a: {  	p0 =	seq.s32 s5, $0x0;
	s5 =	sld [smem:$0x3FAF]  }
0x2b: {  	s6 =	sld [smem:$0x3FB0]  }
0x2c: {  	s7 =	sld [smem:$0x3FB1]  }
0x2d: {  	s3 =	simm.s32 $0x108;
	s8 =	sld [smem:$0x3FB2]  }
0x2e: {  	s3 =	simm.s32 @!p0 $0x1082;
	s9 =	sld [smem:$0x3FB3]  }
0x2f: {  	lr =	sadd.s32 s0, s3;
	s0 =	sld [smem:$0x3FAA]  }
0x30: {  	s3 =	sld [smem:$0x3FAD]  }
0x31: {  	[smem:$0x3FB6] =	sst s10  }
0x32: {  	s10 =	sld [smem:$0x3FB4];
	_ =	sdelay $0x3  }
0x33: {  	p0 =	seq.s32 s10, $0x1;
	s10 =	sld [smem:$0x3FB6];
	_ =	sdelay $0x3  }
0x34: {  	[smem:$0x3FB6] =	sst s10  }
0x35: {  	s10 =	sld [smem:$0x3FB5];
	_ =	sdelay $0x3  }
0x36: {  	p1 =	seq.s32 s10, $0x1;
	s10 =	sld [smem:$0x3FB6];
	_ =	sdelay $0x3  }
0x37: {  	[smem:$0x3FB6] =	sst s10  }
0x38: {  	s10 =	sld [smem:$0x3FB7]  }
0x39: {  	_ = 	snop;
	(pc) =	sbr.ind lr, $3  }
0x3a: {  	_ = 	snop  }
0x3b: {  	_ = 	snop  }
0x3c: {  	p2 =	seq.s32 s10, $0x1;
	s10 =	sld [smem:$0x3FB6]  }
0x3d: {  	_ =	shalt  }
0x3e: {  	_ =	shalt  }
0x3f: {  	_ =	shalt  }
0x40: {  	_ =	shalt  }
0x41: {  	_ =	shalt  }
0x42: {  	_ =	shalt  }
0x43: {  	_ =	shalt  }
0x44: {  	_ =	shalt  }
0x45: {  	_ =	shalt  }
0x46: {  	_ =	shalt  }
0x47: {  	_ =	shalt  }
0x48: {  	_ =	shalt  }
0x49: {  	_ =	shalt  }
0x4a: {  	_ =	shalt  }
0x4b: {  	_ =	shalt  }
0x4c: {  	_ =	shalt  }
0x4d: {  	_ =	shalt  }
0x4e: {  	_ =	shalt  }
0x4f: {  	_ =	shalt  }
0x50: {  	_ =	shalt  }
0x51: {  	_ =	shalt  }
0x52: {  	_ =	shalt  }
0x53: {  	_ =	shalt  }
0x54: {  	_ =	shalt  }
0x55: {  	_ =	shalt  }
0x56: {  	_ =	shalt  }
0x57: {  	_ =	shalt  }
0x58: {  	_ =	shalt  }
0x59: {  	_ =	shalt  }
0x5a: {  	_ =	shalt  }
0x5b: {  	_ =	shalt  }
0x5c: {  	_ =	shalt  }
0x5d: {  	_ =	shalt  }
0x5e: {  	_ =	shalt  }
0x5f: {  	_ =	shalt  }
0x60: {  	_ =	shalt  }
0x61: {  	_ =	shalt  }
0x62: {  	_ =	shalt  }
0x63: {  	_ =	shalt  }
0x64: {  	_ =	shalt  }
0x65: {  	_ =	shalt  }
0x66: {  	_ =	shalt  }
0x67: {  	_ =	shalt  }
0x68: {  	_ =	shalt  }
0x69: {  	_ =	shalt  }
0x6a: {  	_ =	shalt  }
0x6b: {  	_ =	shalt  }
0x6c: {  	_ =	shalt  }
0x6d: {  	_ =	shalt  }
0x6e: {  	_ =	shalt  }
0x6f: {  	_ =	shalt  }
0x70: {  	_ =	shalt  }
0x71: {  	_ =	shalt  }
0x72: {  	_ =	shalt  }
0x73: {  	_ =	shalt  }
0x74: {  	_ =	shalt  }
0x75: {  	_ =	shalt  }
0x76: {  	_ =	shalt  }
0x77: {  	_ =	shalt  }
0x78: {  	_ =	shalt  }
0x79: {  	_ =	shalt  }
0x7a: {  	_ =	shalt  }
0x7b: {  	_ =	shalt  }
0x7c: {  	_ =	shalt  }
0x7d: {  	_ =	shalt  }
0x7e: {  	_ =	shalt  }
0x7f: {  	_ =	shalt  }
0x80: {  	_ =	shalt  }
0x81: {  	_ =	shalt  }
0x82: {  	_ =	shalt  }
0x83: {  	_ =	shalt  }
0x84: {  	_ =	shalt  }
0x85: {  	_ =	shalt  }
0x86: {  	_ =	shalt  }
0x87: {  	_ =	shalt  }
.Lfunc_end0:
.L_simem_size_0:
called_computation.1_lowered:
.L_overlay_start_0:
0x88: {  	s2 =	sld [smem:$0x3FD9]  }
0x89: {  	s3 =	sld [smem:$0x3FFE];
	_ =	sdelay $0x1  }
0x8a: {  	s1 =	srdreg.scid  }
0x8b: {  	s0 =	sand.u32 $0x1, s1  }
0x8c: {  	s17 =	sshll.u32 s0, $0xA;
	s2 =	sadd.s32 s3, s2  }
0x8d: {  	s2 =	sadd.s32 s2, s17  }
0x8e: {  	[smem:$0x3FC2] =	sst s2  }
0x8f: {  	_ = 	snop  }
0x90: {  	s2 =	sld [smem:$0x3FD0];
	(tm) =	ssettm $0x1  }
0x91: {  	s18 =	sld [smem:$0x3FFB];
	_ =	sdelay $0x3  }
0x92: {  	_ =	strace s18  }
0x93: {  	s3 =	sld [smem:$0x3FFC];
	_ =	sdelay $0x3  }
0x94: {  	_ =	strace s3  }
0x95: {  	s3 =	sld [smem:$0x3FFD];
	_ =	sdelay $0x3  }
0x96: {  	_ =	strace s3  }
0x97: {  	_ =	strace $0x8FFFFFFF  }
0x98: {  	s19 =	sld [smem:$0x3FDB];
	_ =	sdelay $0x1  }
0x99: {  	s4 =	simm.s32 $_scs_section_size  }
0x9a: {  	s5 =	simm.s32 $_size__tile_overlayer_lowered;
	s6 =	simm.s32 $_tile_overlayer_lowered  }
0x9b: {  	s22 =	simm.s32 $0x1BFF;
	s21 =	sshll.u32 s6, $0x1;
	s3 =	sadd.s32 s4, s19  }
0x9c: {  	s7 =	simm.s32 $0x0;
	s20 =	sshll.u32 s5, $0x1;
	s5 =	sadd.s32 s21, s3  }
0x9d: {  	[timem:s7], [sflag:s22] =	dma.local [hbm:s5], s20  }
0x9e: {  	_ =	swait.ge [sflag:s22], s20  }
0x9f: {  	s4 =	ssub.s32 $0x0, s20;
	[sflag:s22] =	ssyncset.done $0x0  }
0xa0: {  	[sflag:s22] =	ssyncadd.s32 s4;
	_ =	sdelay $0x1  }
0xa1: {  	s23 =	simm.s32 $0x1B8B  }
0xa2: {  	_ =	swait.ge [sflag:s23], $0x1  }
0xa3: {  	[sflag:s23] =	ssyncset.done $0x0  }
0xa4: {  	s25 =	simm.s32 $0x1B8E;
	s24 =	sld [smem:$0x3FFE];
	[sflag:s23] =	ssyncadd.s32 $0xFFFFFFFF  }
0xa5: {  	s26 =	simm.s32 $execute0_lowered;
	[smem:$0x3FD2] =	sst s25  }
0xa6: {  	s5 =	sshll.u32 s26, $0x1;
	_ =	strace $0x80000049;
	[dreg:$0x1] =	wrdreg $0xFFFFFFFF  }
0xa7: {  	s28 =	simm.s32 $_size_execute0_lowered;
	s3 =	sadd.s32 s3, s5;
	[dreg:$0x0] =	wrdreg $0x0  }
0xa8: {  	s5 =	sshll.u32 s28, $0x1;
	[dreg:$0x2] =	wrdreg s3  }
0xa9: {  	[dreg:$0x3] =	wrdreg s5  }
0xaa: {  	[dreg:$0x4] =	wrdreg $0xC0  }
0xab: {  	_ =	task [dreg:s7], $0x5FFFF  }
0xac: {  	[dreg:$0x1] =	wrdreg $0xFFFFFFFF  }
0xad: {  	[dreg:$0x0] =	wrdreg $0x60  }
0xae: {  	[dreg:$0x2] =	wrdreg s24  }
0xaf: {  	[dreg:$0x3] =	wrdreg s2  }
0xb0: {  	[dreg:$0x4] =	wrdreg $0x24000  }
0xb1: {  	[dreg:$0x5] =	wrdreg $0x15E000  }
0xb2: {  	[dreg:$0x6] =	wrdreg $0x9  }
0xb3: {  	_ =	task.clear_ibuf [dreg:s7], $0x7FFFF;
	_ =	strace $0x90000049  }
0xb4: {  	s29 =	simm.s32 $0x9;
	_ =	strace $0x8000004B  }
0xb5: {  	_ =	swait.ge [sflag:s29], $0x1  }
0xb6: {  	[sflag:s29] =	ssyncadd.s32 $0xFFFFFFFF  }
0xb7: {  	_ =	strace $0x9000004B  }
0xb8: {  	_ =	sfence  }
0xb9: {  	s30 =	sld [smem:$0x0];
	_ =	sdelay $0x2  }
0xba: {  	s31 =	sshll.u32 s1, $0xD;
	s1 =	sshrl.u32 s1, $0x2  }
0xbb: {  	s3 =	sand.u32 $0x4000, s31;
	s1 =	sadd.s32 s1, s30  }
0xbc: {  	s0 =	sor.u32 s3, s0;
	s1 =	sshll.u32 s1, $0x11  }
0xbd: {  	s0 =	sor.u32 s1, s0  }
0xbe: {  	s0 =	sadd.s32 $0x8F2B, s0  }
0xbf: {  	[sflag:s0] =	ssyncadd.remote.s32 $0x1  }
0xc0: {  	_ =	sfence.sel $0xFFFF  }
0xc1: {  	[dreg:$0x0] =	wrdreg $0xFFFFFFFF;
	(pc) =	sbr.abs _section_cstart, $3  }
0xc2: {  	[dreg:$0x1] =	wrdreg $0xFFFFFFFF  }
0xc3: {  	_ =	task.clear_ibuf [dreg:s7], $0x2FFFF;
	_ =	strace $0x9FFFFFFF  }
0xc4: {  	(tm) =	ssettm $0x7FFFFFFF  }
0xc5: {  	_ =	shalt  }
tec
execute0_lowered:
.L_overlay_start_1:
0x0: {  	(tag) =	ssettag $0x1  }
0x1: {  	s2 =	rddreg [dreg:$0x0]  }
0x2: {  	s0 =	rddreg [dreg:$0x1]  }
0x3: {  	s3 =	rddreg [dreg:$0x2]  }
0x4: {  	s1 =	srdreg.scid;
	s17 =	stileid.u32  }
0x5: {  	s4 =	rddreg [dreg:$0x3];
	s5 =	simm.s32 $0x0;
	s7 =	smul.u32 $0xA000, s17  }
0x6: {  	s26 =	simm.s32 $0x40;
	s28 =	simm.s32 $0x2;
	s8 =	smul.u32 $0x4E000, s17  }
0x7: {  	s29 =	simm.s32 $0x200;
	s30 =	simm.s32 $0x300;
	s9 =	smul.u32 $0x2700, s17  }
0x8: {  	s31 =	simm.s32 $0x3E0;
	s1 =	sand.u32 $0x1, s1;
	s11 =	smul.u32 $0x26000, s17  }
0x9: {  	[smem:$0x7FF] =	sst s5;
	s12 =	sadd.s32 $0xC200, s2;
	s15 =	smul.u32 $0x1300, s17  }
0xa: {  	s19 =	sshll.u32 s17, $0x3;
	s21 =	sshll.u32 s17, $0x6;
	s24 =	smul.u32 $0x5000, s17  }
0xb: {  	p0 =	slt.u32 s17, $0x8;
	s23 =	sshll.u32 s17, $0x4;
	s6 =	smul.u32 $0xA0000, s1  }
0xc: {  	_ =	strace $0x8000004A;
	s16 =	ssub.s32 $0x2, s1;
	s22 =	sor.u32 $0x2700, s19  }
0xd: {  	s14 =	smul.u32 $0x14000, s1;
	p1 =	seq.s32 s1, $0x1;
	[dreg:$0x7] =	wrdreg s26  }
0xe: {  	p2 =	sne.s32 s1, $0x0;
	s18 =	sshrl.u32 s16, $0x1;
	s8 =	sshrl.u32 s8, $0x2  }
0xf: {  	s20 =	sadd.s32 s12, s9;
	s9 =	sshll.u32 s22, $0x4;
	s11 =	sshrl.u32 s11, $0x2  }
0x10: {  	[dreg:$0x5] =	wrdreg s24;
	p0 =	por !p0, !p1;
	s24 =	simm.s32 $0x180  }
0x11: {  	p1 =	sgt.u32 s17, $0x7;
	s6 =	sadd.s32 s7, s6;
	s10 =	ssub.s32 s16, s18  }
0x12: {  	[smem:$0x7F6] =	sst s20;
	s9 =	sadd.s32 s12, s9;
	s14 =	sadd.s32 s15, s14  }
0x13: {  	s16 =	smul.u32 $0x50000, s1;
	s15 =	simm.s32 $0x60;
	[dreg:$0xe] =	wrdreg s24  }
0x14: {  	p0 =	por !p0, !p0;
	s18 =	sshll.u32 s17, $0x7;
	[smem:$0x7F7] =	sst s9  }
0x15: {  	s20 =	simm.s32 $0x80;
	s24 =	simm.s32 $0x240;
	[dreg:$0x9] =	wrdreg s15  }
0x16: {  	s1 =	simm.s32 $0x0;
	s7 =	sshrl.u32 s6, $0x3;
	[dreg:$0xb] =	wrdreg s20  }
0x17: {  	s6 =	sadd.s32 $0x2200, s2;
	s14 =	sadd.s32 s12, s14;
	[dreg:$0x15] =	wrdreg s24  }
0x18: {  	s9 =	sadd.s32 s11, s4;
	s11 =	sor.u32 $0x1300, s23;
	[smem:$0x7F8] =	sst s14  }
0x19: {  	s23 =	simm.s32 $0xA0;
	s10 =	smax.u32 s10, $0x1;
	[dreg:$0x6] =	wrdreg s16  }
0x1a: {  	s24 =	simm.s32 $0x2E0;
	s13 =	sadd.s32 s7, s2;
	[dreg:$0xd] =	wrdreg s23  }
0x1b: {  	s2 =	sadd.s32 s8, s3;
	s8 =	sor.u32 $0x1C03, s21;
	[smem:$0x7FC] =	sst s10  }
0x1c: {  	s7 =	sshll.u32 s22, $0x7;
	s16 =	simm.s32 $0x140;
	[dreg:$0x1f] =	wrdreg s24  }
0x1d: {  	s25 =	sshll.u32 s11, $0x7;
	s22 =	simm.s32 $0x160;
	[dreg:$0xa] =	wrdreg s16  }
0x1e: {  	s11 =	sshll.u32 s11, $0x4;
	s23 =	simm.s32 $0x220;
	[dreg:$0xc] =	wrdreg s22  }
0x1f: {  	s21 =	sshll.u32 s17, $0xA;
	s10 =	simm.s32 $0x260;
	[dreg:$0x14] =	wrdreg s23  }
0x20: {  	s14 =	simm.s32 $0x2A0;
	s24 =	simm.s32 $0x1400;
	[dreg:$0x17] =	wrdreg s10  }
0x21: {  	s7 =	sadd.s32 s7, s3;
	s11 =	sadd.s32 s12, s11;
	[dreg:$0x1b] =	wrdreg s14  }
0x22: {  	s19 =	sadd.s32 s25, s4;
	s25 =	simm.s32 $0xC0;
	[smem:$0x7F9] =	sst s11  }
0x23: {  	s12 =	sadd.s32 s18, s12;
	s18 =	sadd.s32 $0x33600, s13;
	[dreg:$0xf] =	wrdreg s25  }
0x24: {  	s16 =	sadd.s32 s21, s4;
	s21 =	simm.s32 $0x1C0;
	[smem:$0x7FB] =	sst s18  }
0x25: {  	s22 =	simm.s32 $0x1E0;
	s13 =	simm.s32 $0x360;
	[dreg:$0x12] =	wrdreg s21  }
0x26: {  	s23 =	simm.s32 $0x3A0;
	s11 =	simm.s32 $0x120;
	[dreg:$0x13] =	wrdreg s22  }
0x27: {  	s20 =	sadd.s32 $0x98000, s16;
	s26 =	sadd.s32 $0x27000, s12;
	[dreg:$0x1a] =	wrdreg s13  }
0x28: {  	s12 =	smul.u32 $0x28000, s17;
	s16 =	simm.s32 $0xE0;
	[dreg:$0x1e] =	wrdreg s23  }
0x29: {  	s17 =	sshrl.u32 @!p1 s7, $0x3;
	s18 =	sshrl.u32 s9, $0x3;
	[dreg:$0x8] =	wrdreg s11  }
0x2a: {  	s19 =	sshrl.u32 @!p2 s19, $0x3;
	s21 =	simm.s32 $0x380;
	[smem:$0x7FA] =	sst s26  }
0x2b: {  	s22 =	simm.s32 $0x2C0;
	s23 =	simm.s32 $0x400;
	[dreg:$0x11] =	wrdreg s16  }
0x2c: {  	s11 =	simm.s32 $0x1A0;
	s26 =	simm.s32 $0x320;
	[dreg:$0x1c] =	wrdreg s21  }
0x2d: {  	s16 =	simm.s32 $0x3;
	s20 =	sshrl.u32 @p0 s20, $0x3;
	[dreg:$0x1d] =	wrdreg s22  }
0x2e: {  	s21 =	simm.s32 $0x100;
	s22 =	simm.s32 $0x20;
	[dreg:$0x10] =	wrdreg s11  }
0x2f: {  	s15 =	sshrl.u32 s12, $0x2;
	[dreg:$0x16] =	wrdreg s26;
	s11 =	simm.s32 $0x340  }
0x30: {  	s12 =	simm.s32 $0x280;
	s26 =	simm.s32 $0x3C0;
	[dreg:$0x18] =	wrdreg s11  }
0x31: {  	s25 =	sadd.s32 s15, s4;
	s15 =	sshrl.u32 s2, $0x3;
	[dreg:$0x19] =	wrdreg s12  }
0x32: {  	[smem:$0x7FD] =	sst s26;
	s26 =	simm.s32 $0x1;
	s25 =	sshrl.u32 s25, $0x3  }
.LBB2_1:
0x33: {  	s2 =	sld [smem:$0x7F6];
	_ =	sdelay $0x2  }
0x34: {  	[spmem:s15], [sflag:s8] =	dma.local [hbm:s2], $0x2700  }
0x35: {  	_ =	swait.ge [sflag:s16], $0x2700  }
0x36: {  	s2 =	sld [smem:$0x7F7]  }
0x37: {  	[sflag:s16] =	ssyncset.done $0x0  }
0x38: {  	[sflag:s16] =	ssyncadd.s32 $0xFFFFD900  }
0x39: {  	[spmem:s17], [sflag:s8] =	dma.local @!p1 [hbm:s2], $0x80  }
0x3a: {  	s2 =	simm.s32 @!p1 $0x3  }
0x3b: {  	_ =	swait.ge @!p1 [sflag:s2], $0x80  }
0x3c: {  	s11 =	sld [smem:$0x7F8]  }
0x3d: {  	[sflag:s2] =	ssyncset.done @!p1 $0x0  }
0x3e: {  	[sflag:s2] =	ssyncadd.s32 @!p1 $0xFFFFFF80  }
0x3f: {  	[spmem:s18], [sflag:s8] =	dma.local [hbm:s11], $0x1300  }
0x40: {  	_ =	swait.ge [sflag:s16], $0x1300  }
0x41: {  	s2 =	sld [smem:$0x7F9]  }
0x42: {  	[sflag:s16] =	ssyncset.done $0x0  }
0x43: {  	[sflag:s16] =	ssyncadd.s32 $0xFFFFED00  }
0x44: {  	[spmem:s19], [sflag:s8] =	dma.local @!p2 [hbm:s2], $0x100  }
0x45: {  	s2 =	simm.s32 @!p2 $0x3  }
0x46: {  	_ =	swait.ge @!p2 [sflag:s2], $0x100  }
0x47: {  	[sflag:s2] =	ssyncset.done @!p2 $0x0  }
0x48: {  	[sflag:s2] =	ssyncadd.s32 @!p2 $0xFFFFFF00;
	s2 =	sld [smem:$0x7FA];
	_ =	sdelay $0x2  }
0x49: {  	[spmem:s20], [sflag:s8] =	dma.local @p0 [hbm:s2], $0x80  }
0x4a: {  	s2 =	simm.s32 @p0 $0x3  }
0x4b: {  	_ =	swait.ge @p0 [sflag:s2], $0x80  }
0x4c: {  	[sflag:s2] =	ssyncset.done @p0 $0x0  }
0x4d: {  	[sflag:s2] =	ssyncadd.s32 @p0 $0xFFFFFF80  }
0x4e: {  	[bflag:$0x0] =	sbarrier.arrive $0xFFFF  }
0x4f: {  	s12 =	rddreg [dreg:$0x5]  }
0x50: {  	s7 =	sadd.s32 $0x0, s12  }
0x51: {  	s2 =	sand.u32 $0x200, s5;
	s7 =	sand.u32 $0xFFC00, s7  }
0x52: {  	s9 =	sor.u32 s2, s7  }
0x53: {  	s9 =	sshrl.u32 s9, $0x3  }
0x54: {  	s9 =	sadd.s32 s6, s9  }
0x55: {  	[tilespmem:s5], [sflag:$0x3] =	stream.linear.gather [hbm4b:s9+s5], $0x100, $0x38;
	[tilespmem:$0x1FF00] =	vst v63  }
0x56: {  	_ =	swait.ge [sflag:s16], $0x100  }
0x57: {  	s13 =	rddreg [dreg:$0x6]  }
0x58: {  	s9 =	sadd.s32 s13, s7  }
0x59: {  	s10 =	sor.u32 s2, s9  }
0x5a: {  	[sflag:s16] =	ssyncset.done $0x0;
	s10 =	sshrl.u32 s10, $0x3  }
0x5b: {  	[sflag:s16] =	ssyncadd.s32 $0xFFFFFF00;
	s10 =	sadd.s32 s0, s10  }
0x5c: {  	[tilespmem:s21], [sflag:$0x3] =	stream.linear.gather [hbm4b:s10+s5], $0x100, $0x38;
	[tilespmem:$0x1FF00] =	vst v63  }
0x5d: {  	_ =	swait.ge [sflag:s16], $0x100  }
0x5e: {  	[sflag:s16] =	ssyncset.done $0x0  }
0x5f: {  	[sflag:s16] =	ssyncadd.s32 $0xFFFFFF00  }
0x60: {  	[tilespmem:s23], [sflag:$0x1] =	stream.indirect.gather [spmem:s3], $0x80, s5, s22, $0xb8;
	[tilespmem:$0x1FF00] =	vst v63  }
0x61: {  	_ = 	snop  }
0x62: {  	[tilespmem:s24], [sflag:$0x2] =	stream.indirect.gather [spmem:s3], $0x80, s22, s22, $0xb8;
	[tilespmem:$0x1FF00] =	vst v63  }
0x63: {  	_ =	swait.ge [sflag:s26], $0x1000  }
0x64: {  	[sflag:s26] =	ssyncset.done $0x0  }
0x65: {  	[sflag:s26] =	ssyncadd.s32 $0xFFFFF000  }
0x66: {  	[spmem:s4] =	stream.indirect.scatter.add.f32 [tilespmem:s23], [sflag:$0x3], $0x80, s21, s22, $0xb8;
	[tilespmem:$0x1FF00] =	vst v63  }
0x67: {  	_ =	swait.ge [sflag:s16], $0x1000  }
0x68: {  	[sflag:s16] =	ssyncset.done $0x0  }
0x69: {  	s14 =	rddreg [dreg:$0x7];
	[sflag:s16] =	ssyncadd.s32 $0xFFFFF000  }
0x6a: {  	[tilespmem:s23], [sflag:$0x1] =	stream.indirect.gather [spmem:s3], $0x80, s14, s22, $0xb8;
	[tilespmem:$0x1FF00] =	vst v63  }
0x6b: {  	_ =	swait.ge [sflag:s28], $0x1000  }
0x6c: {  	[sflag:s28] =	ssyncset.done $0x0  }
0x6d: {  	s11 =	rddreg [dreg:$0x8];
	[sflag:s28] =	ssyncadd.s32 $0xFFFFF000  }
0x6e: {  	[spmem:s4] =	stream.indirect.scatter.add.f32 [tilespmem:s24], [sflag:$0x3], $0x80, s11, s22, $0xb8;
	[tilespmem:$0x1FF00] =	vst v63  }
0x6f: {  	_ =	swait.ge [sflag:s16], $0x1000  }
0x70: {  	[sflag:s16] =	ssyncset.done $0x0  }
0x71: {  	s12 =	rddreg [dreg:$0x9];
	[sflag:s16] =	ssyncadd.s32 $0xFFFFF000  }
0x72: {  	[tilespmem:s24], [sflag:$0x2] =	stream.indirect.gather [spmem:s3], $0x80, s12, s22, $0xb8;
	[tilespmem:$0x1FF00] =	vst v63  }
0x73: {  	_ =	swait.ge [sflag:s26], $0x1000  }
0x74: {  	[sflag:s26] =	ssyncset.done $0x0  }
0x75: {  	s13 =	rddreg [dreg:$0xa];
	[sflag:s26] =	ssyncadd.s32 $0xFFFFF000  }
0x76: {  	[spmem:s4] =	stream.indirect.scatter.add.f32 [tilespmem:s23], [sflag:$0x3], $0x80, s13, s22, $0xb8;
	[tilespmem:$0x1FF00] =	vst v63  }
0x77: {  	_ =	swait.ge [sflag:s16], $0x1000  }
0x78: {  	[sflag:s16] =	ssyncset.done $0x0  }
0x79: {  	s14 =	rddreg [dreg:$0xb];
	[sflag:s16] =	ssyncadd.s32 $0xFFFFF000  }
0x7a: {  	[tilespmem:s23], [sflag:$0x1] =	stream.indirect.gather [spmem:s3], $0x80, s14, s22, $0xb8;
	[tilespmem:$0x1FF00] =	vst v63  }
0x7b: {  	_ =	swait.ge [sflag:s28], $0x1000  }
0x7c: {  	[sflag:s28] =	ssyncset.done $0x0  }
0x7d: {  	s11 =	rddreg [dreg:$0xc];
	[sflag:s28] =	ssyncadd.s32 $0xFFFFF000  }
0x7e: {  	[spmem:s4] =	stream.indirect.scatter.add.f32 [tilespmem:s24], [sflag:$0x3], $0x80, s11, s22, $0xb8;
	[tilespmem:$0x1FF00] =	vst v63  }
0x7f: {  	_ =	swait.ge [sflag:s16], $0x1000  }
0x80: {  	[sflag:s16] =	ssyncset.done $0x0  }
0x81: {  	s12 =	rddreg [dreg:$0xd];
	[sflag:s16] =	ssyncadd.s32 $0xFFFFF000  }
0x82: {  	[tilespmem:s24], [sflag:$0x2] =	stream.indirect.gather [spmem:s3], $0x80, s12, s22, $0xb8;
	[tilespmem:$0x1FF00] =	vst v63  }
0x83: {  	_ =	swait.ge [sflag:s26], $0x1000  }
0x84: {  	[sflag:s26] =	ssyncset.done $0x0  }
0x85: {  	s13 =	rddreg [dreg:$0xe];
	[sflag:s26] =	ssyncadd.s32 $0xFFFFF000  }
0x86: {  	[spmem:s4] =	stream.indirect.scatter.add.f32 [tilespmem:s23], [sflag:$0x3], $0x80, s13, s22, $0xb8;
	[tilespmem:$0x1FF00] =	vst v63  }
0x87: {  	_ =	swait.ge [sflag:s16], $0x1000  }
0x88: {  	[sflag:s16] =	ssyncset.done $0x0  }
0x89: {  	s14 =	rddreg [dreg:$0xf];
	[sflag:s16] =	ssyncadd.s32 $0xFFFFF000  }
0x8a: {  	[tilespmem:s23], [sflag:$0x1] =	stream.indirect.gather [spmem:s3], $0x80, s14, s22, $0xb8;
	[tilespmem:$0x1FF00] =	vst v63  }
0x8b: {  	_ =	swait.ge [sflag:s28], $0x1000  }
0x8c: {  	[sflag:s28] =	ssyncset.done $0x0  }
0x8d: {  	s11 =	rddreg [dreg:$0x10];
	[sflag:s28] =	ssyncadd.s32 $0xFFFFF000  }
0x8e: {  	[spmem:s4] =	stream.indirect.scatter.add.f32 [tilespmem:s24], [sflag:$0x3], $0x80, s11, s22, $0xb8;
	[tilespmem:$0x1FF00] =	vst v63  }
0x8f: {  	_ =	swait.ge [sflag:s16], $0x1000  }
0x90: {  	[sflag:s16] =	ssyncset.done $0x0  }
0x91: {  	s12 =	rddreg [dreg:$0x11];
	[sflag:s16] =	ssyncadd.s32 $0xFFFFF000  }
0x92: {  	[tilespmem:s24], [sflag:$0x2] =	stream.indirect.gather [spmem:s3], $0x80, s12, s22, $0xb8;
	[tilespmem:$0x1FF00] =	vst v63  }
0x93: {  	_ =	swait.ge [sflag:s26], $0x1000  }
0x94: {  	[sflag:s26] =	ssyncset.done $0x0  }
0x95: {  	s13 =	rddreg [dreg:$0x12];
	[sflag:s26] =	ssyncadd.s32 $0xFFFFF000  }
0x96: {  	[spmem:s4] =	stream.indirect.scatter.add.f32 [tilespmem:s23], [sflag:$0x3], $0x80, s13, s22, $0xb8;
	[tilespmem:$0x1FF00] =	vst v63  }
0x97: {  	_ =	swait.ge [sflag:s16], $0x1000  }
0x98: {  	[sflag:s16] =	ssyncset.done $0x0  }
0x99: {  	[sflag:s16] =	ssyncadd.s32 $0xFFFFF000  }
0x9a: {  	_ =	swait.ge [sflag:s28], $0x1000  }
0x9b: {  	[sflag:s28] =	ssyncset.done $0x0  }
0x9c: {  	s2 =	sor.u32 $0x100, s2;
	s14 =	rddreg [dreg:$0x13];
	[sflag:s28] =	ssyncadd.s32 $0xFFFFF000  }
0x9d: {  	[spmem:s4] =	stream.indirect.scatter.add.f32 [tilespmem:s24], [sflag:$0x3], $0x80, s14, s22, $0xb8;
	[tilespmem:$0x1FF00] =	vst v63  }
0x9e: {  	s7 =	sor.u32 s2, s7;
	_ =	swait.ge [sflag:s16], $0x1000  }
0x9f: {  	s7 =	sshrl.u32 s7, $0x3;
	[sflag:s16] =	ssyncset.done $0x0  }
0xa0: {  	s7 =	sadd.s32 s6, s7;
	[sflag:s16] =	ssyncadd.s32 $0xFFFFF000  }
0xa1: {  	[tilespmem:s29], [sflag:$0x3] =	stream.linear.gather [hbm4b:s7+s5], $0x100, $0x38;
	[tilespmem:$0x1FF00] =	vst v63  }
0xa2: {  	s2 =	sor.u32 s2, s9;
	_ =	swait.ge [sflag:s16], $0x100  }
0xa3: {  	s2 =	sshrl.u32 s2, $0x3;
	[sflag:s16] =	ssyncset.done $0x0  }
0xa4: {  	s2 =	sadd.s32 s0, s2;
	[sflag:s16] =	ssyncadd.s32 $0xFFFFFF00  }
0xa5: {  	[tilespmem:s30], [sflag:$0x3] =	stream.linear.gather [hbm4b:s2+s5], $0x100, $0x38;
	[tilespmem:$0x1FF00] =	vst v63  }
0xa6: {  	_ =	swait.ge [sflag:s16], $0x100  }
0xa7: {  	[sflag:s16] =	ssyncset.done $0x0  }
0xa8: {  	[sflag:s16] =	ssyncadd.s32 $0xFFFFFF00  }
0xa9: {  	[tilespmem:s23], [sflag:$0x1] =	stream.indirect.gather [spmem:s3], $0x80, s29, s22, $0xb8;
	[tilespmem:$0x1FF00] =	vst v63  }
0xaa: {  	s9 =	rddreg [dreg:$0x14]  }
0xab: {  	[tilespmem:s24], [sflag:$0x2] =	stream.indirect.gather [spmem:s3], $0x80, s9, s22, $0xb8;
	[tilespmem:$0x1FF00] =	vst v63  }
0xac: {  	_ =	swait.ge [sflag:s26], $0x1000  }
0xad: {  	[sflag:s26] =	ssyncset.done $0x0  }
0xae: {  	[sflag:s26] =	ssyncadd.s32 $0xFFFFF000  }
0xaf: {  	[spmem:s4] =	stream.indirect.scatter.add.f32 [tilespmem:s23], [sflag:$0x3], $0x80, s30, s22, $0xb8;
	[tilespmem:$0x1FF00] =	vst v63  }
0xb0: {  	_ =	swait.ge [sflag:s16], $0x1000  }
0xb1: {  	[sflag:s16] =	ssyncset.done $0x0  }
0xb2: {  	s10 =	rddreg [dreg:$0x15];
	[sflag:s16] =	ssyncadd.s32 $0xFFFFF000  }
0xb3: {  	[tilespmem:s23], [sflag:$0x1] =	stream.indirect.gather [spmem:s3], $0x80, s10, s22, $0xb8;
	[tilespmem:$0x1FF00] =	vst v63  }
0xb4: {  	_ =	swait.ge [sflag:s28], $0x1000  }
0xb5: {  	[sflag:s28] =	ssyncset.done $0x0  }
0xb6: {  	s11 =	rddreg [dreg:$0x16];
	[sflag:s28] =	ssyncadd.s32 $0xFFFFF000  }
0xb7: {  	[spmem:s4] =	stream.indirect.scatter.add.f32 [tilespmem:s24], [sflag:$0x3], $0x80, s11, s22, $0xb8;
	[tilespmem:$0x1FF00] =	vst v63  }
0xb8: {  	_ =	swait.ge [sflag:s16], $0x1000  }
0xb9: {  	[sflag:s16] =	ssyncset.done $0x0  }
0xba: {  	s12 =	rddreg [dreg:$0x17];
	[sflag:s16] =	ssyncadd.s32 $0xFFFFF000  }
0xbb: {  	[tilespmem:s24], [sflag:$0x2] =	stream.indirect.gather [spmem:s3], $0x80, s12, s22, $0xb8;
	[tilespmem:$0x1FF00] =	vst v63  }
0xbc: {  	_ =	swait.ge [sflag:s26], $0x1000  }
0xbd: {  	[sflag:s26] =	ssyncset.done $0x0  }
0xbe: {  	s13 =	rddreg [dreg:$0x18];
	[sflag:s26] =	ssyncadd.s32 $0xFFFFF000  }
0xbf: {  	[spmem:s4] =	stream.indirect.scatter.add.f32 [tilespmem:s23], [sflag:$0x3], $0x80, s13, s22, $0xb8;
	[tilespmem:$0x1FF00] =	vst v63  }
0xc0: {  	_ =	swait.ge [sflag:s16], $0x1000  }
0xc1: {  	[sflag:s16] =	ssyncset.done $0x0  }
0xc2: {  	s14 =	rddreg [dreg:$0x19];
	[sflag:s16] =	ssyncadd.s32 $0xFFFFF000  }
0xc3: {  	[tilespmem:s23], [sflag:$0x1] =	stream.indirect.gather [spmem:s3], $0x80, s14, s22, $0xb8;
	[tilespmem:$0x1FF00] =	vst v63  }
0xc4: {  	_ =	swait.ge [sflag:s28], $0x1000  }
0xc5: {  	[sflag:s28] =	ssyncset.done $0x0  }
0xc6: {  	s7 =	rddreg [dreg:$0x1a];
	[sflag:s28] =	ssyncadd.s32 $0xFFFFF000  }
0xc7: {  	[spmem:s4] =	stream.indirect.scatter.add.f32 [tilespmem:s24], [sflag:$0x3], $0x80, s7, s22, $0xb8;
	[tilespmem:$0x1FF00] =	vst v63  }
0xc8: {  	_ =	swait.ge [sflag:s16], $0x1000  }
0xc9: {  	[sflag:s16] =	ssyncset.done $0x0  }
0xca: {  	s9 =	rddreg [dreg:$0x1b];
	[sflag:s16] =	ssyncadd.s32 $0xFFFFF000  }
0xcb: {  	[tilespmem:s24], [sflag:$0x2] =	stream.indirect.gather [spmem:s3], $0x80, s9, s22, $0xb8;
	[tilespmem:$0x1FF00] =	vst v63  }
0xcc: {  	_ =	swait.ge [sflag:s26], $0x1000  }
0xcd: {  	[sflag:s26] =	ssyncset.done $0x0  }
0xce: {  	s10 =	rddreg [dreg:$0x1c];
	[sflag:s26] =	ssyncadd.s32 $0xFFFFF000  }
0xcf: {  	[spmem:s4] =	stream.indirect.scatter.add.f32 [tilespmem:s23], [sflag:$0x3], $0x80, s10, s22, $0xb8;
	[tilespmem:$0x1FF00] =	vst v63  }
0xd0: {  	_ =	swait.ge [sflag:s16], $0x1000  }
0xd1: {  	[sflag:s16] =	ssyncset.done $0x0  }
0xd2: {  	s11 =	rddreg [dreg:$0x1d];
	[sflag:s16] =	ssyncadd.s32 $0xFFFFF000  }
0xd3: {  	[tilespmem:s23], [sflag:$0x1] =	stream.indirect.gather [spmem:s3], $0x80, s11, s22, $0xb8;
	[tilespmem:$0x1FF00] =	vst v63  }
0xd4: {  	_ =	swait.ge [sflag:s28], $0x1000  }
0xd5: {  	[sflag:s28] =	ssyncset.done $0x0  }
0xd6: {  	s12 =	rddreg [dreg:$0x1e];
	[sflag:s28] =	ssyncadd.s32 $0xFFFFF000  }
0xd7: {  	[spmem:s4] =	stream.indirect.scatter.add.f32 [tilespmem:s24], [sflag:$0x3], $0x80, s12, s22, $0xb8;
	[tilespmem:$0x1FF00] =	vst v63  }
0xd8: {  	_ =	swait.ge [sflag:s16], $0x1000  }
0xd9: {  	[sflag:s16] =	ssyncset.done $0x0  }
0xda: {  	s13 =	rddreg [dreg:$0x1f];
	[sflag:s16] =	ssyncadd.s32 $0xFFFFF000  }
0xdb: {  	[tilespmem:s24], [sflag:$0x2] =	stream.indirect.gather [spmem:s3], $0x80, s13, s22, $0xb8;
	[tilespmem:$0x1FF00] =	vst v63  }
0xdc: {  	_ =	swait.ge [sflag:s26], $0x1000  }
0xdd: {  	s14 =	sld [smem:$0x7FD]  }
0xde: {  	[sflag:s26] =	ssyncset.done $0x0  }
0xdf: {  	[sflag:s26] =	ssyncadd.s32 $0xFFFFF000  }
0xe0: {  	[spmem:s4] =	stream.indirect.scatter.add.f32 [tilespmem:s23], [sflag:$0x3], $0x80, s14, s22, $0xb8;
	[tilespmem:$0x1FF00] =	vst v63  }
0xe1: {  	_ =	swait.ge [sflag:s16], $0x1000  }
0xe2: {  	[sflag:s16] =	ssyncset.done $0x0  }
0xe3: {  	[sflag:s16] =	ssyncadd.s32 $0xFFFFF000  }
0xe4: {  	_ =	swait.ge [sflag:s28], $0x1000  }
0xe5: {  	[sflag:s28] =	ssyncset.done $0x0  }
0xe6: {  	[sflag:s28] =	ssyncadd.s32 $0xFFFFF000  }
0xe7: {  	[spmem:s4] =	stream.indirect.scatter.add.f32 [tilespmem:s24], [sflag:$0x3], $0x80, s31, s22, $0xb8;
	[tilespmem:$0x1FF00] =	vst v63  }
0xe8: {  	s2 =	simm.s32 $0x200;
	_ =	swait.ge [sflag:s16], $0x1000  }
0xe9: {  	s7 =	simm.s32 $0x400;
	s9 =	rddreg [dreg:$0x5];
	[sflag:s16] =	ssyncset.done $0x0  }
.LBB2_2:
0xea: {  	s10 =	smov.u32 s7;
	s9 =	sadd.s32 s2, s9  }
0xeb: {  	s11 =	sand.u32 $0x200, s2;
	s2 =	smov.u32 s10;
	s10 =	sand.u32 $0xFFC00, s9  }
0xec: {  	s9 =	sor.u32 s11, s10  }
0xed: {  	s14 =	sshrl.u32 s9, $0x3  }
0xee: {  	[sflag:s16] =	ssyncadd.s32 $0xFFFFF000;
	s14 =	sadd.s32 s6, s14  }
0xef: {  	[tilespmem:s5], [sflag:$0x3] =	stream.linear.gather [hbm4b:s14+s5], $0x100, $0x38;
	[tilespmem:$0x1FF00] =	vst v63  }
0xf0: {  	_ =	swait.ge [sflag:s16], $0x100  }
0xf1: {  	s12 =	sor.u32 $0x100, s11;
	s14 =	rddreg [dreg:$0x6]  }
0xf2: {  	s13 =	sor.u32 s12, s10;
	s10 =	sadd.s32 s14, s10  }
0xf3: {  	s11 =	sor.u32 s11, s10  }
0xf4: {  	[sflag:s16] =	ssyncset.done $0x0;
	s11 =	sshrl.u32 s11, $0x3  }
0xf5: {  	[sflag:s16] =	ssyncadd.s32 $0xFFFFFF00;
	s11 =	sadd.s32 s0, s11  }
0xf6: {  	[tilespmem:s21], [sflag:$0x3] =	stream.linear.gather [hbm4b:s11+s5], $0x100, $0x38;
	[tilespmem:$0x1FF00] =	vst v63  }
0xf7: {  	_ =	swait.ge [sflag:s16], $0x100  }
0xf8: {  	[sflag:s16] =	ssyncset.done $0x0  }
0xf9: {  	[sflag:s16] =	ssyncadd.s32 $0xFFFFFF00  }
0xfa: {  	[tilespmem:s23], [sflag:$0x1] =	stream.indirect.gather [spmem:s3], $0x80, s5, s22, $0xb8;
	[tilespmem:$0x1FF00] =	vst v63  }
0xfb: {  	_ = 	snop  }
0xfc: {  	[tilespmem:s24], [sflag:$0x2] =	stream.indirect.gather [spmem:s3], $0x80, s22, s22, $0xb8;
	[tilespmem:$0x1FF00] =	vst v63  }
0xfd: {  	_ =	swait.ge [sflag:s26], $0x1000  }
0xfe: {  	[sflag:s26] =	ssyncset.done $0x0  }
0xff: {  	[sflag:s26] =	ssyncadd.s32 $0xFFFFF000  }
0x100: {  	[spmem:s4] =	stream.indirect.scatter.add.f32 [tilespmem:s23], [sflag:$0x3], $0x80, s21, s22, $0xb8;
	[tilespmem:$0x1FF00] =	vst v63  }
0x101: {  	_ =	swait.ge [sflag:s16], $0x1000  }
0x102: {  	[sflag:s16] =	ssyncset.done $0x0  }
0x103: {  	s14 =	rddreg [dreg:$0x7];
	[sflag:s16] =	ssyncadd.s32 $0xFFFFF000  }
0x104: {  	[tilespmem:s23], [sflag:$0x1] =	stream.indirect.gather [spmem:s3], $0x80, s14, s22, $0xb8;
	[tilespmem:$0x1FF00] =	vst v63  }
0x105: {  	_ =	swait.ge [sflag:s28], $0x1000  }
0x106: {  	[sflag:s28] =	ssyncset.done $0x0  }
0x107: {  	s10 =	sor.u32 s12, s10;
	s12 =	rddreg [dreg:$0x8];
	[sflag:s28] =	ssyncadd.s32 $0xFFFFF000  }
0x108: {  	[spmem:s4] =	stream.indirect.scatter.add.f32 [tilespmem:s24], [sflag:$0x3], $0x80, s12, s22, $0xb8;
	[tilespmem:$0x1FF00] =	vst v63  }
0x109: {  	_ =	swait.ge [sflag:s16], $0x1000  }
0x10a: {  	[sflag:s16] =	ssyncset.done $0x0  }
0x10b: {  	s9 =	sshrl.u32 s13, $0x3;
	s13 =	rddreg [dreg:$0x9];
	[sflag:s16] =	ssyncadd.s32 $0xFFFFF000  }
0x10c: {  	[tilespmem:s24], [sflag:$0x2] =	stream.indirect.gather [spmem:s3], $0x80, s13, s22, $0xb8;
	[tilespmem:$0x1FF00] =	vst v63  }
0x10d: {  	_ =	swait.ge [sflag:s26], $0x1000  }
0x10e: {  	[sflag:s26] =	ssyncset.done $0x0  }
0x10f: {  	s14 =	rddreg [dreg:$0xa];
	[sflag:s26] =	ssyncadd.s32 $0xFFFFF000  }
0x110: {  	[spmem:s4] =	stream.indirect.scatter.add.f32 [tilespmem:s23], [sflag:$0x3], $0x80, s14, s22, $0xb8;
	[tilespmem:$0x1FF00] =	vst v63  }
0x111: {  	_ =	swait.ge [sflag:s16], $0x1000  }
0x112: {  	[sflag:s16] =	ssyncset.done $0x0  }
0x113: {  	s12 =	rddreg [dreg:$0xb];
	[sflag:s16] =	ssyncadd.s32 $0xFFFFF000  }
0x114: {  	[tilespmem:s23], [sflag:$0x1] =	stream.indirect.gather [spmem:s3], $0x80, s12, s22, $0xb8;
	[tilespmem:$0x1FF00] =	vst v63  }
0x115: {  	_ =	swait.ge [sflag:s28], $0x1000  }
0x116: {  	[sflag:s28] =	ssyncset.done $0x0  }
0x117: {  	s13 =	rddreg [dreg:$0xc];
	[sflag:s28] =	ssyncadd.s32 $0xFFFFF000  }
0x118: {  	[spmem:s4] =	stream.indirect.scatter.add.f32 [tilespmem:s24], [sflag:$0x3], $0x80, s13, s22, $0xb8;
	[tilespmem:$0x1FF00] =	vst v63  }
0x119: {  	_ =	swait.ge [sflag:s16], $0x1000  }
0x11a: {  	[sflag:s16] =	ssyncset.done $0x0  }
0x11b: {  	s14 =	rddreg [dreg:$0xd];
	[sflag:s16] =	ssyncadd.s32 $0xFFFFF000  }
0x11c: {  	[tilespmem:s24], [sflag:$0x2] =	stream.indirect.gather [spmem:s3], $0x80, s14, s22, $0xb8;
	[tilespmem:$0x1FF00] =	vst v63  }
0x11d: {  	_ =	swait.ge [sflag:s26], $0x1000  }
0x11e: {  	[sflag:s26] =	ssyncset.done $0x0  }
0x11f: {  	s12 =	rddreg [dreg:$0xe];
	[sflag:s26] =	ssyncadd.s32 $0xFFFFF000  }
0x120: {  	[spmem:s4] =	stream.indirect.scatter.add.f32 [tilespmem:s23], [sflag:$0x3], $0x80, s12, s22, $0xb8;
	[tilespmem:$0x1FF00] =	vst v63  }
0x121: {  	_ =	swait.ge [sflag:s16], $0x1000  }
0x122: {  	[sflag:s16] =	ssyncset.done $0x0  }
0x123: {  	s13 =	rddreg [dreg:$0xf];
	[sflag:s16] =	ssyncadd.s32 $0xFFFFF000  }
0x124: {  	[tilespmem:s23], [sflag:$0x1] =	stream.indirect.gather [spmem:s3], $0x80, s13, s22, $0xb8;
	[tilespmem:$0x1FF00] =	vst v63  }
0x125: {  	_ =	swait.ge [sflag:s28], $0x1000  }
0x126: {  	[sflag:s28] =	ssyncset.done $0x0  }
0x127: {  	s14 =	rddreg [dreg:$0x10];
	[sflag:s28] =	ssyncadd.s32 $0xFFFFF000  }
0x128: {  	[spmem:s4] =	stream.indirect.scatter.add.f32 [tilespmem:s24], [sflag:$0x3], $0x80, s14, s22, $0xb8;
	[tilespmem:$0x1FF00] =	vst v63  }
0x129: {  	_ =	swait.ge [sflag:s16], $0x1000  }
0x12a: {  	[sflag:s16] =	ssyncset.done $0x0  }
0x12b: {  	s12 =	rddreg [dreg:$0x11];
	[sflag:s16] =	ssyncadd.s32 $0xFFFFF000  }
0x12c: {  	[tilespmem:s24], [sflag:$0x2] =	stream.indirect.gather [spmem:s3], $0x80, s12, s22, $0xb8;
	[tilespmem:$0x1FF00] =	vst v63  }
0x12d: {  	_ =	swait.ge [sflag:s26], $0x1000  }
0x12e: {  	[sflag:s26] =	ssyncset.done $0x0  }
0x12f: {  	s13 =	rddreg [dreg:$0x12];
	[sflag:s26] =	ssyncadd.s32 $0xFFFFF000  }
0x130: {  	[spmem:s4] =	stream.indirect.scatter.add.f32 [tilespmem:s23], [sflag:$0x3], $0x80, s13, s22, $0xb8;
	[tilespmem:$0x1FF00] =	vst v63  }
0x131: {  	_ =	swait.ge [sflag:s16], $0x1000  }
0x132: {  	[sflag:s16] =	ssyncset.done $0x0  }
0x133: {  	[sflag:s16] =	ssyncadd.s32 $0xFFFFF000  }
0x134: {  	_ =	swait.ge [sflag:s28], $0x1000  }
0x135: {  	[sflag:s28] =	ssyncset.done $0x0  }
0x136: {  	s14 =	rddreg [dreg:$0x13];
	[sflag:s28] =	ssyncadd.s32 $0xFFFFF000  }
0x137: {  	[spmem:s4] =	stream.indirect.scatter.add.f32 [tilespmem:s24], [sflag:$0x3], $0x80, s14, s22, $0xb8;
	[tilespmem:$0x1FF00] =	vst v63  }
0x138: {  	_ =	swait.ge [sflag:s16], $0x1000  }
0x139: {  	[sflag:s16] =	ssyncset.done $0x0  }
0x13a: {  	s9 =	sadd.s32 s6, s9;
	[sflag:s16] =	ssyncadd.s32 $0xFFFFF000  }
0x13b: {  	[tilespmem:s29], [sflag:$0x3] =	stream.linear.gather [hbm4b:s9+s5], $0x100, $0x38;
	[tilespmem:$0x1FF00] =	vst v63  }
0x13c: {  	_ =	swait.ge [sflag:s16], $0x100  }
0x13d: {  	s10 =	sshrl.u32 s10, $0x3;
	[sflag:s16] =	ssyncset.done $0x0  }
0x13e: {  	s11 =	sadd.s32 s0, s10;
	[sflag:s16] =	ssyncadd.s32 $0xFFFFFF00  }
0x13f: {  	[tilespmem:s30], [sflag:$0x3] =	stream.linear.gather [hbm4b:s11+s5], $0x100, $0x38;
	[tilespmem:$0x1FF00] =	vst v63  }
0x140: {  	_ =	swait.ge [sflag:s16], $0x100  }
0x141: {  	[sflag:s16] =	ssyncset.done $0x0  }
0x142: {  	[sflag:s16] =	ssyncadd.s32 $0xFFFFFF00  }
0x143: {  	[tilespmem:s23], [sflag:$0x1] =	stream.indirect.gather [spmem:s3], $0x80, s29, s22, $0xb8;
	[tilespmem:$0x1FF00] =	vst v63  }
0x144: {  	s12 =	rddreg [dreg:$0x14]  }
0x145: {  	[tilespmem:s24], [sflag:$0x2] =	stream.indirect.gather [spmem:s3], $0x80, s12, s22, $0xb8;
	[tilespmem:$0x1FF00] =	vst v63  }
0x146: {  	_ =	swait.ge [sflag:s26], $0x1000  }
0x147: {  	[sflag:s26] =	ssyncset.done $0x0  }
0x148: {  	[sflag:s26] =	ssyncadd.s32 $0xFFFFF000  }
0x149: {  	[spmem:s4] =	stream.indirect.scatter.add.f32 [tilespmem:s23], [sflag:$0x3], $0x80, s30, s22, $0xb8;
	[tilespmem:$0x1FF00] =	vst v63  }
0x14a: {  	_ =	swait.ge [sflag:s16], $0x1000  }
0x14b: {  	[sflag:s16] =	ssyncset.done $0x0  }
0x14c: {  	s13 =	rddreg [dreg:$0x15];
	[sflag:s16] =	ssyncadd.s32 $0xFFFFF000  }
0x14d: {  	[tilespmem:s23], [sflag:$0x1] =	stream.indirect.gather [spmem:s3], $0x80, s13, s22, $0xb8;
	[tilespmem:$0x1FF00] =	vst v63  }
0x14e: {  	_ =	swait.ge [sflag:s28], $0x1000  }
0x14f: {  	[sflag:s28] =	ssyncset.done $0x0  }
0x150: {  	s14 =	rddreg [dreg:$0x16];
	[sflag:s28] =	ssyncadd.s32 $0xFFFFF000  }
0x151: {  	[spmem:s4] =	stream.indirect.scatter.add.f32 [tilespmem:s24], [sflag:$0x3], $0x80, s14, s22, $0xb8;
	[tilespmem:$0x1FF00] =	vst v63  }
0x152: {  	_ =	swait.ge [sflag:s16], $0x1000  }
0x153: {  	[sflag:s16] =	ssyncset.done $0x0  }
0x154: {  	s10 =	rddreg [dreg:$0x17];
	[sflag:s16] =	ssyncadd.s32 $0xFFFFF000  }
0x155: {  	[tilespmem:s24], [sflag:$0x2] =	stream.indirect.gather [spmem:s3], $0x80, s10, s22, $0xb8;
	[tilespmem:$0x1FF00] =	vst v63  }
0x156: {  	_ =	swait.ge [sflag:s26], $0x1000  }
0x157: {  	[sflag:s26] =	ssyncset.done $0x0  }
0x158: {  	s11 =	rddreg [dreg:$0x18];
	[sflag:s26] =	ssyncadd.s32 $0xFFFFF000  }
0x159: {  	[spmem:s4] =	stream.indirect.scatter.add.f32 [tilespmem:s23], [sflag:$0x3], $0x80, s11, s22, $0xb8;
	[tilespmem:$0x1FF00] =	vst v63  }
0x15a: {  	_ =	swait.ge [sflag:s16], $0x1000  }
0x15b: {  	[sflag:s16] =	ssyncset.done $0x0  }
0x15c: {  	s12 =	rddreg [dreg:$0x19];
	[sflag:s16] =	ssyncadd.s32 $0xFFFFF000  }
0x15d: {  	[tilespmem:s23], [sflag:$0x1] =	stream.indirect.gather [spmem:s3], $0x80, s12, s22, $0xb8;
	[tilespmem:$0x1FF00] =	vst v63  }
0x15e: {  	_ =	swait.ge [sflag:s28], $0x1000  }
0x15f: {  	[sflag:s28] =	ssyncset.done $0x0  }
0x160: {  	s13 =	rddreg [dreg:$0x1a];
	[sflag:s28] =	ssyncadd.s32 $0xFFFFF000  }
0x161: {  	[spmem:s4] =	stream.indirect.scatter.add.f32 [tilespmem:s24], [sflag:$0x3], $0x80, s13, s22, $0xb8;
	[tilespmem:$0x1FF00] =	vst v63  }
0x162: {  	_ =	swait.ge [sflag:s16], $0x1000  }
0x163: {  	[sflag:s16] =	ssyncset.done $0x0  }
0x164: {  	s14 =	rddreg [dreg:$0x1b];
	[sflag:s16] =	ssyncadd.s32 $0xFFFFF000  }
0x165: {  	[tilespmem:s24], [sflag:$0x2] =	stream.indirect.gather [spmem:s3], $0x80, s14, s22, $0xb8;
	[tilespmem:$0x1FF00] =	vst v63  }
0x166: {  	_ =	swait.ge [sflag:s26], $0x1000  }
0x167: {  	[sflag:s26] =	ssyncset.done $0x0  }
0x168: {  	s10 =	rddreg [dreg:$0x1c];
	[sflag:s26] =	ssyncadd.s32 $0xFFFFF000  }
0x169: {  	[spmem:s4] =	stream.indirect.scatter.add.f32 [tilespmem:s23], [sflag:$0x3], $0x80, s10, s22, $0xb8;
	[tilespmem:$0x1FF00] =	vst v63  }
0x16a: {  	_ =	swait.ge [sflag:s16], $0x1000  }
0x16b: {  	[sflag:s16] =	ssyncset.done $0x0  }
0x16c: {  	s11 =	rddreg [dreg:$0x1d];
	[sflag:s16] =	ssyncadd.s32 $0xFFFFF000  }
0x16d: {  	[tilespmem:s23], [sflag:$0x1] =	stream.indirect.gather [spmem:s3], $0x80, s11, s22, $0xb8;
	[tilespmem:$0x1FF00] =	vst v63  }
0x16e: {  	_ =	swait.ge [sflag:s28], $0x1000  }
0x16f: {  	[sflag:s28] =	ssyncset.done $0x0  }
0x170: {  	s12 =	rddreg [dreg:$0x1e];
	[sflag:s28] =	ssyncadd.s32 $0xFFFFF000  }
0x171: {  	[spmem:s4] =	stream.indirect.scatter.add.f32 [tilespmem:s24], [sflag:$0x3], $0x80, s12, s22, $0xb8;
	[tilespmem:$0x1FF00] =	vst v63  }
0x172: {  	_ =	swait.ge [sflag:s16], $0x1000  }
0x173: {  	[sflag:s16] =	ssyncset.done $0x0  }
0x174: {  	s13 =	rddreg [dreg:$0x1f];
	[sflag:s16] =	ssyncadd.s32 $0xFFFFF000  }
0x175: {  	[tilespmem:s24], [sflag:$0x2] =	stream.indirect.gather [spmem:s3], $0x80, s13, s22, $0xb8;
	[tilespmem:$0x1FF00] =	vst v63  }
0x176: {  	_ =	swait.ge [sflag:s26], $0x1000  }
0x177: {  	s14 =	sld [smem:$0x7FD]  }
0x178: {  	[sflag:s26] =	ssyncset.done $0x0  }
0x179: {  	[sflag:s26] =	ssyncadd.s32 $0xFFFFF000  }
0x17a: {  	[spmem:s4] =	stream.indirect.scatter.add.f32 [tilespmem:s23], [sflag:$0x3], $0x80, s14, s22, $0xb8;
	[tilespmem:$0x1FF00] =	vst v63  }
0x17b: {  	_ =	swait.ge [sflag:s16], $0x1000  }
0x17c: {  	[sflag:s16] =	ssyncset.done $0x0  }
0x17d: {  	[sflag:s16] =	ssyncadd.s32 $0xFFFFF000  }
0x17e: {  	p3 =	sne.s32 s7, $0x4E00;
	_ =	swait.ge [sflag:s28], $0x1000  }
.Ltmp0:
0x17f: {  	[sflag:s28] =	ssyncset.done $0x0;
	(pc) =	sbr.rel @p3 .LBB2_2-.Ltmp0, $4  }
0x180: {  	[sflag:s28] =	ssyncadd.s32 $0xFFFFF000  }
0x181: {  	[spmem:s4] =	stream.indirect.scatter.add.f32 [tilespmem:s24], [sflag:$0x3], $0x80, s31, s22, $0xb8;
	[tilespmem:$0x1FF00] =	vst v63  }
0x182: {  	_ =	swait.ge [sflag:s16], $0x1000  }
0x183: {  	s7 =	sadd.s32 $0x200, s7;
	s9 =	rddreg [dreg:$0x5];
	[sflag:s16] =	ssyncset.done $0x0  }
0x184: {  	s7 =	sadd.s32 s2, s9  }
0x185: {  	s9 =	sand.u32 $0x200, s2;
	s2 =	sand.u32 $0xFFC00, s7  }
0x186: {  	s7 =	sor.u32 s9, s2  }
0x187: {  	s7 =	sshrl.u32 s7, $0x3  }
0x188: {  	[sflag:s16] =	ssyncadd.s32 $0xFFFFF000;
	s7 =	sadd.s32 s6, s7  }
0x189: {  	[tilespmem:s5], [sflag:$0x3] =	stream.linear.gather [hbm4b:s7+s5], $0x100, $0x38;
	[tilespmem:$0x1FF00] =	vst v63  }
0x18a: {  	_ =	swait.ge [sflag:s16], $0x100  }
0x18b: {  	s11 =	rddreg [dreg:$0x6]  }
0x18c: {  	s7 =	sadd.s32 s11, s2  }
0x18d: {  	s10 =	sor.u32 s9, s7  }
0x18e: {  	[sflag:s16] =	ssyncset.done $0x0;
	s10 =	sshrl.u32 s10, $0x3  }
0x18f: {  	[sflag:s16] =	ssyncadd.s32 $0xFFFFFF00;
	s10 =	sadd.s32 s0, s10  }
0x190: {  	[tilespmem:s21], [sflag:$0x3] =	stream.linear.gather [hbm4b:s10+s5], $0x100, $0x38;
	[tilespmem:$0x1FF00] =	vst v63  }
0x191: {  	_ =	swait.ge [sflag:s16], $0x100  }
0x192: {  	[sflag:s16] =	ssyncset.done $0x0  }
0x193: {  	[sflag:s16] =	ssyncadd.s32 $0xFFFFFF00  }
0x194: {  	[tilespmem:s23], [sflag:$0x1] =	stream.indirect.gather [spmem:s3], $0x80, s5, s22, $0xb8;
	[tilespmem:$0x1FF00] =	vst v63  }
0x195: {  	_ = 	snop  }
0x196: {  	[tilespmem:s24], [sflag:$0x2] =	stream.indirect.gather [spmem:s3], $0x80, s22, s22, $0xb8;
	[tilespmem:$0x1FF00] =	vst v63  }
0x197: {  	_ =	swait.ge [sflag:s26], $0x1000  }
0x198: {  	[sflag:s26] =	ssyncset.done $0x0  }
0x199: {  	[sflag:s26] =	ssyncadd.s32 $0xFFFFF000  }
0x19a: {  	[spmem:s4] =	stream.indirect.scatter.add.f32 [tilespmem:s23], [sflag:$0x3], $0x80, s21, s22, $0xb8;
	[tilespmem:$0x1FF00] =	vst v63  }
0x19b: {  	_ =	swait.ge [sflag:s16], $0x1000  }
0x19c: {  	[sflag:s16] =	ssyncset.done $0x0  }
0x19d: {  	s12 =	rddreg [dreg:$0x7];
	[sflag:s16] =	ssyncadd.s32 $0xFFFFF000  }
0x19e: {  	[tilespmem:s23], [sflag:$0x1] =	stream.indirect.gather [spmem:s3], $0x80, s12, s22, $0xb8;
	[tilespmem:$0x1FF00] =	vst v63  }
0x19f: {  	_ =	swait.ge [sflag:s28], $0x1000  }
0x1a0: {  	[sflag:s28] =	ssyncset.done $0x0  }
0x1a1: {  	s13 =	rddreg [dreg:$0x8];
	[sflag:s28] =	ssyncadd.s32 $0xFFFFF000  }
0x1a2: {  	[spmem:s4] =	stream.indirect.scatter.add.f32 [tilespmem:s24], [sflag:$0x3], $0x80, s13, s22, $0xb8;
	[tilespmem:$0x1FF00] =	vst v63  }
0x1a3: {  	_ =	swait.ge [sflag:s16], $0x1000  }
0x1a4: {  	[sflag:s16] =	ssyncset.done $0x0  }
0x1a5: {  	s14 =	rddreg [dreg:$0x9];
	[sflag:s16] =	ssyncadd.s32 $0xFFFFF000  }
0x1a6: {  	[tilespmem:s24], [sflag:$0x2] =	stream.indirect.gather [spmem:s3], $0x80, s14, s22, $0xb8;
	[tilespmem:$0x1FF00] =	vst v63  }
0x1a7: {  	_ =	swait.ge [sflag:s26], $0x1000  }
0x1a8: {  	[sflag:s26] =	ssyncset.done $0x0  }
0x1a9: {  	s11 =	rddreg [dreg:$0xa];
	[sflag:s26] =	ssyncadd.s32 $0xFFFFF000  }
0x1aa: {  	[spmem:s4] =	stream.indirect.scatter.add.f32 [tilespmem:s23], [sflag:$0x3], $0x80, s11, s22, $0xb8;
	[tilespmem:$0x1FF00] =	vst v63  }
0x1ab: {  	_ =	swait.ge [sflag:s16], $0x1000  }
0x1ac: {  	[sflag:s16] =	ssyncset.done $0x0  }
0x1ad: {  	s12 =	rddreg [dreg:$0xb];
	[sflag:s16] =	ssyncadd.s32 $0xFFFFF000  }
0x1ae: {  	[tilespmem:s23], [sflag:$0x1] =	stream.indirect.gather [spmem:s3], $0x80, s12, s22, $0xb8;
	[tilespmem:$0x1FF00] =	vst v63  }
0x1af: {  	_ =	swait.ge [sflag:s28], $0x1000  }
0x1b0: {  	[sflag:s28] =	ssyncset.done $0x0  }
0x1b1: {  	s13 =	rddreg [dreg:$0xc];
	[sflag:s28] =	ssyncadd.s32 $0xFFFFF000  }
0x1b2: {  	[spmem:s4] =	stream.indirect.scatter.add.f32 [tilespmem:s24], [sflag:$0x3], $0x80, s13, s22, $0xb8;
	[tilespmem:$0x1FF00] =	vst v63  }
0x1b3: {  	_ =	swait.ge [sflag:s16], $0x1000  }
0x1b4: {  	[sflag:s16] =	ssyncset.done $0x0  }
0x1b5: {  	s14 =	rddreg [dreg:$0xd];
	[sflag:s16] =	ssyncadd.s32 $0xFFFFF000  }
0x1b6: {  	[tilespmem:s24], [sflag:$0x2] =	stream.indirect.gather [spmem:s3], $0x80, s14, s22, $0xb8;
	[tilespmem:$0x1FF00] =	vst v63  }
0x1b7: {  	_ =	swait.ge [sflag:s26], $0x1000  }
0x1b8: {  	[sflag:s26] =	ssyncset.done $0x0  }
0x1b9: {  	s11 =	rddreg [dreg:$0xe];
	[sflag:s26] =	ssyncadd.s32 $0xFFFFF000  }
0x1ba: {  	[spmem:s4] =	stream.indirect.scatter.add.f32 [tilespmem:s23], [sflag:$0x3], $0x80, s11, s22, $0xb8;
	[tilespmem:$0x1FF00] =	vst v63  }
0x1bb: {  	_ =	swait.ge [sflag:s16], $0x1000  }
0x1bc: {  	[sflag:s16] =	ssyncset.done $0x0  }
0x1bd: {  	s12 =	rddreg [dreg:$0xf];
	[sflag:s16] =	ssyncadd.s32 $0xFFFFF000  }
0x1be: {  	[tilespmem:s23], [sflag:$0x1] =	stream.indirect.gather [spmem:s3], $0x80, s12, s22, $0xb8;
	[tilespmem:$0x1FF00] =	vst v63  }
0x1bf: {  	_ =	swait.ge [sflag:s28], $0x1000  }
0x1c0: {  	[sflag:s28] =	ssyncset.done $0x0  }
0x1c1: {  	s13 =	rddreg [dreg:$0x10];
	[sflag:s28] =	ssyncadd.s32 $0xFFFFF000  }
0x1c2: {  	[spmem:s4] =	stream.indirect.scatter.add.f32 [tilespmem:s24], [sflag:$0x3], $0x80, s13, s22, $0xb8;
	[tilespmem:$0x1FF00] =	vst v63  }
0x1c3: {  	_ =	swait.ge [sflag:s16], $0x1000  }
0x1c4: {  	[sflag:s16] =	ssyncset.done $0x0  }
0x1c5: {  	s14 =	rddreg [dreg:$0x11];
	[sflag:s16] =	ssyncadd.s32 $0xFFFFF000  }
0x1c6: {  	[tilespmem:s24], [sflag:$0x2] =	stream.indirect.gather [spmem:s3], $0x80, s14, s22, $0xb8;
	[tilespmem:$0x1FF00] =	vst v63  }
0x1c7: {  	_ =	swait.ge [sflag:s26], $0x1000  }
0x1c8: {  	[sflag:s26] =	ssyncset.done $0x0  }
0x1c9: {  	s11 =	rddreg [dreg:$0x12];
	[sflag:s26] =	ssyncadd.s32 $0xFFFFF000  }
0x1ca: {  	[spmem:s4] =	stream.indirect.scatter.add.f32 [tilespmem:s23], [sflag:$0x3], $0x80, s11, s22, $0xb8;
	[tilespmem:$0x1FF00] =	vst v63  }
0x1cb: {  	_ =	swait.ge [sflag:s16], $0x1000  }
0x1cc: {  	[sflag:s16] =	ssyncset.done $0x0  }
0x1cd: {  	[sflag:s16] =	ssyncadd.s32 $0xFFFFF000  }
0x1ce: {  	_ =	swait.ge [sflag:s28], $0x1000  }
0x1cf: {  	[sflag:s28] =	ssyncset.done $0x0  }
0x1d0: {  	s9 =	sor.u32 $0x100, s9;
	s12 =	rddreg [dreg:$0x13];
	[sflag:s28] =	ssyncadd.s32 $0xFFFFF000  }
0x1d1: {  	[spmem:s4] =	stream.indirect.scatter.add.f32 [tilespmem:s24], [sflag:$0x3], $0x80, s12, s22, $0xb8;
	[tilespmem:$0x1FF00] =	vst v63  }
0x1d2: {  	s2 =	sor.u32 s9, s2;
	_ =	swait.ge [sflag:s16], $0x1000  }
0x1d3: {  	s2 =	sshrl.u32 s2, $0x3;
	[sflag:s16] =	ssyncset.done $0x0  }
0x1d4: {  	s2 =	sadd.s32 s6, s2;
	[sflag:s16] =	ssyncadd.s32 $0xFFFFF000  }
0x1d5: {  	[tilespmem:s29], [sflag:$0x3] =	stream.linear.gather [hbm4b:s2+s5], $0x100, $0x38;
	[tilespmem:$0x1FF00] =	vst v63  }
0x1d6: {  	s13 =	sor.u32 s9, s7;
	_ =	swait.ge [sflag:s16], $0x100  }
0x1d7: {  	s2 =	sshrl.u32 s13, $0x3;
	[sflag:s16] =	ssyncset.done $0x0  }
0x1d8: {  	s2 =	sadd.s32 s0, s2;
	[sflag:s16] =	ssyncadd.s32 $0xFFFFFF00  }
0x1d9: {  	[tilespmem:s30], [sflag:$0x3] =	stream.linear.gather [hbm4b:s2+s5], $0x100, $0x38;
	[tilespmem:$0x1FF00] =	vst v63  }
0x1da: {  	_ =	swait.ge [sflag:s16], $0x100  }
0x1db: {  	[sflag:s16] =	ssyncset.done $0x0  }
0x1dc: {  	[sflag:s16] =	ssyncadd.s32 $0xFFFFFF00  }
0x1dd: {  	[tilespmem:s23], [sflag:$0x1] =	stream.indirect.gather [spmem:s3], $0x80, s29, s22, $0xb8;
	[tilespmem:$0x1FF00] =	vst v63  }
0x1de: {  	s14 =	rddreg [dreg:$0x14]  }
0x1df: {  	[tilespmem:s24], [sflag:$0x2] =	stream.indirect.gather [spmem:s3], $0x80, s14, s22, $0xb8;
	[tilespmem:$0x1FF00] =	vst v63  }
0x1e0: {  	_ =	swait.ge [sflag:s26], $0x1000  }
0x1e1: {  	[sflag:s26] =	ssyncset.done $0x0  }
0x1e2: {  	[sflag:s26] =	ssyncadd.s32 $0xFFFFF000  }
0x1e3: {  	[spmem:s4] =	stream.indirect.scatter.add.f32 [tilespmem:s23], [sflag:$0x3], $0x80, s30, s22, $0xb8;
	[tilespmem:$0x1FF00] =	vst v63  }
0x1e4: {  	_ =	swait.ge [sflag:s16], $0x1000  }
0x1e5: {  	[sflag:s16] =	ssyncset.done $0x0  }
0x1e6: {  	s7 =	rddreg [dreg:$0x15];
	[sflag:s16] =	ssyncadd.s32 $0xFFFFF000  }
0x1e7: {  	[tilespmem:s23], [sflag:$0x1] =	stream.indirect.gather [spmem:s3], $0x80, s7, s22, $0xb8;
	[tilespmem:$0x1FF00] =	vst v63  }
0x1e8: {  	_ =	swait.ge [sflag:s28], $0x1000  }
0x1e9: {  	[sflag:s28] =	ssyncset.done $0x0  }
0x1ea: {  	s9 =	rddreg [dreg:$0x16];
	[sflag:s28] =	ssyncadd.s32 $0xFFFFF000  }
0x1eb: {  	[spmem:s4] =	stream.indirect.scatter.add.f32 [tilespmem:s24], [sflag:$0x3], $0x80, s9, s22, $0xb8;
	[tilespmem:$0x1FF00] =	vst v63  }
0x1ec: {  	_ =	swait.ge [sflag:s16], $0x1000  }
0x1ed: {  	[sflag:s16] =	ssyncset.done $0x0  }
0x1ee: {  	s10 =	rddreg [dreg:$0x17];
	[sflag:s16] =	ssyncadd.s32 $0xFFFFF000  }
0x1ef: {  	[tilespmem:s24], [sflag:$0x2] =	stream.indirect.gather [spmem:s3], $0x80, s10, s22, $0xb8;
	[tilespmem:$0x1FF00] =	vst v63  }
0x1f0: {  	_ =	swait.ge [sflag:s26], $0x1000  }
0x1f1: {  	[sflag:s26] =	ssyncset.done $0x0  }
0x1f2: {  	s11 =	rddreg [dreg:$0x18];
	[sflag:s26] =	ssyncadd.s32 $0xFFFFF000  }
0x1f3: {  	[spmem:s4] =	stream.indirect.scatter.add.f32 [tilespmem:s23], [sflag:$0x3], $0x80, s11, s22, $0xb8;
	[tilespmem:$0x1FF00] =	vst v63  }
0x1f4: {  	_ =	swait.ge [sflag:s16], $0x1000  }
0x1f5: {  	[sflag:s16] =	ssyncset.done $0x0  }
0x1f6: {  	s12 =	rddreg [dreg:$0x19];
	[sflag:s16] =	ssyncadd.s32 $0xFFFFF000  }
0x1f7: {  	[tilespmem:s23], [sflag:$0x1] =	stream.indirect.gather [spmem:s3], $0x80, s12, s22, $0xb8;
	[tilespmem:$0x1FF00] =	vst v63  }
0x1f8: {  	_ =	swait.ge [sflag:s28], $0x1000  }
0x1f9: {  	[sflag:s28] =	ssyncset.done $0x0  }
0x1fa: {  	s13 =	rddreg [dreg:$0x1a];
	[sflag:s28] =	ssyncadd.s32 $0xFFFFF000  }
0x1fb: {  	[spmem:s4] =	stream.indirect.scatter.add.f32 [tilespmem:s24], [sflag:$0x3], $0x80, s13, s22, $0xb8;
	[tilespmem:$0x1FF00] =	vst v63  }
0x1fc: {  	_ =	swait.ge [sflag:s16], $0x1000  }
0x1fd: {  	[sflag:s16] =	ssyncset.done $0x0  }
0x1fe: {  	s14 =	rddreg [dreg:$0x1b];
	[sflag:s16] =	ssyncadd.s32 $0xFFFFF000  }
0x1ff: {  	[tilespmem:s24], [sflag:$0x2] =	stream.indirect.gather [spmem:s3], $0x80, s14, s22, $0xb8;
	[tilespmem:$0x1FF00] =	vst v63  }
0x200: {  	_ =	swait.ge [sflag:s26], $0x1000  }
0x201: {  	[sflag:s26] =	ssyncset.done $0x0  }
0x202: {  	s7 =	rddreg [dreg:$0x1c];
	[sflag:s26] =	ssyncadd.s32 $0xFFFFF000  }
0x203: {  	[spmem:s4] =	stream.indirect.scatter.add.f32 [tilespmem:s23], [sflag:$0x3], $0x80, s7, s22, $0xb8;
	[tilespmem:$0x1FF00] =	vst v63  }
0x204: {  	_ =	swait.ge [sflag:s16], $0x1000  }
0x205: {  	[sflag:s16] =	ssyncset.done $0x0  }
0x206: {  	s9 =	rddreg [dreg:$0x1d];
	[sflag:s16] =	ssyncadd.s32 $0xFFFFF000  }
0x207: {  	[tilespmem:s23], [sflag:$0x1] =	stream.indirect.gather [spmem:s3], $0x80, s9, s22, $0xb8;
	[tilespmem:$0x1FF00] =	vst v63  }
0x208: {  	_ =	swait.ge [sflag:s28], $0x1000  }
0x209: {  	[sflag:s28] =	ssyncset.done $0x0  }
0x20a: {  	s10 =	rddreg [dreg:$0x1e];
	[sflag:s28] =	ssyncadd.s32 $0xFFFFF000  }
0x20b: {  	[spmem:s4] =	stream.indirect.scatter.add.f32 [tilespmem:s24], [sflag:$0x3], $0x80, s10, s22, $0xb8;
	[tilespmem:$0x1FF00] =	vst v63  }
0x20c: {  	_ =	swait.ge [sflag:s16], $0x1000  }
0x20d: {  	[sflag:s16] =	ssyncset.done $0x0  }
0x20e: {  	s11 =	rddreg [dreg:$0x1f];
	[sflag:s16] =	ssyncadd.s32 $0xFFFFF000  }
0x20f: {  	[tilespmem:s24], [sflag:$0x2] =	stream.indirect.gather [spmem:s3], $0x80, s11, s22, $0xb8;
	[tilespmem:$0x1FF00] =	vst v63  }
0x210: {  	_ =	swait.ge [sflag:s26], $0x1000  }
0x211: {  	s12 =	sld [smem:$0x7FD]  }
0x212: {  	[sflag:s26] =	ssyncset.done $0x0  }
0x213: {  	[sflag:s26] =	ssyncadd.s32 $0xFFFFF000  }
0x214: {  	[spmem:s4] =	stream.indirect.scatter.add.f32 [tilespmem:s23], [sflag:$0x3], $0x80, s12, s22, $0xb8;
	[tilespmem:$0x1FF00] =	vst v63  }
0x215: {  	_ =	swait.ge [sflag:s16], $0x1000  }
0x216: {  	[sflag:s16] =	ssyncset.done $0x0  }
0x217: {  	[sflag:s16] =	ssyncadd.s32 $0xFFFFF000  }
0x218: {  	_ =	swait.ge [sflag:s28], $0x1000  }
0x219: {  	[sflag:s28] =	ssyncset.done $0x0  }
0x21a: {  	[sflag:s28] =	ssyncadd.s32 $0xFFFFF000  }
0x21b: {  	[spmem:s4] =	stream.indirect.scatter.add.f32 [tilespmem:s24], [sflag:$0x3], $0x80, s31, s22, $0xb8;
	[tilespmem:$0x1FF00] =	vst v63  }
0x21c: {  	_ =	swait.ge [sflag:s16], $0x1000  }
0x21d: {  	[sflag:s16] =	ssyncset.done $0x0  }
0x21e: {  	[sflag:s16] =	ssyncadd.s32 $0xFFFFF000  }
0x21f: {  	[bflag:$0x0] =	sbarrier.arrive $0xFFFF  }
0x220: {  	[bflag:$0x0] =	sbarrier.arrive $0xFFFF  }
0x221: {  	s13 =	sld [smem:$0x7FB];
	_ =	sdelay $0x2  }
0x222: {  	[hbm:s13], [sflag:s8] =	dma.local [spmem:s25], $0x1400  }
0x223: {  	_ =	swait.ge [sflag:s16], $0x1400  }
0x224: {  	s14 =	sld [smem:$0x7FC];
	_ =	sdelay $0x1  }
0x225: {  	s1 =	sadd.s32 $0x1, s1  }
0x226: {  	p3 =	sne.s32 s1, s14  }
.Ltmp1:
0x227: {  	_ = 	snop;
	(pc) =	sbr.rel @p3 .LBB2_1-.Ltmp1, $3  }
0x228: {  	_ =	sdelay $0x1  }
0x229: {  	[sflag:s16] =	ssyncset.done $0x0  }
0x22a: {  	[sflag:s16] =	ssyncadd.s32 $0xFFFFEC00  }
0x22b: {  	_ =	sfence.sel $0x180000  }
0x22c: {  	[bflag:$0x0] =	sbarrier.arrive $0xFFFF  }
0x22d: {  	_ =	strace $0x9000004A  }
0x22e: {  	s0 =	stileid.u32;
	[bflag:$0x2] =	sbarrier.arrive $0xFFFF  }
0x22f: {  	p0 =	sne.s32 s0, $0x0;
	s0 =	rddreg [dreg:$0x4]  }
0x230: {  	s0 =	sadd.s32 @!p0 $0x100000, s0  }
0x231: {  	[sflag:s0] =	ssyncadd.tile.s32 @!p0 $0x1;
	_ =	shalt  }
.Lfunc_end2:
_tile_overlayer_lowered:
.L_overlay_start_2:
0x232: {  	(tag) =	ssettag $0x2  }
0x233: {  	s0 =	rddreg [dreg:$0x0];
	s2 =	stileid.u32  }
0x234: {  	s1 =	rddreg [dreg:$0x1];
	p0 =	sne.s32 s2, $0x0  }
0x235: {  	s3 =	rddreg [dreg:$0x2];
	[bflag:$0x3] =	sbarrier.arrive $0xFFFF;
	s2 =	simm.s32 @!p0 $0x1C03  }
0x236: {  	[timem:s3], [sflag:s2] =	dma.local @!p0 [hbm:s0], s1  }
0x237: {  	s0 =	simm.s32 @!p0 $0x3  }
0x238: {  	_ =	swait.ge @!p0 [sflag:s0], s1  }
0x239: {  	s1 =	ssub.s32 @!p0 $0x0, s1;
	[sflag:s0] =	ssyncset.done @!p0 $0x0  }
0x23a: {  	[sflag:s0] =	ssyncadd.s32 @!p0 s1  }
0x23b: {  	[bflag:$0x3] =	sbarrier.arrive $0xFFFF  }
0x23c: {  	_ =	shalt  }

// kernel: kernel.14.cloned.1.call-start
scs
__scs_entry_jumppad:
0x0: {  	(pc) =	sbr.rel $0x88, $3  }
0x1: {  	(tag) =	ssettag $0x0;
	lr =	simm.s32 $0x1  }
0x2: {  	[smem:$0x3F9B] =	sst lr;
	_ =	strace $0xD0000000  }
0x3: {  	_ = 	snop  }
0x4: {  	_ = 	snop  }
0x5: {  	_ = 	snop  }
0x6: {  	_ = 	snop  }
0x7: {  	_ = 	snop  }
__scs_overlays_trampoline_lowered:
0x8: {  	[smem:$0x3FAA] =	sst s0  }
0x9: {  	[smem:$0x3FAB] =	sst s1  }
0xa: {  	[smem:$0x3FAC] =	sst s2  }
0xb: {  	[smem:$0x3FAD] =	sst s3  }
0xc: {  	[smem:$0x3FAE] =	sst s4  }
0xd: {  	[smem:$0x3FAF] =	sst s5  }
0xe: {  	[smem:$0x3FB0] =	sst s6  }
0xf: {  	[smem:$0x3FB1] =	sst s7  }
0x10: {  	[smem:$0x3FB2] =	sst s8  }
0x11: {  	[smem:$0x3FB3] =	sst s9;
	s0 =	simm.s32 @!p0 $0x0  }
0x12: {  	s1 =	sld [smem:$0x3F99];
	s0 =	simm.s32 @p0 $0x1  }
0x13: {  	[smem:$0x3FB4] =	sst s0;
	s0 =	simm.s32 @!p1 $0x0  }
0x14: {  	s2 =	sld [smem:$0x3F98];
	s0 =	simm.s32 @p1 $0x1  }
0x15: {  	[smem:$0x3FB5] =	sst s0;
	s0 =	simm.s32 @!p2 $0x0  }
0x16: {  	s3 =	sld [smem:$0x3FDB];
	s0 =	simm.s32 @p2 $0x1  }
0x17: {  	s4 =	simm.s32 $0x1BF5;
	[smem:$0x3FB7] =	sst s0  }
0x18: {  	s0 =	sld [smem:$0x3F9A];
	_ =	swait.ge [sflag:s4], $0x0  }
0x19: {  	s7 =	sld [smem:$0x3F9B]  }
0x1a: {  	s8 =	sadd.s32 $0xFFFFE003, lr  }
0x1b: {  	s9 =	sadd.s32 $0xFFFFFEF7, lr;
	s5 =	simm.s32 $0xFFFFFFFF;
	p2 =	slt.u32 s8, $0xFFFFF086  }
0x1c: {  	p1 =	slt.u32 s9, $0xF7A;
	s5 =	simm.s32 @!p2 $0x0  }
0x1d: {  	s5 =	simm.s32 @p1 $0x1;
	p0 =	seq.s32 s7, s2  }
0x1e: {  	s7 =	smul.u32 @!p0 $0xF7A, s2;
	p2 =	seq.s32 @!p0 s5, $0x0  }
0x1f: {  	s9 =	smul.u32 $0xF7A, s1;
	s8 =	simm.s32 @!p0 $0x1BF5;
	p2 =	por !p2, p0  }
0x20: {  	[sflag:s8] =	ssyncset.s32 @!p0 $0xFFFFF086;
	s6 =	sadd.s32 @!p0 s3, s7;
	s7 =	simm.s32 @!p0 $0x108  }
0x21: {  	s3 =	sadd.s32 s3, s9;
	s6 =	sadd.s32 @!p0 $0x88, s6;
	s7 =	simm.s32 @p2 $0x1082  }
0x22: {  	[simem:s7], [sflag:s8] =	dma.local @!p0 [hbm:s6], $0xF7A  }
0x23: {  	s9 =	sor.u32 $0xD0000000, s2;
	s6 =	simm.s32 $0x108;
	_ =	swait.ge @!p0 [sflag:s8], $0x0  }
0x24: {  	s3 =	sadd.s32 $0x88, s3;
	s6 =	simm.s32 @!p1 $0x1082;
	[sflag:s4] =	ssyncset.s32 $0xFFFFF086  }
0x25: {  	[simem:s6], [sflag:s4] =	dma.local [hbm:s3], $0xF7A  }
0x26: {  	[smem:$0x3F9B] =	sst s1;
	(tag) =	ssettag s2;
	_ =	strace s9  }
0x27: {  	s1 =	sld [smem:$0x3FAB]  }
0x28: {  	s2 =	sld [smem:$0x3FAC]  }
0x29: {  	s4 =	sld [smem:$0x3FAE]  }
0x2a: {  	p0 =	seq.s32 s5, $0x0;
	s5 =	sld [smem:$0x3FAF]  }
0x2b: {  	s6 =	sld [smem:$0x3FB0]  }
0x2c: {  	s7 =	sld [smem:$0x3FB1]  }
0x2d: {  	s3 =	simm.s32 $0x108;
	s8 =	sld [smem:$0x3FB2]  }
0x2e: {  	s3 =	simm.s32 @!p0 $0x1082;
	s9 =	sld [smem:$0x3FB3]  }
0x2f: {  	lr =	sadd.s32 s0, s3;
	s0 =	sld [smem:$0x3FAA]  }
0x30: {  	s3 =	sld [smem:$0x3FAD]  }
0x31: {  	[smem:$0x3FB6] =	sst s10  }
0x32: {  	s10 =	sld [smem:$0x3FB4];
	_ =	sdelay $0x3  }
0x33: {  	p0 =	seq.s32 s10, $0x1;
	s10 =	sld [smem:$0x3FB6];
	_ =	sdelay $0x3  }
0x34: {  	[smem:$0x3FB6] =	sst s10  }
0x35: {  	s10 =	sld [smem:$0x3FB5];
	_ =	sdelay $0x3  }
0x36: {  	p1 =	seq.s32 s10, $0x1;
	s10 =	sld [smem:$0x3FB6];
	_ =	sdelay $0x3  }
0x37: {  	[smem:$0x3FB6] =	sst s10  }
0x38: {  	s10 =	sld [smem:$0x3FB7]  }
0x39: {  	_ = 	snop;
	(pc) =	sbr.ind lr, $3  }
0x3a: {  	_ = 	snop  }
0x3b: {  	_ = 	snop  }
0x3c: {  	p2 =	seq.s32 s10, $0x1;
	s10 =	sld [smem:$0x3FB6]  }
0x3d: {  	_ =	shalt  }
0x3e: {  	_ =	shalt  }
0x3f: {  	_ =	shalt  }
0x40: {  	_ =	shalt  }
0x41: {  	_ =	shalt  }
0x42: {  	_ =	shalt  }
0x43: {  	_ =	shalt  }
0x44: {  	_ =	shalt  }
0x45: {  	_ =	shalt  }
0x46: {  	_ =	shalt  }
0x47: {  	_ =	shalt  }
0x48: {  	_ =	shalt  }
0x49: {  	_ =	shalt  }
0x4a: {  	_ =	shalt  }
0x4b: {  	_ =	shalt  }
0x4c: {  	_ =	shalt  }
0x4d: {  	_ =	shalt  }
0x4e: {  	_ =	shalt  }
0x4f: {  	_ =	shalt  }
0x50: {  	_ =	shalt  }
0x51: {  	_ =	shalt  }
0x52: {  	_ =	shalt  }
0x53: {  	_ =	shalt  }
0x54: {  	_ =	shalt  }
0x55: {  	_ =	shalt  }
0x56: {  	_ =	shalt  }
0x57: {  	_ =	shalt  }
0x58: {  	_ =	shalt  }
0x59: {  	_ =	shalt  }
0x5a: {  	_ =	shalt  }
0x5b: {  	_ =	shalt  }
0x5c: {  	_ =	shalt  }
0x5d: {  	_ =	shalt  }
0x5e: {  	_ =	shalt  }
0x5f: {  	_ =	shalt  }
0x60: {  	_ =	shalt  }
0x61: {  	_ =	shalt  }
0x62: {  	_ =	shalt  }
0x63: {  	_ =	shalt  }
0x64: {  	_ =	shalt  }
0x65: {  	_ =	shalt  }
0x66: {  	_ =	shalt  }
0x67: {  	_ =	shalt  }
0x68: {  	_ =	shalt  }
0x69: {  	_ =	shalt  }
0x6a: {  	_ =	shalt  }
0x6b: {  	_ =	shalt  }
0x6c: {  	_ =	shalt  }
0x6d: {  	_ =	shalt  }
0x6e: {  	_ =	shalt  }
0x6f: {  	_ =	shalt  }
0x70: {  	_ =	shalt  }
0x71: {  	_ =	shalt  }
0x72: {  	_ =	shalt  }
0x73: {  	_ =	shalt  }
0x74: {  	_ =	shalt  }
0x75: {  	_ =	shalt  }
0x76: {  	_ =	shalt  }
0x77: {  	_ =	shalt  }
0x78: {  	_ =	shalt  }
0x79: {  	_ =	shalt  }
0x7a: {  	_ =	shalt  }
0x7b: {  	_ =	shalt  }
0x7c: {  	_ =	shalt  }
0x7d: {  	_ =	shalt  }
0x7e: {  	_ =	shalt  }
0x7f: {  	_ =	shalt  }
0x80: {  	_ =	shalt  }
0x81: {  	_ =	shalt  }
0x82: {  	_ =	shalt  }
0x83: {  	_ =	shalt  }
0x84: {  	_ =	shalt  }
0x85: {  	_ =	shalt  }
0x86: {  	_ =	shalt  }
0x87: {  	_ =	shalt  }
.Lfunc_end0:
.L_simem_size_0:
called_computation.2_lowered:
.L_overlay_start_0:
0x88: {  	s2 =	sld [smem:$0x3FD9]  }
0x89: {  	s3 =	sld [smem:$0x3FFE];
	_ =	sdelay $0x1  }
0x8a: {  	s1 =	srdreg.scid  }
0x8b: {  	s0 =	sand.u32 $0x1, s1  }
0x8c: {  	s17 =	sshll.u32 s0, $0xA;
	s2 =	sadd.s32 s3, s2  }
0x8d: {  	s2 =	sadd.s32 s2, s17  }
0x8e: {  	[smem:$0x3FC2] =	sst s2  }
0x8f: {  	_ = 	snop  }
0x90: {  	s2 =	sld [smem:$0x3FD0];
	(tm) =	ssettm $0x1  }
0x91: {  	s18 =	sld [smem:$0x3FFB];
	_ =	sdelay $0x3  }
0x92: {  	_ =	strace s18  }
0x93: {  	s3 =	sld [smem:$0x3FFC];
	_ =	sdelay $0x3  }
0x94: {  	_ =	strace s3  }
0x95: {  	s3 =	sld [smem:$0x3FFD];
	_ =	sdelay $0x3  }
0x96: {  	_ =	strace s3  }
0x97: {  	_ =	strace $0x8FFFFFFF  }
0x98: {  	s19 =	sld [smem:$0x3FDB];
	_ =	sdelay $0x1  }
0x99: {  	s4 =	simm.s32 $_scs_section_size  }
0x9a: {  	s5 =	simm.s32 $_size__tile_overlayer_lowered;
	s6 =	simm.s32 $_tile_overlayer_lowered  }
0x9b: {  	s22 =	simm.s32 $0x1BFF;
	s21 =	sshll.u32 s6, $0x1;
	s3 =	sadd.s32 s4, s19  }
0x9c: {  	s7 =	simm.s32 $0x0;
	s20 =	sshll.u32 s5, $0x1;
	s5 =	sadd.s32 s21, s3  }
0x9d: {  	[timem:s7], [sflag:s22] =	dma.local [hbm:s5], s20  }
0x9e: {  	_ =	swait.ge [sflag:s22], s20  }
0x9f: {  	s4 =	ssub.s32 $0x0, s20;
	[sflag:s22] =	ssyncset.done $0x0  }
0xa0: {  	[sflag:s22] =	ssyncadd.s32 s4;
	_ =	sdelay $0x1  }
0xa1: {  	s23 =	simm.s32 $0x1B8B  }
0xa2: {  	_ =	swait.ge [sflag:s23], $0x1  }
0xa3: {  	[sflag:s23] =	ssyncset.done $0x0  }
0xa4: {  	s25 =	simm.s32 $0x1B8E;
	s24 =	sld [smem:$0x3FFE];
	[sflag:s23] =	ssyncadd.s32 $0xFFFFFFFF  }
0xa5: {  	s26 =	simm.s32 $execute0_lowered;
	[smem:$0x3FD2] =	sst s25  }
0xa6: {  	s5 =	sshll.u32 s26, $0x1;
	_ =	strace $0x8000004C;
	[dreg:$0x1] =	wrdreg $0xFFFFFFFF  }
0xa7: {  	s28 =	simm.s32 $_size_execute0_lowered;
	s3 =	sadd.s32 s3, s5;
	[dreg:$0x0] =	wrdreg $0x0  }
0xa8: {  	s5 =	sshll.u32 s28, $0x1;
	[dreg:$0x2] =	wrdreg s3  }
0xa9: {  	[dreg:$0x3] =	wrdreg s5  }
0xaa: {  	[dreg:$0x4] =	wrdreg $0xC0  }
0xab: {  	_ =	task [dreg:s7], $0x5FFFF  }
0xac: {  	[dreg:$0x1] =	wrdreg $0xFFFFFFFF  }
0xad: {  	[dreg:$0x0] =	wrdreg $0x60  }
0xae: {  	[dreg:$0x2] =	wrdreg s24  }
0xaf: {  	[dreg:$0x3] =	wrdreg s2  }
0xb0: {  	[dreg:$0x4] =	wrdreg $0x24000  }
0xb1: {  	[dreg:$0x5] =	wrdreg $0x15E000  }
0xb2: {  	[dreg:$0x6] =	wrdreg $0x9  }
0xb3: {  	_ =	task.clear_ibuf [dreg:s7], $0x7FFFF;
	_ =	strace $0x9000004C  }
0xb4: {  	s29 =	simm.s32 $0x9;
	_ =	strace $0x8000004E  }
0xb5: {  	_ =	swait.ge [sflag:s29], $0x1  }
0xb6: {  	[sflag:s29] =	ssyncadd.s32 $0xFFFFFFFF  }
0xb7: {  	_ =	strace $0x9000004E  }
0xb8: {  	_ =	sfence  }
0xb9: {  	s30 =	sld [smem:$0x0];
	_ =	sdelay $0x2  }
0xba: {  	s31 =	sshll.u32 s1, $0xD;
	s1 =	sshrl.u32 s1, $0x2  }
0xbb: {  	s3 =	sand.u32 $0x4000, s31;
	s1 =	sadd.s32 s1, s30  }
0xbc: {  	s0 =	sor.u32 s3, s0;
	s1 =	sshll.u32 s1, $0x11  }
0xbd: {  	s0 =	sor.u32 s1, s0  }
0xbe: {  	s0 =	sadd.s32 $0x8F2B, s0  }
0xbf: {  	[sflag:s0] =	ssyncadd.remote.s32 $0x1  }
0xc0: {  	_ =	sfence.sel $0xFFFF  }
0xc1: {  	[dreg:$0x0] =	wrdreg $0xFFFFFFFF;
	(pc) =	sbr.abs _section_cstart, $3  }
0xc2: {  	[dreg:$0x1] =	wrdreg $0xFFFFFFFF  }
0xc3: {  	_ =	task.clear_ibuf [dreg:s7], $0x2FFFF;
	_ =	strace $0x9FFFFFFF  }
0xc4: {  	(tm) =	ssettm $0x7FFFFFFF  }
0xc5: {  	_ =	shalt  }
tec
execute0_lowered:
.L_overlay_start_1:
0x0: {  	(tag) =	ssettag $0x1  }
0x1: {  	s2 =	rddreg [dreg:$0x0]  }
0x2: {  	s0 =	rddreg [dreg:$0x1]  }
0x3: {  	s3 =	rddreg [dreg:$0x2]  }
0x4: {  	s1 =	srdreg.scid;
	s17 =	stileid.u32  }
0x5: {  	s4 =	rddreg [dreg:$0x3];
	s5 =	simm.s32 $0x0;
	s7 =	smul.u32 $0xA000, s17  }
0x6: {  	s26 =	simm.s32 $0x40;
	s28 =	simm.s32 $0x2;
	s8 =	smul.u32 $0x4E000, s17  }
0x7: {  	s29 =	simm.s32 $0x200;
	s30 =	simm.s32 $0x300;
	s9 =	smul.u32 $0x2700, s17  }
0x8: {  	s31 =	simm.s32 $0x3E0;
	s1 =	sand.u32 $0x1, s1;
	s11 =	smul.u32 $0x26000, s17  }
0x9: {  	[smem:$0x7FF] =	sst s5;
	s12 =	sadd.s32 $0xC200, s2;
	s15 =	smul.u32 $0x1300, s17  }
0xa: {  	s19 =	sshll.u32 s17, $0x3;
	s21 =	sshll.u32 s17, $0x6;
	s24 =	smul.u32 $0x5000, s17  }
0xb: {  	p0 =	slt.u32 s17, $0x8;
	s23 =	sshll.u32 s17, $0x4;
	s6 =	smul.u32 $0xA0000, s1  }
0xc: {  	_ =	strace $0x8000004D;
	s16 =	ssub.s32 $0x2, s1;
	s22 =	sor.u32 $0x2700, s19  }
0xd: {  	s14 =	smul.u32 $0x14000, s1;
	p1 =	seq.s32 s1, $0x1;
	[dreg:$0x7] =	wrdreg s26  }
0xe: {  	p2 =	sne.s32 s1, $0x0;
	s18 =	sshrl.u32 s16, $0x1;
	s8 =	sshrl.u32 s8, $0x2  }
0xf: {  	s20 =	sadd.s32 s12, s9;
	s9 =	sshll.u32 s22, $0x4;
	s11 =	sshrl.u32 s11, $0x2  }
0x10: {  	[dreg:$0x5] =	wrdreg s24;
	p0 =	por !p0, !p1;
	s24 =	simm.s32 $0x180  }
0x11: {  	p1 =	sgt.u32 s17, $0x7;
	s6 =	sadd.s32 s7, s6;
	s10 =	ssub.s32 s16, s18  }
0x12: {  	[smem:$0x7F6] =	sst s20;
	s9 =	sadd.s32 s12, s9;
	s14 =	sadd.s32 s15, s14  }
0x13: {  	s16 =	smul.u32 $0x50000, s1;
	s15 =	simm.s32 $0x60;
	[dreg:$0xe] =	wrdreg s24  }
0x14: {  	p0 =	por !p0, !p0;
	s18 =	sshll.u32 s17, $0x7;
	[smem:$0x7F7] =	sst s9  }
0x15: {  	s20 =	simm.s32 $0x80;
	s24 =	simm.s32 $0x240;
	[dreg:$0x9] =	wrdreg s15  }
0x16: {  	s1 =	simm.s32 $0x0;
	s7 =	sshrl.u32 s6, $0x3;
	[dreg:$0xb] =	wrdreg s20  }
0x17: {  	s6 =	sadd.s32 $0x2200, s2;
	s14 =	sadd.s32 s12, s14;
	[dreg:$0x15] =	wrdreg s24  }
0x18: {  	s9 =	sadd.s32 s11, s4;
	s11 =	sor.u32 $0x1300, s23;
	[smem:$0x7F8] =	sst s14  }
0x19: {  	s23 =	simm.s32 $0xA0;
	s10 =	smax.u32 s10, $0x1;
	[dreg:$0x6] =	wrdreg s16  }
0x1a: {  	s24 =	simm.s32 $0x2E0;
	s13 =	sadd.s32 s7, s2;
	[dreg:$0xd] =	wrdreg s23  }
0x1b: {  	s2 =	sadd.s32 s8, s3;
	s8 =	sor.u32 $0x1C03, s21;
	[smem:$0x7FC] =	sst s10  }
0x1c: {  	s7 =	sshll.u32 s22, $0x7;
	s16 =	simm.s32 $0x140;
	[dreg:$0x1f] =	wrdreg s24  }
0x1d: {  	s25 =	sshll.u32 s11, $0x7;
	s22 =	simm.s32 $0x160;
	[dreg:$0xa] =	wrdreg s16  }
0x1e: {  	s11 =	sshll.u32 s11, $0x4;
	s23 =	simm.s32 $0x220;
	[dreg:$0xc] =	wrdreg s22  }
0x1f: {  	s21 =	sshll.u32 s17, $0xA;
	s10 =	simm.s32 $0x260;
	[dreg:$0x14] =	wrdreg s23  }
0x20: {  	s14 =	simm.s32 $0x2A0;
	s24 =	simm.s32 $0x1400;
	[dreg:$0x17] =	wrdreg s10  }
0x21: {  	s7 =	sadd.s32 s7, s3;
	s11 =	sadd.s32 s12, s11;
	[dreg:$0x1b] =	wrdreg s14  }
0x22: {  	s19 =	sadd.s32 s25, s4;
	s25 =	simm.s32 $0xC0;
	[smem:$0x7F9] =	sst s11  }
0x23: {  	s12 =	sadd.s32 s18, s12;
	s18 =	sadd.s32 $0x33600, s13;
	[dreg:$0xf] =	wrdreg s25  }
0x24: {  	s16 =	sadd.s32 s21, s4;
	s21 =	simm.s32 $0x1C0;
	[smem:$0x7FB] =	sst s18  }
0x25: {  	s22 =	simm.s32 $0x1E0;
	s13 =	simm.s32 $0x360;
	[dreg:$0x12] =	wrdreg s21  }
0x26: {  	s23 =	simm.s32 $0x3A0;
	s11 =	simm.s32 $0x120;
	[dreg:$0x13] =	wrdreg s22  }
0x27: {  	s20 =	sadd.s32 $0x98000, s16;
	s26 =	sadd.s32 $0x27000, s12;
	[dreg:$0x1a] =	wrdreg s13  }
0x28: {  	s12 =	smul.u32 $0x28000, s17;
	s16 =	simm.s32 $0xE0;
	[dreg:$0x1e] =	wrdreg s23  }
0x29: {  	s17 =	sshrl.u32 @!p1 s7, $0x3;
	s18 =	sshrl.u32 s9, $0x3;
	[dreg:$0x8] =	wrdreg s11  }
0x2a: {  	s19 =	sshrl.u32 @!p2 s19, $0x3;
	s21 =	simm.s32 $0x380;
	[smem:$0x7FA] =	sst s26  }
0x2b: {  	s22 =	simm.s32 $0x2C0;
	s23 =	simm.s32 $0x400;
	[dreg:$0x11] =	wrdreg s16  }
0x2c: {  	s11 =	simm.s32 $0x1A0;
	s26 =	simm.s32 $0x320;
	[dreg:$0x1c] =	wrdreg s21  }
0x2d: {  	s16 =	simm.s32 $0x3;
	s20 =	sshrl.u32 @p0 s20, $0x3;
	[dreg:$0x1d] =	wrdreg s22  }
0x2e: {  	s21 =	simm.s32 $0x100;
	s22 =	simm.s32 $0x20;
	[dreg:$0x10] =	wrdreg s11  }
0x2f: {  	s15 =	sshrl.u32 s12, $0x2;
	[dreg:$0x16] =	wrdreg s26;
	s11 =	simm.s32 $0x340  }
0x30: {  	s12 =	simm.s32 $0x280;
	s26 =	simm.s32 $0x3C0;
	[dreg:$0x18] =	wrdreg s11  }
0x31: {  	s25 =	sadd.s32 s15, s4;
	s15 =	sshrl.u32 s2, $0x3;
	[dreg:$0x19] =	wrdreg s12  }
0x32: {  	[smem:$0x7FD] =	sst s26;
	s26 =	simm.s32 $0x1;
	s25 =	sshrl.u32 s25, $0x3  }
.LBB2_1:
0x33: {  	s2 =	sld [smem:$0x7F6];
	_ =	sdelay $0x2  }
0x34: {  	[spmem:s15], [sflag:s8] =	dma.local [hbm:s2], $0x2700  }
0x35: {  	_ =	swait.ge [sflag:s16], $0x2700  }
0x36: {  	s2 =	sld [smem:$0x7F7]  }
0x37: {  	[sflag:s16] =	ssyncset.done $0x0  }
0x38: {  	[sflag:s16] =	ssyncadd.s32 $0xFFFFD900  }
0x39: {  	[spmem:s17], [sflag:s8] =	dma.local @!p1 [hbm:s2], $0x80  }
0x3a: {  	s2 =	simm.s32 @!p1 $0x3  }
0x3b: {  	_ =	swait.ge @!p1 [sflag:s2], $0x80  }
0x3c: {  	s11 =	sld [smem:$0x7F8]  }
0x3d: {  	[sflag:s2] =	ssyncset.done @!p1 $0x0  }
0x3e: {  	[sflag:s2] =	ssyncadd.s32 @!p1 $0xFFFFFF80  }
0x3f: {  	[spmem:s18], [sflag:s8] =	dma.local [hbm:s11], $0x1300  }
0x40: {  	_ =	swait.ge [sflag:s16], $0x1300  }
0x41: {  	s2 =	sld [smem:$0x7F9]  }
0x42: {  	[sflag:s16] =	ssyncset.done $0x0  }
0x43: {  	[sflag:s16] =	ssyncadd.s32 $0xFFFFED00  }
0x44: {  	[spmem:s19], [sflag:s8] =	dma.local @!p2 [hbm:s2], $0x100  }
0x45: {  	s2 =	simm.s32 @!p2 $0x3  }
0x46: {  	_ =	swait.ge @!p2 [sflag:s2], $0x100  }
0x47: {  	[sflag:s2] =	ssyncset.done @!p2 $0x0  }
0x48: {  	[sflag:s2] =	ssyncadd.s32 @!p2 $0xFFFFFF00;
	s2 =	sld [smem:$0x7FA];
	_ =	sdelay $0x2  }
0x49: {  	[spmem:s20], [sflag:s8] =	dma.local @p0 [hbm:s2], $0x80  }
0x4a: {  	s2 =	simm.s32 @p0 $0x3  }
0x4b: {  	_ =	swait.ge @p0 [sflag:s2], $0x80  }
0x4c: {  	[sflag:s2] =	ssyncset.done @p0 $0x0  }
0x4d: {  	[sflag:s2] =	ssyncadd.s32 @p0 $0xFFFFFF80  }
0x4e: {  	[bflag:$0x0] =	sbarrier.arrive $0xFFFF  }
0x4f: {  	s12 =	rddreg [dreg:$0x5]  }
0x50: {  	s7 =	sadd.s32 $0x0, s12  }
0x51: {  	s2 =	sand.u32 $0x200, s5;
	s7 =	sand.u32 $0xFFC00, s7  }
0x52: {  	s9 =	sor.u32 s2, s7  }
0x53: {  	s9 =	sshrl.u32 s9, $0x3  }
0x54: {  	s9 =	sadd.s32 s6, s9  }
0x55: {  	[tilespmem:s5], [sflag:$0x3] =	stream.linear.gather [hbm4b:s9+s5], $0x100, $0x38;
	[tilespmem:$0x1FF00] =	vst v63  }
0x56: {  	_ =	swait.ge [sflag:s16], $0x100  }
0x57: {  	s13 =	rddreg [dreg:$0x6]  }
0x58: {  	s9 =	sadd.s32 s13, s7  }
0x59: {  	s10 =	sor.u32 s2, s9  }
0x5a: {  	[sflag:s16] =	ssyncset.done $0x0;
	s10 =	sshrl.u32 s10, $0x3  }
0x5b: {  	[sflag:s16] =	ssyncadd.s32 $0xFFFFFF00;
	s10 =	sadd.s32 s0, s10  }
0x5c: {  	[tilespmem:s21], [sflag:$0x3] =	stream.linear.gather [hbm4b:s10+s5], $0x100, $0x38;
	[tilespmem:$0x1FF00] =	vst v63  }
0x5d: {  	_ =	swait.ge [sflag:s16], $0x100  }
0x5e: {  	[sflag:s16] =	ssyncset.done $0x0  }
0x5f: {  	[sflag:s16] =	ssyncadd.s32 $0xFFFFFF00  }
0x60: {  	[tilespmem:s23], [sflag:$0x1] =	stream.indirect.gather [spmem:s3], $0x80, s5, s22, $0xb8;
	[tilespmem:$0x1FF00] =	vst v63  }
0x61: {  	_ = 	snop  }
0x62: {  	[tilespmem:s24], [sflag:$0x2] =	stream.indirect.gather [spmem:s3], $0x80, s22, s22, $0xb8;
	[tilespmem:$0x1FF00] =	vst v63  }
0x63: {  	_ =	swait.ge [sflag:s26], $0x1000  }
0x64: {  	[sflag:s26] =	ssyncset.done $0x0  }
0x65: {  	[sflag:s26] =	ssyncadd.s32 $0xFFFFF000  }
0x66: {  	[spmem:s4] =	stream.indirect.scatter.add.f32 [tilespmem:s23], [sflag:$0x3], $0x80, s21, s22, $0xb8;
	[tilespmem:$0x1FF00] =	vst v63  }
0x67: {  	_ =	swait.ge [sflag:s16], $0x1000  }
0x68: {  	[sflag:s16] =	ssyncset.done $0x0  }
0x69: {  	s14 =	rddreg [dreg:$0x7];
	[sflag:s16] =	ssyncadd.s32 $0xFFFFF000  }
0x6a: {  	[tilespmem:s23], [sflag:$0x1] =	stream.indirect.gather [spmem:s3], $0x80, s14, s22, $0xb8;
	[tilespmem:$0x1FF00] =	vst v63  }
0x6b: {  	_ =	swait.ge [sflag:s28], $0x1000  }
0x6c: {  	[sflag:s28] =	ssyncset.done $0x0  }
0x6d: {  	s11 =	rddreg [dreg:$0x8];
	[sflag:s28] =	ssyncadd.s32 $0xFFFFF000  }
0x6e: {  	[spmem:s4] =	stream.indirect.scatter.add.f32 [tilespmem:s24], [sflag:$0x3], $0x80, s11, s22, $0xb8;
	[tilespmem:$0x1FF00] =	vst v63  }
0x6f: {  	_ =	swait.ge [sflag:s16], $0x1000  }
0x70: {  	[sflag:s16] =	ssyncset.done $0x0  }
0x71: {  	s12 =	rddreg [dreg:$0x9];
	[sflag:s16] =	ssyncadd.s32 $0xFFFFF000  }
0x72: {  	[tilespmem:s24], [sflag:$0x2] =	stream.indirect.gather [spmem:s3], $0x80, s12, s22, $0xb8;
	[tilespmem:$0x1FF00] =	vst v63  }
0x73: {  	_ =	swait.ge [sflag:s26], $0x1000  }
0x74: {  	[sflag:s26] =	ssyncset.done $0x0  }
0x75: {  	s13 =	rddreg [dreg:$0xa];
	[sflag:s26] =	ssyncadd.s32 $0xFFFFF000  }
0x76: {  	[spmem:s4] =	stream.indirect.scatter.add.f32 [tilespmem:s23], [sflag:$0x3], $0x80, s13, s22, $0xb8;
	[tilespmem:$0x1FF00] =	vst v63  }
0x77: {  	_ =	swait.ge [sflag:s16], $0x1000  }
0x78: {  	[sflag:s16] =	ssyncset.done $0x0  }
0x79: {  	s14 =	rddreg [dreg:$0xb];
	[sflag:s16] =	ssyncadd.s32 $0xFFFFF000  }
0x7a: {  	[tilespmem:s23], [sflag:$0x1] =	stream.indirect.gather [spmem:s3], $0x80, s14, s22, $0xb8;
	[tilespmem:$0x1FF00] =	vst v63  }
0x7b: {  	_ =	swait.ge [sflag:s28], $0x1000  }
0x7c: {  	[sflag:s28] =	ssyncset.done $0x0  }
0x7d: {  	s11 =	rddreg [dreg:$0xc];
	[sflag:s28] =	ssyncadd.s32 $0xFFFFF000  }
0x7e: {  	[spmem:s4] =	stream.indirect.scatter.add.f32 [tilespmem:s24], [sflag:$0x3], $0x80, s11, s22, $0xb8;
	[tilespmem:$0x1FF00] =	vst v63  }
0x7f: {  	_ =	swait.ge [sflag:s16], $0x1000  }
0x80: {  	[sflag:s16] =	ssyncset.done $0x0  }
0x81: {  	s12 =	rddreg [dreg:$0xd];
	[sflag:s16] =	ssyncadd.s32 $0xFFFFF000  }
0x82: {  	[tilespmem:s24], [sflag:$0x2] =	stream.indirect.gather [spmem:s3], $0x80, s12, s22, $0xb8;
	[tilespmem:$0x1FF00] =	vst v63  }
0x83: {  	_ =	swait.ge [sflag:s26], $0x1000  }
0x84: {  	[sflag:s26] =	ssyncset.done $0x0  }
0x85: {  	s13 =	rddreg [dreg:$0xe];
	[sflag:s26] =	ssyncadd.s32 $0xFFFFF000  }
0x86: {  	[spmem:s4] =	stream.indirect.scatter.add.f32 [tilespmem:s23], [sflag:$0x3], $0x80, s13, s22, $0xb8;
	[tilespmem:$0x1FF00] =	vst v63  }
0x87: {  	_ =	swait.ge [sflag:s16], $0x1000  }
0x88: {  	[sflag:s16] =	ssyncset.done $0x0  }
0x89: {  	s14 =	rddreg [dreg:$0xf];
	[sflag:s16] =	ssyncadd.s32 $0xFFFFF000  }
0x8a: {  	[tilespmem:s23], [sflag:$0x1] =	stream.indirect.gather [spmem:s3], $0x80, s14, s22, $0xb8;
	[tilespmem:$0x1FF00] =	vst v63  }
0x8b: {  	_ =	swait.ge [sflag:s28], $0x1000  }
0x8c: {  	[sflag:s28] =	ssyncset.done $0x0  }
0x8d: {  	s11 =	rddreg [dreg:$0x10];
	[sflag:s28] =	ssyncadd.s32 $0xFFFFF000  }
0x8e: {  	[spmem:s4] =	stream.indirect.scatter.add.f32 [tilespmem:s24], [sflag:$0x3], $0x80, s11, s22, $0xb8;
	[tilespmem:$0x1FF00] =	vst v63  }
0x8f: {  	_ =	swait.ge [sflag:s16], $0x1000  }
0x90: {  	[sflag:s16] =	ssyncset.done $0x0  }
0x91: {  	s12 =	rddreg [dreg:$0x11];
	[sflag:s16] =	ssyncadd.s32 $0xFFFFF000  }
0x92: {  	[tilespmem:s24], [sflag:$0x2] =	stream.indirect.gather [spmem:s3], $0x80, s12, s22, $0xb8;
	[tilespmem:$0x1FF00] =	vst v63  }
0x93: {  	_ =	swait.ge [sflag:s26], $0x1000  }
0x94: {  	[sflag:s26] =	ssyncset.done $0x0  }
0x95: {  	s13 =	rddreg [dreg:$0x12];
	[sflag:s26] =	ssyncadd.s32 $0xFFFFF000  }
0x96: {  	[spmem:s4] =	stream.indirect.scatter.add.f32 [tilespmem:s23], [sflag:$0x3], $0x80, s13, s22, $0xb8;
	[tilespmem:$0x1FF00] =	vst v63  }
0x97: {  	_ =	swait.ge [sflag:s16], $0x1000  }
0x98: {  	[sflag:s16] =	ssyncset.done $0x0  }
0x99: {  	[sflag:s16] =	ssyncadd.s32 $0xFFFFF000  }
0x9a: {  	_ =	swait.ge [sflag:s28], $0x1000  }
0x9b: {  	[sflag:s28] =	ssyncset.done $0x0  }
0x9c: {  	s2 =	sor.u32 $0x100, s2;
	s14 =	rddreg [dreg:$0x13];
	[sflag:s28] =	ssyncadd.s32 $0xFFFFF000  }
0x9d: {  	[spmem:s4] =	stream.indirect.scatter.add.f32 [tilespmem:s24], [sflag:$0x3], $0x80, s14, s22, $0xb8;
	[tilespmem:$0x1FF00] =	vst v63  }
0x9e: {  	s7 =	sor.u32 s2, s7;
	_ =	swait.ge [sflag:s16], $0x1000  }
0x9f: {  	s7 =	sshrl.u32 s7, $0x3;
	[sflag:s16] =	ssyncset.done $0x0  }
0xa0: {  	s7 =	sadd.s32 s6, s7;
	[sflag:s16] =	ssyncadd.s32 $0xFFFFF000  }
0xa1: {  	[tilespmem:s29], [sflag:$0x3] =	stream.linear.gather [hbm4b:s7+s5], $0x100, $0x38;
	[tilespmem:$0x1FF00] =	vst v63  }
0xa2: {  	s2 =	sor.u32 s2, s9;
	_ =	swait.ge [sflag:s16], $0x100  }
0xa3: {  	s2 =	sshrl.u32 s2, $0x3;
	[sflag:s16] =	ssyncset.done $0x0  }
0xa4: {  	s2 =	sadd.s32 s0, s2;
	[sflag:s16] =	ssyncadd.s32 $0xFFFFFF00  }
0xa5: {  	[tilespmem:s30], [sflag:$0x3] =	stream.linear.gather [hbm4b:s2+s5], $0x100, $0x38;
	[tilespmem:$0x1FF00] =	vst v63  }
0xa6: {  	_ =	swait.ge [sflag:s16], $0x100  }
0xa7: {  	[sflag:s16] =	ssyncset.done $0x0  }
0xa8: {  	[sflag:s16] =	ssyncadd.s32 $0xFFFFFF00  }
0xa9: {  	[tilespmem:s23], [sflag:$0x1] =	stream.indirect.gather [spmem:s3], $0x80, s29, s22, $0xb8;
	[tilespmem:$0x1FF00] =	vst v63  }
0xaa: {  	s9 =	rddreg [dreg:$0x14]  }
0xab: {  	[tilespmem:s24], [sflag:$0x2] =	stream.indirect.gather [spmem:s3], $0x80, s9, s22, $0xb8;
	[tilespmem:$0x1FF00] =	vst v63  }
0xac: {  	_ =	swait.ge [sflag:s26], $0x1000  }
0xad: {  	[sflag:s26] =	ssyncset.done $0x0  }
0xae: {  	[sflag:s26] =	ssyncadd.s32 $0xFFFFF000  }
0xaf: {  	[spmem:s4] =	stream.indirect.scatter.add.f32 [tilespmem:s23], [sflag:$0x3], $0x80, s30, s22, $0xb8;
	[tilespmem:$0x1FF00] =	vst v63  }
0xb0: {  	_ =	swait.ge [sflag:s16], $0x1000  }
0xb1: {  	[sflag:s16] =	ssyncset.done $0x0  }
0xb2: {  	s10 =	rddreg [dreg:$0x15];
	[sflag:s16] =	ssyncadd.s32 $0xFFFFF000  }
0xb3: {  	[tilespmem:s23], [sflag:$0x1] =	stream.indirect.gather [spmem:s3], $0x80, s10, s22, $0xb8;
	[tilespmem:$0x1FF00] =	vst v63  }
0xb4: {  	_ =	swait.ge [sflag:s28], $0x1000  }
0xb5: {  	[sflag:s28] =	ssyncset.done $0x0  }
0xb6: {  	s11 =	rddreg [dreg:$0x16];
	[sflag:s28] =	ssyncadd.s32 $0xFFFFF000  }
0xb7: {  	[spmem:s4] =	stream.indirect.scatter.add.f32 [tilespmem:s24], [sflag:$0x3], $0x80, s11, s22, $0xb8;
	[tilespmem:$0x1FF00] =	vst v63  }
0xb8: {  	_ =	swait.ge [sflag:s16], $0x1000  }
0xb9: {  	[sflag:s16] =	ssyncset.done $0x0  }
0xba: {  	s12 =	rddreg [dreg:$0x17];
	[sflag:s16] =	ssyncadd.s32 $0xFFFFF000  }
0xbb: {  	[tilespmem:s24], [sflag:$0x2] =	stream.indirect.gather [spmem:s3], $0x80, s12, s22, $0xb8;
	[tilespmem:$0x1FF00] =	vst v63  }
0xbc: {  	_ =	swait.ge [sflag:s26], $0x1000  }
0xbd: {  	[sflag:s26] =	ssyncset.done $0x0  }
0xbe: {  	s13 =	rddreg [dreg:$0x18];
	[sflag:s26] =	ssyncadd.s32 $0xFFFFF000  }
0xbf: {  	[spmem:s4] =	stream.indirect.scatter.add.f32 [tilespmem:s23], [sflag:$0x3], $0x80, s13, s22, $0xb8;
	[tilespmem:$0x1FF00] =	vst v63  }
0xc0: {  	_ =	swait.ge [sflag:s16], $0x1000  }
0xc1: {  	[sflag:s16] =	ssyncset.done $0x0  }
0xc2: {  	s14 =	rddreg [dreg:$0x19];
	[sflag:s16] =	ssyncadd.s32 $0xFFFFF000  }
0xc3: {  	[tilespmem:s23], [sflag:$0x1] =	stream.indirect.gather [spmem:s3], $0x80, s14, s22, $0xb8;
	[tilespmem:$0x1FF00] =	vst v63  }
0xc4: {  	_ =	swait.ge [sflag:s28], $0x1000  }
0xc5: {  	[sflag:s28] =	ssyncset.done $0x0  }
0xc6: {  	s7 =	rddreg [dreg:$0x1a];
	[sflag:s28] =	ssyncadd.s32 $0xFFFFF000  }
0xc7: {  	[spmem:s4] =	stream.indirect.scatter.add.f32 [tilespmem:s24], [sflag:$0x3], $0x80, s7, s22, $0xb8;
	[tilespmem:$0x1FF00] =	vst v63  }
0xc8: {  	_ =	swait.ge [sflag:s16], $0x1000  }
0xc9: {  	[sflag:s16] =	ssyncset.done $0x0  }
0xca: {  	s9 =	rddreg [dreg:$0x1b];
	[sflag:s16] =	ssyncadd.s32 $0xFFFFF000  }
0xcb: {  	[tilespmem:s24], [sflag:$0x2] =	stream.indirect.gather [spmem:s3], $0x80, s9, s22, $0xb8;
	[tilespmem:$0x1FF00] =	vst v63  }
0xcc: {  	_ =	swait.ge [sflag:s26], $0x1000  }
0xcd: {  	[sflag:s26] =	ssyncset.done $0x0  }
0xce: {  	s10 =	rddreg [dreg:$0x1c];
	[sflag:s26] =	ssyncadd.s32 $0xFFFFF000  }
0xcf: {  	[spmem:s4] =	stream.indirect.scatter.add.f32 [tilespmem:s23], [sflag:$0x3], $0x80, s10, s22, $0xb8;
	[tilespmem:$0x1FF00] =	vst v63  }
0xd0: {  	_ =	swait.ge [sflag:s16], $0x1000  }
0xd1: {  	[sflag:s16] =	ssyncset.done $0x0  }
0xd2: {  	s11 =	rddreg [dreg:$0x1d];
	[sflag:s16] =	ssyncadd.s32 $0xFFFFF000  }
0xd3: {  	[tilespmem:s23], [sflag:$0x1] =	stream.indirect.gather [spmem:s3], $0x80, s11, s22, $0xb8;
	[tilespmem:$0x1FF00] =	vst v63  }
0xd4: {  	_ =	swait.ge [sflag:s28], $0x1000  }
0xd5: {  	[sflag:s28] =	ssyncset.done $0x0  }
0xd6: {  	s12 =	rddreg [dreg:$0x1e];
	[sflag:s28] =	ssyncadd.s32 $0xFFFFF000  }
0xd7: {  	[spmem:s4] =	stream.indirect.scatter.add.f32 [tilespmem:s24], [sflag:$0x3], $0x80, s12, s22, $0xb8;
	[tilespmem:$0x1FF00] =	vst v63  }
0xd8: {  	_ =	swait.ge [sflag:s16], $0x1000  }
0xd9: {  	[sflag:s16] =	ssyncset.done $0x0  }
0xda: {  	s13 =	rddreg [dreg:$0x1f];
	[sflag:s16] =	ssyncadd.s32 $0xFFFFF000  }
0xdb: {  	[tilespmem:s24], [sflag:$0x2] =	stream.indirect.gather [spmem:s3], $0x80, s13, s22, $0xb8;
	[tilespmem:$0x1FF00] =	vst v63  }
0xdc: {  	_ =	swait.ge [sflag:s26], $0x1000  }
0xdd: {  	s14 =	sld [smem:$0x7FD]  }
0xde: {  	[sflag:s26] =	ssyncset.done $0x0  }
0xdf: {  	[sflag:s26] =	ssyncadd.s32 $0xFFFFF000  }
0xe0: {  	[spmem:s4] =	stream.indirect.scatter.add.f32 [tilespmem:s23], [sflag:$0x3], $0x80, s14, s22, $0xb8;
	[tilespmem:$0x1FF00] =	vst v63  }
0xe1: {  	_ =	swait.ge [sflag:s16], $0x1000  }
0xe2: {  	[sflag:s16] =	ssyncset.done $0x0  }
0xe3: {  	[sflag:s16] =	ssyncadd.s32 $0xFFFFF000  }
0xe4: {  	_ =	swait.ge [sflag:s28], $0x1000  }
0xe5: {  	[sflag:s28] =	ssyncset.done $0x0  }
0xe6: {  	[sflag:s28] =	ssyncadd.s32 $0xFFFFF000  }
0xe7: {  	[spmem:s4] =	stream.indirect.scatter.add.f32 [tilespmem:s24], [sflag:$0x3], $0x80, s31, s22, $0xb8;
	[tilespmem:$0x1FF00] =	vst v63  }
0xe8: {  	s2 =	simm.s32 $0x200;
	_ =	swait.ge [sflag:s16], $0x1000  }
0xe9: {  	s7 =	simm.s32 $0x400;
	s9 =	rddreg [dreg:$0x5];
	[sflag:s16] =	ssyncset.done $0x0  }
.LBB2_2:
0xea: {  	s10 =	smov.u32 s7;
	s9 =	sadd.s32 s2, s9  }
0xeb: {  	s11 =	sand.u32 $0x200, s2;
	s2 =	smov.u32 s10;
	s10 =	sand.u32 $0xFFC00, s9  }
0xec: {  	s9 =	sor.u32 s11, s10  }
0xed: {  	s14 =	sshrl.u32 s9, $0x3  }
0xee: {  	[sflag:s16] =	ssyncadd.s32 $0xFFFFF000;
	s14 =	sadd.s32 s6, s14  }
0xef: {  	[tilespmem:s5], [sflag:$0x3] =	stream.linear.gather [hbm4b:s14+s5], $0x100, $0x38;
	[tilespmem:$0x1FF00] =	vst v63  }
0xf0: {  	_ =	swait.ge [sflag:s16], $0x100  }
0xf1: {  	s12 =	sor.u32 $0x100, s11;
	s14 =	rddreg [dreg:$0x6]  }
0xf2: {  	s13 =	sor.u32 s12, s10;
	s10 =	sadd.s32 s14, s10  }
0xf3: {  	s11 =	sor.u32 s11, s10  }
0xf4: {  	[sflag:s16] =	ssyncset.done $0x0;
	s11 =	sshrl.u32 s11, $0x3  }
0xf5: {  	[sflag:s16] =	ssyncadd.s32 $0xFFFFFF00;
	s11 =	sadd.s32 s0, s11  }
0xf6: {  	[tilespmem:s21], [sflag:$0x3] =	stream.linear.gather [hbm4b:s11+s5], $0x100, $0x38;
	[tilespmem:$0x1FF00] =	vst v63  }
0xf7: {  	_ =	swait.ge [sflag:s16], $0x100  }
0xf8: {  	[sflag:s16] =	ssyncset.done $0x0  }
0xf9: {  	[sflag:s16] =	ssyncadd.s32 $0xFFFFFF00  }
0xfa: {  	[tilespmem:s23], [sflag:$0x1] =	stream.indirect.gather [spmem:s3], $0x80, s5, s22, $0xb8;
	[tilespmem:$0x1FF00] =	vst v63  }
0xfb: {  	_ = 	snop  }
0xfc: {  	[tilespmem:s24], [sflag:$0x2] =	stream.indirect.gather [spmem:s3], $0x80, s22, s22, $0xb8;
	[tilespmem:$0x1FF00] =	vst v63  }
0xfd: {  	_ =	swait.ge [sflag:s26], $0x1000  }
0xfe: {  	[sflag:s26] =	ssyncset.done $0x0  }
0xff: {  	[sflag:s26] =	ssyncadd.s32 $0xFFFFF000  }
0x100: {  	[spmem:s4] =	stream.indirect.scatter.add.f32 [tilespmem:s23], [sflag:$0x3], $0x80, s21, s22, $0xb8;
	[tilespmem:$0x1FF00] =	vst v63  }
0x101: {  	_ =	swait.ge [sflag:s16], $0x1000  }
0x102: {  	[sflag:s16] =	ssyncset.done $0x0  }
0x103: {  	s14 =	rddreg [dreg:$0x7];
	[sflag:s16] =	ssyncadd.s32 $0xFFFFF000  }
0x104: {  	[tilespmem:s23], [sflag:$0x1] =	stream.indirect.gather [spmem:s3], $0x80, s14, s22, $0xb8;
	[tilespmem:$0x1FF00] =	vst v63  }
0x105: {  	_ =	swait.ge [sflag:s28], $0x1000  }
0x106: {  	[sflag:s28] =	ssyncset.done $0x0  }
0x107: {  	s10 =	sor.u32 s12, s10;
	s12 =	rddreg [dreg:$0x8];
	[sflag:s28] =	ssyncadd.s32 $0xFFFFF000  }
0x108: {  	[spmem:s4] =	stream.indirect.scatter.add.f32 [tilespmem:s24], [sflag:$0x3], $0x80, s12, s22, $0xb8;
	[tilespmem:$0x1FF00] =	vst v63  }
0x109: {  	_ =	swait.ge [sflag:s16], $0x1000  }
0x10a: {  	[sflag:s16] =	ssyncset.done $0x0  }
0x10b: {  	s9 =	sshrl.u32 s13, $0x3;
	s13 =	rddreg [dreg:$0x9];
	[sflag:s16] =	ssyncadd.s32 $0xFFFFF000  }
0x10c: {  	[tilespmem:s24], [sflag:$0x2] =	stream.indirect.gather [spmem:s3], $0x80, s13, s22, $0xb8;
	[tilespmem:$0x1FF00] =	vst v63  }
0x10d: {  	_ =	swait.ge [sflag:s26], $0x1000  }
0x10e: {  	[sflag:s26] =	ssyncset.done $0x0  }
0x10f: {  	s14 =	rddreg [dreg:$0xa];
	[sflag:s26] =	ssyncadd.s32 $0xFFFFF000  }
0x110: {  	[spmem:s4] =	stream.indirect.scatter.add.f32 [tilespmem:s23], [sflag:$0x3], $0x80, s14, s22, $0xb8;
	[tilespmem:$0x1FF00] =	vst v63  }
0x111: {  	_ =	swait.ge [sflag:s16], $0x1000  }
0x112: {  	[sflag:s16] =	ssyncset.done $0x0  }
0x113: {  	s12 =	rddreg [dreg:$0xb];
	[sflag:s16] =	ssyncadd.s32 $0xFFFFF000  }
0x114: {  	[tilespmem:s23], [sflag:$0x1] =	stream.indirect.gather [spmem:s3], $0x80, s12, s22, $0xb8;
	[tilespmem:$0x1FF00] =	vst v63  }
0x115: {  	_ =	swait.ge [sflag:s28], $0x1000  }
0x116: {  	[sflag:s28] =	ssyncset.done $0x0  }
0x117: {  	s13 =	rddreg [dreg:$0xc];
	[sflag:s28] =	ssyncadd.s32 $0xFFFFF000  }
0x118: {  	[spmem:s4] =	stream.indirect.scatter.add.f32 [tilespmem:s24], [sflag:$0x3], $0x80, s13, s22, $0xb8;
	[tilespmem:$0x1FF00] =	vst v63  }
0x119: {  	_ =	swait.ge [sflag:s16], $0x1000  }
0x11a: {  	[sflag:s16] =	ssyncset.done $0x0  }
0x11b: {  	s14 =	rddreg [dreg:$0xd];
	[sflag:s16] =	ssyncadd.s32 $0xFFFFF000  }
0x11c: {  	[tilespmem:s24], [sflag:$0x2] =	stream.indirect.gather [spmem:s3], $0x80, s14, s22, $0xb8;
	[tilespmem:$0x1FF00] =	vst v63  }
0x11d: {  	_ =	swait.ge [sflag:s26], $0x1000  }
0x11e: {  	[sflag:s26] =	ssyncset.done $0x0  }
0x11f: {  	s12 =	rddreg [dreg:$0xe];
	[sflag:s26] =	ssyncadd.s32 $0xFFFFF000  }
0x120: {  	[spmem:s4] =	stream.indirect.scatter.add.f32 [tilespmem:s23], [sflag:$0x3], $0x80, s12, s22, $0xb8;
	[tilespmem:$0x1FF00] =	vst v63  }
0x121: {  	_ =	swait.ge [sflag:s16], $0x1000  }
0x122: {  	[sflag:s16] =	ssyncset.done $0x0  }
0x123: {  	s13 =	rddreg [dreg:$0xf];
	[sflag:s16] =	ssyncadd.s32 $0xFFFFF000  }
0x124: {  	[tilespmem:s23], [sflag:$0x1] =	stream.indirect.gather [spmem:s3], $0x80, s13, s22, $0xb8;
	[tilespmem:$0x1FF00] =	vst v63  }
0x125: {  	_ =	swait.ge [sflag:s28], $0x1000  }
0x126: {  	[sflag:s28] =	ssyncset.done $0x0  }
0x127: {  	s14 =	rddreg [dreg:$0x10];
	[sflag:s28] =	ssyncadd.s32 $0xFFFFF000  }
0x128: {  	[spmem:s4] =	stream.indirect.scatter.add.f32 [tilespmem:s24], [sflag:$0x3], $0x80, s14, s22, $0xb8;
	[tilespmem:$0x1FF00] =	vst v63  }
0x129: {  	_ =	swait.ge [sflag:s16], $0x1000  }
0x12a: {  	[sflag:s16] =	ssyncset.done $0x0  }
0x12b: {  	s12 =	rddreg [dreg:$0x11];
	[sflag:s16] =	ssyncadd.s32 $0xFFFFF000  }
0x12c: {  	[tilespmem:s24], [sflag:$0x2] =	stream.indirect.gather [spmem:s3], $0x80, s12, s22, $0xb8;
	[tilespmem:$0x1FF00] =	vst v63  }
0x12d: {  	_ =	swait.ge [sflag:s26], $0x1000  }
0x12e: {  	[sflag:s26] =	ssyncset.done $0x0  }
0x12f: {  	s13 =	rddreg [dreg:$0x12];
	[sflag:s26] =	ssyncadd.s32 $0xFFFFF000  }
0x130: {  	[spmem:s4] =	stream.indirect.scatter.add.f32 [tilespmem:s23], [sflag:$0x3], $0x80, s13, s22, $0xb8;
	[tilespmem:$0x1FF00] =	vst v63  }
0x131: {  	_ =	swait.ge [sflag:s16], $0x1000  }
0x132: {  	[sflag:s16] =	ssyncset.done $0x0  }
0x133: {  	[sflag:s16] =	ssyncadd.s32 $0xFFFFF000  }
0x134: {  	_ =	swait.ge [sflag:s28], $0x1000  }
0x135: {  	[sflag:s28] =	ssyncset.done $0x0  }
0x136: {  	s14 =	rddreg [dreg:$0x13];
	[sflag:s28] =	ssyncadd.s32 $0xFFFFF000  }
0x137: {  	[spmem:s4] =	stream.indirect.scatter.add.f32 [tilespmem:s24], [sflag:$0x3], $0x80, s14, s22, $0xb8;
	[tilespmem:$0x1FF00] =	vst v63  }
0x138: {  	_ =	swait.ge [sflag:s16], $0x1000  }
0x139: {  	[sflag:s16] =	ssyncset.done $0x0  }
0x13a: {  	s9 =	sadd.s32 s6, s9;
	[sflag:s16] =	ssyncadd.s32 $0xFFFFF000  }
0x13b: {  	[tilespmem:s29], [sflag:$0x3] =	stream.linear.gather [hbm4b:s9+s5], $0x100, $0x38;
	[tilespmem:$0x1FF00] =	vst v63  }
0x13c: {  	_ =	swait.ge [sflag:s16], $0x100  }
0x13d: {  	s10 =	sshrl.u32 s10, $0x3;
	[sflag:s16] =	ssyncset.done $0x0  }
0x13e: {  	s11 =	sadd.s32 s0, s10;
	[sflag:s16] =	ssyncadd.s32 $0xFFFFFF00  }
0x13f: {  	[tilespmem:s30], [sflag:$0x3] =	stream.linear.gather [hbm4b:s11+s5], $0x100, $0x38;
	[tilespmem:$0x1FF00] =	vst v63  }
0x140: {  	_ =	swait.ge [sflag:s16], $0x100  }
0x141: {  	[sflag:s16] =	ssyncset.done $0x0  }
0x142: {  	[sflag:s16] =	ssyncadd.s32 $0xFFFFFF00  }
0x143: {  	[tilespmem:s23], [sflag:$0x1] =	stream.indirect.gather [spmem:s3], $0x80, s29, s22, $0xb8;
	[tilespmem:$0x1FF00] =	vst v63  }
0x144: {  	s12 =	rddreg [dreg:$0x14]  }
0x145: {  	[tilespmem:s24], [sflag:$0x2] =	stream.indirect.gather [spmem:s3], $0x80, s12, s22, $0xb8;
	[tilespmem:$0x1FF00] =	vst v63  }
0x146: {  	_ =	swait.ge [sflag:s26], $0x1000  }
0x147: {  	[sflag:s26] =	ssyncset.done $0x0  }
0x148: {  	[sflag:s26] =	ssyncadd.s32 $0xFFFFF000  }
0x149: {  	[spmem:s4] =	stream.indirect.scatter.add.f32 [tilespmem:s23], [sflag:$0x3], $0x80, s30, s22, $0xb8;
	[tilespmem:$0x1FF00] =	vst v63  }
0x14a: {  	_ =	swait.ge [sflag:s16], $0x1000  }
0x14b: {  	[sflag:s16] =	ssyncset.done $0x0  }
0x14c: {  	s13 =	rddreg [dreg:$0x15];
	[sflag:s16] =	ssyncadd.s32 $0xFFFFF000  }
0x14d: {  	[tilespmem:s23], [sflag:$0x1] =	stream.indirect.gather [spmem:s3], $0x80, s13, s22, $0xb8;
	[tilespmem:$0x1FF00] =	vst v63  }
0x14e: {  	_ =	swait.ge [sflag:s28], $0x1000  }
0x14f: {  	[sflag:s28] =	ssyncset.done $0x0  }
0x150: {  	s14 =	rddreg [dreg:$0x16];
	[sflag:s28] =	ssyncadd.s32 $0xFFFFF000  }
0x151: {  	[spmem:s4] =	stream.indirect.scatter.add.f32 [tilespmem:s24], [sflag:$0x3], $0x80, s14, s22, $0xb8;
	[tilespmem:$0x1FF00] =	vst v63  }
0x152: {  	_ =	swait.ge [sflag:s16], $0x1000  }
0x153: {  	[sflag:s16] =	ssyncset.done $0x0  }
0x154: {  	s10 =	rddreg [dreg:$0x17];
	[sflag:s16] =	ssyncadd.s32 $0xFFFFF000  }
0x155: {  	[tilespmem:s24], [sflag:$0x2] =	stream.indirect.gather [spmem:s3], $0x80, s10, s22, $0xb8;
	[tilespmem:$0x1FF00] =	vst v63  }
0x156: {  	_ =	swait.ge [sflag:s26], $0x1000  }
0x157: {  	[sflag:s26] =	ssyncset.done $0x0  }
0x158: {  	s11 =	rddreg [dreg:$0x18];
	[sflag:s26] =	ssyncadd.s32 $0xFFFFF000  }
0x159: {  	[spmem:s4] =	stream.indirect.scatter.add.f32 [tilespmem:s23], [sflag:$0x3], $0x80, s11, s22, $0xb8;
	[tilespmem:$0x1FF00] =	vst v63  }
0x15a: {  	_ =	swait.ge [sflag:s16], $0x1000  }
0x15b: {  	[sflag:s16] =	ssyncset.done $0x0  }
0x15c: {  	s12 =	rddreg [dreg:$0x19];
	[sflag:s16] =	ssyncadd.s32 $0xFFFFF000  }
0x15d: {  	[tilespmem:s23], [sflag:$0x1] =	stream.indirect.gather [spmem:s3], $0x80, s12, s22, $0xb8;
	[tilespmem:$0x1FF00] =	vst v63  }
0x15e: {  	_ =	swait.ge [sflag:s28], $0x1000  }
0x15f: {  	[sflag:s28] =	ssyncset.done $0x0  }
0x160: {  	s13 =	rddreg [dreg:$0x1a];
	[sflag:s28] =	ssyncadd.s32 $0xFFFFF000  }
0x161: {  	[spmem:s4] =	stream.indirect.scatter.add.f32 [tilespmem:s24], [sflag:$0x3], $0x80, s13, s22, $0xb8;
	[tilespmem:$0x1FF00] =	vst v63  }
0x162: {  	_ =	swait.ge [sflag:s16], $0x1000  }
0x163: {  	[sflag:s16] =	ssyncset.done $0x0  }
0x164: {  	s14 =	rddreg [dreg:$0x1b];
	[sflag:s16] =	ssyncadd.s32 $0xFFFFF000  }
0x165: {  	[tilespmem:s24], [sflag:$0x2] =	stream.indirect.gather [spmem:s3], $0x80, s14, s22, $0xb8;
	[tilespmem:$0x1FF00] =	vst v63  }
0x166: {  	_ =	swait.ge [sflag:s26], $0x1000  }
0x167: {  	[sflag:s26] =	ssyncset.done $0x0  }
0x168: {  	s10 =	rddreg [dreg:$0x1c];
	[sflag:s26] =	ssyncadd.s32 $0xFFFFF000  }
0x169: {  	[spmem:s4] =	stream.indirect.scatter.add.f32 [tilespmem:s23], [sflag:$0x3], $0x80, s10, s22, $0xb8;
	[tilespmem:$0x1FF00] =	vst v63  }
0x16a: {  	_ =	swait.ge [sflag:s16], $0x1000  }
0x16b: {  	[sflag:s16] =	ssyncset.done $0x0  }
0x16c: {  	s11 =	rddreg [dreg:$0x1d];
	[sflag:s16] =	ssyncadd.s32 $0xFFFFF000  }
0x16d: {  	[tilespmem:s23], [sflag:$0x1] =	stream.indirect.gather [spmem:s3], $0x80, s11, s22, $0xb8;
	[tilespmem:$0x1FF00] =	vst v63  }
0x16e: {  	_ =	swait.ge [sflag:s28], $0x1000  }
0x16f: {  	[sflag:s28] =	ssyncset.done $0x0  }
0x170: {  	s12 =	rddreg [dreg:$0x1e];
	[sflag:s28] =	ssyncadd.s32 $0xFFFFF000  }
0x171: {  	[spmem:s4] =	stream.indirect.scatter.add.f32 [tilespmem:s24], [sflag:$0x3], $0x80, s12, s22, $0xb8;
	[tilespmem:$0x1FF00] =	vst v63  }
0x172: {  	_ =	swait.ge [sflag:s16], $0x1000  }
0x173: {  	[sflag:s16] =	ssyncset.done $0x0  }
0x174: {  	s13 =	rddreg [dreg:$0x1f];
	[sflag:s16] =	ssyncadd.s32 $0xFFFFF000  }
0x175: {  	[tilespmem:s24], [sflag:$0x2] =	stream.indirect.gather [spmem:s3], $0x80, s13, s22, $0xb8;
	[tilespmem:$0x1FF00] =	vst v63  }
0x176: {  	_ =	swait.ge [sflag:s26], $0x1000  }
0x177: {  	s14 =	sld [smem:$0x7FD]  }
0x178: {  	[sflag:s26] =	ssyncset.done $0x0  }
0x179: {  	[sflag:s26] =	ssyncadd.s32 $0xFFFFF000  }
0x17a: {  	[spmem:s4] =	stream.indirect.scatter.add.f32 [tilespmem:s23], [sflag:$0x3], $0x80, s14, s22, $0xb8;
	[tilespmem:$0x1FF00] =	vst v63  }
0x17b: {  	_ =	swait.ge [sflag:s16], $0x1000  }
0x17c: {  	[sflag:s16] =	ssyncset.done $0x0  }
0x17d: {  	[sflag:s16] =	ssyncadd.s32 $0xFFFFF000  }
0x17e: {  	p3 =	sne.s32 s7, $0x4E00;
	_ =	swait.ge [sflag:s28], $0x1000  }
.Ltmp0:
0x17f: {  	[sflag:s28] =	ssyncset.done $0x0;
	(pc) =	sbr.rel @p3 .LBB2_2-.Ltmp0, $4  }
0x180: {  	[sflag:s28] =	ssyncadd.s32 $0xFFFFF000  }
0x181: {  	[spmem:s4] =	stream.indirect.scatter.add.f32 [tilespmem:s24], [sflag:$0x3], $0x80, s31, s22, $0xb8;
	[tilespmem:$0x1FF00] =	vst v63  }
0x182: {  	_ =	swait.ge [sflag:s16], $0x1000  }
0x183: {  	s7 =	sadd.s32 $0x200, s7;
	s9 =	rddreg [dreg:$0x5];
	[sflag:s16] =	ssyncset.done $0x0  }
0x184: {  	s7 =	sadd.s32 s2, s9  }
0x185: {  	s9 =	sand.u32 $0x200, s2;
	s2 =	sand.u32 $0xFFC00, s7  }
0x186: {  	s7 =	sor.u32 s9, s2  }
0x187: {  	s7 =	sshrl.u32 s7, $0x3  }
0x188: {  	[sflag:s16] =	ssyncadd.s32 $0xFFFFF000;
	s7 =	sadd.s32 s6, s7  }
0x189: {  	[tilespmem:s5], [sflag:$0x3] =	stream.linear.gather [hbm4b:s7+s5], $0x100, $0x38;
	[tilespmem:$0x1FF00] =	vst v63  }
0x18a: {  	_ =	swait.ge [sflag:s16], $0x100  }
0x18b: {  	s11 =	rddreg [dreg:$0x6]  }
0x18c: {  	s7 =	sadd.s32 s11, s2  }
0x18d: {  	s10 =	sor.u32 s9, s7  }
0x18e: {  	[sflag:s16] =	ssyncset.done $0x0;
	s10 =	sshrl.u32 s10, $0x3  }
0x18f: {  	[sflag:s16] =	ssyncadd.s32 $0xFFFFFF00;
	s10 =	sadd.s32 s0, s10  }
0x190: {  	[tilespmem:s21], [sflag:$0x3] =	stream.linear.gather [hbm4b:s10+s5], $0x100, $0x38;
	[tilespmem:$0x1FF00] =	vst v63  }
0x191: {  	_ =	swait.ge [sflag:s16], $0x100  }
0x192: {  	[sflag:s16] =	ssyncset.done $0x0  }
0x193: {  	[sflag:s16] =	ssyncadd.s32 $0xFFFFFF00  }
0x194: {  	[tilespmem:s23], [sflag:$0x1] =	stream.indirect.gather [spmem:s3], $0x80, s5, s22, $0xb8;
	[tilespmem:$0x1FF00] =	vst v63  }
0x195: {  	_ = 	snop  }
0x196: {  	[tilespmem:s24], [sflag:$0x2] =	stream.indirect.gather [spmem:s3], $0x80, s22, s22, $0xb8;
	[tilespmem:$0x1FF00] =	vst v63  }
0x197: {  	_ =	swait.ge [sflag:s26], $0x1000  }
0x198: {  	[sflag:s26] =	ssyncset.done $0x0  }
0x199: {  	[sflag:s26] =	ssyncadd.s32 $0xFFFFF000  }
0x19a: {  	[spmem:s4] =	stream.indirect.scatter.add.f32 [tilespmem:s23], [sflag:$0x3], $0x80, s21, s22, $0xb8;
	[tilespmem:$0x1FF00] =	vst v63  }
0x19b: {  	_ =	swait.ge [sflag:s16], $0x1000  }
0x19c: {  	[sflag:s16] =	ssyncset.done $0x0  }
0x19d: {  	s12 =	rddreg [dreg:$0x7];
	[sflag:s16] =	ssyncadd.s32 $0xFFFFF000  }
0x19e: {  	[tilespmem:s23], [sflag:$0x1] =	stream.indirect.gather [spmem:s3], $0x80, s12, s22, $0xb8;
	[tilespmem:$0x1FF00] =	vst v63  }
0x19f: {  	_ =	swait.ge [sflag:s28], $0x1000  }
0x1a0: {  	[sflag:s28] =	ssyncset.done $0x0  }
0x1a1: {  	s13 =	rddreg [dreg:$0x8];
	[sflag:s28] =	ssyncadd.s32 $0xFFFFF000  }
0x1a2: {  	[spmem:s4] =	stream.indirect.scatter.add.f32 [tilespmem:s24], [sflag:$0x3], $0x80, s13, s22, $0xb8;
	[tilespmem:$0x1FF00] =	vst v63  }
0x1a3: {  	_ =	swait.ge [sflag:s16], $0x1000  }
0x1a4: {  	[sflag:s16] =	ssyncset.done $0x0  }
0x1a5: {  	s14 =	rddreg [dreg:$0x9];
	[sflag:s16] =	ssyncadd.s32 $0xFFFFF000  }
0x1a6: {  	[tilespmem:s24], [sflag:$0x2] =	stream.indirect.gather [spmem:s3], $0x80, s14, s22, $0xb8;
	[tilespmem:$0x1FF00] =	vst v63  }
0x1a7: {  	_ =	swait.ge [sflag:s26], $0x1000  }
0x1a8: {  	[sflag:s26] =	ssyncset.done $0x0  }
0x1a9: {  	s11 =	rddreg [dreg:$0xa];
	[sflag:s26] =	ssyncadd.s32 $0xFFFFF000  }
0x1aa: {  	[spmem:s4] =	stream.indirect.scatter.add.f32 [tilespmem:s23], [sflag:$0x3], $0x80, s11, s22, $0xb8;
	[tilespmem:$0x1FF00] =	vst v63  }
0x1ab: {  	_ =	swait.ge [sflag:s16], $0x1000  }
0x1ac: {  	[sflag:s16] =	ssyncset.done $0x0  }
0x1ad: {  	s12 =	rddreg [dreg:$0xb];
	[sflag:s16] =	ssyncadd.s32 $0xFFFFF000  }
0x1ae: {  	[tilespmem:s23], [sflag:$0x1] =	stream.indirect.gather [spmem:s3], $0x80, s12, s22, $0xb8;
	[tilespmem:$0x1FF00] =	vst v63  }
0x1af: {  	_ =	swait.ge [sflag:s28], $0x1000  }
0x1b0: {  	[sflag:s28] =	ssyncset.done $0x0  }
0x1b1: {  	s13 =	rddreg [dreg:$0xc];
	[sflag:s28] =	ssyncadd.s32 $0xFFFFF000  }
0x1b2: {  	[spmem:s4] =	stream.indirect.scatter.add.f32 [tilespmem:s24], [sflag:$0x3], $0x80, s13, s22, $0xb8;
	[tilespmem:$0x1FF00] =	vst v63  }
0x1b3: {  	_ =	swait.ge [sflag:s16], $0x1000  }
0x1b4: {  	[sflag:s16] =	ssyncset.done $0x0  }
0x1b5: {  	s14 =	rddreg [dreg:$0xd];
	[sflag:s16] =	ssyncadd.s32 $0xFFFFF000  }
0x1b6: {  	[tilespmem:s24], [sflag:$0x2] =	stream.indirect.gather [spmem:s3], $0x80, s14, s22, $0xb8;
	[tilespmem:$0x1FF00] =	vst v63  }
0x1b7: {  	_ =	swait.ge [sflag:s26], $0x1000  }
0x1b8: {  	[sflag:s26] =	ssyncset.done $0x0  }
0x1b9: {  	s11 =	rddreg [dreg:$0xe];
	[sflag:s26] =	ssyncadd.s32 $0xFFFFF000  }
0x1ba: {  	[spmem:s4] =	stream.indirect.scatter.add.f32 [tilespmem:s23], [sflag:$0x3], $0x80, s11, s22, $0xb8;
	[tilespmem:$0x1FF00] =	vst v63  }
0x1bb: {  	_ =	swait.ge [sflag:s16], $0x1000  }
0x1bc: {  	[sflag:s16] =	ssyncset.done $0x0  }
0x1bd: {  	s12 =	rddreg [dreg:$0xf];
	[sflag:s16] =	ssyncadd.s32 $0xFFFFF000  }
0x1be: {  	[tilespmem:s23], [sflag:$0x1] =	stream.indirect.gather [spmem:s3], $0x80, s12, s22, $0xb8;
	[tilespmem:$0x1FF00] =	vst v63  }
0x1bf: {  	_ =	swait.ge [sflag:s28], $0x1000  }
0x1c0: {  	[sflag:s28] =	ssyncset.done $0x0  }
0x1c1: {  	s13 =	rddreg [dreg:$0x10];
	[sflag:s28] =	ssyncadd.s32 $0xFFFFF000  }
0x1c2: {  	[spmem:s4] =	stream.indirect.scatter.add.f32 [tilespmem:s24], [sflag:$0x3], $0x80, s13, s22, $0xb8;
	[tilespmem:$0x1FF00] =	vst v63  }
0x1c3: {  	_ =	swait.ge [sflag:s16], $0x1000  }
0x1c4: {  	[sflag:s16] =	ssyncset.done $0x0  }
0x1c5: {  	s14 =	rddreg [dreg:$0x11];
	[sflag:s16] =	ssyncadd.s32 $0xFFFFF000  }
0x1c6: {  	[tilespmem:s24], [sflag:$0x2] =	stream.indirect.gather [spmem:s3], $0x80, s14, s22, $0xb8;
	[tilespmem:$0x1FF00] =	vst v63  }
0x1c7: {  	_ =	swait.ge [sflag:s26], $0x1000  }
0x1c8: {  	[sflag:s26] =	ssyncset.done $0x0  }
0x1c9: {  	s11 =	rddreg [dreg:$0x12];
	[sflag:s26] =	ssyncadd.s32 $0xFFFFF000  }
0x1ca: {  	[spmem:s4] =	stream.indirect.scatter.add.f32 [tilespmem:s23], [sflag:$0x3], $0x80, s11, s22, $0xb8;
	[tilespmem:$0x1FF00] =	vst v63  }
0x1cb: {  	_ =	swait.ge [sflag:s16], $0x1000  }
0x1cc: {  	[sflag:s16] =	ssyncset.done $0x0  }
0x1cd: {  	[sflag:s16] =	ssyncadd.s32 $0xFFFFF000  }
0x1ce: {  	_ =	swait.ge [sflag:s28], $0x1000  }
0x1cf: {  	[sflag:s28] =	ssyncset.done $0x0  }
0x1d0: {  	s9 =	sor.u32 $0x100, s9;
	s12 =	rddreg [dreg:$0x13];
	[sflag:s28] =	ssyncadd.s32 $0xFFFFF000  }
0x1d1: {  	[spmem:s4] =	stream.indirect.scatter.add.f32 [tilespmem:s24], [sflag:$0x3], $0x80, s12, s22, $0xb8;
	[tilespmem:$0x1FF00] =	vst v63  }
0x1d2: {  	s2 =	sor.u32 s9, s2;
	_ =	swait.ge [sflag:s16], $0x1000  }
0x1d3: {  	s2 =	sshrl.u32 s2, $0x3;
	[sflag:s16] =	ssyncset.done $0x0  }
0x1d4: {  	s2 =	sadd.s32 s6, s2;
	[sflag:s16] =	ssyncadd.s32 $0xFFFFF000  }
0x1d5: {  	[tilespmem:s29], [sflag:$0x3] =	stream.linear.gather [hbm4b:s2+s5], $0x100, $0x38;
	[tilespmem:$0x1FF00] =	vst v63  }
0x1d6: {  	s13 =	sor.u32 s9, s7;
	_ =	swait.ge [sflag:s16], $0x100  }
0x1d7: {  	s2 =	sshrl.u32 s13, $0x3;
	[sflag:s16] =	ssyncset.done $0x0  }
0x1d8: {  	s2 =	sadd.s32 s0, s2;
	[sflag:s16] =	ssyncadd.s32 $0xFFFFFF00  }
0x1d9: {  	[tilespmem:s30], [sflag:$0x3] =	stream.linear.gather [hbm4b:s2+s5], $0x100, $0x38;
	[tilespmem:$0x1FF00] =	vst v63  }
0x1da: {  	_ =	swait.ge [sflag:s16], $0x100  }
0x1db: {  	[sflag:s16] =	ssyncset.done $0x0  }
0x1dc: {  	[sflag:s16] =	ssyncadd.s32 $0xFFFFFF00  }
0x1dd: {  	[tilespmem:s23], [sflag:$0x1] =	stream.indirect.gather [spmem:s3], $0x80, s29, s22, $0xb8;
	[tilespmem:$0x1FF00] =	vst v63  }
0x1de: {  	s14 =	rddreg [dreg:$0x14]  }
0x1df: {  	[tilespmem:s24], [sflag:$0x2] =	stream.indirect.gather [spmem:s3], $0x80, s14, s22, $0xb8;
	[tilespmem:$0x1FF00] =	vst v63  }
0x1e0: {  	_ =	swait.ge [sflag:s26], $0x1000  }
0x1e1: {  	[sflag:s26] =	ssyncset.done $0x0  }
0x1e2: {  	[sflag:s26] =	ssyncadd.s32 $0xFFFFF000  }
0x1e3: {  	[spmem:s4] =	stream.indirect.scatter.add.f32 [tilespmem:s23], [sflag:$0x3], $0x80, s30, s22, $0xb8;
	[tilespmem:$0x1FF00] =	vst v63  }
0x1e4: {  	_ =	swait.ge [sflag:s16], $0x1000  }
0x1e5: {  	[sflag:s16] =	ssyncset.done $0x0  }
0x1e6: {  	s7 =	rddreg [dreg:$0x15];
	[sflag:s16] =	ssyncadd.s32 $0xFFFFF000  }
0x1e7: {  	[tilespmem:s23], [sflag:$0x1] =	stream.indirect.gather [spmem:s3], $0x80, s7, s22, $0xb8;
	[tilespmem:$0x1FF00] =	vst v63  }
0x1e8: {  	_ =	swait.ge [sflag:s28], $0x1000  }
0x1e9: {  	[sflag:s28] =	ssyncset.done $0x0  }
0x1ea: {  	s9 =	rddreg [dreg:$0x16];
	[sflag:s28] =	ssyncadd.s32 $0xFFFFF000  }
0x1eb: {  	[spmem:s4] =	stream.indirect.scatter.add.f32 [tilespmem:s24], [sflag:$0x3], $0x80, s9, s22, $0xb8;
	[tilespmem:$0x1FF00] =	vst v63  }
0x1ec: {  	_ =	swait.ge [sflag:s16], $0x1000  }
0x1ed: {  	[sflag:s16] =	ssyncset.done $0x0  }
0x1ee: {  	s10 =	rddreg [dreg:$0x17];
	[sflag:s16] =	ssyncadd.s32 $0xFFFFF000  }
0x1ef: {  	[tilespmem:s24], [sflag:$0x2] =	stream.indirect.gather [spmem:s3], $0x80, s10, s22, $0xb8;
	[tilespmem:$0x1FF00] =	vst v63  }
0x1f0: {  	_ =	swait.ge [sflag:s26], $0x1000  }
0x1f1: {  	[sflag:s26] =	ssyncset.done $0x0  }
0x1f2: {  	s11 =	rddreg [dreg:$0x18];
	[sflag:s26] =	ssyncadd.s32 $0xFFFFF000  }
0x1f3: {  	[spmem:s4] =	stream.indirect.scatter.add.f32 [tilespmem:s23], [sflag:$0x3], $0x80, s11, s22, $0xb8;
	[tilespmem:$0x1FF00] =	vst v63  }
0x1f4: {  	_ =	swait.ge [sflag:s16], $0x1000  }
0x1f5: {  	[sflag:s16] =	ssyncset.done $0x0  }
0x1f6: {  	s12 =	rddreg [dreg:$0x19];
	[sflag:s16] =	ssyncadd.s32 $0xFFFFF000  }
0x1f7: {  	[tilespmem:s23], [sflag:$0x1] =	stream.indirect.gather [spmem:s3], $0x80, s12, s22, $0xb8;
	[tilespmem:$0x1FF00] =	vst v63  }
0x1f8: {  	_ =	swait.ge [sflag:s28], $0x1000  }
0x1f9: {  	[sflag:s28] =	ssyncset.done $0x0  }
0x1fa: {  	s13 =	rddreg [dreg:$0x1a];
	[sflag:s28] =	ssyncadd.s32 $0xFFFFF000  }
0x1fb: {  	[spmem:s4] =	stream.indirect.scatter.add.f32 [tilespmem:s24], [sflag:$0x3], $0x80, s13, s22, $0xb8;
	[tilespmem:$0x1FF00] =	vst v63  }
0x1fc: {  	_ =	swait.ge [sflag:s16], $0x1000  }
0x1fd: {  	[sflag:s16] =	ssyncset.done $0x0  }
0x1fe: {  	s14 =	rddreg [dreg:$0x1b];
	[sflag:s16] =	ssyncadd.s32 $0xFFFFF000  }
0x1ff: {  	[tilespmem:s24], [sflag:$0x2] =	stream.indirect.gather [spmem:s3], $0x80, s14, s22, $0xb8;
	[tilespmem:$0x1FF00] =	vst v63  }
0x200: {  	_ =	swait.ge [sflag:s26], $0x1000  }
0x201: {  	[sflag:s26] =	ssyncset.done $0x0  }
0x202: {  	s7 =	rddreg [dreg:$0x1c];
	[sflag:s26] =	ssyncadd.s32 $0xFFFFF000  }
0x203: {  	[spmem:s4] =	stream.indirect.scatter.add.f32 [tilespmem:s23], [sflag:$0x3], $0x80, s7, s22, $0xb8;
	[tilespmem:$0x1FF00] =	vst v63  }
0x204: {  	_ =	swait.ge [sflag:s16], $0x1000  }
0x205: {  	[sflag:s16] =	ssyncset.done $0x0  }
0x206: {  	s9 =	rddreg [dreg:$0x1d];
	[sflag:s16] =	ssyncadd.s32 $0xFFFFF000  }
0x207: {  	[tilespmem:s23], [sflag:$0x1] =	stream.indirect.gather [spmem:s3], $0x80, s9, s22, $0xb8;
	[tilespmem:$0x1FF00] =	vst v63  }
0x208: {  	_ =	swait.ge [sflag:s28], $0x1000  }
0x209: {  	[sflag:s28] =	ssyncset.done $0x0  }
0x20a: {  	s10 =	rddreg [dreg:$0x1e];
	[sflag:s28] =	ssyncadd.s32 $0xFFFFF000  }
0x20b: {  	[spmem:s4] =	stream.indirect.scatter.add.f32 [tilespmem:s24], [sflag:$0x3], $0x80, s10, s22, $0xb8;
	[tilespmem:$0x1FF00] =	vst v63  }
0x20c: {  	_ =	swait.ge [sflag:s16], $0x1000  }
0x20d: {  	[sflag:s16] =	ssyncset.done $0x0  }
0x20e: {  	s11 =	rddreg [dreg:$0x1f];
	[sflag:s16] =	ssyncadd.s32 $0xFFFFF000  }
0x20f: {  	[tilespmem:s24], [sflag:$0x2] =	stream.indirect.gather [spmem:s3], $0x80, s11, s22, $0xb8;
	[tilespmem:$0x1FF00] =	vst v63  }
0x210: {  	_ =	swait.ge [sflag:s26], $0x1000  }
0x211: {  	s12 =	sld [smem:$0x7FD]  }
0x212: {  	[sflag:s26] =	ssyncset.done $0x0  }
0x213: {  	[sflag:s26] =	ssyncadd.s32 $0xFFFFF000  }
0x214: {  	[spmem:s4] =	stream.indirect.scatter.add.f32 [tilespmem:s23], [sflag:$0x3], $0x80, s12, s22, $0xb8;
	[tilespmem:$0x1FF00] =	vst v63  }
0x215: {  	_ =	swait.ge [sflag:s16], $0x1000  }
0x216: {  	[sflag:s16] =	ssyncset.done $0x0  }
0x217: {  	[sflag:s16] =	ssyncadd.s32 $0xFFFFF000  }
0x218: {  	_ =	swait.ge [sflag:s28], $0x1000  }
0x219: {  	[sflag:s28] =	ssyncset.done $0x0  }
0x21a: {  	[sflag:s28] =	ssyncadd.s32 $0xFFFFF000  }
0x21b: {  	[spmem:s4] =	stream.indirect.scatter.add.f32 [tilespmem:s24], [sflag:$0x3], $0x80, s31, s22, $0xb8;
	[tilespmem:$0x1FF00] =	vst v63  }
0x21c: {  	_ =	swait.ge [sflag:s16], $0x1000  }
0x21d: {  	[sflag:s16] =	ssyncset.done $0x0  }
0x21e: {  	[sflag:s16] =	ssyncadd.s32 $0xFFFFF000  }
0x21f: {  	[bflag:$0x0] =	sbarrier.arrive $0xFFFF  }
0x220: {  	[bflag:$0x0] =	sbarrier.arrive $0xFFFF  }
0x221: {  	s13 =	sld [smem:$0x7FB];
	_ =	sdelay $0x2  }
0x222: {  	[hbm:s13], [sflag:s8] =	dma.local [spmem:s25], $0x1400  }
0x223: {  	_ =	swait.ge [sflag:s16], $0x1400  }
0x224: {  	s14 =	sld [smem:$0x7FC];
	_ =	sdelay $0x1  }
0x225: {  	s1 =	sadd.s32 $0x1, s1  }
0x226: {  	p3 =	sne.s32 s1, s14  }
.Ltmp1:
0x227: {  	_ = 	snop;
	(pc) =	sbr.rel @p3 .LBB2_1-.Ltmp1, $3  }
0x228: {  	_ =	sdelay $0x1  }
0x229: {  	[sflag:s16] =	ssyncset.done $0x0  }
0x22a: {  	[sflag:s16] =	ssyncadd.s32 $0xFFFFEC00  }
0x22b: {  	_ =	sfence.sel $0x180000  }
0x22c: {  	[bflag:$0x0] =	sbarrier.arrive $0xFFFF  }
0x22d: {  	_ =	strace $0x9000004D  }
0x22e: {  	s0 =	stileid.u32;
	[bflag:$0x2] =	sbarrier.arrive $0xFFFF  }
0x22f: {  	p0 =	sne.s32 s0, $0x0;
	s0 =	rddreg [dreg:$0x4]  }
0x230: {  	s0 =	sadd.s32 @!p0 $0x100000, s0  }
0x231: {  	[sflag:s0] =	ssyncadd.tile.s32 @!p0 $0x1;
	_ =	shalt  }
.Lfunc_end2:
_tile_overlayer_lowered:
.L_overlay_start_2:
0x232: {  	(tag) =	ssettag $0x2  }
0x233: {  	s0 =	rddreg [dreg:$0x0];
	s2 =	stileid.u32  }
0x234: {  	s1 =	rddreg [dreg:$0x1];
	p0 =	sne.s32 s2, $0x0  }
0x235: {  	s3 =	rddreg [dreg:$0x2];
	[bflag:$0x3] =	sbarrier.arrive $0xFFFF;
	s2 =	simm.s32 @!p0 $0x1C03  }
0x236: {  	[timem:s3], [sflag:s2] =	dma.local @!p0 [hbm:s0], s1  }
0x237: {  	s0 =	simm.s32 @!p0 $0x3  }
0x238: {  	_ =	swait.ge @!p0 [sflag:s0], s1  }
0x239: {  	s1 =	ssub.s32 @!p0 $0x0, s1;
	[sflag:s0] =	ssyncset.done @!p0 $0x0  }
0x23a: {  	[sflag:s0] =	ssyncadd.s32 @!p0 s1  }
0x23b: {  	[bflag:$0x3] =	sbarrier.arrive $0xFFFF  }
0x23c: {  	_ =	shalt  }

// kernel: kernel.8.cloned.1.call-start
scs
__scs_entry_jumppad:
0x0: {  	(pc) =	sbr.rel $0x88, $3  }
0x1: {  	(tag) =	ssettag $0x0;
	lr =	simm.s32 $0x1  }
0x2: {  	[smem:$0x3F9B] =	sst lr;
	_ =	strace $0xD0000000  }
0x3: {  	_ = 	snop  }
0x4: {  	_ = 	snop  }
0x5: {  	_ = 	snop  }
0x6: {  	_ = 	snop  }
0x7: {  	_ = 	snop  }
__scs_overlays_trampoline_lowered:
0x8: {  	[smem:$0x3FAA] =	sst s0  }
0x9: {  	[smem:$0x3FAB] =	sst s1  }
0xa: {  	[smem:$0x3FAC] =	sst s2  }
0xb: {  	[smem:$0x3FAD] =	sst s3  }
0xc: {  	[smem:$0x3FAE] =	sst s4  }
0xd: {  	[smem:$0x3FAF] =	sst s5  }
0xe: {  	[smem:$0x3FB0] =	sst s6  }
0xf: {  	[smem:$0x3FB1] =	sst s7  }
0x10: {  	[smem:$0x3FB2] =	sst s8  }
0x11: {  	[smem:$0x3FB3] =	sst s9;
	s0 =	simm.s32 @!p0 $0x0  }
0x12: {  	s1 =	sld [smem:$0x3F99];
	s0 =	simm.s32 @p0 $0x1  }
0x13: {  	[smem:$0x3FB4] =	sst s0;
	s0 =	simm.s32 @!p1 $0x0  }
0x14: {  	s2 =	sld [smem:$0x3F98];
	s0 =	simm.s32 @p1 $0x1  }
0x15: {  	[smem:$0x3FB5] =	sst s0;
	s0 =	simm.s32 @!p2 $0x0  }
0x16: {  	s3 =	sld [smem:$0x3FDB];
	s0 =	simm.s32 @p2 $0x1  }
0x17: {  	s4 =	simm.s32 $0x1BF5;
	[smem:$0x3FB7] =	sst s0  }
0x18: {  	s0 =	sld [smem:$0x3F9A];
	_ =	swait.ge [sflag:s4], $0x0  }
0x19: {  	s7 =	sld [smem:$0x3F9B]  }
0x1a: {  	s8 =	sadd.s32 $0xFFFFE003, lr  }
0x1b: {  	s9 =	sadd.s32 $0xFFFFFEF7, lr;
	s5 =	simm.s32 $0xFFFFFFFF;
	p2 =	slt.u32 s8, $0xFFFFF086  }
0x1c: {  	p1 =	slt.u32 s9, $0xF7A;
	s5 =	simm.s32 @!p2 $0x0  }
0x1d: {  	s5 =	simm.s32 @p1 $0x1;
	p0 =	seq.s32 s7, s2  }
0x1e: {  	s7 =	smul.u32 @!p0 $0xF7A, s2;
	p2 =	seq.s32 @!p0 s5, $0x0  }
0x1f: {  	s9 =	smul.u32 $0xF7A, s1;
	s8 =	simm.s32 @!p0 $0x1BF5;
	p2 =	por !p2, p0  }
0x20: {  	[sflag:s8] =	ssyncset.s32 @!p0 $0xFFFFF086;
	s6 =	sadd.s32 @!p0 s3, s7;
	s7 =	simm.s32 @!p0 $0x108  }
0x21: {  	s3 =	sadd.s32 s3, s9;
	s6 =	sadd.s32 @!p0 $0x88, s6;
	s7 =	simm.s32 @p2 $0x1082  }
0x22: {  	[simem:s7], [sflag:s8] =	dma.local @!p0 [hbm:s6], $0xF7A  }
0x23: {  	s9 =	sor.u32 $0xD0000000, s2;
	s6 =	simm.s32 $0x108;
	_ =	swait.ge @!p0 [sflag:s8], $0x0  }
0x24: {  	s3 =	sadd.s32 $0x88, s3;
	s6 =	simm.s32 @!p1 $0x1082;
	[sflag:s4] =	ssyncset.s32 $0xFFFFF086  }
0x25: {  	[simem:s6], [sflag:s4] =	dma.local [hbm:s3], $0xF7A  }
0x26: {  	[smem:$0x3F9B] =	sst s1;
	(tag) =	ssettag s2;
	_ =	strace s9  }
0x27: {  	s1 =	sld [smem:$0x3FAB]  }
0x28: {  	s2 =	sld [smem:$0x3FAC]  }
0x29: {  	s4 =	sld [smem:$0x3FAE]  }
0x2a: {  	p0 =	seq.s32 s5, $0x0;
	s5 =	sld [smem:$0x3FAF]  }
0x2b: {  	s6 =	sld [smem:$0x3FB0]  }
0x2c: {  	s7 =	sld [smem:$0x3FB1]  }
0x2d: {  	s3 =	simm.s32 $0x108;
	s8 =	sld [smem:$0x3FB2]  }
0x2e: {  	s3 =	simm.s32 @!p0 $0x1082;
	s9 =	sld [smem:$0x3FB3]  }
0x2f: {  	lr =	sadd.s32 s0, s3;
	s0 =	sld [smem:$0x3FAA]  }
0x30: {  	s3 =	sld [smem:$0x3FAD]  }
0x31: {  	[smem:$0x3FB6] =	sst s10  }
0x32: {  	s10 =	sld [smem:$0x3FB4];
	_ =	sdelay $0x3  }
0x33: {  	p0 =	seq.s32 s10, $0x1;
	s10 =	sld [smem:$0x3FB6];
	_ =	sdelay $0x3  }
0x34: {  	[smem:$0x3FB6] =	sst s10  }
0x35: {  	s10 =	sld [smem:$0x3FB5];
	_ =	sdelay $0x3  }
0x36: {  	p1 =	seq.s32 s10, $0x1;
	s10 =	sld [smem:$0x3FB6];
	_ =	sdelay $0x3  }
0x37: {  	[smem:$0x3FB6] =	sst s10  }
0x38: {  	s10 =	sld [smem:$0x3FB7]  }
0x39: {  	_ = 	snop;
	(pc) =	sbr.ind lr, $3  }
0x3a: {  	_ = 	snop  }
0x3b: {  	_ = 	snop  }
0x3c: {  	p2 =	seq.s32 s10, $0x1;
	s10 =	sld [smem:$0x3FB6]  }
0x3d: {  	_ =	shalt  }
0x3e: {  	_ =	shalt  }
0x3f: {  	_ =	shalt  }
0x40: {  	_ =	shalt  }
0x41: {  	_ =	shalt  }
0x42: {  	_ =	shalt  }
0x43: {  	_ =	shalt  }
0x44: {  	_ =	shalt  }
0x45: {  	_ =	shalt  }
0x46: {  	_ =	shalt  }
0x47: {  	_ =	shalt  }
0x48: {  	_ =	shalt  }
0x49: {  	_ =	shalt  }
0x4a: {  	_ =	shalt  }
0x4b: {  	_ =	shalt  }
0x4c: {  	_ =	shalt  }
0x4d: {  	_ =	shalt  }
0x4e: {  	_ =	shalt  }
0x4f: {  	_ =	shalt  }
0x50: {  	_ =	shalt  }
0x51: {  	_ =	shalt  }
0x52: {  	_ =	shalt  }
0x53: {  	_ =	shalt  }
0x54: {  	_ =	shalt  }
0x55: {  	_ =	shalt  }
0x56: {  	_ =	shalt  }
0x57: {  	_ =	shalt  }
0x58: {  	_ =	shalt  }
0x59: {  	_ =	shalt  }
0x5a: {  	_ =	shalt  }
0x5b: {  	_ =	shalt  }
0x5c: {  	_ =	shalt  }
0x5d: {  	_ =	shalt  }
0x5e: {  	_ =	shalt  }
0x5f: {  	_ =	shalt  }
0x60: {  	_ =	shalt  }
0x61: {  	_ =	shalt  }
0x62: {  	_ =	shalt  }
0x63: {  	_ =	shalt  }
0x64: {  	_ =	shalt  }
0x65: {  	_ =	shalt  }
0x66: {  	_ =	shalt  }
0x67: {  	_ =	shalt  }
0x68: {  	_ =	shalt  }
0x69: {  	_ =	shalt  }
0x6a: {  	_ =	shalt  }
0x6b: {  	_ =	shalt  }
0x6c: {  	_ =	shalt  }
0x6d: {  	_ =	shalt  }
0x6e: {  	_ =	shalt  }
0x6f: {  	_ =	shalt  }
0x70: {  	_ =	shalt  }
0x71: {  	_ =	shalt  }
0x72: {  	_ =	shalt  }
0x73: {  	_ =	shalt  }
0x74: {  	_ =	shalt  }
0x75: {  	_ =	shalt  }
0x76: {  	_ =	shalt  }
0x77: {  	_ =	shalt  }
0x78: {  	_ =	shalt  }
0x79: {  	_ =	shalt  }
0x7a: {  	_ =	shalt  }
0x7b: {  	_ =	shalt  }
0x7c: {  	_ =	shalt  }
0x7d: {  	_ =	shalt  }
0x7e: {  	_ =	shalt  }
0x7f: {  	_ =	shalt  }
0x80: {  	_ =	shalt  }
0x81: {  	_ =	shalt  }
0x82: {  	_ =	shalt  }
0x83: {  	_ =	shalt  }
0x84: {  	_ =	shalt  }
0x85: {  	_ =	shalt  }
0x86: {  	_ =	shalt  }
0x87: {  	_ =	shalt  }
.Lfunc_end0:
.L_simem_size_0:
called_computation_lowered:
.L_overlay_start_0:
0x88: {  	s2 =	sld [smem:$0x3FD9]  }
0x89: {  	s3 =	sld [smem:$0x3FFE];
	_ =	sdelay $0x1  }
0x8a: {  	s1 =	srdreg.scid  }
0x8b: {  	s0 =	sand.u32 $0x1, s1  }
0x8c: {  	s17 =	sshll.u32 s0, $0xA;
	s2 =	sadd.s32 s3, s2  }
0x8d: {  	s2 =	sadd.s32 s2, s17  }
0x8e: {  	[smem:$0x3FC2] =	sst s2  }
0x8f: {  	_ = 	snop  }
0x90: {  	s2 =	sld [smem:$0x3FD0];
	(tm) =	ssettm $0x1  }
0x91: {  	s18 =	sld [smem:$0x3FFB];
	_ =	sdelay $0x3  }
0x92: {  	_ =	strace s18  }
0x93: {  	s3 =	sld [smem:$0x3FFC];
	_ =	sdelay $0x3  }
0x94: {  	_ =	strace s3  }
0x95: {  	s3 =	sld [smem:$0x3FFD];
	_ =	sdelay $0x3  }
0x96: {  	_ =	strace s3  }
0x97: {  	_ =	strace $0x8FFFFFFF  }
0x98: {  	s19 =	sld [smem:$0x3FDB];
	_ =	sdelay $0x1  }
0x99: {  	s4 =	simm.s32 $_scs_section_size  }
0x9a: {  	s5 =	simm.s32 $_size__tile_overlayer_lowered;
	s6 =	simm.s32 $_tile_overlayer_lowered  }
0x9b: {  	s22 =	simm.s32 $0x1BFF;
	s21 =	sshll.u32 s6, $0x1;
	s3 =	sadd.s32 s4, s19  }
0x9c: {  	s7 =	simm.s32 $0x0;
	s20 =	sshll.u32 s5, $0x1;
	s5 =	sadd.s32 s21, s3  }
0x9d: {  	[timem:s7], [sflag:s22] =	dma.local [hbm:s5], s20  }
0x9e: {  	_ =	swait.ge [sflag:s22], s20  }
0x9f: {  	s4 =	ssub.s32 $0x0, s20;
	[sflag:s22] =	ssyncset.done $0x0  }
0xa0: {  	[sflag:s22] =	ssyncadd.s32 s4;
	_ =	sdelay $0x1  }
0xa1: {  	s23 =	simm.s32 $0x1B8B  }
0xa2: {  	_ =	swait.ge [sflag:s23], $0x1  }
0xa3: {  	[sflag:s23] =	ssyncset.done $0x0  }
0xa4: {  	s25 =	simm.s32 $0x1B8E;
	s24 =	sld [smem:$0x3FFE];
	[sflag:s23] =	ssyncadd.s32 $0xFFFFFFFF  }
0xa5: {  	s26 =	simm.s32 $execute0_lowered;
	[smem:$0x3FD2] =	sst s25  }
0xa6: {  	s5 =	sshll.u32 s26, $0x1;
	_ =	strace $0x80000046;
	[dreg:$0x1] =	wrdreg $0xFFFFFFFF  }
0xa7: {  	s28 =	simm.s32 $_size_execute0_lowered;
	s3 =	sadd.s32 s3, s5;
	[dreg:$0x0] =	wrdreg $0x0  }
0xa8: {  	s5 =	sshll.u32 s28, $0x1;
	[dreg:$0x2] =	wrdreg s3  }
0xa9: {  	[dreg:$0x3] =	wrdreg s5  }
0xaa: {  	[dreg:$0x4] =	wrdreg $0xC0  }
0xab: {  	_ =	task [dreg:s7], $0x5FFFF  }
0xac: {  	[dreg:$0x1] =	wrdreg $0xFFFFFFFF  }
0xad: {  	[dreg:$0x0] =	wrdreg $0x60  }
0xae: {  	[dreg:$0x2] =	wrdreg s2  }
0xaf: {  	[dreg:$0x3] =	wrdreg s24  }
0xb0: {  	[dreg:$0x4] =	wrdreg $0x68000  }
0xb1: {  	[dreg:$0x5] =	wrdreg $0x9  }
0xb2: {  	_ =	task.clear_ibuf [dreg:s7], $0x6FFFF;
	_ =	strace $0x90000046  }
0xb3: {  	s29 =	simm.s32 $0x9;
	_ =	strace $0x80000048  }
0xb4: {  	_ =	swait.ge [sflag:s29], $0x1  }
0xb5: {  	[sflag:s29] =	ssyncadd.s32 $0xFFFFFFFF  }
0xb6: {  	_ =	strace $0x90000048  }
0xb7: {  	_ =	sfence  }
0xb8: {  	s30 =	sld [smem:$0x0];
	_ =	sdelay $0x2  }
0xb9: {  	s31 =	sshll.u32 s1, $0xD;
	s1 =	sshrl.u32 s1, $0x2  }
0xba: {  	s3 =	sand.u32 $0x4000, s31;
	s1 =	sadd.s32 s1, s30  }
0xbb: {  	s0 =	sor.u32 s3, s0;
	s1 =	sshll.u32 s1, $0x11  }
0xbc: {  	s0 =	sor.u32 s1, s0  }
0xbd: {  	s0 =	sadd.s32 $0x8F2B, s0  }
0xbe: {  	[sflag:s0] =	ssyncadd.remote.s32 $0x1  }
0xbf: {  	_ =	sfence.sel $0xFFFF  }
0xc0: {  	[dreg:$0x0] =	wrdreg $0xFFFFFFFF;
	(pc) =	sbr.abs _section_cstart, $3  }
0xc1: {  	[dreg:$0x1] =	wrdreg $0xFFFFFFFF  }
0xc2: {  	_ =	task.clear_ibuf [dreg:s7], $0x2FFFF;
	_ =	strace $0x9FFFFFFF  }
0xc3: {  	(tm) =	ssettm $0x7FFFFFFF  }
tec
execute0_lowered:
.L_overlay_start_1:
0x0: {  	(tag) =	ssettag $0x1  }
0x1: {  	s7 =	rddreg [dreg:$0x0]  }
0x2: {  	s5 =	rddreg [dreg:$0x1];
	s0 =	stileid.u32  }
0x3: {  	s1 =	srdreg.scid;
	s2 =	rddreg [dreg:$0x2]  }
0x4: {  	s3 =	simm.s32 $0x0;
	s13 =	simm.s32 $0x80;
	s14 =	simm.s32 $0x0  }
0x5: {  	s4 =	smul.u32 $0x14000, s0;
	s6 =	sand.u32 $0x1, s1;
	s1 =	rddreg [dreg:$0x3]  }
0x6: {  	[smem:$0x7FF] =	sst s3;
	s11 =	smul.u32 $0x50000, s0;
	s12 =	sshll.u32 s0, $0x1  }
0x7: {  	s31 =	sshll.u32 s0, $0x6;
	s8 =	smul.u32 $0x140000, s6;
	_ =	strace $0x80000047  }
0x8: {  	s10 =	ssub.s32 $0x2, s6;
	s6 =	sor.u32 s6, s12;
	s12 =	simm.s32 $0x2800  }
0x9: {  	s9 =	sshrl.u32 s4, $0x3;
	s26 =	sshrl.u32 s10, $0x1;
	s28 =	sshrl.u32 s11, $0x2  }
0xa: {  	s29 =	smul.u32 $0x500, s6;
	s6 =	sor.u32 $0x1C01, s31;
	s11 =	simm.s32 $0x1  }
0xb: {  	s8 =	sadd.s32 s4, s8;
	s9 =	sadd.s32 s9, s5;
	s4 =	sadd.s32 $0xC200, s5  }
0xc: {  	s10 =	ssub.s32 s10, s26;
	s30 =	sadd.s32 s28, s2;
	s8 =	sshrl.u32 s8, $0x3  }
0xd: {  	s7 =	sadd.s32 s7, s29;
	s8 =	sadd.s32 s8, s5;
	s5 =	sadd.s32 $0xCA00, s9  }
0xe: {  	s9 =	smax.u32 s10, $0x1;
	s10 =	sshrl.u32 s30, $0x3;
	s8 =	sadd.s32 $0x34A00, s8  }
.LBB2_1:
0xf: {  	[spmem:s10], [sflag:s6] =	dma.local [hbm:s5], $0x2800  }
0x10: {  	_ =	swait.ge [sflag:s11], $0x2800  }
0x11: {  	[sflag:s11] =	ssyncset.done $0x0  }
0x12: {  	[sflag:s11] =	ssyncadd.s32 $0xFFFFD800  }
0x13: {  	[tilespmem:s12], [sflag:$0x1] =	stream.linear.gather [hbm4b:s4+s3], $0x4000, $0x38;
	[tilespmem:$0x1A800] =	vst v63  }
0x14: {  	_ =	swait.ge [sflag:s11], $0x4000  }
0x15: {  	[sflag:s11] =	ssyncset.done $0x0  }
0x16: {  	[sflag:s11] =	ssyncadd.s32 $0xFFFFC000  }
0x17: {  	[tilespmem:s3], [sflag:$0x1] =	stream.linear.gather [hbm4b:s7+s3], $0x2800, $0x38;
	[tilespmem:$0x1A800] =	vst v63  }
0x18: {  	_ =	swait.ge [sflag:s11], $0x2800  }
0x19: {  	[sflag:s11] =	ssyncset.done $0x0  }
0x1a: {  	[sflag:s11] =	ssyncadd.s32 $0xFFFFD800  }
0x1b: {  	s15 =	simm.s32 $0x0;
	[bflag:$0x0] =	sbarrier.arrive $0xFFFF  }
0x1c: {  	[spmem:s2] =	stream.indirect.scatter.add.f32 [tilespmem:s12], [sflag:$0x1], $0x80, s15, s13, $0xb8;
	[tilespmem:$0x1A800] =	vst v63  }
0x1d: {  	_ =	swait.ge [sflag:s11], $0x4000  }
0x1e: {  	s15 =	simm.s32 $0x200;
	[sflag:s11] =	ssyncset.done $0x0  }
.LBB2_2:
0x1f: {  	s16 =	sshra.s32 s15, $0x2;
	[sflag:s11] =	ssyncadd.s32 $0xFFFFC000;
	p0 =	sne.s32 s15, $0x9E00  }
0x20: {  	[spmem:s2] =	stream.indirect.scatter.add.f32 [tilespmem:s12], [sflag:$0x1], $0x80, s16, s13, $0xb8;
	[tilespmem:$0x1A800] =	vst v63  }
.Ltmp0:
0x21: {  	_ = 	snop;
	(pc) =	sbr.rel @p0 .LBB2_2-.Ltmp0, $4  }
0x22: {  	_ = 	snop  }
0x23: {  	s15 =	sadd.s32 $0x200, s15  }
0x24: {  	_ =	swait.ge [sflag:s11], $0x4000  }
0x25: {  	[sflag:s11] =	ssyncset.done $0x0  }
0x26: {  	[sflag:s11] =	ssyncadd.s32 $0xFFFFC000;
	s14 =	sadd.s32 $0x1, s14  }
0x27: {  	[bflag:$0x0] =	sbarrier.arrive $0xFFFF;
	p0 =	sne.s32 s14, s9  }
.Ltmp1:
0x28: {  	[bflag:$0x0] =	sbarrier.arrive $0xFFFF;
	(pc) =	sbr.rel @p0 .LBB2_1-.Ltmp1, $4  }
0x29: {  	[hbm:s8], [sflag:s6] =	dma.local [spmem:s10], $0x2800  }
0x2a: {  	_ =	swait.ge [sflag:s11], $0x2800  }
0x2b: {  	[sflag:s11] =	ssyncset.done $0x0  }
0x2c: {  	[sflag:s11] =	ssyncadd.s32 $0xFFFFD800  }
0x2d: {  	_ =	sfence.sel $0x180000  }
0x2e: {  	[bflag:$0x0] =	sbarrier.arrive $0xFFFF  }
0x2f: {  	p0 =	sne.s32 s0, $0x0;
	_ =	strace $0x90000047  }
0x30: {  	s0 =	sadd.s32 @!p0 $0x100000, s1;
	[bflag:$0x2] =	sbarrier.arrive $0xFFFF  }
0x31: {  	[sflag:s0] =	ssyncadd.tile.s32 @!p0 $0x1;
	_ =	shalt  }
.Lfunc_end2:
_tile_overlayer_lowered:
.L_overlay_start_2:
0x32: {  	(tag) =	ssettag $0x2  }
0x33: {  	s0 =	rddreg [dreg:$0x0];
	s2 =	stileid.u32  }
0x34: {  	s1 =	rddreg [dreg:$0x1];
	p0 =	sne.s32 s2, $0x0  }
0x35: {  	s3 =	rddreg [dreg:$0x2];
	[bflag:$0x3] =	sbarrier.arrive $0xFFFF;
	s2 =	simm.s32 @!p0 $0x1C01  }
0x36: {  	[timem:s3], [sflag:s2] =	dma.local @!p0 [hbm:s0], s1  }
0x37: {  	s0 =	simm.s32 @!p0 $0x1  }
0x38: {  	_ =	swait.ge @!p0 [sflag:s0], s1  }
0x39: {  	s1 =	ssub.s32 @!p0 $0x0, s1;
	[sflag:s0] =	ssyncset.done @!p0 $0x0  }
0x3a: {  	[sflag:s0] =	ssyncadd.s32 @!p0 s1  }
0x3b: {  	[bflag:$0x3] =	sbarrier.arrive $0xFFFF  }
0x3c: {  	_ =	shalt  }

</sc_bundles>
